<compile_context>
chip_gen: v7x
topology: tpu7x:2x2x1
jax: 0.10.2.dev20260603
libtpu: 0.0.44.dev20260713+nightly
codegen_flags: <defaults>
</compile_context>

<pallas_src>
import functools

import jax
import jax.numpy as jnp
from jax import lax
from jax.experimental import pallas as pl
from jax.experimental.pallas import tpu as pltpu
from jax.experimental.pallas import tpu_sc as plsc

N_NODES = 10000
N_EDGES = 160000
D_NODE = 128
D_EDGE = 16
H = 32
EH = 64
OUT = 12

NC = 2
NS = 16
NW = NC * NS
CHUNK = 128
NCH = 40
HALF = NCH // 2
EPW = NCH * CHUNK
EP = NW * EPW
EB = 1024
PZ = 10016
RPS = PZ // NS


def _mesh():
    return plsc.VectorSubcoreMesh(
        core_axis_name="c", subcore_axis_name="s", num_cores=NC, num_subcores=NS)


@functools.cache
def _sc_gather():
    @functools.partial(
        pl.kernel,
        out_type=jax.ShapeDtypeStruct((EP, H), jnp.float32),
        mesh=_mesh(),
        compiler_params=pltpu.CompilerParams(use_tc_tiling_on_sc=False),
        scratch_types=[
            pltpu.VMEM((EPW,), jnp.int32),
            pltpu.VMEM((HALF * CHUNK, H), jnp.float32),
            pltpu.SemaphoreType.DMA,
        ],
    )
    def gather(tbl_hbm, idx_hbm, out_hbm, idx_v, rows_v, sem):
        c = lax.axis_index("c")
        s = lax.axis_index("s")
        w = s * NC + c
        pltpu.sync_copy(idx_hbm.at[pl.ds(w * EPW, EPW)], idx_v)
        for half in range(2):
            hc = HALF * CHUNK
            cp = pltpu.async_copy(
                tbl_hbm.at[idx_v.at[pl.ds(half * hc, hc)]], rows_v, sem)
            cp.wait()
            pltpu.sync_copy(
                rows_v, out_hbm.at[pl.ds(w * EPW + half * hc, hc)])

    return gather


@functools.cache
def _sc_scatter():
    @functools.partial(
        pl.kernel,
        out_type=jax.ShapeDtypeStruct((NC, PZ, H), jnp.float32),
        mesh=_mesh(),
        compiler_params=pltpu.CompilerParams(use_tc_tiling_on_sc=False),
        scratch_types=[
            pltpu.VMEM((NCH, CHUNK), jnp.int32),
            pltpu.VMEM((HALF * CHUNK, H), jnp.float32),
            pltpu.VMEM_SHARED((PZ, H), jnp.float32),
            pltpu.SemaphoreType.DMA,
        ],
    )
    def scatter(msg_hbm, idx_hbm, zeros_hbm, out_hbm, idx_v, msg_v, acc_sh, sem):
        c = lax.axis_index("c")
        s = lax.axis_index("s")
        w = s * NC + c
        pltpu.sync_copy(zeros_hbm.at[pl.ds(s * RPS, RPS)],
                        acc_sh.at[pl.ds(s * RPS, RPS)])
        pltpu.sync_copy(idx_hbm.at[w], idx_v)
        plsc.subcore_barrier()
        for half in range(2):
            hc = HALF * CHUNK
            cp = pltpu.async_copy(
                msg_hbm.at[pl.ds(w * EPW + half * hc, hc)], msg_v, sem)
            cp.wait()
            cps = []
            for b in range(HALF):
                cps.append(pltpu.async_copy(
                    msg_v.at[pl.ds(b * CHUNK, CHUNK)],
                    acc_sh.at[idx_v.at[half * HALF + b]], sem,
                    add=True))
            for cp2 in cps:
                cp2.wait()
        plsc.subcore_barrier()
        pltpu.sync_copy(acc_sh.at[pl.ds(s * RPS, RPS)],
                        out_hbm.at[c, pl.ds(s * RPS, RPS)])

    return scatter


def _init_body(x_ref, w_ref, b_ref, o_ref):
    o_ref[...] = jnp.maximum(
        jnp.dot(x_ref[...], w_ref[...], preferred_element_type=jnp.float32)
        + b_ref[...], 0.0)


@functools.cache
def _tc_init():
    return pl.pallas_call(
        _init_body,
        out_shape=jax.ShapeDtypeStruct((N_NODES, H), jnp.float32))


PK = 128 // H
EB4 = 1024
LR_E = N_EDGES // PK
LR_P = EP // PK


def _msg_body(ef4_ref, hs4_ref, we1t_ref, be1_ref, we2t_ref, rm_ref, bb_ref,
              msg_ref):
    ef4 = ef4_ref[...]
    hs4 = hs4_ref[...]
    outs = []
    for j in range(PK):
        efj = ef4[:, j * D_EDGE:(j + 1) * D_EDGE]
        gj = jnp.maximum(
            jnp.dot(efj, we1t_ref[...], preferred_element_type=jnp.float32)
            + be1_ref[...], 0.0)
        ewj = jnp.dot(gj.astype(jnp.bfloat16), we2t_ref[...],
                      preferred_element_type=jnp.float32)
        hsj = hs4[:, j * H:(j + 1) * H]
        hrepj = jnp.dot(hsj.astype(jnp.bfloat16), rm_ref[...],
                        preferred_element_type=jnp.float32)
        p = hrepj * ewj
        w = H * H
        while w > H:
            w //= 2
            p = p[:, :w] + p[:, w:]
        outs.append(p + jnp.dot(hsj, bb_ref[...],
                                preferred_element_type=jnp.float32))
    msg_ref[...] = jnp.concatenate(outs, axis=1)


@functools.cache
def _tc_msg():
    return pl.pallas_call(
        _msg_body,
        grid=(-(-LR_E // EB4),),
        in_specs=[
            pl.BlockSpec((EB4, PK * D_EDGE), lambda i: (i, 0)),
            pl.BlockSpec((EB4, 128), lambda i: (i, 0)),
            pl.BlockSpec((D_EDGE, EH), lambda i: (0, 0)),
            pl.BlockSpec((1, EH), lambda i: (0, 0)),
            pl.BlockSpec((EH, H * H), lambda i: (0, 0)),
            pl.BlockSpec((H, H * H), lambda i: (0, 0)),
            pl.BlockSpec((H, H), lambda i: (0, 0)),
        ],
        out_specs=pl.BlockSpec((EB4, 128), lambda i: (i, 0)),
        out_shape=jax.ShapeDtypeStruct((LR_P, 128), jnp.float32))


def _gru_body(parts_ref, h_ref, bc_ref, wih_ref, whh_ref, bih_ref,
              bhh_ref, o_ref):
    pa = parts_ref[0, :N_NODES, :]
    pb = parts_ref[1, :N_NODES, :]
    m = jnp.maximum(pa + pb + bc_ref[...], 0.0)
    gi = jnp.dot(m, wih_ref[...], preferred_element_type=jnp.float32) + bih_ref[...]
    h = h_ref[...]
    gh = jnp.dot(h, whh_ref[...], preferred_element_type=jnp.float32) + bhh_ref[...]
    r = jax.nn.sigmoid(gi[:, :H] + gh[:, :H])
    z = jax.nn.sigmoid(gi[:, H:2 * H] + gh[:, H:2 * H])
    ng = jnp.tanh(gi[:, 2 * H:] + r * gh[:, 2 * H:])
    o_ref[...] = (1.0 - z) * ng + z * h


@functools.cache
def _tc_gru():
    return pl.pallas_call(
        _gru_body,
        out_shape=jax.ShapeDtypeStruct((N_NODES, H), jnp.float32))


def _s2s_body(parts_ref, h_ref, bc_ref, wih_ref, whh_ref, bih_ref,
              bhh_ref, wih0_ref, whh0_ref, b0_ref, wih1_ref,
              whh1_ref, b1l_ref, wih2_ref, whh2_ref, b2l_ref, w1t_ref, b1_ref,
              w2t_ref, b2_ref, pred_ref, ro_ref):
    pa = parts_ref[0, :N_NODES, :]
    pb = parts_ref[1, :N_NODES, :]
    m = jnp.maximum(pa + pb + bc_ref[...], 0.0)
    gi = jnp.dot(m, wih_ref[...], preferred_element_type=jnp.float32) + bih_ref[...]
    h1 = h_ref[...]
    gh = jnp.dot(h1, whh_ref[...], preferred_element_type=jnp.float32) + bhh_ref[...]
    r = jax.nn.sigmoid(gi[:, :H] + gh[:, :H])
    z = jax.nn.sigmoid(gi[:, H:2 * H] + gh[:, H:2 * H])
    ng = jnp.tanh(gi[:, 2 * H:] + r * gh[:, 2 * H:])
    nodes = (1.0 - z) * ng + z * h1
    nodes_t = nodes.T
    wih = (wih0_ref[...], wih1_ref[...], wih2_ref[...])
    whh = (whh0_ref[...], whh1_ref[...], whh2_ref[...])
    bl = (b0_ref[...], b1l_ref[...], b2l_ref[...])
    q_star = jnp.zeros((1, 2 * H), jnp.float32)
    hs = [jnp.zeros((1, H), jnp.float32) for _ in range(3)]
    cs = [jnp.zeros((1, H), jnp.float32) for _ in range(3)]
    for _ in range(6):
        x = q_star
        for l in range(3):
            gates = (jnp.dot(x, wih[l], preferred_element_type=jnp.float32)
                     + jnp.dot(hs[l], whh[l], preferred_element_type=jnp.float32)
                     + bl[l])
            ig = jax.nn.sigmoid(gates[:, :H])
            fg = jax.nn.sigmoid(gates[:, H:2 * H])
            gg = jnp.tanh(gates[:, 2 * H:3 * H])
            og = jax.nn.sigmoid(gates[:, 3 * H:])
            cs[l] = fg * cs[l] + ig * gg
            hs[l] = og * jnp.tanh(cs[l])
            x = hs[l]
        q = x
        e = jnp.dot(q, nodes_t, preferred_element_type=jnp.float32)
        mx = jnp.max(e, axis=1, keepdims=True)
        ex = jnp.exp(e - mx)
        alpha = ex / jnp.sum(ex, axis=1, keepdims=True)
        rdt = jnp.dot(alpha, nodes, preferred_element_type=jnp.float32)
        q_star = jnp.concatenate([q, rdt], axis=1)
    ro_ref[...] = q_star
    hid = jnp.maximum(
        jnp.dot(q_star, w1t_ref[...], preferred_element_type=jnp.float32)
        + b1_ref[...], 0.0)
    pred_ref[...] = (jnp.dot(hid, w2t_ref[...], preferred_element_type=jnp.float32)
                     + b2_ref[...])


@functools.cache
def _tc_s2s():
    return pl.pallas_call(
        _s2s_body,
        out_shape=(jax.ShapeDtypeStruct((1, OUT), jnp.float32),
                   jax.ShapeDtypeStruct((1, 2 * H), jnp.float32)))


def kernel(n_feat, e_feat, edge_index, W0, b0, We1, be1, We2, be2, b_conv,
           gru_Wih, gru_Whh, gru_bih, gru_bhh,
           lstm_Wih0, lstm_Whh0, lstm_bih0, lstm_bhh0,
           lstm_Wih1, lstm_Whh1, lstm_bih1, lstm_bhh1,
           lstm_Wih2, lstm_Whh2, lstm_bih2, lstm_bhh2,
           W1, b1, W2, b2):
    pad = EP - N_EDGES
    src = jnp.concatenate([edge_index[0], jnp.zeros((pad,), jnp.int32)])
    dst = jnp.concatenate([edge_index[1], jnp.full((pad,), N_NODES, jnp.int32)])
    dst3 = dst.reshape(NW, NCH, CHUNK)
    zeros_acc = jnp.zeros((PZ, H), jnp.float32)

    h = _tc_init()(n_feat, W0.T, b0.reshape(1, H))

    we1t = We1.T.astype(jnp.bfloat16)
    be1r = be1.reshape(1, EH)
    we2t = We2.T.astype(jnp.bfloat16)
    rm = jnp.repeat(jnp.eye(H, dtype=jnp.bfloat16), H, axis=1)
    bb = be2.reshape(H, H)
    wih = gru_Wih.T
    whh = gru_Whh.T
    bih = gru_bih.reshape(1, 3 * H)
    bhh = gru_bhh.reshape(1, 3 * H)
    bc = b_conv.reshape(1, H)

    ef4 = e_feat.astype(jnp.bfloat16).reshape(LR_E, PK * D_EDGE)

    def mp(hcur):
        hs = _sc_gather()(hcur, src)
        msg128 = _tc_msg()(ef4, hs.reshape(LR_P, 128), we1t, be1r, we2t, rm, bb)
        return _sc_scatter()(msg128.reshape(EP, H), dst3, zeros_acc)

    parts = mp(h)
    h = _tc_gru()(parts, h, bc, wih, whh, bih, bhh)
    parts = mp(h)

    pred, readout = _tc_s2s()(
        parts, h, bc, wih, whh, bih, bhh,
        lstm_Wih0.T, lstm_Whh0.T, (lstm_bih0 + lstm_bhh0).reshape(1, 4 * H),
        lstm_Wih1.T, lstm_Whh1.T, (lstm_bih1 + lstm_bhh1).reshape(1, 4 * H),
        lstm_Wih2.T, lstm_Whh2.T, (lstm_bih2 + lstm_bhh2).reshape(1, 4 * H),
        W1.T, b1.reshape(1, H), W2.T, b2.reshape(1, OUT))
    return (pred, readout)

# --- scband reference (transcript-rebuilt; emitter-appended) ---
"""Pipeline reference for scband-mpnnmodel-76974403879029 (READ-ONLY COPY).

The authoritative reference and input builder live on the scoring server;
editing this copy changes nothing except your own understanding.
"""

import jax, jax.numpy as jnp
import numpy as np

N_NODES = 10000
N_EDGES = 160000
D_NODE = 128
D_EDGE = 16
H = 32
EH = 64
OUT_DIM = 12
N_MP = 2
N_S2S = 6
N_LSTM = 3


def _init(k, shape, fan_in):
    return jax.random.normal(k, shape, dtype=jnp.float32) * (1.0 / np.sqrt(fan_in))


def setup_inputs(seed: int = 0):
    key = jax.random.key(seed)
    ks = jax.random.split(key, 24)
    inp = {}
    inp['n_feat'] = jax.random.normal(ks[0], (N_NODES, D_NODE), dtype=jnp.float32)
    inp['e_feat'] = jax.random.normal(ks[1], (N_EDGES, D_EDGE), dtype=jnp.float32)
    inp['edge_index'] = jax.random.randint(ks[2], (2, N_EDGES), 0, N_NODES, dtype=jnp.int32)
    inp['W0'] = _init(ks[3], (H, D_NODE), D_NODE)
    inp['b0'] = jnp.zeros((H,), jnp.float32)
    inp['We1'] = _init(ks[4], (EH, D_EDGE), D_EDGE)
    inp['be1'] = jnp.zeros((EH,), jnp.float32)
    inp['We2'] = _init(ks[5], (H * H, EH), EH)
    inp['be2'] = jnp.zeros((H * H,), jnp.float32)
    inp['b_conv'] = jnp.zeros((H,), jnp.float32)
    inp['gru_Wih'] = _init(ks[6], (3 * H, H), H)
    inp['gru_Whh'] = _init(ks[7], (3 * H, H), H)
    inp['gru_bih'] = jnp.zeros((3 * H,), jnp.float32)
    inp['gru_bhh'] = jnp.zeros((3 * H,), jnp.float32)
    for l in range(N_LSTM):
        in_dim = 2 * H if l == 0 else H
        inp['lstm_Wih%d' % l] = _init(ks[8 + 2 * l], (4 * H, in_dim), in_dim)
        inp['lstm_Whh%d' % l] = _init(ks[9 + 2 * l], (4 * H, H), H)
        inp['lstm_bih%d' % l] = jnp.zeros((4 * H,), jnp.float32)
        inp['lstm_bhh%d' % l] = jnp.zeros((4 * H,), jnp.float32)
    inp['W1'] = _init(ks[20], (H, 2 * H), 2 * H)
    inp['b1'] = jnp.zeros((H,), jnp.float32)
    inp['W2'] = _init(ks[21], (OUT_DIM, H), H)
    inp['b2'] = jnp.zeros((OUT_DIM,), jnp.float32)
    return inp


def _forward(n_feat, e_feat, edge_index, W0, b0, We1, be1, We2, be2, b_conv,
             gru_Wih, gru_Whh, gru_bih, gru_bhh,
             lstm_Wih0, lstm_Whh0, lstm_bih0, lstm_bhh0,
             lstm_Wih1, lstm_Whh1, lstm_bih1, lstm_bhh1,
             lstm_Wih2, lstm_Whh2, lstm_bih2, lstm_bhh2,
             W1, b1, W2, b2):
    src = edge_index[0]
    dst = edge_index[1]
    n = n_feat.shape[0]
    out = jax.nn.relu(n_feat @ W0.T + b0)
    h = out
    for _ in range(N_MP):
        # NNConv: per-edge weight matrix from edge network, sum aggregation + bias
        ew = jax.nn.relu(e_feat @ We1.T + be1) @ We2.T + be2
        ew = ew.reshape(-1, H, H)
        hs = out[src]
        msg = jnp.einsum('ei,eio->eo', hs, ew)
        agg = jax.ops.segment_sum(msg, dst, num_segments=n) + b_conv
        m = jax.nn.relu(agg)
        # GRU cell (PyTorch gate order: r, z, n)
        gi = m @ gru_Wih.T + gru_bih
        gh = h @ gru_Whh.T + gru_bhh
        i_r, i_z, i_n = jnp.split(gi, 3, axis=-1)
        h_r, h_z, h_n = jnp.split(gh, 3, axis=-1)
        r = jax.nn.sigmoid(i_r + h_r)
        z = jax.nn.sigmoid(i_z + h_z)
        ng = jnp.tanh(i_n + r * h_n)
        h = (1.0 - z) * ng + z * h
        out = h
    # Set2Set readout over single graph with 3-layer LSTM (PyTorch gate order: i, f, g, o)
    lstm_Wih = [lstm_Wih0, lstm_Wih1, lstm_Wih2]
    lstm_Whh = [lstm_Whh0, lstm_Whh1, lstm_Whh2]
    lstm_bih = [lstm_bih0, lstm_bih1, lstm_bih2]
    lstm_bhh = [lstm_bhh0, lstm_bhh1, lstm_bhh2]
    q_star = jnp.zeros((1, 2 * H), jnp.float32)
    hs_l = [jnp.zeros((1, H), jnp.float32) for _ in range(N_LSTM)]
    cs_l = [jnp.zeros((1, H), jnp.float32) for _ in range(N_LSTM)]
    for _ in range(N_S2S):
        x_l = q_star
        for l in range(N_LSTM):
            gates = x_l @ lstm_Wih[l].T + lstm_bih[l] + hs_l[l] @ lstm_Whh[l].T + lstm_bhh[l]
            ig, fg, gg, og = jnp.split(gates, 4, axis=-1)
            ig = jax.nn.sigmoid(ig)
            fg = jax.nn.sigmoid(fg)
            gg = jnp.tanh(gg)
            og = jax.nn.sigmoid(og)
            cs_l[l] = fg * cs_l[l] + ig * gg
            hs_l[l] = og * jnp.tanh(cs_l[l])
            x_l = hs_l[l]
        q = x_l
        e = jnp.sum(out * q, axis=-1)
        alpha = jax.nn.softmax(e)[:, None]
        rdt = jnp.sum(alpha * out, axis=0, keepdims=True)
        q_star = jnp.concatenate([q, rdt], axis=-1)
    readout = q_star
    pred = jax.nn.relu(readout @ W1.T + b1) @ W2.T + b2
    return (pred, readout)


def reference(n_feat, e_feat, edge_index, W0, b0, We1, be1, We2, be2, b_conv,
              gru_Wih, gru_Whh, gru_bih, gru_bhh,
              lstm_Wih0, lstm_Whh0, lstm_bih0, lstm_bhh0,
              lstm_Wih1, lstm_Whh1, lstm_bih1, lstm_bhh1,
              lstm_Wih2, lstm_Whh2, lstm_bih2, lstm_bhh2,
              W1, b1, W2, b2):
    return _forward(n_feat, e_feat, edge_index, W0, b0, We1, be1, We2, be2, b_conv,
                    gru_Wih, gru_Whh, gru_bih, gru_bhh,
                    lstm_Wih0, lstm_Whh0, lstm_bih0, lstm_bhh0,
                    lstm_Wih1, lstm_Whh1, lstm_bih1, lstm_bhh1,
                    lstm_Wih2, lstm_Whh2, lstm_bih2, lstm_bhh2,
                    W1, b1, W2, b2)

if __name__ == "__main__":
    import jax
    _d = setup_inputs()
    print(jax.jit(kernel)(*tuple(_d.values())))

</pallas_src>

<mosaic_0001>
#map = affine_map<(d0, d1) -> (0, 0)>
#map1 = affine_map<(d0, d1) -> (0)>
module attributes {stable_mosaic.version = 14 : i64} {
  func.func @gather(%arg0: i32, %arg1: i32, %arg2: memref<10000x32xf32, #tpu.memory_space<hbm>>, %arg3: memref<163840xi32, #tpu.memory_space<hbm>>, %arg4: memref<163840x32xf32, #tpu.memory_space<hbm>>, %arg5: memref<5120xi32, #tpu.memory_space<vmem>>, %arg6: memref<2560x32xf32, #tpu.memory_space<vmem>>, %arg7: memref<!tpu.dma_semaphore, #tpu.memory_space<semaphore_mem>>) attributes {dimension_semantics = [#tpu.dimension_semantics<core_parallel>, #tpu.dimension_semantics<subcore_parallel>], iteration_bounds = array<i64: 2, 16>, scalar_prefetch = 0 : i64, scratch_operands = 3 : i64, tpu.core_type = #tpu.core_type<sc_vector_subcore>, window_params = [{transform_indices = #map}, {transform_indices = #map1}, {transform_indices = #map}]} {
    %mul3A = arith.constant 2 : i32
    %mul3A_0 = arith.muli %arg1, %mul3A : i32
    %add3A = arith.addi %mul3A_0, %arg0 : i32
    %mul3A_1 = arith.constant 5120 : i32
    %mul3A_2 = arith.muli %add3A, %mul3A_1 : i32
    "tpu.region"() ({
      %run_scoped3A = tpu.sem_alloc : memref<!tpu.dma_semaphore, #tpu.memory_space<semaphore_mem>>
      %dma_start3A_29 = tpu.memref_slice %arg3[%mul3A_2] : memref<163840xi32, #tpu.memory_space<hbm>> -> memref<5120xi32, #tpu.memory_space<hbm>>
      %dma_start3A_30 = tpu.memref_slice %arg3[%mul3A_2] : memref<163840xi32, #tpu.memory_space<hbm>> -> memref<5120xi32, #tpu.memory_space<hbm>>
      tpu.enqueue_dma source(%dma_start3A_30 : memref<5120xi32, #tpu.memory_space<hbm>>) target(%arg5 : memref<5120xi32, #tpu.memory_space<vmem>>) target_semaphore(%run_scoped3A : memref<!tpu.dma_semaphore, #tpu.memory_space<semaphore_mem>>)
      %dma_wait3A_31 = tpu.memref_slice %arg3[%mul3A_2] : memref<163840xi32, #tpu.memory_space<hbm>> -> memref<5120xi32, #tpu.memory_space<hbm>>
      %dma_wait3A_32 = tpu.memref_slice %arg3[%mul3A_2] : memref<163840xi32, #tpu.memory_space<hbm>> -> memref<5120xi32, #tpu.memory_space<hbm>>
      tpu.wait_dma2 semaphore(%run_scoped3A : memref<!tpu.dma_semaphore, #tpu.memory_space<semaphore_mem>>) src(%dma_wait3A_32 : memref<5120xi32, #tpu.memory_space<hbm>>) dst(%arg5 : memref<5120xi32, #tpu.memory_space<vmem>>)
      tpu.yield
    }) : () -> ()
    %dma_start3A = arith.constant 0 : i32
    %dma_start3A_3 = tpu.memref_slice %arg5[%dma_start3A] : memref<5120xi32, #tpu.memory_space<vmem>> -> memref<2560xi32, #tpu.memory_space<vmem>>
    %dma_start3A_4 = arith.constant 0 : i32
    %dma_start3A_5 = arith.constant 0 : i32
    %dma_start3A_6 = tpu.memref_slice %arg2[%dma_start3A_4, %dma_start3A_5] : memref<10000x32xf32, #tpu.memory_space<hbm>> -> memref<10000x32xf32, #tpu.memory_space<hbm>>
    tpu.enqueue_indirect_dma source(%dma_start3A_6 : memref<10000x32xf32, #tpu.memory_space<hbm>>) target(%arg6 : memref<2560x32xf32, #tpu.memory_space<vmem>>) offsets(%dma_start3A_3 : memref<2560xi32, #tpu.memory_space<vmem>>) semaphore(%arg7 : memref<!tpu.dma_semaphore, #tpu.memory_space<semaphore_mem>>)
    %dma_wait3A = arith.constant 0 : i32
    %dma_wait3A_7 = tpu.memref_slice %arg5[%dma_wait3A] : memref<5120xi32, #tpu.memory_space<vmem>> -> memref<2560xi32, #tpu.memory_space<vmem>>
    %dma_wait3A_8 = arith.constant 0 : i32
    %dma_wait3A_9 = arith.constant 0 : i32
    %dma_wait3A_10 = tpu.memref_slice %arg2[%dma_wait3A_8, %dma_wait3A_9] : memref<10000x32xf32, #tpu.memory_space<hbm>> -> memref<10000x32xf32, #tpu.memory_space<hbm>>
    tpu.wait_indirect_dma semaphore(%arg7 : memref<!tpu.dma_semaphore, #tpu.memory_space<semaphore_mem>>) src(%dma_wait3A_10 : memref<10000x32xf32, #tpu.memory_space<hbm>>) dst(%arg6 : memref<2560x32xf32, #tpu.memory_space<vmem>>)
    %mul3A_11 = arith.constant 5120 : i32
    %mul3A_12 = arith.muli %add3A, %mul3A_11 : i32
    %add3A_13 = arith.constant 0 : i32
    %add3A_14 = arith.addi %mul3A_12, %add3A_13 : i32
    "tpu.region"() ({
      %run_scoped3A = tpu.sem_alloc : memref<!tpu.dma_semaphore, #tpu.memory_space<semaphore_mem>>
      %dma_start3A_29 = arith.constant 0 : i32
      %dma_start3A_30 = tpu.memref_slice %arg4[%add3A_14, %dma_start3A_29] : memref<163840x32xf32, #tpu.memory_space<hbm>> -> memref<2560x32xf32, #tpu.memory_space<hbm>>
      %dma_start3A_31 = arith.constant 0 : i32
      %dma_start3A_32 = tpu.memref_slice %arg4[%add3A_14, %dma_start3A_31] : memref<163840x32xf32, #tpu.memory_space<hbm>> -> memref<2560x32xf32, #tpu.memory_space<hbm>>
      tpu.enqueue_dma source(%arg6 : memref<2560x32xf32, #tpu.memory_space<vmem>>) target(%dma_start3A_32 : memref<2560x32xf32, #tpu.memory_space<hbm>>) target_semaphore(%run_scoped3A : memref<!tpu.dma_semaphore, #tpu.memory_space<semaphore_mem>>)
      %dma_wait3A_33 = arith.constant 0 : i32
      %dma_wait3A_34 = tpu.memref_slice %arg4[%add3A_14, %dma_wait3A_33] : memref<163840x32xf32, #tpu.memory_space<hbm>> -> memref<2560x32xf32, #tpu.memory_space<hbm>>
      %dma_wait3A_35 = arith.constant 0 : i32
      %dma_wait3A_36 = tpu.memref_slice %arg4[%add3A_14, %dma_wait3A_35] : memref<163840x32xf32, #tpu.memory_space<hbm>> -> memref<2560x32xf32, #tpu.memory_space<hbm>>
      tpu.wait_dma2 semaphore(%run_scoped3A : memref<!tpu.dma_semaphore, #tpu.memory_space<semaphore_mem>>) src(%arg6 : memref<2560x32xf32, #tpu.memory_space<vmem>>) dst(%dma_wait3A_36 : memref<2560x32xf32, #tpu.memory_space<hbm>>)
      tpu.yield
    }) : () -> ()
    %dma_start3A_15 = arith.constant 2560 : i32
    %dma_start3A_16 = tpu.memref_slice %arg5[%dma_start3A_15] : memref<5120xi32, #tpu.memory_space<vmem>> -> memref<2560xi32, #tpu.memory_space<vmem>>
    %dma_start3A_17 = arith.constant 0 : i32
    %dma_start3A_18 = arith.constant 0 : i32
    %dma_start3A_19 = tpu.memref_slice %arg2[%dma_start3A_17, %dma_start3A_18] : memref<10000x32xf32, #tpu.memory_space<hbm>> -> memref<10000x32xf32, #tpu.memory_space<hbm>>
    tpu.enqueue_indirect_dma source(%dma_start3A_19 : memref<10000x32xf32, #tpu.memory_space<hbm>>) target(%arg6 : memref<2560x32xf32, #tpu.memory_space<vmem>>) offsets(%dma_start3A_16 : memref<2560xi32, #tpu.memory_space<vmem>>) semaphore(%arg7 : memref<!tpu.dma_semaphore, #tpu.memory_space<semaphore_mem>>)
    %dma_wait3A_20 = arith.constant 2560 : i32
    %dma_wait3A_21 = tpu.memref_slice %arg5[%dma_wait3A_20] : memref<5120xi32, #tpu.memory_space<vmem>> -> memref<2560xi32, #tpu.memory_space<vmem>>
    %dma_wait3A_22 = arith.constant 0 : i32
    %dma_wait3A_23 = arith.constant 0 : i32
    %dma_wait3A_24 = tpu.memref_slice %arg2[%dma_wait3A_22, %dma_wait3A_23] : memref<10000x32xf32, #tpu.memory_space<hbm>> -> memref<10000x32xf32, #tpu.memory_space<hbm>>
    tpu.wait_indirect_dma semaphore(%arg7 : memref<!tpu.dma_semaphore, #tpu.memory_space<semaphore_mem>>) src(%dma_wait3A_24 : memref<10000x32xf32, #tpu.memory_space<hbm>>) dst(%arg6 : memref<2560x32xf32, #tpu.memory_space<vmem>>)
    %mul3A_25 = arith.constant 5120 : i32
    %mul3A_26 = arith.muli %add3A, %mul3A_25 : i32
    %add3A_27 = arith.constant 2560 : i32
    %add3A_28 = arith.addi %mul3A_26, %add3A_27 : i32
    "tpu.region"() ({
      %run_scoped3A = tpu.sem_alloc : memref<!tpu.dma_semaphore, #tpu.memory_space<semaphore_mem>>
      %dma_start3A_29 = arith.constant 0 : i32
      %dma_start3A_30 = tpu.memref_slice %arg4[%add3A_28, %dma_start3A_29] : memref<163840x32xf32, #tpu.memory_space<hbm>> -> memref<2560x32xf32, #tpu.memory_space<hbm>>
      %dma_start3A_31 = arith.constant 0 : i32
      %dma_start3A_32 = tpu.memref_slice %arg4[%add3A_28, %dma_start3A_31] : memref<163840x32xf32, #tpu.memory_space<hbm>> -> memref<2560x32xf32, #tpu.memory_space<hbm>>
      tpu.enqueue_dma source(%arg6 : memref<2560x32xf32, #tpu.memory_space<vmem>>) target(%dma_start3A_32 : memref<2560x32xf32, #tpu.memory_space<hbm>>) target_semaphore(%run_scoped3A : memref<!tpu.dma_semaphore, #tpu.memory_space<semaphore_mem>>)
      %dma_wait3A_33 = arith.constant 0 : i32
      %dma_wait3A_34 = tpu.memref_slice %arg4[%add3A_28, %dma_wait3A_33] : memref<163840x32xf32, #tpu.memory_space<hbm>> -> memref<2560x32xf32, #tpu.memory_space<hbm>>
      %dma_wait3A_35 = arith.constant 0 : i32
      %dma_wait3A_36 = tpu.memref_slice %arg4[%add3A_28, %dma_wait3A_35] : memref<163840x32xf32, #tpu.memory_space<hbm>> -> memref<2560x32xf32, #tpu.memory_space<hbm>>
      tpu.wait_dma2 semaphore(%run_scoped3A : memref<!tpu.dma_semaphore, #tpu.memory_space<semaphore_mem>>) src(%arg6 : memref<2560x32xf32, #tpu.memory_space<vmem>>) dst(%dma_wait3A_36 : memref<2560x32xf32, #tpu.memory_space<hbm>>)
      tpu.yield
    }) : () -> ()
    return
  }
}

#map = affine_map<(d0, d1) -> (0, 0)>
#map1 = affine_map<(d0, d1) -> (0, 0, 0)>
module attributes {stable_mosaic.version = 14 : i64} {
  func.func @scatter(%arg0: i32, %arg1: i32, %arg2: memref<163840x32xf32, #tpu.memory_space<hbm>>, %arg3: memref<32x40x128xi32, #tpu.memory_space<hbm>>, %arg4: memref<10016x32xf32, #tpu.memory_space<hbm>>, %arg5: memref<2x10016x32xf32, #tpu.memory_space<hbm>>, %arg6: memref<40x128xi32, #tpu.memory_space<vmem>>, %arg7: memref<2560x32xf32, #tpu.memory_space<vmem>>, %arg8: memref<10016x32xf32, #tpu.memory_space<vmem_shared>>, %arg9: memref<!tpu.dma_semaphore, #tpu.memory_space<semaphore_mem>>) attributes {dimension_semantics = [#tpu.dimension_semantics<core_parallel>, #tpu.dimension_semantics<subcore_parallel>], iteration_bounds = array<i64: 2, 16>, scalar_prefetch = 0 : i64, scratch_operands = 4 : i64, tpu.core_type = #tpu.core_type<sc_vector_subcore>, window_params = [{transform_indices = #map}, {transform_indices = #map1}, {transform_indices = #map}, {transform_indices = #map1}]} {
    %mul3A = arith.constant 2 : i32
    %mul3A_0 = arith.muli %arg1, %mul3A : i32
    %add3A = arith.addi %mul3A_0, %arg0 : i32
    %mul3A_1 = arith.constant 626 : i32
    %mul3A_2 = arith.muli %arg1, %mul3A_1 : i32
    %mul3A_3 = arith.constant 626 : i32
    %mul3A_4 = arith.muli %arg1, %mul3A_3 : i32
    "tpu.region"() ({
      %run_scoped3A = tpu.sem_alloc : memref<!tpu.dma_semaphore, #tpu.memory_space<semaphore_mem>>
      %dma_start3A_832 = arith.constant 0 : i32
      %dma_start3A_833 = tpu.memref_slice %arg8[%mul3A_4, %dma_start3A_832] : memref<10016x32xf32, #tpu.memory_space<vmem_shared>> -> memref<626x32xf32, #tpu.memory_space<vmem_shared>>
      %dma_start3A_834 = arith.constant 0 : i32
      %dma_start3A_835 = tpu.memref_slice %arg4[%mul3A_2, %dma_start3A_834] : memref<10016x32xf32, #tpu.memory_space<hbm>> -> memref<626x32xf32, #tpu.memory_space<hbm>>
      tpu.enqueue_dma source(%dma_start3A_835 : memref<626x32xf32, #tpu.memory_space<hbm>>) target(%dma_start3A_833 : memref<626x32xf32, #tpu.memory_space<vmem_shared>>) target_semaphore(%run_scoped3A : memref<!tpu.dma_semaphore, #tpu.memory_space<semaphore_mem>>)
      %dma_wait3A_836 = arith.constant 0 : i32
      %dma_wait3A_837 = tpu.memref_slice %arg8[%mul3A_4, %dma_wait3A_836] : memref<10016x32xf32, #tpu.memory_space<vmem_shared>> -> memref<626x32xf32, #tpu.memory_space<vmem_shared>>
      %dma_wait3A_838 = arith.constant 0 : i32
      %dma_wait3A_839 = tpu.memref_slice %arg4[%mul3A_2, %dma_wait3A_838] : memref<10016x32xf32, #tpu.memory_space<hbm>> -> memref<626x32xf32, #tpu.memory_space<hbm>>
      tpu.wait_dma2 semaphore(%run_scoped3A : memref<!tpu.dma_semaphore, #tpu.memory_space<semaphore_mem>>) src(%dma_wait3A_839 : memref<626x32xf32, #tpu.memory_space<hbm>>) dst(%dma_wait3A_837 : memref<626x32xf32, #tpu.memory_space<vmem_shared>>)
      tpu.yield
    }) : () -> ()
    "tpu.region"() ({
      %run_scoped3A = tpu.sem_alloc : memref<!tpu.dma_semaphore, #tpu.memory_space<semaphore_mem>>
      %dma_start3A_832 = arith.constant 0 : i32
      %dma_start3A_833 = arith.constant 0 : i32
      %dma_start3A_834 = tpu.memref_slice %arg3[%add3A, %dma_start3A_832, %dma_start3A_833] : memref<32x40x128xi32, #tpu.memory_space<hbm>> -> memref<1x40x128xi32, #tpu.memory_space<hbm>>
      %dma_start3A_835 = tpu.memref_squeeze %dma_start3A_834 : memref<1x40x128xi32, #tpu.memory_space<hbm>> -> memref<40x128xi32, #tpu.memory_space<hbm>>
      %dma_start3A_836 = arith.constant 0 : i32
      %dma_start3A_837 = arith.constant 0 : i32
      %dma_start3A_838 = tpu.memref_slice %arg3[%add3A, %dma_start3A_836, %dma_start3A_837] : memref<32x40x128xi32, #tpu.memory_space<hbm>> -> memref<1x40x128xi32, #tpu.memory_space<hbm>>
      %dma_start3A_839 = tpu.memref_squeeze %dma_start3A_838 : memref<1x40x128xi32, #tpu.memory_space<hbm>> -> memref<40x128xi32, #tpu.memory_space<hbm>>
      tpu.enqueue_dma source(%dma_start3A_839 : memref<40x128xi32, #tpu.memory_space<hbm>>) target(%arg6 : memref<40x128xi32, #tpu.memory_space<vmem>>) target_semaphore(%run_scoped3A : memref<!tpu.dma_semaphore, #tpu.memory_space<semaphore_mem>>)
      %dma_wait3A_840 = arith.constant 0 : i32
      %dma_wait3A_841 = arith.constant 0 : i32
      %dma_wait3A_842 = tpu.memref_slice %arg3[%add3A, %dma_wait3A_840, %dma_wait3A_841] : memref<32x40x128xi32, #tpu.memory_space<hbm>> -> memref<1x40x128xi32, #tpu.memory_space<hbm>>
      %dma_wait3A_843 = tpu.memref_squeeze %dma_wait3A_842 : memref<1x40x128xi32, #tpu.memory_space<hbm>> -> memref<40x128xi32, #tpu.memory_space<hbm>>
      %dma_wait3A_844 = arith.constant 0 : i32
      %dma_wait3A_845 = arith.constant 0 : i32
      %dma_wait3A_846 = tpu.memref_slice %arg3[%add3A, %dma_wait3A_844, %dma_wait3A_845] : memref<32x40x128xi32, #tpu.memory_space<hbm>> -> memref<1x40x128xi32, #tpu.memory_space<hbm>>
      %dma_wait3A_847 = tpu.memref_squeeze %dma_wait3A_846 : memref<1x40x128xi32, #tpu.memory_space<hbm>> -> memref<40x128xi32, #tpu.memory_space<hbm>>
      tpu.wait_dma2 semaphore(%run_scoped3A : memref<!tpu.dma_semaphore, #tpu.memory_space<semaphore_mem>>) src(%dma_wait3A_847 : memref<40x128xi32, #tpu.memory_space<hbm>>) dst(%arg6 : memref<40x128xi32, #tpu.memory_space<vmem>>)
      tpu.yield
    }) : () -> ()
    %barrier3A = arith.constant 0 : index
    tpu.barrier barrier_id(%barrier3A)
    %mul3A_5 = arith.constant 5120 : i32
    %mul3A_6 = arith.muli %add3A, %mul3A_5 : i32
    %add3A_7 = arith.constant 0 : i32
    %add3A_8 = arith.addi %mul3A_6, %add3A_7 : i32
    %dma_start3A = arith.constant 0 : i32
    %dma_start3A_9 = tpu.memref_slice %arg2[%add3A_8, %dma_start3A] : memref<163840x32xf32, #tpu.memory_space<hbm>> -> memref<2560x32xf32, #tpu.memory_space<hbm>>
    %dma_start3A_10 = arith.constant 0 : i32
    %dma_start3A_11 = tpu.memref_slice %arg2[%add3A_8, %dma_start3A_10] : memref<163840x32xf32, #tpu.memory_space<hbm>> -> memref<2560x32xf32, #tpu.memory_space<hbm>>
    tpu.enqueue_dma source(%dma_start3A_11 : memref<2560x32xf32, #tpu.memory_space<hbm>>) target(%arg7 : memref<2560x32xf32, #tpu.memory_space<vmem>>) target_semaphore(%arg9 : memref<!tpu.dma_semaphore, #tpu.memory_space<semaphore_mem>>)
    %dma_wait3A = arith.constant 0 : i32
    %dma_wait3A_12 = tpu.memref_slice %arg2[%add3A_8, %dma_wait3A] : memref<163840x32xf32, #tpu.memory_space<hbm>> -> memref<2560x32xf32, #tpu.memory_space<hbm>>
    %dma_wait3A_13 = arith.constant 0 : i32
    %dma_wait3A_14 = tpu.memref_slice %arg2[%add3A_8, %dma_wait3A_13] : memref<163840x32xf32, #tpu.memory_space<hbm>> -> memref<2560x32xf32, #tpu.memory_space<hbm>>
    tpu.wait_dma2 semaphore(%arg9 : memref<!tpu.dma_semaphore, #tpu.memory_space<semaphore_mem>>) src(%dma_wait3A_14 : memref<2560x32xf32, #tpu.memory_space<hbm>>) dst(%arg7 : memref<2560x32xf32, #tpu.memory_space<vmem>>)
    %dma_start3A_15 = arith.constant 0 : i32
    %dma_start3A_16 = arith.constant 0 : i32
    %dma_start3A_17 = arith.constant 0 : i32
    %dma_start3A_18 = tpu.memref_slice %arg7[%dma_start3A_16, %dma_start3A_17] : memref<2560x32xf32, #tpu.memory_space<vmem>> -> memref<128x32xf32, #tpu.memory_space<vmem>>
    %dma_start3A_19 = arith.constant 0 : i32
    %dma_start3A_20 = tpu.memref_slice %arg6[%dma_start3A_15, %dma_start3A_19] : memref<40x128xi32, #tpu.memory_space<vmem>> -> memref<1x128xi32, #tpu.memory_space<vmem>>
    %dma_start3A_21 = tpu.memref_squeeze %dma_start3A_20 : memref<1x128xi32, #tpu.memory_space<vmem>> -> memref<128xi32, #tpu.memory_space<vmem>>
    %dma_start3A_22 = arith.constant 0 : i32
    %dma_start3A_23 = arith.constant 0 : i32
    %dma_start3A_24 = tpu.memref_slice %arg8[%dma_start3A_22, %dma_start3A_23] : memref<10016x32xf32, #tpu.memory_space<vmem_shared>> -> memref<10016x32xf32, #tpu.memory_space<vmem_shared>>
    tpu.enqueue_indirect_dma source(%dma_start3A_18 : memref<128x32xf32, #tpu.memory_space<vmem>>) target(%dma_start3A_24 : memref<10016x32xf32, #tpu.memory_space<vmem_shared>>) offsets(%dma_start3A_21 : memref<128xi32, #tpu.memory_space<vmem>>) semaphore(%arg9 : memref<!tpu.dma_semaphore, #tpu.memory_space<semaphore_mem>>) {add = true}
    %dma_start3A_25 = arith.constant 1 : i32
    %dma_start3A_26 = arith.constant 128 : i32
    %dma_start3A_27 = arith.constant 0 : i32
    %dma_start3A_28 = tpu.memref_slice %arg7[%dma_start3A_26, %dma_start3A_27] : memref<2560x32xf32, #tpu.memory_space<vmem>> -> memref<128x32xf32, #tpu.memory_space<vmem>>
    %dma_start3A_29 = arith.constant 0 : i32
    %dma_start3A_30 = tpu.memref_slice %arg6[%dma_start3A_25, %dma_start3A_29] : memref<40x128xi32, #tpu.memory_space<vmem>> -> memref<1x128xi32, #tpu.memory_space<vmem>>
    %dma_start3A_31 = tpu.memref_squeeze %dma_start3A_30 : memref<1x128xi32, #tpu.memory_space<vmem>> -> memref<128xi32, #tpu.memory_space<vmem>>
    %dma_start3A_32 = arith.constant 0 : i32
    %dma_start3A_33 = arith.constant 0 : i32
    %dma_start3A_34 = tpu.memref_slice %arg8[%dma_start3A_32, %dma_start3A_33] : memref<10016x32xf32, #tpu.memory_space<vmem_shared>> -> memref<10016x32xf32, #tpu.memory_space<vmem_shared>>
    tpu.enqueue_indirect_dma source(%dma_start3A_28 : memref<128x32xf32, #tpu.memory_space<vmem>>) target(%dma_start3A_34 : memref<10016x32xf32, #tpu.memory_space<vmem_shared>>) offsets(%dma_start3A_31 : memref<128xi32, #tpu.memory_space<vmem>>) semaphore(%arg9 : memref<!tpu.dma_semaphore, #tpu.memory_space<semaphore_mem>>) {add = true}
    %dma_start3A_35 = arith.constant 2 : i32
    %dma_start3A_36 = arith.constant 256 : i32
    %dma_start3A_37 = arith.constant 0 : i32
    %dma_start3A_38 = tpu.memref_slice %arg7[%dma_start3A_36, %dma_start3A_37] : memref<2560x32xf32, #tpu.memory_space<vmem>> -> memref<128x32xf32, #tpu.memory_space<vmem>>
    %dma_start3A_39 = arith.constant 0 : i32
    %dma_start3A_40 = tpu.memref_slice %arg6[%dma_start3A_35, %dma_start3A_39] : memref<40x128xi32, #tpu.memory_space<vmem>> -> memref<1x128xi32, #tpu.memory_space<vmem>>
    %dma_start3A_41 = tpu.memref_squeeze %dma_start3A_40 : memref<1x128xi32, #tpu.memory_space<vmem>> -> memref<128xi32, #tpu.memory_space<vmem>>
    %dma_start3A_42 = arith.constant 0 : i32
    %dma_start3A_43 = arith.constant 0 : i32
    %dma_start3A_44 = tpu.memref_slice %arg8[%dma_start3A_42, %dma_start3A_43] : memref<10016x32xf32, #tpu.memory_space<vmem_shared>> -> memref<10016x32xf32, #tpu.memory_space<vmem_shared>>
    tpu.enqueue_indirect_dma source(%dma_start3A_38 : memref<128x32xf32, #tpu.memory_space<vmem>>) target(%dma_start3A_44 : memref<10016x32xf32, #tpu.memory_space<vmem_shared>>) offsets(%dma_start3A_41 : memref<128xi32, #tpu.memory_space<vmem>>) semaphore(%arg9 : memref<!tpu.dma_semaphore, #tpu.memory_space<semaphore_mem>>) {add = true}
    %dma_start3A_45 = arith.constant 3 : i32
    %dma_start3A_46 = arith.constant 384 : i32
    %dma_start3A_47 = arith.constant 0 : i32
    %dma_start3A_48 = tpu.memref_slice %arg7[%dma_start3A_46, %dma_start3A_47] : memref<2560x32xf32, #tpu.memory_space<vmem>> -> memref<128x32xf32, #tpu.memory_space<vmem>>
    %dma_start3A_49 = arith.constant 0 : i32
    %dma_start3A_50 = tpu.memref_slice %arg6[%dma_start3A_45, %dma_start3A_49] : memref<40x128xi32, #tpu.memory_space<vmem>> -> memref<1x128xi32, #tpu.memory_space<vmem>>
    %dma_start3A_51 = tpu.memref_squeeze %dma_start3A_50 : memref<1x128xi32, #tpu.memory_space<vmem>> -> memref<128xi32, #tpu.memory_space<vmem>>
    %dma_start3A_52 = arith.constant 0 : i32
    %dma_start3A_53 = arith.constant 0 : i32
    %dma_start3A_54 = tpu.memref_slice %arg8[%dma_start3A_52, %dma_start3A_53] : memref<10016x32xf32, #tpu.memory_space<vmem_shared>> -> memref<10016x32xf32, #tpu.memory_space<vmem_shared>>
    tpu.enqueue_indirect_dma source(%dma_start3A_48 : memref<128x32xf32, #tpu.memory_space<vmem>>) target(%dma_start3A_54 : memref<10016x32xf32, #tpu.memory_space<vmem_shared>>) offsets(%dma_start3A_51 : memref<128xi32, #tpu.memory_space<vmem>>) semaphore(%arg9 : memref<!tpu.dma_semaphore, #tpu.memory_space<semaphore_mem>>) {add = true}
    %dma_start3A_55 = arith.constant 4 : i32
    %dma_start3A_56 = arith.constant 512 : i32
    %dma_start3A_57 = arith.constant 0 : i32
    %dma_start3A_58 = tpu.memref_slice %arg7[%dma_start3A_56, %dma_start3A_57] : memref<2560x32xf32, #tpu.memory_space<vmem>> -> memref<128x32xf32, #tpu.memory_space<vmem>>
    %dma_start3A_59 = arith.constant 0 : i32
    %dma_start3A_60 = tpu.memref_slice %arg6[%dma_start3A_55, %dma_start3A_59] : memref<40x128xi32, #tpu.memory_space<vmem>> -> memref<1x128xi32, #tpu.memory_space<vmem>>
    %dma_start3A_61 = tpu.memref_squeeze %dma_start3A_60 : memref<1x128xi32, #tpu.memory_space<vmem>> -> memref<128xi32, #tpu.memory_space<vmem>>
    %dma_start3A_62 = arith.constant 0 : i32
    %dma_start3A_63 = arith.constant 0 : i32
    %dma_start3A_64 = tpu.memref_slice %arg8[%dma_start3A_62, %dma_start3A_63] : memref<10016x32xf32, #tpu.memory_space<vmem_shared>> -> memref<10016x32xf32, #tpu.memory_space<vmem_shared>>
    tpu.enqueue_indirect_dma source(%dma_start3A_58 : memref<128x32xf32, #tpu.memory_space<vmem>>) target(%dma_start3A_64 : memref<10016x32xf32, #tpu.memory_space<vmem_shared>>) offsets(%dma_start3A_61 : memref<128xi32, #tpu.memory_space<vmem>>) semaphore(%arg9 : memref<!tpu.dma_semaphore, #tpu.memory_space<semaphore_mem>>) {add = true}
    %dma_start3A_65 = arith.constant 5 : i32
    %dma_start3A_66 = arith.constant 640 : i32
    %dma_start3A_67 = arith.constant 0 : i32
    %dma_start3A_68 = tpu.memref_slice %arg7[%dma_start3A_66, %dma_start3A_67] : memref<2560x32xf32, #tpu.memory_space<vmem>> -> memref<128x32xf32, #tpu.memory_space<vmem>>
    %dma_start3A_69 = arith.constant 0 : i32
    %dma_start3A_70 = tpu.memref_slice %arg6[%dma_start3A_65, %dma_start3A_69] : memref<40x128xi32, #tpu.memory_space<vmem>> -> memref<1x128xi32, #tpu.memory_space<vmem>>
    %dma_start3A_71 = tpu.memref_squeeze %dma_start3A_70 : memref<1x128xi32, #tpu.memory_space<vmem>> -> memref<128xi32, #tpu.memory_space<vmem>>
    %dma_start3A_72 = arith.constant 0 : i32
    %dma_start3A_73 = arith.constant 0 : i32
    %dma_start3A_74 = tpu.memref_slice %arg8[%dma_start3A_72, %dma_start3A_73] : memref<10016x32xf32, #tpu.memory_space<vmem_shared>> -> memref<10016x32xf32, #tpu.memory_space<vmem_shared>>
    tpu.enqueue_indirect_dma source(%dma_start3A_68 : memref<128x32xf32, #tpu.memory_space<vmem>>) target(%dma_start3A_74 : memref<10016x32xf32, #tpu.memory_space<vmem_shared>>) offsets(%dma_start3A_71 : memref<128xi32, #tpu.memory_space<vmem>>) semaphore(%arg9 : memref<!tpu.dma_semaphore, #tpu.memory_space<semaphore_mem>>) {add = true}
    %dma_start3A_75 = arith.constant 6 : i32
    %dma_start3A_76 = arith.constant 768 : i32
    %dma_start3A_77 = arith.constant 0 : i32
    %dma_start3A_78 = tpu.memref_slice %arg7[%dma_start3A_76, %dma_start3A_77] : memref<2560x32xf32, #tpu.memory_space<vmem>> -> memref<128x32xf32, #tpu.memory_space<vmem>>
    %dma_start3A_79 = arith.constant 0 : i32
    %dma_start3A_80 = tpu.memref_slice %arg6[%dma_start3A_75, %dma_start3A_79] : memref<40x128xi32, #tpu.memory_space<vmem>> -> memref<1x128xi32, #tpu.memory_space<vmem>>
    %dma_start3A_81 = tpu.memref_squeeze %dma_start3A_80 : memref<1x128xi32, #tpu.memory_space<vmem>> -> memref<128xi32, #tpu.memory_space<vmem>>
    %dma_start3A_82 = arith.constant 0 : i32
    %dma_start3A_83 = arith.constant 0 : i32
    %dma_start3A_84 = tpu.memref_slice %arg8[%dma_start3A_82, %dma_start3A_83] : memref<10016x32xf32, #tpu.memory_space<vmem_shared>> -> memref<10016x32xf32, #tpu.memory_space<vmem_shared>>
    tpu.enqueue_indirect_dma source(%dma_start3A_78 : memref<128x32xf32, #tpu.memory_space<vmem>>) target(%dma_start3A_84 : memref<10016x32xf32, #tpu.memory_space<vmem_shared>>) offsets(%dma_start3A_81 : memref<128xi32, #tpu.memory_space<vmem>>) semaphore(%arg9 : memref<!tpu.dma_semaphore, #tpu.memory_space<semaphore_mem>>) {add = true}
    %dma_start3A_85 = arith.constant 7 : i32
    %dma_start3A_86 = arith.constant 896 : i32
    %dma_start3A_87 = arith.constant 0 : i32
    %dma_start3A_88 = tpu.memref_slice %arg7[%dma_start3A_86, %dma_start3A_87] : memref<2560x32xf32, #tpu.memory_space<vmem>> -> memref<128x32xf32, #tpu.memory_space<vmem>>
    %dma_start3A_89 = arith.constant 0 : i32
    %dma_start3A_90 = tpu.memref_slice %arg6[%dma_start3A_85, %dma_start3A_89] : memref<40x128xi32, #tpu.memory_space<vmem>> -> memref<1x128xi32, #tpu.memory_space<vmem>>
    %dma_start3A_91 = tpu.memref_squeeze %dma_start3A_90 : memref<1x128xi32, #tpu.memory_space<vmem>> -> memref<128xi32, #tpu.memory_space<vmem>>
    %dma_start3A_92 = arith.constant 0 : i32
    %dma_start3A_93 = arith.constant 0 : i32
    %dma_start3A_94 = tpu.memref_slice %arg8[%dma_start3A_92, %dma_start3A_93] : memref<10016x32xf32, #tpu.memory_space<vmem_shared>> -> memref<10016x32xf32, #tpu.memory_space<vmem_shared>>
    tpu.enqueue_indirect_dma source(%dma_start3A_88 : memref<128x32xf32, #tpu.memory_space<vmem>>) target(%dma_start3A_94 : memref<10016x32xf32, #tpu.memory_space<vmem_shared>>) offsets(%dma_start3A_91 : memref<128xi32, #tpu.memory_space<vmem>>) semaphore(%arg9 : memref<!tpu.dma_semaphore, #tpu.memory_space<semaphore_mem>>) {add = true}
    %dma_start3A_95 = arith.constant 8 : i32
    %dma_start3A_96 = arith.constant 1024 : i32
    %dma_start3A_97 = arith.constant 0 : i32
    %dma_start3A_98 = tpu.memref_slice %arg7[%dma_start3A_96, %dma_start3A_97] : memref<2560x32xf32, #tpu.memory_space<vmem>> -> memref<128x32xf32, #tpu.memory_space<vmem>>
    %dma_start3A_99 = arith.constant 0 : i32
    %dma_start3A_100 = tpu.memref_slice %arg6[%dma_start3A_95, %dma_start3A_99] : memref<40x128xi32, #tpu.memory_space<vmem>> -> memref<1x128xi32, #tpu.memory_space<vmem>>
    %dma_start3A_101 = tpu.memref_squeeze %dma_start3A_100 : memref<1x128xi32, #tpu.memory_space<vmem>> -> memref<128xi32, #tpu.memory_space<vmem>>
    %dma_start3A_102 = arith.constant 0 : i32
    %dma_start3A_103 = arith.constant 0 : i32
    %dma_start3A_104 = tpu.memref_slice %arg8[%dma_start3A_102, %dma_start3A_103] : memref<10016x32xf32, #tpu.memory_space<vmem_shared>> -> memref<10016x32xf32, #tpu.memory_space<vmem_shared>>
    tpu.enqueue_indirect_dma source(%dma_start3A_98 : memref<128x32xf32, #tpu.memory_space<vmem>>) target(%dma_start3A_104 : memref<10016x32xf32, #tpu.memory_space<vmem_shared>>) offsets(%dma_start3A_101 : memref<128xi32, #tpu.memory_space<vmem>>) semaphore(%arg9 : memref<!tpu.dma_semaphore, #tpu.memory_space<semaphore_mem>>) {add = true}
    %dma_start3A_105 = arith.constant 9 : i32
    %dma_start3A_106 = arith.constant 1152 : i32
    %dma_start3A_107 = arith.constant 0 : i32
    %dma_start3A_108 = tpu.memref_slice %arg7[%dma_start3A_106, %dma_start3A_107] : memref<2560x32xf32, #tpu.memory_space<vmem>> -> memref<128x32xf32, #tpu.memory_space<vmem>>
    %dma_start3A_109 = arith.constant 0 : i32
    %dma_start3A_110 = tpu.memref_slice %arg6[%dma_start3A_105, %dma_start3A_109] : memref<40x128xi32, #tpu.memory_space<vmem>> -> memref<1x128xi32, #tpu.memory_space<vmem>>
    %dma_start3A_111 = tpu.memref_squeeze %dma_start3A_110 : memref<1x128xi32, #tpu.memory_space<vmem>> -> memref<128xi32, #tpu.memory_space<vmem>>
    %dma_start3A_112 = arith.constant 0 : i32
    %dma_start3A_113 = arith.constant 0 : i32
    %dma_start3A_114 = tpu.memref_slice %arg8[%dma_start3A_112, %dma_start3A_113] : memref<10016x32xf32, #tpu.memory_space<vmem_shared>> -> memref<10016x32xf32, #tpu.memory_space<vmem_shared>>
    tpu.enqueue_indirect_dma source(%dma_start3A_108 : memref<128x32xf32, #tpu.memory_space<vmem>>) target(%dma_start3A_114 : memref<10016x32xf32, #tpu.memory_space<vmem_shared>>) offsets(%dma_start3A_111 : memref<128xi32, #tpu.memory_space<vmem>>) semaphore(%arg9 : memref<!tpu.dma_semaphore, #tpu.memory_space<semaphore_mem>>) {add = true}
    %dma_start3A_115 = arith.constant 10 : i32
    %dma_start3A_116 = arith.constant 1280 : i32
    %dma_start3A_117 = arith.constant 0 : i32
    %dma_start3A_118 = tpu.memref_slice %arg7[%dma_start3A_116, %dma_start3A_117] : memref<2560x32xf32, #tpu.memory_space<vmem>> -> memref<128x32xf32, #tpu.memory_space<vmem>>
    %dma_start3A_119 = arith.constant 0 : i32
    %dma_start3A_120 = tpu.memref_slice %arg6[%dma_start3A_115, %dma_start3A_119] : memref<40x128xi32, #tpu.memory_space<vmem>> -> memref<1x128xi32, #tpu.memory_space<vmem>>
    %dma_start3A_121 = tpu.memref_squeeze %dma_start3A_120 : memref<1x128xi32, #tpu.memory_space<vmem>> -> memref<128xi32, #tpu.memory_space<vmem>>
    %dma_start3A_122 = arith.constant 0 : i32
    %dma_start3A_123 = arith.constant 0 : i32
    %dma_start3A_124 = tpu.memref_slice %arg8[%dma_start3A_122, %dma_start3A_123] : memref<10016x32xf32, #tpu.memory_space<vmem_shared>> -> memref<10016x32xf32, #tpu.memory_space<vmem_shared>>
    tpu.enqueue_indirect_dma source(%dma_start3A_118 : memref<128x32xf32, #tpu.memory_space<vmem>>) target(%dma_start3A_124 : memref<10016x32xf32, #tpu.memory_space<vmem_shared>>) offsets(%dma_start3A_121 : memref<128xi32, #tpu.memory_space<vmem>>) semaphore(%arg9 : memref<!tpu.dma_semaphore, #tpu.memory_space<semaphore_mem>>) {add = true}
    %dma_start3A_125 = arith.constant 11 : i32
    %dma_start3A_126 = arith.constant 1408 : i32
    %dma_start3A_127 = arith.constant 0 : i32
    %dma_start3A_128 = tpu.memref_slice %arg7[%dma_start3A_126, %dma_start3A_127] : memref<2560x32xf32, #tpu.memory_space<vmem>> -> memref<128x32xf32, #tpu.memory_space<vmem>>
    %dma_start3A_129 = arith.constant 0 : i32
    %dma_start3A_130 = tpu.memref_slice %arg6[%dma_start3A_125, %dma_start3A_129] : memref<40x128xi32, #tpu.memory_space<vmem>> -> memref<1x128xi32, #tpu.memory_space<vmem>>
    %dma_start3A_131 = tpu.memref_squeeze %dma_start3A_130 : memref<1x128xi32, #tpu.memory_space<vmem>> -> memref<128xi32, #tpu.memory_space<vmem>>
    %dma_start3A_132 = arith.constant 0 : i32
    %dma_start3A_133 = arith.constant 0 : i32
    %dma_start3A_134 = tpu.memref_slice %arg8[%dma_start3A_132, %dma_start3A_133] : memref<10016x32xf32, #tpu.memory_space<vmem_shared>> -> memref<10016x32xf32, #tpu.memory_space<vmem_shared>>
    tpu.enqueue_indirect_dma source(%dma_start3A_128 : memref<128x32xf32, #tpu.memory_space<vmem>>) target(%dma_start3A_134 : memref<10016x32xf32, #tpu.memory_space<vmem_shared>>) offsets(%dma_start3A_131 : memref<128xi32, #tpu.memory_space<vmem>>) semaphore(%arg9 : memref<!tpu.dma_semaphore, #tpu.memory_space<semaphore_mem>>) {add = true}
    %dma_start3A_135 = arith.constant 12 : i32
    %dma_start3A_136 = arith.constant 1536 : i32
    %dma_start3A_137 = arith.constant 0 : i32
    %dma_start3A_138 = tpu.memref_slice %arg7[%dma_start3A_136, %dma_start3A_137] : memref<2560x32xf32, #tpu.memory_space<vmem>> -> memref<128x32xf32, #tpu.memory_space<vmem>>
    %dma_start3A_139 = arith.constant 0 : i32
    %dma_start3A_140 = tpu.memref_slice %arg6[%dma_start3A_135, %dma_start3A_139] : memref<40x128xi32, #tpu.memory_space<vmem>> -> memref<1x128xi32, #tpu.memory_space<vmem>>
    %dma_start3A_141 = tpu.memref_squeeze %dma_start3A_140 : memref<1x128xi32, #tpu.memory_space<vmem>> -> memref<128xi32, #tpu.memory_space<vmem>>
    %dma_start3A_142 = arith.constant 0 : i32
    %dma_start3A_143 = arith.constant 0 : i32
    %dma_start3A_144 = tpu.memref_slice %arg8[%dma_start3A_142, %dma_start3A_143] : memref<10016x32xf32, #tpu.memory_space<vmem_shared>> -> memref<10016x32xf32, #tpu.memory_space<vmem_shared>>
    tpu.enqueue_indirect_dma source(%dma_start3A_138 : memref<128x32xf32, #tpu.memory_space<vmem>>) target(%dma_start3A_144 : memref<10016x32xf32, #tpu.memory_space<vmem_shared>>) offsets(%dma_start3A_141 : memref<128xi32, #tpu.memory_space<vmem>>) semaphore(%arg9 : memref<!tpu.dma_semaphore, #tpu.memory_space<semaphore_mem>>) {add = true}
    %dma_start3A_145 = arith.constant 13 : i32
    %dma_start3A_146 = arith.constant 1664 : i32
    %dma_start3A_147 = arith.constant 0 : i32
    %dma_start3A_148 = tpu.memref_slice %arg7[%dma_start3A_146, %dma_start3A_147] : memref<2560x32xf32, #tpu.memory_space<vmem>> -> memref<128x32xf32, #tpu.memory_space<vmem>>
    %dma_start3A_149 = arith.constant 0 : i32
    %dma_start3A_150 = tpu.memref_slice %arg6[%dma_start3A_145, %dma_start3A_149] : memref<40x128xi32, #tpu.memory_space<vmem>> -> memref<1x128xi32, #tpu.memory_space<vmem>>
    %dma_start3A_151 = tpu.memref_squeeze %dma_start3A_150 : memref<1x128xi32, #tpu.memory_space<vmem>> -> memref<128xi32, #tpu.memory_space<vmem>>
    %dma_start3A_152 = arith.constant 0 : i32
    %dma_start3A_153 = arith.constant 0 : i32
    %dma_start3A_154 = tpu.memref_slice %arg8[%dma_start3A_152, %dma_start3A_153] : memref<10016x32xf32, #tpu.memory_space<vmem_shared>> -> memref<10016x32xf32, #tpu.memory_space<vmem_shared>>
    tpu.enqueue_indirect_dma source(%dma_start3A_148 : memref<128x32xf32, #tpu.memory_space<vmem>>) target(%dma_start3A_154 : memref<10016x32xf32, #tpu.memory_space<vmem_shared>>) offsets(%dma_start3A_151 : memref<128xi32, #tpu.memory_space<vmem>>) semaphore(%arg9 : memref<!tpu.dma_semaphore, #tpu.memory_space<semaphore_mem>>) {add = true}
    %dma_start3A_155 = arith.constant 14 : i32
    %dma_start3A_156 = arith.constant 1792 : i32
    %dma_start3A_157 = arith.constant 0 : i32
    %dma_start3A_158 = tpu.memref_slice %arg7[%dma_start3A_156, %dma_start3A_157] : memref<2560x32xf32, #tpu.memory_space<vmem>> -> memref<128x32xf32, #tpu.memory_space<vmem>>
    %dma_start3A_159 = arith.constant 0 : i32
    %dma_start3A_160 = tpu.memref_slice %arg6[%dma_start3A_155, %dma_start3A_159] : memref<40x128xi32, #tpu.memory_space<vmem>> -> memref<1x128xi32, #tpu.memory_space<vmem>>
    %dma_start3A_161 = tpu.memref_squeeze %dma_start3A_160 : memref<1x128xi32, #tpu.memory_space<vmem>> -> memref<128xi32, #tpu.memory_space<vmem>>
    %dma_start3A_162 = arith.constant 0 : i32
    %dma_start3A_163 = arith.constant 0 : i32
    %dma_start3A_164 = tpu.memref_slice %arg8[%dma_start3A_162, %dma_start3A_163] : memref<10016x32xf32, #tpu.memory_space<vmem_shared>> -> memref<10016x32xf32, #tpu.memory_space<vmem_shared>>
    tpu.enqueue_indirect_dma source(%dma_start3A_158 : memref<128x32xf32, #tpu.memory_space<vmem>>) target(%dma_start3A_164 : memref<10016x32xf32, #tpu.memory_space<vmem_shared>>) offsets(%dma_start3A_161 : memref<128xi32, #tpu.memory_space<vmem>>) semaphore(%arg9 : memref<!tpu.dma_semaphore, #tpu.memory_space<semaphore_mem>>) {add = true}
    %dma_start3A_165 = arith.constant 15 : i32
    %dma_start3A_166 = arith.constant 1920 : i32
    %dma_start3A_167 = arith.constant 0 : i32
    %dma_start3A_168 = tpu.memref_slice %arg7[%dma_start3A_166, %dma_start3A_167] : memref<2560x32xf32, #tpu.memory_space<vmem>> -> memref<128x32xf32, #tpu.memory_space<vmem>>
    %dma_start3A_169 = arith.constant 0 : i32
    %dma_start3A_170 = tpu.memref_slice %arg6[%dma_start3A_165, %dma_start3A_169] : memref<40x128xi32, #tpu.memory_space<vmem>> -> memref<1x128xi32, #tpu.memory_space<vmem>>
    %dma_start3A_171 = tpu.memref_squeeze %dma_start3A_170 : memref<1x128xi32, #tpu.memory_space<vmem>> -> memref<128xi32, #tpu.memory_space<vmem>>
    %dma_start3A_172 = arith.constant 0 : i32
    %dma_start3A_173 = arith.constant 0 : i32
    %dma_start3A_174 = tpu.memref_slice %arg8[%dma_start3A_172, %dma_start3A_173] : memref<10016x32xf32, #tpu.memory_space<vmem_shared>> -> memref<10016x32xf32, #tpu.memory_space<vmem_shared>>
    tpu.enqueue_indirect_dma source(%dma_start3A_168 : memref<128x32xf32, #tpu.memory_space<vmem>>) target(%dma_start3A_174 : memref<10016x32xf32, #tpu.memory_space<vmem_shared>>) offsets(%dma_start3A_171 : memref<128xi32, #tpu.memory_space<vmem>>) semaphore(%arg9 : memref<!tpu.dma_semaphore, #tpu.memory_space<semaphore_mem>>) {add = true}
    %dma_start3A_175 = arith.constant 16 : i32
    %dma_start3A_176 = arith.constant 2048 : i32
    %dma_start3A_177 = arith.constant 0 : i32
    %dma_start3A_178 = tpu.memref_slice %arg7[%dma_start3A_176, %dma_start3A_177] : memref<2560x32xf32, #tpu.memory_space<vmem>> -> memref<128x32xf32, #tpu.memory_space<vmem>>
    %dma_start3A_179 = arith.constant 0 : i32
    %dma_start3A_180 = tpu.memref_slice %arg6[%dma_start3A_175, %dma_start3A_179] : memref<40x128xi32, #tpu.memory_space<vmem>> -> memref<1x128xi32, #tpu.memory_space<vmem>>
    %dma_start3A_181 = tpu.memref_squeeze %dma_start3A_180 : memref<1x128xi32, #tpu.memory_space<vmem>> -> memref<128xi32, #tpu.memory_space<vmem>>
    %dma_start3A_182 = arith.constant 0 : i32
    %dma_start3A_183 = arith.constant 0 : i32
    %dma_start3A_184 = tpu.memref_slice %arg8[%dma_start3A_182, %dma_start3A_183] : memref<10016x32xf32, #tpu.memory_space<vmem_shared>> -> memref<10016x32xf32, #tpu.memory_space<vmem_shared>>
    tpu.enqueue_indirect_dma source(%dma_start3A_178 : memref<128x32xf32, #tpu.memory_space<vmem>>) target(%dma_start3A_184 : memref<10016x32xf32, #tpu.memory_space<vmem_shared>>) offsets(%dma_start3A_181 : memref<128xi32, #tpu.memory_space<vmem>>) semaphore(%arg9 : memref<!tpu.dma_semaphore, #tpu.memory_space<semaphore_mem>>) {add = true}
    %dma_start3A_185 = arith.constant 17 : i32
    %dma_start3A_186 = arith.constant 2176 : i32
    %dma_start3A_187 = arith.constant 0 : i32
    %dma_start3A_188 = tpu.memref_slice %arg7[%dma_start3A_186, %dma_start3A_187] : memref<2560x32xf32, #tpu.memory_space<vmem>> -> memref<128x32xf32, #tpu.memory_space<vmem>>
    %dma_start3A_189 = arith.constant 0 : i32
    %dma_start3A_190 = tpu.memref_slice %arg6[%dma_start3A_185, %dma_start3A_189] : memref<40x128xi32, #tpu.memory_space<vmem>> -> memref<1x128xi32, #tpu.memory_space<vmem>>
    %dma_start3A_191 = tpu.memref_squeeze %dma_start3A_190 : memref<1x128xi32, #tpu.memory_space<vmem>> -> memref<128xi32, #tpu.memory_space<vmem>>
    %dma_start3A_192 = arith.constant 0 : i32
    %dma_start3A_193 = arith.constant 0 : i32
    %dma_start3A_194 = tpu.memref_slice %arg8[%dma_start3A_192, %dma_start3A_193] : memref<10016x32xf32, #tpu.memory_space<vmem_shared>> -> memref<10016x32xf32, #tpu.memory_space<vmem_shared>>
    tpu.enqueue_indirect_dma source(%dma_start3A_188 : memref<128x32xf32, #tpu.memory_space<vmem>>) target(%dma_start3A_194 : memref<10016x32xf32, #tpu.memory_space<vmem_shared>>) offsets(%dma_start3A_191 : memref<128xi32, #tpu.memory_space<vmem>>) semaphore(%arg9 : memref<!tpu.dma_semaphore, #tpu.memory_space<semaphore_mem>>) {add = true}
    %dma_start3A_195 = arith.constant 18 : i32
    %dma_start3A_196 = arith.constant 2304 : i32
    %dma_start3A_197 = arith.constant 0 : i32
    %dma_start3A_198 = tpu.memref_slice %arg7[%dma_start3A_196, %dma_start3A_197] : memref<2560x32xf32, #tpu.memory_space<vmem>> -> memref<128x32xf32, #tpu.memory_space<vmem>>
    %dma_start3A_199 = arith.constant 0 : i32
    %dma_start3A_200 = tpu.memref_slice %arg6[%dma_start3A_195, %dma_start3A_199] : memref<40x128xi32, #tpu.memory_space<vmem>> -> memref<1x128xi32, #tpu.memory_space<vmem>>
    %dma_start3A_201 = tpu.memref_squeeze %dma_start3A_200 : memref<1x128xi32, #tpu.memory_space<vmem>> -> memref<128xi32, #tpu.memory_space<vmem>>
    %dma_start3A_202 = arith.constant 0 : i32
    %dma_start3A_203 = arith.constant 0 : i32
    %dma_start3A_204 = tpu.memref_slice %arg8[%dma_start3A_202, %dma_start3A_203] : memref<10016x32xf32, #tpu.memory_space<vmem_shared>> -> memref<10016x32xf32, #tpu.memory_space<vmem_shared>>
    tpu.enqueue_indirect_dma source(%dma_start3A_198 : memref<128x32xf32, #tpu.memory_space<vmem>>) target(%dma_start3A_204 : memref<10016x32xf32, #tpu.memory_space<vmem_shared>>) offsets(%dma_start3A_201 : memref<128xi32, #tpu.memory_space<vmem>>) semaphore(%arg9 : memref<!tpu.dma_semaphore, #tpu.memory_space<semaphore_mem>>) {add = true}
    %dma_start3A_205 = arith.constant 19 : i32
    %dma_start3A_206 = arith.constant 2432 : i32
    %dma_start3A_207 = arith.constant 0 : i32
    %dma_start3A_208 = tpu.memref_slice %arg7[%dma_start3A_206, %dma_start3A_207] : memref<2560x32xf32, #tpu.memory_space<vmem>> -> memref<128x32xf32, #tpu.memory_space<vmem>>
    %dma_start3A_209 = arith.constant 0 : i32
    %dma_start3A_210 = tpu.memref_slice %arg6[%dma_start3A_205, %dma_start3A_209] : memref<40x128xi32, #tpu.memory_space<vmem>> -> memref<1x128xi32, #tpu.memory_space<vmem>>
    %dma_start3A_211 = tpu.memref_squeeze %dma_start3A_210 : memref<1x128xi32, #tpu.memory_space<vmem>> -> memref<128xi32, #tpu.memory_space<vmem>>
    %dma_start3A_212 = arith.constant 0 : i32
    %dma_start3A_213 = arith.constant 0 : i32
    %dma_start3A_214 = tpu.memref_slice %arg8[%dma_start3A_212, %dma_start3A_213] : memref<10016x32xf32, #tpu.memory_space<vmem_shared>> -> memref<10016x32xf32, #tpu.memory_space<vmem_shared>>
    tpu.enqueue_indirect_dma source(%dma_start3A_208 : memref<128x32xf32, #tpu.memory_space<vmem>>) target(%dma_start3A_214 : memref<10016x32xf32, #tpu.memory_space<vmem_shared>>) offsets(%dma_start3A_211 : memref<128xi32, #tpu.memory_space<vmem>>) semaphore(%arg9 : memref<!tpu.dma_semaphore, #tpu.memory_space<semaphore_mem>>) {add = true}
    %dma_wait3A_215 = arith.constant 0 : i32
    %dma_wait3A_216 = arith.constant 0 : i32
    %dma_wait3A_217 = arith.constant 0 : i32
    %dma_wait3A_218 = tpu.memref_slice %arg7[%dma_wait3A_216, %dma_wait3A_217] : memref<2560x32xf32, #tpu.memory_space<vmem>> -> memref<128x32xf32, #tpu.memory_space<vmem>>
    %dma_wait3A_219 = arith.constant 0 : i32
    %dma_wait3A_220 = tpu.memref_slice %arg6[%dma_wait3A_215, %dma_wait3A_219] : memref<40x128xi32, #tpu.memory_space<vmem>> -> memref<1x128xi32, #tpu.memory_space<vmem>>
    %dma_wait3A_221 = tpu.memref_squeeze %dma_wait3A_220 : memref<1x128xi32, #tpu.memory_space<vmem>> -> memref<128xi32, #tpu.memory_space<vmem>>
    %dma_wait3A_222 = arith.constant 0 : i32
    %dma_wait3A_223 = arith.constant 0 : i32
    %dma_wait3A_224 = tpu.memref_slice %arg8[%dma_wait3A_222, %dma_wait3A_223] : memref<10016x32xf32, #tpu.memory_space<vmem_shared>> -> memref<10016x32xf32, #tpu.memory_space<vmem_shared>>
    tpu.wait_indirect_dma semaphore(%arg9 : memref<!tpu.dma_semaphore, #tpu.memory_space<semaphore_mem>>) src(%dma_wait3A_218 : memref<128x32xf32, #tpu.memory_space<vmem>>) dst(%dma_wait3A_224 : memref<10016x32xf32, #tpu.memory_space<vmem_shared>>)
    %dma_wait3A_225 = arith.constant 1 : i32
    %dma_wait3A_226 = arith.constant 128 : i32
    %dma_wait3A_227 = arith.constant 0 : i32
    %dma_wait3A_228 = tpu.memref_slice %arg7[%dma_wait3A_226, %dma_wait3A_227] : memref<2560x32xf32, #tpu.memory_space<vmem>> -> memref<128x32xf32, #tpu.memory_space<vmem>>
    %dma_wait3A_229 = arith.constant 0 : i32
    %dma_wait3A_230 = tpu.memref_slice %arg6[%dma_wait3A_225, %dma_wait3A_229] : memref<40x128xi32, #tpu.memory_space<vmem>> -> memref<1x128xi32, #tpu.memory_space<vmem>>
    %dma_wait3A_231 = tpu.memref_squeeze %dma_wait3A_230 : memref<1x128xi32, #tpu.memory_space<vmem>> -> memref<128xi32, #tpu.memory_space<vmem>>
    %dma_wait3A_232 = arith.constant 0 : i32
    %dma_wait3A_233 = arith.constant 0 : i32
    %dma_wait3A_234 = tpu.memref_slice %arg8[%dma_wait3A_232, %dma_wait3A_233] : memref<10016x32xf32, #tpu.memory_space<vmem_shared>> -> memref<10016x32xf32, #tpu.memory_space<vmem_shared>>
    tpu.wait_indirect_dma semaphore(%arg9 : memref<!tpu.dma_semaphore, #tpu.memory_space<semaphore_mem>>) src(%dma_wait3A_228 : memref<128x32xf32, #tpu.memory_space<vmem>>) dst(%dma_wait3A_234 : memref<10016x32xf32, #tpu.memory_space<vmem_shared>>)
    %dma_wait3A_235 = arith.constant 2 : i32
    %dma_wait3A_236 = arith.constant 256 : i32
    %dma_wait3A_237 = arith.constant 0 : i32
    %dma_wait3A_238 = tpu.memref_slice %arg7[%dma_wait3A_236, %dma_wait3A_237] : memref<2560x32xf32, #tpu.memory_space<vmem>> -> memref<128x32xf32, #tpu.memory_space<vmem>>
    %dma_wait3A_239 = arith.constant 0 : i32
    %dma_wait3A_240 = tpu.memref_slice %arg6[%dma_wait3A_235, %dma_wait3A_239] : memref<40x128xi32, #tpu.memory_space<vmem>> -> memref<1x128xi32, #tpu.memory_space<vmem>>
    %dma_wait3A_241 = tpu.memref_squeeze %dma_wait3A_240 : memref<1x128xi32, #tpu.memory_space<vmem>> -> memref<128xi32, #tpu.memory_space<vmem>>
    %dma_wait3A_242 = arith.constant 0 : i32
    %dma_wait3A_243 = arith.constant 0 : i32
    %dma_wait3A_244 = tpu.memref_slice %arg8[%dma_wait3A_242, %dma_wait3A_243] : memref<10016x32xf32, #tpu.memory_space<vmem_shared>> -> memref<10016x32xf32, #tpu.memory_space<vmem_shared>>
    tpu.wait_indirect_dma semaphore(%arg9 : memref<!tpu.dma_semaphore, #tpu.memory_space<semaphore_mem>>) src(%dma_wait3A_238 : memref<128x32xf32, #tpu.memory_space<vmem>>) dst(%dma_wait3A_244 : memref<10016x32xf32, #tpu.memory_space<vmem_shared>>)
    %dma_wait3A_245 = arith.constant 3 : i32
    %dma_wait3A_246 = arith.constant 384 : i32
    %dma_wait3A_247 = arith.constant 0 : i32
    %dma_wait3A_248 = tpu.memref_slice %arg7[%dma_wait3A_246, %dma_wait3A_247] : memref<2560x32xf32, #tpu.memory_space<vmem>> -> memref<128x32xf32, #tpu.memory_space<vmem>>
    %dma_wait3A_249 = arith.constant 0 : i32
    %dma_wait3A_250 = tpu.memref_slice %arg6[%dma_wait3A_245, %dma_wait3A_249] : memref<40x128xi32, #tpu.memory_space<vmem>> -> memref<1x128xi32, #tpu.memory_space<vmem>>
    %dma_wait3A_251 = tpu.memref_squeeze %dma_wait3A_250 : memref<1x128xi32, #tpu.memory_space<vmem>> -> memref<128xi32, #tpu.memory_space<vmem>>
    %dma_wait3A_252 = arith.constant 0 : i32
    %dma_wait3A_253 = arith.constant 0 : i32
    %dma_wait3A_254 = tpu.memref_slice %arg8[%dma_wait3A_252, %dma_wait3A_253] : memref<10016x32xf32, #tpu.memory_space<vmem_shared>> -> memref<10016x32xf32, #tpu.memory_space<vmem_shared>>
    tpu.wait_indirect_dma semaphore(%arg9 : memref<!tpu.dma_semaphore, #tpu.memory_space<semaphore_mem>>) src(%dma_wait3A_248 : memref<128x32xf32, #tpu.memory_space<vmem>>) dst(%dma_wait3A_254 : memref<10016x32xf32, #tpu.memory_space<vmem_shared>>)
    %dma_wait3A_255 = arith.constant 4 : i32
    %dma_wait3A_256 = arith.constant 512 : i32
    %dma_wait3A_257 = arith.constant 0 : i32
    %dma_wait3A_258 = tpu.memref_slice %arg7[%dma_wait3A_256, %dma_wait3A_257] : memref<2560x32xf32, #tpu.memory_space<vmem>> -> memref<128x32xf32, #tpu.memory_space<vmem>>
    %dma_wait3A_259 = arith.constant 0 : i32
    %dma_wait3A_260 = tpu.memref_slice %arg6[%dma_wait3A_255, %dma_wait3A_259] : memref<40x128xi32, #tpu.memory_space<vmem>> -> memref<1x128xi32, #tpu.memory_space<vmem>>
    %dma_wait3A_261 = tpu.memref_squeeze %dma_wait3A_260 : memref<1x128xi32, #tpu.memory_space<vmem>> -> memref<128xi32, #tpu.memory_space<vmem>>
    %dma_wait3A_262 = arith.constant 0 : i32
    %dma_wait3A_263 = arith.constant 0 : i32
    %dma_wait3A_264 = tpu.memref_slice %arg8[%dma_wait3A_262, %dma_wait3A_263] : memref<10016x32xf32, #tpu.memory_space<vmem_shared>> -> memref<10016x32xf32, #tpu.memory_space<vmem_shared>>
    tpu.wait_indirect_dma semaphore(%arg9 : memref<!tpu.dma_semaphore, #tpu.memory_space<semaphore_mem>>) src(%dma_wait3A_258 : memref<128x32xf32, #tpu.memory_space<vmem>>) dst(%dma_wait3A_264 : memref<10016x32xf32, #tpu.memory_space<vmem_shared>>)
    %dma_wait3A_265 = arith.constant 5 : i32
    %dma_wait3A_266 = arith.constant 640 : i32
    %dma_wait3A_267 = arith.constant 0 : i32
    %dma_wait3A_268 = tpu.memref_slice %arg7[%dma_wait3A_266, %dma_wait3A_267] : memref<2560x32xf32, #tpu.memory_space<vmem>> -> memref<128x32xf32, #tpu.memory_space<vmem>>
    %dma_wait3A_269 = arith.constant 0 : i32
    %dma_wait3A_270 = tpu.memref_slice %arg6[%dma_wait3A_265, %dma_wait3A_269] : memref<40x128xi32, #tpu.memory_space<vmem>> -> memref<1x128xi32, #tpu.memory_space<vmem>>
    %dma_wait3A_271 = tpu.memref_squeeze %dma_wait3A_270 : memref<1x128xi32, #tpu.memory_space<vmem>> -> memref<128xi32, #tpu.memory_space<vmem>>
    %dma_wait3A_272 = arith.constant 0 : i32
    %dma_wait3A_273 = arith.constant 0 : i32
    %dma_wait3A_274 = tpu.memref_slice %arg8[%dma_wait3A_272, %dma_wait3A_273] : memref<10016x32xf32, #tpu.memory_space<vmem_shared>> -> memref<10016x32xf32, #tpu.memory_space<vmem_shared>>
    tpu.wait_indirect_dma semaphore(%arg9 : memref<!tpu.dma_semaphore, #tpu.memory_space<semaphore_mem>>) src(%dma_wait3A_268 : memref<128x32xf32, #tpu.memory_space<vmem>>) dst(%dma_wait3A_274 : memref<10016x32xf32, #tpu.memory_space<vmem_shared>>)
    %dma_wait3A_275 = arith.constant 6 : i32
    %dma_wait3A_276 = arith.constant 768 : i32
    %dma_wait3A_277 = arith.constant 0 : i32
    %dma_wait3A_278 = tpu.memref_slice %arg7[%dma_wait3A_276, %dma_wait3A_277] : memref<2560x32xf32, #tpu.memory_space<vmem>> -> memref<128x32xf32, #tpu.memory_space<vmem>>
    %dma_wait3A_279 = arith.constant 0 : i32
    %dma_wait3A_280 = tpu.memref_slice %arg6[%dma_wait3A_275, %dma_wait3A_279] : memref<40x128xi32, #tpu.memory_space<vmem>> -> memref<1x128xi32, #tpu.memory_space<vmem>>
    %dma_wait3A_281 = tpu.memref_squeeze %dma_wait3A_280 : memref<1x128xi32, #tpu.memory_space<vmem>> -> memref<128xi32, #tpu.memory_space<vmem>>
    %dma_wait3A_282 = arith.constant 0 : i32
    %dma_wait3A_283 = arith.constant 0 : i32
    %dma_wait3A_284 = tpu.memref_slice %arg8[%dma_wait3A_282, %dma_wait3A_283] : memref<10016x32xf32, #tpu.memory_space<vmem_shared>> -> memref<10016x32xf32, #tpu.memory_space<vmem_shared>>
    tpu.wait_indirect_dma semaphore(%arg9 : memref<!tpu.dma_semaphore, #tpu.memory_space<semaphore_mem>>) src(%dma_wait3A_278 : memref<128x32xf32, #tpu.memory_space<vmem>>) dst(%dma_wait3A_284 : memref<10016x32xf32, #tpu.memory_space<vmem_shared>>)
    %dma_wait3A_285 = arith.constant 7 : i32
    %dma_wait3A_286 = arith.constant 896 : i32
    %dma_wait3A_287 = arith.constant 0 : i32
    %dma_wait3A_288 = tpu.memref_slice %arg7[%dma_wait3A_286, %dma_wait3A_287] : memref<2560x32xf32, #tpu.memory_space<vmem>> -> memref<128x32xf32, #tpu.memory_space<vmem>>
    %dma_wait3A_289 = arith.constant 0 : i32
    %dma_wait3A_290 = tpu.memref_slice %arg6[%dma_wait3A_285, %dma_wait3A_289] : memref<40x128xi32, #tpu.memory_space<vmem>> -> memref<1x128xi32, #tpu.memory_space<vmem>>
    %dma_wait3A_291 = tpu.memref_squeeze %dma_wait3A_290 : memref<1x128xi32, #tpu.memory_space<vmem>> -> memref<128xi32, #tpu.memory_space<vmem>>
    %dma_wait3A_292 = arith.constant 0 : i32
    %dma_wait3A_293 = arith.constant 0 : i32
    %dma_wait3A_294 = tpu.memref_slice %arg8[%dma_wait3A_292, %dma_wait3A_293] : memref<10016x32xf32, #tpu.memory_space<vmem_shared>> -> memref<10016x32xf32, #tpu.memory_space<vmem_shared>>
    tpu.wait_indirect_dma semaphore(%arg9 : memref<!tpu.dma_semaphore, #tpu.memory_space<semaphore_mem>>) src(%dma_wait3A_288 : memref<128x32xf32, #tpu.memory_space<vmem>>) dst(%dma_wait3A_294 : memref<10016x32xf32, #tpu.memory_space<vmem_shared>>)
    %dma_wait3A_295 = arith.constant 8 : i32
    %dma_wait3A_296 = arith.constant 1024 : i32
    %dma_wait3A_297 = arith.constant 0 : i32
    %dma_wait3A_298 = tpu.memref_slice %arg7[%dma_wait3A_296, %dma_wait3A_297] : memref<2560x32xf32, #tpu.memory_space<vmem>> -> memref<128x32xf32, #tpu.memory_space<vmem>>
    %dma_wait3A_299 = arith.constant 0 : i32
    %dma_wait3A_300 = tpu.memref_slice %arg6[%dma_wait3A_295, %dma_wait3A_299] : memref<40x128xi32, #tpu.memory_space<vmem>> -> memref<1x128xi32, #tpu.memory_space<vmem>>
    %dma_wait3A_301 = tpu.memref_squeeze %dma_wait3A_300 : memref<1x128xi32, #tpu.memory_space<vmem>> -> memref<128xi32, #tpu.memory_space<vmem>>
    %dma_wait3A_302 = arith.constant 0 : i32
    %dma_wait3A_303 = arith.constant 0 : i32
    %dma_wait3A_304 = tpu.memref_slice %arg8[%dma_wait3A_302, %dma_wait3A_303] : memref<10016x32xf32, #tpu.memory_space<vmem_shared>> -> memref<10016x32xf32, #tpu.memory_space<vmem_shared>>
    tpu.wait_indirect_dma semaphore(%arg9 : memref<!tpu.dma_semaphore, #tpu.memory_space<semaphore_mem>>) src(%dma_wait3A_298 : memref<128x32xf32, #tpu.memory_space<vmem>>) dst(%dma_wait3A_304 : memref<10016x32xf32, #tpu.memory_space<vmem_shared>>)
    %dma_wait3A_305 = arith.constant 9 : i32
    %dma_wait3A_306 = arith.constant 1152 : i32
    %dma_wait3A_307 = arith.constant 0 : i32
    %dma_wait3A_308 = tpu.memref_slice %arg7[%dma_wait3A_306, %dma_wait3A_307] : memref<2560x32xf32, #tpu.memory_space<vmem>> -> memref<128x32xf32, #tpu.memory_space<vmem>>
    %dma_wait3A_309 = arith.constant 0 : i32
    %dma_wait3A_310 = tpu.memref_slice %arg6[%dma_wait3A_305, %dma_wait3A_309] : memref<40x128xi32, #tpu.memory_space<vmem>> -> memref<1x128xi32, #tpu.memory_space<vmem>>
    %dma_wait3A_311 = tpu.memref_squeeze %dma_wait3A_310 : memref<1x128xi32, #tpu.memory_space<vmem>> -> memref<128xi32, #tpu.memory_space<vmem>>
    %dma_wait3A_312 = arith.constant 0 : i32
    %dma_wait3A_313 = arith.constant 0 : i32
    %dma_wait3A_314 = tpu.memref_slice %arg8[%dma_wait3A_312, %dma_wait3A_313] : memref<10016x32xf32, #tpu.memory_space<vmem_shared>> -> memref<10016x32xf32, #tpu.memory_space<vmem_shared>>
    tpu.wait_indirect_dma semaphore(%arg9 : memref<!tpu.dma_semaphore, #tpu.memory_space<semaphore_mem>>) src(%dma_wait3A_308 : memref<128x32xf32, #tpu.memory_space<vmem>>) dst(%dma_wait3A_314 : memref<10016x32xf32, #tpu.memory_space<vmem_shared>>)
    %dma_wait3A_315 = arith.constant 10 : i32
    %dma_wait3A_316 = arith.constant 1280 : i32
    %dma_wait3A_317 = arith.constant 0 : i32
    %dma_wait3A_318 = tpu.memref_slice %arg7[%dma_wait3A_316, %dma_wait3A_317] : memref<2560x32xf32, #tpu.memory_space<vmem>> -> memref<128x32xf32, #tpu.memory_space<vmem>>
    %dma_wait3A_319 = arith.constant 0 : i32
    %dma_wait3A_320 = tpu.memref_slice %arg6[%dma_wait3A_315, %dma_wait3A_319] : memref<40x128xi32, #tpu.memory_space<vmem>> -> memref<1x128xi32, #tpu.memory_space<vmem>>
    %dma_wait3A_321 = tpu.memref_squeeze %dma_wait3A_320 : memref<1x128xi32, #tpu.memory_space<vmem>> -> memref<128xi32, #tpu.memory_space<vmem>>
    %dma_wait3A_322 = arith.constant 0 : i32
    %dma_wait3A_323 = arith.constant 0 : i32
    %dma_wait3A_324 = tpu.memref_slice %arg8[%dma_wait3A_322, %dma_wait3A_323] : memref<10016x32xf32, #tpu.memory_space<vmem_shared>> -> memref<10016x32xf32, #tpu.memory_space<vmem_shared>>
    tpu.wait_indirect_dma semaphore(%arg9 : memref<!tpu.dma_semaphore, #tpu.memory_space<semaphore_mem>>) src(%dma_wait3A_318 : memref<128x32xf32, #tpu.memory_space<vmem>>) dst(%dma_wait3A_324 : memref<10016x32xf32, #tpu.memory_space<vmem_shared>>)
    %dma_wait3A_325 = arith.constant 11 : i32
    %dma_wait3A_326 = arith.constant 1408 : i32
    %dma_wait3A_327 = arith.constant 0 : i32
    %dma_wait3A_328 = tpu.memref_slice %arg7[%dma_wait3A_326, %dma_wait3A_327] : memref<2560x32xf32, #tpu.memory_space<vmem>> -> memref<128x32xf32, #tpu.memory_space<vmem>>
    %dma_wait3A_329 = arith.constant 0 : i32
    %dma_wait3A_330 = tpu.memref_slice %arg6[%dma_wait3A_325, %dma_wait3A_329] : memref<40x128xi32, #tpu.memory_space<vmem>> -> memref<1x128xi32, #tpu.memory_space<vmem>>
    %dma_wait3A_331 = tpu.memref_squeeze %dma_wait3A_330 : memref<1x128xi32, #tpu.memory_space<vmem>> -> memref<128xi32, #tpu.memory_space<vmem>>
    %dma_wait3A_332 = arith.constant 0 : i32
    %dma_wait3A_333 = arith.constant 0 : i32
    %dma_wait3A_334 = tpu.memref_slice %arg8[%dma_wait3A_332, %dma_wait3A_333] : memref<10016x32xf32, #tpu.memory_space<vmem_shared>> -> memref<10016x32xf32, #tpu.memory_space<vmem_shared>>
    tpu.wait_indirect_dma semaphore(%arg9 : memref<!tpu.dma_semaphore, #tpu.memory_space<semaphore_mem>>) src(%dma_wait3A_328 : memref<128x32xf32, #tpu.memory_space<vmem>>) dst(%dma_wait3A_334 : memref<10016x32xf32, #tpu.memory_space<vmem_shared>>)
    %dma_wait3A_335 = arith.constant 12 : i32
    %dma_wait3A_336 = arith.constant 1536 : i32
    %dma_wait3A_337 = arith.constant 0 : i32
    %dma_wait3A_338 = tpu.memref_slice %arg7[%dma_wait3A_336, %dma_wait3A_337] : memref<2560x32xf32, #tpu.memory_space<vmem>> -> memref<128x32xf32, #tpu.memory_space<vmem>>
    %dma_wait3A_339 = arith.constant 0 : i32
    %dma_wait3A_340 = tpu.memref_slice %arg6[%dma_wait3A_335, %dma_wait3A_339] : memref<40x128xi32, #tpu.memory_space<vmem>> -> memref<1x128xi32, #tpu.memory_space<vmem>>
    %dma_wait3A_341 = tpu.memref_squeeze %dma_wait3A_340 : memref<1x128xi32, #tpu.memory_space<vmem>> -> memref<128xi32, #tpu.memory_space<vmem>>
    %dma_wait3A_342 = arith.constant 0 : i32
    %dma_wait3A_343 = arith.constant 0 : i32
    %dma_wait3A_344 = tpu.memref_slice %arg8[%dma_wait3A_342, %dma_wait3A_343] : memref<10016x32xf32, #tpu.memory_space<vmem_shared>> -> memref<10016x32xf32, #tpu.memory_space<vmem_shared>>
    tpu.wait_indirect_dma semaphore(%arg9 : memref<!tpu.dma_semaphore, #tpu.memory_space<semaphore_mem>>) src(%dma_wait3A_338 : memref<128x32xf32, #tpu.memory_space<vmem>>) dst(%dma_wait3A_344 : memref<10016x32xf32, #tpu.memory_space<vmem_shared>>)
    %dma_wait3A_345 = arith.constant 13 : i32
    %dma_wait3A_346 = arith.constant 1664 : i32
    %dma_wait3A_347 = arith.constant 0 : i32
    %dma_wait3A_348 = tpu.memref_slice %arg7[%dma_wait3A_346, %dma_wait3A_347] : memref<2560x32xf32, #tpu.memory_space<vmem>> -> memref<128x32xf32, #tpu.memory_space<vmem>>
    %dma_wait3A_349 = arith.constant 0 : i32
    %dma_wait3A_350 = tpu.memref_slice %arg6[%dma_wait3A_345, %dma_wait3A_349] : memref<40x128xi32, #tpu.memory_space<vmem>> -> memref<1x128xi32, #tpu.memory_space<vmem>>
    %dma_wait3A_351 = tpu.memref_squeeze %dma_wait3A_350 : memref<1x128xi32, #tpu.memory_space<vmem>> -> memref<128xi32, #tpu.memory_space<vmem>>
    %dma_wait3A_352 = arith.constant 0 : i32
    %dma_wait3A_353 = arith.constant 0 : i32
    %dma_wait3A_354 = tpu.memref_slice %arg8[%dma_wait3A_352, %dma_wait3A_353] : memref<10016x32xf32, #tpu.memory_space<vmem_shared>> -> memref<10016x32xf32, #tpu.memory_space<vmem_shared>>
    tpu.wait_indirect_dma semaphore(%arg9 : memref<!tpu.dma_semaphore, #tpu.memory_space<semaphore_mem>>) src(%dma_wait3A_348 : memref<128x32xf32, #tpu.memory_space<vmem>>) dst(%dma_wait3A_354 : memref<10016x32xf32, #tpu.memory_space<vmem_shared>>)
    %dma_wait3A_355 = arith.constant 14 : i32
    %dma_wait3A_356 = arith.constant 1792 : i32
    %dma_wait3A_357 = arith.constant 0 : i32
    %dma_wait3A_358 = tpu.memref_slice %arg7[%dma_wait3A_356, %dma_wait3A_357] : memref<2560x32xf32, #tpu.memory_space<vmem>> -> memref<128x32xf32, #tpu.memory_space<vmem>>
    %dma_wait3A_359 = arith.constant 0 : i32
    %dma_wait3A_360 = tpu.memref_slice %arg6[%dma_wait3A_355, %dma_wait3A_359] : memref<40x128xi32, #tpu.memory_space<vmem>> -> memref<1x128xi32, #tpu.memory_space<vmem>>
    %dma_wait3A_361 = tpu.memref_squeeze %dma_wait3A_360 : memref<1x128xi32, #tpu.memory_space<vmem>> -> memref<128xi32, #tpu.memory_space<vmem>>
    %dma_wait3A_362 = arith.constant 0 : i32
    %dma_wait3A_363 = arith.constant 0 : i32
    %dma_wait3A_364 = tpu.memref_slice %arg8[%dma_wait3A_362, %dma_wait3A_363] : memref<10016x32xf32, #tpu.memory_space<vmem_shared>> -> memref<10016x32xf32, #tpu.memory_space<vmem_shared>>
    tpu.wait_indirect_dma semaphore(%arg9 : memref<!tpu.dma_semaphore, #tpu.memory_space<semaphore_mem>>) src(%dma_wait3A_358 : memref<128x32xf32, #tpu.memory_space<vmem>>) dst(%dma_wait3A_364 : memref<10016x32xf32, #tpu.memory_space<vmem_shared>>)
    %dma_wait3A_365 = arith.constant 15 : i32
    %dma_wait3A_366 = arith.constant 1920 : i32
    %dma_wait3A_367 = arith.constant 0 : i32
    %dma_wait3A_368 = tpu.memref_slice %arg7[%dma_wait3A_366, %dma_wait3A_367] : memref<2560x32xf32, #tpu.memory_space<vmem>> -> memref<128x32xf32, #tpu.memory_space<vmem>>
    %dma_wait3A_369 = arith.constant 0 : i32
    %dma_wait3A_370 = tpu.memref_slice %arg6[%dma_wait3A_365, %dma_wait3A_369] : memref<40x128xi32, #tpu.memory_space<vmem>> -> memref<1x128xi32, #tpu.memory_space<vmem>>
    %dma_wait3A_371 = tpu.memref_squeeze %dma_wait3A_370 : memref<1x128xi32, #tpu.memory_space<vmem>> -> memref<128xi32, #tpu.memory_space<vmem>>
    %dma_wait3A_372 = arith.constant 0 : i32
    %dma_wait3A_373 = arith.constant 0 : i32
    %dma_wait3A_374 = tpu.memref_slice %arg8[%dma_wait3A_372, %dma_wait3A_373] : memref<10016x32xf32, #tpu.memory_space<vmem_shared>> -> memref<10016x32xf32, #tpu.memory_space<vmem_shared>>
    tpu.wait_indirect_dma semaphore(%arg9 : memref<!tpu.dma_semaphore, #tpu.memory_space<semaphore_mem>>) src(%dma_wait3A_368 : memref<128x32xf32, #tpu.memory_space<vmem>>) dst(%dma_wait3A_374 : memref<10016x32xf32, #tpu.memory_space<vmem_shared>>)
    %dma_wait3A_375 = arith.constant 16 : i32
    %dma_wait3A_376 = arith.constant 2048 : i32
    %dma_wait3A_377 = arith.constant 0 : i32
    %dma_wait3A_378 = tpu.memref_slice %arg7[%dma_wait3A_376, %dma_wait3A_377] : memref<2560x32xf32, #tpu.memory_space<vmem>> -> memref<128x32xf32, #tpu.memory_space<vmem>>
    %dma_wait3A_379 = arith.constant 0 : i32
    %dma_wait3A_380 = tpu.memref_slice %arg6[%dma_wait3A_375, %dma_wait3A_379] : memref<40x128xi32, #tpu.memory_space<vmem>> -> memref<1x128xi32, #tpu.memory_space<vmem>>
    %dma_wait3A_381 = tpu.memref_squeeze %dma_wait3A_380 : memref<1x128xi32, #tpu.memory_space<vmem>> -> memref<128xi32, #tpu.memory_space<vmem>>
    %dma_wait3A_382 = arith.constant 0 : i32
    %dma_wait3A_383 = arith.constant 0 : i32
    %dma_wait3A_384 = tpu.memref_slice %arg8[%dma_wait3A_382, %dma_wait3A_383] : memref<10016x32xf32, #tpu.memory_space<vmem_shared>> -> memref<10016x32xf32, #tpu.memory_space<vmem_shared>>
    tpu.wait_indirect_dma semaphore(%arg9 : memref<!tpu.dma_semaphore, #tpu.memory_space<semaphore_mem>>) src(%dma_wait3A_378 : memref<128x32xf32, #tpu.memory_space<vmem>>) dst(%dma_wait3A_384 : memref<10016x32xf32, #tpu.memory_space<vmem_shared>>)
    %dma_wait3A_385 = arith.constant 17 : i32
    %dma_wait3A_386 = arith.constant 2176 : i32
    %dma_wait3A_387 = arith.constant 0 : i32
    %dma_wait3A_388 = tpu.memref_slice %arg7[%dma_wait3A_386, %dma_wait3A_387] : memref<2560x32xf32, #tpu.memory_space<vmem>> -> memref<128x32xf32, #tpu.memory_space<vmem>>
    %dma_wait3A_389 = arith.constant 0 : i32
    %dma_wait3A_390 = tpu.memref_slice %arg6[%dma_wait3A_385, %dma_wait3A_389] : memref<40x128xi32, #tpu.memory_space<vmem>> -> memref<1x128xi32, #tpu.memory_space<vmem>>
    %dma_wait3A_391 = tpu.memref_squeeze %dma_wait3A_390 : memref<1x128xi32, #tpu.memory_space<vmem>> -> memref<128xi32, #tpu.memory_space<vmem>>
    %dma_wait3A_392 = arith.constant 0 : i32
    %dma_wait3A_393 = arith.constant 0 : i32
    %dma_wait3A_394 = tpu.memref_slice %arg8[%dma_wait3A_392, %dma_wait3A_393] : memref<10016x32xf32, #tpu.memory_space<vmem_shared>> -> memref<10016x32xf32, #tpu.memory_space<vmem_shared>>
    tpu.wait_indirect_dma semaphore(%arg9 : memref<!tpu.dma_semaphore, #tpu.memory_space<semaphore_mem>>) src(%dma_wait3A_388 : memref<128x32xf32, #tpu.memory_space<vmem>>) dst(%dma_wait3A_394 : memref<10016x32xf32, #tpu.memory_space<vmem_shared>>)
    %dma_wait3A_395 = arith.constant 18 : i32
    %dma_wait3A_396 = arith.constant 2304 : i32
    %dma_wait3A_397 = arith.constant 0 : i32
    %dma_wait3A_398 = tpu.memref_slice %arg7[%dma_wait3A_396, %dma_wait3A_397] : memref<2560x32xf32, #tpu.memory_space<vmem>> -> memref<128x32xf32, #tpu.memory_space<vmem>>
    %dma_wait3A_399 = arith.constant 0 : i32
    %dma_wait3A_400 = tpu.memref_slice %arg6[%dma_wait3A_395, %dma_wait3A_399] : memref<40x128xi32, #tpu.memory_space<vmem>> -> memref<1x128xi32, #tpu.memory_space<vmem>>
    %dma_wait3A_401 = tpu.memref_squeeze %dma_wait3A_400 : memref<1x128xi32, #tpu.memory_space<vmem>> -> memref<128xi32, #tpu.memory_space<vmem>>
    %dma_wait3A_402 = arith.constant 0 : i32
    %dma_wait3A_403 = arith.constant 0 : i32
    %dma_wait3A_404 = tpu.memref_slice %arg8[%dma_wait3A_402, %dma_wait3A_403] : memref<10016x32xf32, #tpu.memory_space<vmem_shared>> -> memref<10016x32xf32, #tpu.memory_space<vmem_shared>>
    tpu.wait_indirect_dma semaphore(%arg9 : memref<!tpu.dma_semaphore, #tpu.memory_space<semaphore_mem>>) src(%dma_wait3A_398 : memref<128x32xf32, #tpu.memory_space<vmem>>) dst(%dma_wait3A_404 : memref<10016x32xf32, #tpu.memory_space<vmem_shared>>)
    %dma_wait3A_405 = arith.constant 19 : i32
    %dma_wait3A_406 = arith.constant 2432 : i32
    %dma_wait3A_407 = arith.constant 0 : i32
    %dma_wait3A_408 = tpu.memref_slice %arg7[%dma_wait3A_406, %dma_wait3A_407] : memref<2560x32xf32, #tpu.memory_space<vmem>> -> memref<128x32xf32, #tpu.memory_space<vmem>>
    %dma_wait3A_409 = arith.constant 0 : i32
    %dma_wait3A_410 = tpu.memref_slice %arg6[%dma_wait3A_405, %dma_wait3A_409] : memref<40x128xi32, #tpu.memory_space<vmem>> -> memref<1x128xi32, #tpu.memory_space<vmem>>
    %dma_wait3A_411 = tpu.memref_squeeze %dma_wait3A_410 : memref<1x128xi32, #tpu.memory_space<vmem>> -> memref<128xi32, #tpu.memory_space<vmem>>
    %dma_wait3A_412 = arith.constant 0 : i32
    %dma_wait3A_413 = arith.constant 0 : i32
    %dma_wait3A_414 = tpu.memref_slice %arg8[%dma_wait3A_412, %dma_wait3A_413] : memref<10016x32xf32, #tpu.memory_space<vmem_shared>> -> memref<10016x32xf32, #tpu.memory_space<vmem_shared>>
    tpu.wait_indirect_dma semaphore(%arg9 : memref<!tpu.dma_semaphore, #tpu.memory_space<semaphore_mem>>) src(%dma_wait3A_408 : memref<128x32xf32, #tpu.memory_space<vmem>>) dst(%dma_wait3A_414 : memref<10016x32xf32, #tpu.memory_space<vmem_shared>>)
    %mul3A_415 = arith.constant 5120 : i32
    %mul3A_416 = arith.muli %add3A, %mul3A_415 : i32
    %add3A_417 = arith.constant 2560 : i32
    %add3A_418 = arith.addi %mul3A_416, %add3A_417 : i32
    %dma_start3A_419 = arith.constant 0 : i32
    %dma_start3A_420 = tpu.memref_slice %arg2[%add3A_418, %dma_start3A_419] : memref<163840x32xf32, #tpu.memory_space<hbm>> -> memref<2560x32xf32, #tpu.memory_space<hbm>>
    %dma_start3A_421 = arith.constant 0 : i32
    %dma_start3A_422 = tpu.memref_slice %arg2[%add3A_418, %dma_start3A_421] : memref<163840x32xf32, #tpu.memory_space<hbm>> -> memref<2560x32xf32, #tpu.memory_space<hbm>>
    tpu.enqueue_dma source(%dma_start3A_422 : memref<2560x32xf32, #tpu.memory_space<hbm>>) target(%arg7 : memref<2560x32xf32, #tpu.memory_space<vmem>>) target_semaphore(%arg9 : memref<!tpu.dma_semaphore, #tpu.memory_space<semaphore_mem>>)
    %dma_wait3A_423 = arith.constant 0 : i32
    %dma_wait3A_424 = tpu.memref_slice %arg2[%add3A_418, %dma_wait3A_423] : memref<163840x32xf32, #tpu.memory_space<hbm>> -> memref<2560x32xf32, #tpu.memory_space<hbm>>
    %dma_wait3A_425 = arith.constant 0 : i32
    %dma_wait3A_426 = tpu.memref_slice %arg2[%add3A_418, %dma_wait3A_425] : memref<163840x32xf32, #tpu.memory_space<hbm>> -> memref<2560x32xf32, #tpu.memory_space<hbm>>
    tpu.wait_dma2 semaphore(%arg9 : memref<!tpu.dma_semaphore, #tpu.memory_space<semaphore_mem>>) src(%dma_wait3A_426 : memref<2560x32xf32, #tpu.memory_space<hbm>>) dst(%arg7 : memref<2560x32xf32, #tpu.memory_space<vmem>>)
    %dma_start3A_427 = arith.constant 20 : i32
    %dma_start3A_428 = arith.constant 0 : i32
    %dma_start3A_429 = arith.constant 0 : i32
    %dma_start3A_430 = tpu.memref_slice %arg7[%dma_start3A_428, %dma_start3A_429] : memref<2560x32xf32, #tpu.memory_space<vmem>> -> memref<128x32xf32, #tpu.memory_space<vmem>>
    %dma_start3A_431 = arith.constant 0 : i32
    %dma_start3A_432 = tpu.memref_slice %arg6[%dma_start3A_427, %dma_start3A_431] : memref<40x128xi32, #tpu.memory_space<vmem>> -> memref<1x128xi32, #tpu.memory_space<vmem>>
    %dma_start3A_433 = tpu.memref_squeeze %dma_start3A_432 : memref<1x128xi32, #tpu.memory_space<vmem>> -> memref<128xi32, #tpu.memory_space<vmem>>
    %dma_start3A_434 = arith.constant 0 : i32
    %dma_start3A_435 = arith.constant 0 : i32
    %dma_start3A_436 = tpu.memref_slice %arg8[%dma_start3A_434, %dma_start3A_435] : memref<10016x32xf32, #tpu.memory_space<vmem_shared>> -> memref<10016x32xf32, #tpu.memory_space<vmem_shared>>
    tpu.enqueue_indirect_dma source(%dma_start3A_430 : memref<128x32xf32, #tpu.memory_space<vmem>>) target(%dma_start3A_436 : memref<10016x32xf32, #tpu.memory_space<vmem_shared>>) offsets(%dma_start3A_433 : memref<128xi32, #tpu.memory_space<vmem>>) semaphore(%arg9 : memref<!tpu.dma_semaphore, #tpu.memory_space<semaphore_mem>>) {add = true}
    %dma_start3A_437 = arith.constant 21 : i32
    %dma_start3A_438 = arith.constant 128 : i32
    %dma_start3A_439 = arith.constant 0 : i32
    %dma_start3A_440 = tpu.memref_slice %arg7[%dma_start3A_438, %dma_start3A_439] : memref<2560x32xf32, #tpu.memory_space<vmem>> -> memref<128x32xf32, #tpu.memory_space<vmem>>
    %dma_start3A_441 = arith.constant 0 : i32
    %dma_start3A_442 = tpu.memref_slice %arg6[%dma_start3A_437, %dma_start3A_441] : memref<40x128xi32, #tpu.memory_space<vmem>> -> memref<1x128xi32, #tpu.memory_space<vmem>>
    %dma_start3A_443 = tpu.memref_squeeze %dma_start3A_442 : memref<1x128xi32, #tpu.memory_space<vmem>> -> memref<128xi32, #tpu.memory_space<vmem>>
    %dma_start3A_444 = arith.constant 0 : i32
    %dma_start3A_445 = arith.constant 0 : i32
    %dma_start3A_446 = tpu.memref_slice %arg8[%dma_start3A_444, %dma_start3A_445] : memref<10016x32xf32, #tpu.memory_space<vmem_shared>> -> memref<10016x32xf32, #tpu.memory_space<vmem_shared>>
    tpu.enqueue_indirect_dma source(%dma_start3A_440 : memref<128x32xf32, #tpu.memory_space<vmem>>) target(%dma_start3A_446 : memref<10016x32xf32, #tpu.memory_space<vmem_shared>>) offsets(%dma_start3A_443 : memref<128xi32, #tpu.memory_space<vmem>>) semaphore(%arg9 : memref<!tpu.dma_semaphore, #tpu.memory_space<semaphore_mem>>) {add = true}
    %dma_start3A_447 = arith.constant 22 : i32
    %dma_start3A_448 = arith.constant 256 : i32
    %dma_start3A_449 = arith.constant 0 : i32
    %dma_start3A_450 = tpu.memref_slice %arg7[%dma_start3A_448, %dma_start3A_449] : memref<2560x32xf32, #tpu.memory_space<vmem>> -> memref<128x32xf32, #tpu.memory_space<vmem>>
    %dma_start3A_451 = arith.constant 0 : i32
    %dma_start3A_452 = tpu.memref_slice %arg6[%dma_start3A_447, %dma_start3A_451] : memref<40x128xi32, #tpu.memory_space<vmem>> -> memref<1x128xi32, #tpu.memory_space<vmem>>
    %dma_start3A_453 = tpu.memref_squeeze %dma_start3A_452 : memref<1x128xi32, #tpu.memory_space<vmem>> -> memref<128xi32, #tpu.memory_space<vmem>>
    %dma_start3A_454 = arith.constant 0 : i32
    %dma_start3A_455 = arith.constant 0 : i32
    %dma_start3A_456 = tpu.memref_slice %arg8[%dma_start3A_454, %dma_start3A_455] : memref<10016x32xf32, #tpu.memory_space<vmem_shared>> -> memref<10016x32xf32, #tpu.memory_space<vmem_shared>>
    tpu.enqueue_indirect_dma source(%dma_start3A_450 : memref<128x32xf32, #tpu.memory_space<vmem>>) target(%dma_start3A_456 : memref<10016x32xf32, #tpu.memory_space<vmem_shared>>) offsets(%dma_start3A_453 : memref<128xi32, #tpu.memory_space<vmem>>) semaphore(%arg9 : memref<!tpu.dma_semaphore, #tpu.memory_space<semaphore_mem>>) {add = true}
    %dma_start3A_457 = arith.constant 23 : i32
    %dma_start3A_458 = arith.constant 384 : i32
    %dma_start3A_459 = arith.constant 0 : i32
    %dma_start3A_460 = tpu.memref_slice %arg7[%dma_start3A_458, %dma_start3A_459] : memref<2560x32xf32, #tpu.memory_space<vmem>> -> memref<128x32xf32, #tpu.memory_space<vmem>>
    %dma_start3A_461 = arith.constant 0 : i32
    %dma_start3A_462 = tpu.memref_slice %arg6[%dma_start3A_457, %dma_start3A_461] : memref<40x128xi32, #tpu.memory_space<vmem>> -> memref<1x128xi32, #tpu.memory_space<vmem>>
    %dma_start3A_463 = tpu.memref_squeeze %dma_start3A_462 : memref<1x128xi32, #tpu.memory_space<vmem>> -> memref<128xi32, #tpu.memory_space<vmem>>
    %dma_start3A_464 = arith.constant 0 : i32
    %dma_start3A_465 = arith.constant 0 : i32
    %dma_start3A_466 = tpu.memref_slice %arg8[%dma_start3A_464, %dma_start3A_465] : memref<10016x32xf32, #tpu.memory_space<vmem_shared>> -> memref<10016x32xf32, #tpu.memory_space<vmem_shared>>
    tpu.enqueue_indirect_dma source(%dma_start3A_460 : memref<128x32xf32, #tpu.memory_space<vmem>>) target(%dma_start3A_466 : memref<10016x32xf32, #tpu.memory_space<vmem_shared>>) offsets(%dma_start3A_463 : memref<128xi32, #tpu.memory_space<vmem>>) semaphore(%arg9 : memref<!tpu.dma_semaphore, #tpu.memory_space<semaphore_mem>>) {add = true}
    %dma_start3A_467 = arith.constant 24 : i32
    %dma_start3A_468 = arith.constant 512 : i32
    %dma_start3A_469 = arith.constant 0 : i32
    %dma_start3A_470 = tpu.memref_slice %arg7[%dma_start3A_468, %dma_start3A_469] : memref<2560x32xf32, #tpu.memory_space<vmem>> -> memref<128x32xf32, #tpu.memory_space<vmem>>
    %dma_start3A_471 = arith.constant 0 : i32
    %dma_start3A_472 = tpu.memref_slice %arg6[%dma_start3A_467, %dma_start3A_471] : memref<40x128xi32, #tpu.memory_space<vmem>> -> memref<1x128xi32, #tpu.memory_space<vmem>>
    %dma_start3A_473 = tpu.memref_squeeze %dma_start3A_472 : memref<1x128xi32, #tpu.memory_space<vmem>> -> memref<128xi32, #tpu.memory_space<vmem>>
    %dma_start3A_474 = arith.constant 0 : i32
    %dma_start3A_475 = arith.constant 0 : i32
    %dma_start3A_476 = tpu.memref_slice %arg8[%dma_start3A_474, %dma_start3A_475] : memref<10016x32xf32, #tpu.memory_space<vmem_shared>> -> memref<10016x32xf32, #tpu.memory_space<vmem_shared>>
    tpu.enqueue_indirect_dma source(%dma_start3A_470 : memref<128x32xf32, #tpu.memory_space<vmem>>) target(%dma_start3A_476 : memref<10016x32xf32, #tpu.memory_space<vmem_shared>>) offsets(%dma_start3A_473 : memref<128xi32, #tpu.memory_space<vmem>>) semaphore(%arg9 : memref<!tpu.dma_semaphore, #tpu.memory_space<semaphore_mem>>) {add = true}
    %dma_start3A_477 = arith.constant 25 : i32
    %dma_start3A_478 = arith.constant 640 : i32
    %dma_start3A_479 = arith.constant 0 : i32
    %dma_start3A_480 = tpu.memref_slice %arg7[%dma_start3A_478, %dma_start3A_479] : memref<2560x32xf32, #tpu.memory_space<vmem>> -> memref<128x32xf32, #tpu.memory_space<vmem>>
    %dma_start3A_481 = arith.constant 0 : i32
    %dma_start3A_482 = tpu.memref_slice %arg6[%dma_start3A_477, %dma_start3A_481] : memref<40x128xi32, #tpu.memory_space<vmem>> -> memref<1x128xi32, #tpu.memory_space<vmem>>
    %dma_start3A_483 = tpu.memref_squeeze %dma_start3A_482 : memref<1x128xi32, #tpu.memory_space<vmem>> -> memref<128xi32, #tpu.memory_space<vmem>>
    %dma_start3A_484 = arith.constant 0 : i32
    %dma_start3A_485 = arith.constant 0 : i32
    %dma_start3A_486 = tpu.memref_slice %arg8[%dma_start3A_484, %dma_start3A_485] : memref<10016x32xf32, #tpu.memory_space<vmem_shared>> -> memref<10016x32xf32, #tpu.memory_space<vmem_shared>>
    tpu.enqueue_indirect_dma source(%dma_start3A_480 : memref<128x32xf32, #tpu.memory_space<vmem>>) target(%dma_start3A_486 : memref<10016x32xf32, #tpu.memory_space<vmem_shared>>) offsets(%dma_start3A_483 : memref<128xi32, #tpu.memory_space<vmem>>) semaphore(%arg9 : memref<!tpu.dma_semaphore, #tpu.memory_space<semaphore_mem>>) {add = true}
    %dma_start3A_487 = arith.constant 26 : i32
    %dma_start3A_488 = arith.constant 768 : i32
    %dma_start3A_489 = arith.constant 0 : i32
    %dma_start3A_490 = tpu.memref_slice %arg7[%dma_start3A_488, %dma_start3A_489] : memref<2560x32xf32, #tpu.memory_space<vmem>> -> memref<128x32xf32, #tpu.memory_space<vmem>>
    %dma_start3A_491 = arith.constant 0 : i32
    %dma_start3A_492 = tpu.memref_slice %arg6[%dma_start3A_487, %dma_start3A_491] : memref<40x128xi32, #tpu.memory_space<vmem>> -> memref<1x128xi32, #tpu.memory_space<vmem>>
    %dma_start3A_493 = tpu.memref_squeeze %dma_start3A_492 : memref<1x128xi32, #tpu.memory_space<vmem>> -> memref<128xi32, #tpu.memory_space<vmem>>
    %dma_start3A_494 = arith.constant 0 : i32
    %dma_start3A_495 = arith.constant 0 : i32
    %dma_start3A_496 = tpu.memref_slice %arg8[%dma_start3A_494, %dma_start3A_495] : memref<10016x32xf32, #tpu.memory_space<vmem_shared>> -> memref<10016x32xf32, #tpu.memory_space<vmem_shared>>
    tpu.enqueue_indirect_dma source(%dma_start3A_490 : memref<128x32xf32, #tpu.memory_space<vmem>>) target(%dma_start3A_496 : memref<10016x32xf32, #tpu.memory_space<vmem_shared>>) offsets(%dma_start3A_493 : memref<128xi32, #tpu.memory_space<vmem>>) semaphore(%arg9 : memref<!tpu.dma_semaphore, #tpu.memory_space<semaphore_mem>>) {add = true}
    %dma_start3A_497 = arith.constant 27 : i32
    %dma_start3A_498 = arith.constant 896 : i32
    %dma_start3A_499 = arith.constant 0 : i32
    %dma_start3A_500 = tpu.memref_slice %arg7[%dma_start3A_498, %dma_start3A_499] : memref<2560x32xf32, #tpu.memory_space<vmem>> -> memref<128x32xf32, #tpu.memory_space<vmem>>
    %dma_start3A_501 = arith.constant 0 : i32
    %dma_start3A_502 = tpu.memref_slice %arg6[%dma_start3A_497, %dma_start3A_501] : memref<40x128xi32, #tpu.memory_space<vmem>> -> memref<1x128xi32, #tpu.memory_space<vmem>>
    %dma_start3A_503 = tpu.memref_squeeze %dma_start3A_502 : memref<1x128xi32, #tpu.memory_space<vmem>> -> memref<128xi32, #tpu.memory_space<vmem>>
    %dma_start3A_504 = arith.constant 0 : i32
    %dma_start3A_505 = arith.constant 0 : i32
    %dma_start3A_506 = tpu.memref_slice %arg8[%dma_start3A_504, %dma_start3A_505] : memref<10016x32xf32, #tpu.memory_space<vmem_shared>> -> memref<10016x32xf32, #tpu.memory_space<vmem_shared>>
    tpu.enqueue_indirect_dma source(%dma_start3A_500 : memref<128x32xf32, #tpu.memory_space<vmem>>) target(%dma_start3A_506 : memref<10016x32xf32, #tpu.memory_space<vmem_shared>>) offsets(%dma_start3A_503 : memref<128xi32, #tpu.memory_space<vmem>>) semaphore(%arg9 : memref<!tpu.dma_semaphore, #tpu.memory_space<semaphore_mem>>) {add = true}
    %dma_start3A_507 = arith.constant 28 : i32
    %dma_start3A_508 = arith.constant 1024 : i32
    %dma_start3A_509 = arith.constant 0 : i32
    %dma_start3A_510 = tpu.memref_slice %arg7[%dma_start3A_508, %dma_start3A_509] : memref<2560x32xf32, #tpu.memory_space<vmem>> -> memref<128x32xf32, #tpu.memory_space<vmem>>
    %dma_start3A_511 = arith.constant 0 : i32
    %dma_start3A_512 = tpu.memref_slice %arg6[%dma_start3A_507, %dma_start3A_511] : memref<40x128xi32, #tpu.memory_space<vmem>> -> memref<1x128xi32, #tpu.memory_space<vmem>>
    %dma_start3A_513 = tpu.memref_squeeze %dma_start3A_512 : memref<1x128xi32, #tpu.memory_space<vmem>> -> memref<128xi32, #tpu.memory_space<vmem>>
    %dma_start3A_514 = arith.constant 0 : i32
    %dma_start3A_515 = arith.constant 0 : i32
    %dma_start3A_516 = tpu.memref_slice %arg8[%dma_start3A_514, %dma_start3A_515] : memref<10016x32xf32, #tpu.memory_space<vmem_shared>> -> memref<10016x32xf32, #tpu.memory_space<vmem_shared>>
    tpu.enqueue_indirect_dma source(%dma_start3A_510 : memref<128x32xf32, #tpu.memory_space<vmem>>) target(%dma_start3A_516 : memref<10016x32xf32, #tpu.memory_space<vmem_shared>>) offsets(%dma_start3A_513 : memref<128xi32, #tpu.memory_space<vmem>>) semaphore(%arg9 : memref<!tpu.dma_semaphore, #tpu.memory_space<semaphore_mem>>) {add = true}
    %dma_start3A_517 = arith.constant 29 : i32
    %dma_start3A_518 = arith.constant 1152 : i32
    %dma_start3A_519 = arith.constant 0 : i32
    %dma_start3A_520 = tpu.memref_slice %arg7[%dma_start3A_518, %dma_start3A_519] : memref<2560x32xf32, #tpu.memory_space<vmem>> -> memref<128x32xf32, #tpu.memory_space<vmem>>
    %dma_start3A_521 = arith.constant 0 : i32
    %dma_start3A_522 = tpu.memref_slice %arg6[%dma_start3A_517, %dma_start3A_521] : memref<40x128xi32, #tpu.memory_space<vmem>> -> memref<1x128xi32, #tpu.memory_space<vmem>>
    %dma_start3A_523 = tpu.memref_squeeze %dma_start3A_522 : memref<1x128xi32, #tpu.memory_space<vmem>> -> memref<128xi32, #tpu.memory_space<vmem>>
    %dma_start3A_524 = arith.constant 0 : i32
    %dma_start3A_525 = arith.constant 0 : i32
    %dma_start3A_526 = tpu.memref_slice %arg8[%dma_start3A_524, %dma_start3A_525] : memref<10016x32xf32, #tpu.memory_space<vmem_shared>> -> memref<10016x32xf32, #tpu.memory_space<vmem_shared>>
    tpu.enqueue_indirect_dma source(%dma_start3A_520 : memref<128x32xf32, #tpu.memory_space<vmem>>) target(%dma_start3A_526 : memref<10016x32xf32, #tpu.memory_space<vmem_shared>>) offsets(%dma_start3A_523 : memref<128xi32, #tpu.memory_space<vmem>>) semaphore(%arg9 : memref<!tpu.dma_semaphore, #tpu.memory_space<semaphore_mem>>) {add = true}
    %dma_start3A_527 = arith.constant 30 : i32
    %dma_start3A_528 = arith.constant 1280 : i32
    %dma_start3A_529 = arith.constant 0 : i32
    %dma_start3A_530 = tpu.memref_slice %arg7[%dma_start3A_528, %dma_start3A_529] : memref<2560x32xf32, #tpu.memory_space<vmem>> -> memref<128x32xf32, #tpu.memory_space<vmem>>
    %dma_start3A_531 = arith.constant 0 : i32
    %dma_start3A_532 = tpu.memref_slice %arg6[%dma_start3A_527, %dma_start3A_531] : memref<40x128xi32, #tpu.memory_space<vmem>> -> memref<1x128xi32, #tpu.memory_space<vmem>>
    %dma_start3A_533 = tpu.memref_squeeze %dma_start3A_532 : memref<1x128xi32, #tpu.memory_space<vmem>> -> memref<128xi32, #tpu.memory_space<vmem>>
    %dma_start3A_534 = arith.constant 0 : i32
    %dma_start3A_535 = arith.constant 0 : i32
    %dma_start3A_536 = tpu.memref_slice %arg8[%dma_start3A_534, %dma_start3A_535] : memref<10016x32xf32, #tpu.memory_space<vmem_shared>> -> memref<10016x32xf32, #tpu.memory_space<vmem_shared>>
    tpu.enqueue_indirect_dma source(%dma_start3A_530 : memref<128x32xf32, #tpu.memory_space<vmem>>) target(%dma_start3A_536 : memref<10016x32xf32, #tpu.memory_space<vmem_shared>>) offsets(%dma_start3A_533 : memref<128xi32, #tpu.memory_space<vmem>>) semaphore(%arg9 : memref<!tpu.dma_semaphore, #tpu.memory_space<semaphore_mem>>) {add = true}
    %dma_start3A_537 = arith.constant 31 : i32
    %dma_start3A_538 = arith.constant 1408 : i32
    %dma_start3A_539 = arith.constant 0 : i32
    %dma_start3A_540 = tpu.memref_slice %arg7[%dma_start3A_538, %dma_start3A_539] : memref<2560x32xf32, #tpu.memory_space<vmem>> -> memref<128x32xf32, #tpu.memory_space<vmem>>
    %dma_start3A_541 = arith.constant 0 : i32
    %dma_start3A_542 = tpu.memref_slice %arg6[%dma_start3A_537, %dma_start3A_541] : memref<40x128xi32, #tpu.memory_space<vmem>> -> memref<1x128xi32, #tpu.memory_space<vmem>>
    %dma_start3A_543 = tpu.memref_squeeze %dma_start3A_542 : memref<1x128xi32, #tpu.memory_space<vmem>> -> memref<128xi32, #tpu.memory_space<vmem>>
    %dma_start3A_544 = arith.constant 0 : i32
    %dma_start3A_545 = arith.constant 0 : i32
    %dma_start3A_546 = tpu.memref_slice %arg8[%dma_start3A_544, %dma_start3A_545] : memref<10016x32xf32, #tpu.memory_space<vmem_shared>> -> memref<10016x32xf32, #tpu.memory_space<vmem_shared>>
    tpu.enqueue_indirect_dma source(%dma_start3A_540 : memref<128x32xf32, #tpu.memory_space<vmem>>) target(%dma_start3A_546 : memref<10016x32xf32, #tpu.memory_space<vmem_shared>>) offsets(%dma_start3A_543 : memref<128xi32, #tpu.memory_space<vmem>>) semaphore(%arg9 : memref<!tpu.dma_semaphore, #tpu.memory_space<semaphore_mem>>) {add = true}
    %dma_start3A_547 = arith.constant 32 : i32
    %dma_start3A_548 = arith.constant 1536 : i32
    %dma_start3A_549 = arith.constant 0 : i32
    %dma_start3A_550 = tpu.memref_slice %arg7[%dma_start3A_548, %dma_start3A_549] : memref<2560x32xf32, #tpu.memory_space<vmem>> -> memref<128x32xf32, #tpu.memory_space<vmem>>
    %dma_start3A_551 = arith.constant 0 : i32
    %dma_start3A_552 = tpu.memref_slice %arg6[%dma_start3A_547, %dma_start3A_551] : memref<40x128xi32, #tpu.memory_space<vmem>> -> memref<1x128xi32, #tpu.memory_space<vmem>>
    %dma_start3A_553 = tpu.memref_squeeze %dma_start3A_552 : memref<1x128xi32, #tpu.memory_space<vmem>> -> memref<128xi32, #tpu.memory_space<vmem>>
    %dma_start3A_554 = arith.constant 0 : i32
    %dma_start3A_555 = arith.constant 0 : i32
    %dma_start3A_556 = tpu.memref_slice %arg8[%dma_start3A_554, %dma_start3A_555] : memref<10016x32xf32, #tpu.memory_space<vmem_shared>> -> memref<10016x32xf32, #tpu.memory_space<vmem_shared>>
    tpu.enqueue_indirect_dma source(%dma_start3A_550 : memref<128x32xf32, #tpu.memory_space<vmem>>) target(%dma_start3A_556 : memref<10016x32xf32, #tpu.memory_space<vmem_shared>>) offsets(%dma_start3A_553 : memref<128xi32, #tpu.memory_space<vmem>>) semaphore(%arg9 : memref<!tpu.dma_semaphore, #tpu.memory_space<semaphore_mem>>) {add = true}
    %dma_start3A_557 = arith.constant 33 : i32
    %dma_start3A_558 = arith.constant 1664 : i32
    %dma_start3A_559 = arith.constant 0 : i32
    %dma_start3A_560 = tpu.memref_slice %arg7[%dma_start3A_558, %dma_start3A_559] : memref<2560x32xf32, #tpu.memory_space<vmem>> -> memref<128x32xf32, #tpu.memory_space<vmem>>
    %dma_start3A_561 = arith.constant 0 : i32
    %dma_start3A_562 = tpu.memref_slice %arg6[%dma_start3A_557, %dma_start3A_561] : memref<40x128xi32, #tpu.memory_space<vmem>> -> memref<1x128xi32, #tpu.memory_space<vmem>>
    %dma_start3A_563 = tpu.memref_squeeze %dma_start3A_562 : memref<1x128xi32, #tpu.memory_space<vmem>> -> memref<128xi32, #tpu.memory_space<vmem>>
    %dma_start3A_564 = arith.constant 0 : i32
    %dma_start3A_565 = arith.constant 0 : i32
    %dma_start3A_566 = tpu.memref_slice %arg8[%dma_start3A_564, %dma_start3A_565] : memref<10016x32xf32, #tpu.memory_space<vmem_shared>> -> memref<10016x32xf32, #tpu.memory_space<vmem_shared>>
    tpu.enqueue_indirect_dma source(%dma_start3A_560 : memref<128x32xf32, #tpu.memory_space<vmem>>) target(%dma_start3A_566 : memref<10016x32xf32, #tpu.memory_space<vmem_shared>>) offsets(%dma_start3A_563 : memref<128xi32, #tpu.memory_space<vmem>>) semaphore(%arg9 : memref<!tpu.dma_semaphore, #tpu.memory_space<semaphore_mem>>) {add = true}
    %dma_start3A_567 = arith.constant 34 : i32
    %dma_start3A_568 = arith.constant 1792 : i32
    %dma_start3A_569 = arith.constant 0 : i32
    %dma_start3A_570 = tpu.memref_slice %arg7[%dma_start3A_568, %dma_start3A_569] : memref<2560x32xf32, #tpu.memory_space<vmem>> -> memref<128x32xf32, #tpu.memory_space<vmem>>
    %dma_start3A_571 = arith.constant 0 : i32
    %dma_start3A_572 = tpu.memref_slice %arg6[%dma_start3A_567, %dma_start3A_571] : memref<40x128xi32, #tpu.memory_space<vmem>> -> memref<1x128xi32, #tpu.memory_space<vmem>>
    %dma_start3A_573 = tpu.memref_squeeze %dma_start3A_572 : memref<1x128xi32, #tpu.memory_space<vmem>> -> memref<128xi32, #tpu.memory_space<vmem>>
    %dma_start3A_574 = arith.constant 0 : i32
    %dma_start3A_575 = arith.constant 0 : i32
    %dma_start3A_576 = tpu.memref_slice %arg8[%dma_start3A_574, %dma_start3A_575] : memref<10016x32xf32, #tpu.memory_space<vmem_shared>> -> memref<10016x32xf32, #tpu.memory_space<vmem_shared>>
    tpu.enqueue_indirect_dma source(%dma_start3A_570 : memref<128x32xf32, #tpu.memory_space<vmem>>) target(%dma_start3A_576 : memref<10016x32xf32, #tpu.memory_space<vmem_shared>>) offsets(%dma_start3A_573 : memref<128xi32, #tpu.memory_space<vmem>>) semaphore(%arg9 : memref<!tpu.dma_semaphore, #tpu.memory_space<semaphore_mem>>) {add = true}
    %dma_start3A_577 = arith.constant 35 : i32
    %dma_start3A_578 = arith.constant 1920 : i32
    %dma_start3A_579 = arith.constant 0 : i32
    %dma_start3A_580 = tpu.memref_slice %arg7[%dma_start3A_578, %dma_start3A_579] : memref<2560x32xf32, #tpu.memory_space<vmem>> -> memref<128x32xf32, #tpu.memory_space<vmem>>
    %dma_start3A_581 = arith.constant 0 : i32
    %dma_start3A_582 = tpu.memref_slice %arg6[%dma_start3A_577, %dma_start3A_581] : memref<40x128xi32, #tpu.memory_space<vmem>> -> memref<1x128xi32, #tpu.memory_space<vmem>>
    %dma_start3A_583 = tpu.memref_squeeze %dma_start3A_582 : memref<1x128xi32, #tpu.memory_space<vmem>> -> memref<128xi32, #tpu.memory_space<vmem>>
    %dma_start3A_584 = arith.constant 0 : i32
    %dma_start3A_585 = arith.constant 0 : i32
    %dma_start3A_586 = tpu.memref_slice %arg8[%dma_start3A_584, %dma_start3A_585] : memref<10016x32xf32, #tpu.memory_space<vmem_shared>> -> memref<10016x32xf32, #tpu.memory_space<vmem_shared>>
    tpu.enqueue_indirect_dma source(%dma_start3A_580 : memref<128x32xf32, #tpu.memory_space<vmem>>) target(%dma_start3A_586 : memref<10016x32xf32, #tpu.memory_space<vmem_shared>>) offsets(%dma_start3A_583 : memref<128xi32, #tpu.memory_space<vmem>>) semaphore(%arg9 : memref<!tpu.dma_semaphore, #tpu.memory_space<semaphore_mem>>) {add = true}
    %dma_start3A_587 = arith.constant 36 : i32
    %dma_start3A_588 = arith.constant 2048 : i32
    %dma_start3A_589 = arith.constant 0 : i32
    %dma_start3A_590 = tpu.memref_slice %arg7[%dma_start3A_588, %dma_start3A_589] : memref<2560x32xf32, #tpu.memory_space<vmem>> -> memref<128x32xf32, #tpu.memory_space<vmem>>
    %dma_start3A_591 = arith.constant 0 : i32
    %dma_start3A_592 = tpu.memref_slice %arg6[%dma_start3A_587, %dma_start3A_591] : memref<40x128xi32, #tpu.memory_space<vmem>> -> memref<1x128xi32, #tpu.memory_space<vmem>>
    %dma_start3A_593 = tpu.memref_squeeze %dma_start3A_592 : memref<1x128xi32, #tpu.memory_space<vmem>> -> memref<128xi32, #tpu.memory_space<vmem>>
    %dma_start3A_594 = arith.constant 0 : i32
    %dma_start3A_595 = arith.constant 0 : i32
    %dma_start3A_596 = tpu.memref_slice %arg8[%dma_start3A_594, %dma_start3A_595] : memref<10016x32xf32, #tpu.memory_space<vmem_shared>> -> memref<10016x32xf32, #tpu.memory_space<vmem_shared>>
    tpu.enqueue_indirect_dma source(%dma_start3A_590 : memref<128x32xf32, #tpu.memory_space<vmem>>) target(%dma_start3A_596 : memref<10016x32xf32, #tpu.memory_space<vmem_shared>>) offsets(%dma_start3A_593 : memref<128xi32, #tpu.memory_space<vmem>>) semaphore(%arg9 : memref<!tpu.dma_semaphore, #tpu.memory_space<semaphore_mem>>) {add = true}
    %dma_start3A_597 = arith.constant 37 : i32
    %dma_start3A_598 = arith.constant 2176 : i32
    %dma_start3A_599 = arith.constant 0 : i32
    %dma_start3A_600 = tpu.memref_slice %arg7[%dma_start3A_598, %dma_start3A_599] : memref<2560x32xf32, #tpu.memory_space<vmem>> -> memref<128x32xf32, #tpu.memory_space<vmem>>
    %dma_start3A_601 = arith.constant 0 : i32
    %dma_start3A_602 = tpu.memref_slice %arg6[%dma_start3A_597, %dma_start3A_601] : memref<40x128xi32, #tpu.memory_space<vmem>> -> memref<1x128xi32, #tpu.memory_space<vmem>>
    %dma_start3A_603 = tpu.memref_squeeze %dma_start3A_602 : memref<1x128xi32, #tpu.memory_space<vmem>> -> memref<128xi32, #tpu.memory_space<vmem>>
    %dma_start3A_604 = arith.constant 0 : i32
    %dma_start3A_605 = arith.constant 0 : i32
    %dma_start3A_606 = tpu.memref_slice %arg8[%dma_start3A_604, %dma_start3A_605] : memref<10016x32xf32, #tpu.memory_space<vmem_shared>> -> memref<10016x32xf32, #tpu.memory_space<vmem_shared>>
    tpu.enqueue_indirect_dma source(%dma_start3A_600 : memref<128x32xf32, #tpu.memory_space<vmem>>) target(%dma_start3A_606 : memref<10016x32xf32, #tpu.memory_space<vmem_shared>>) offsets(%dma_start3A_603 : memref<128xi32, #tpu.memory_space<vmem>>) semaphore(%arg9 : memref<!tpu.dma_semaphore, #tpu.memory_space<semaphore_mem>>) {add = true}
    %dma_start3A_607 = arith.constant 38 : i32
    %dma_start3A_608 = arith.constant 2304 : i32
    %dma_start3A_609 = arith.constant 0 : i32
    %dma_start3A_610 = tpu.memref_slice %arg7[%dma_start3A_608, %dma_start3A_609] : memref<2560x32xf32, #tpu.memory_space<vmem>> -> memref<128x32xf32, #tpu.memory_space<vmem>>
    %dma_start3A_611 = arith.constant 0 : i32
    %dma_start3A_612 = tpu.memref_slice %arg6[%dma_start3A_607, %dma_start3A_611] : memref<40x128xi32, #tpu.memory_space<vmem>> -> memref<1x128xi32, #tpu.memory_space<vmem>>
    %dma_start3A_613 = tpu.memref_squeeze %dma_start3A_612 : memref<1x128xi32, #tpu.memory_space<vmem>> -> memref<128xi32, #tpu.memory_space<vmem>>
    %dma_start3A_614 = arith.constant 0 : i32
    %dma_start3A_615 = arith.constant 0 : i32
    %dma_start3A_616 = tpu.memref_slice %arg8[%dma_start3A_614, %dma_start3A_615] : memref<10016x32xf32, #tpu.memory_space<vmem_shared>> -> memref<10016x32xf32, #tpu.memory_space<vmem_shared>>
    tpu.enqueue_indirect_dma source(%dma_start3A_610 : memref<128x32xf32, #tpu.memory_space<vmem>>) target(%dma_start3A_616 : memref<10016x32xf32, #tpu.memory_space<vmem_shared>>) offsets(%dma_start3A_613 : memref<128xi32, #tpu.memory_space<vmem>>) semaphore(%arg9 : memref<!tpu.dma_semaphore, #tpu.memory_space<semaphore_mem>>) {add = true}
    %dma_start3A_617 = arith.constant 39 : i32
    %dma_start3A_618 = arith.constant 2432 : i32
    %dma_start3A_619 = arith.constant 0 : i32
    %dma_start3A_620 = tpu.memref_slice %arg7[%dma_start3A_618, %dma_start3A_619] : memref<2560x32xf32, #tpu.memory_space<vmem>> -> memref<128x32xf32, #tpu.memory_space<vmem>>
    %dma_start3A_621 = arith.constant 0 : i32
    %dma_start3A_622 = tpu.memref_slice %arg6[%dma_start3A_617, %dma_start3A_621] : memref<40x128xi32, #tpu.memory_space<vmem>> -> memref<1x128xi32, #tpu.memory_space<vmem>>
    %dma_start3A_623 = tpu.memref_squeeze %dma_start3A_622 : memref<1x128xi32, #tpu.memory_space<vmem>> -> memref<128xi32, #tpu.memory_space<vmem>>
    %dma_start3A_624 = arith.constant 0 : i32
    %dma_start3A_625 = arith.constant 0 : i32
    %dma_start3A_626 = tpu.memref_slice %arg8[%dma_start3A_624, %dma_start3A_625] : memref<10016x32xf32, #tpu.memory_space<vmem_shared>> -> memref<10016x32xf32, #tpu.memory_space<vmem_shared>>
    tpu.enqueue_indirect_dma source(%dma_start3A_620 : memref<128x32xf32, #tpu.memory_space<vmem>>) target(%dma_start3A_626 : memref<10016x32xf32, #tpu.memory_space<vmem_shared>>) offsets(%dma_start3A_623 : memref<128xi32, #tpu.memory_space<vmem>>) semaphore(%arg9 : memref<!tpu.dma_semaphore, #tpu.memory_space<semaphore_mem>>) {add = true}
    %dma_wait3A_627 = arith.constant 20 : i32
    %dma_wait3A_628 = arith.constant 0 : i32
    %dma_wait3A_629 = arith.constant 0 : i32
    %dma_wait3A_630 = tpu.memref_slice %arg7[%dma_wait3A_628, %dma_wait3A_629] : memref<2560x32xf32, #tpu.memory_space<vmem>> -> memref<128x32xf32, #tpu.memory_space<vmem>>
    %dma_wait3A_631 = arith.constant 0 : i32
    %dma_wait3A_632 = tpu.memref_slice %arg6[%dma_wait3A_627, %dma_wait3A_631] : memref<40x128xi32, #tpu.memory_space<vmem>> -> memref<1x128xi32, #tpu.memory_space<vmem>>
    %dma_wait3A_633 = tpu.memref_squeeze %dma_wait3A_632 : memref<1x128xi32, #tpu.memory_space<vmem>> -> memref<128xi32, #tpu.memory_space<vmem>>
    %dma_wait3A_634 = arith.constant 0 : i32
    %dma_wait3A_635 = arith.constant 0 : i32
    %dma_wait3A_636 = tpu.memref_slice %arg8[%dma_wait3A_634, %dma_wait3A_635] : memref<10016x32xf32, #tpu.memory_space<vmem_shared>> -> memref<10016x32xf32, #tpu.memory_space<vmem_shared>>
    tpu.wait_indirect_dma semaphore(%arg9 : memref<!tpu.dma_semaphore, #tpu.memory_space<semaphore_mem>>) src(%dma_wait3A_630 : memref<128x32xf32, #tpu.memory_space<vmem>>) dst(%dma_wait3A_636 : memref<10016x32xf32, #tpu.memory_space<vmem_shared>>)
    %dma_wait3A_637 = arith.constant 21 : i32
    %dma_wait3A_638 = arith.constant 128 : i32
    %dma_wait3A_639 = arith.constant 0 : i32
    %dma_wait3A_640 = tpu.memref_slice %arg7[%dma_wait3A_638, %dma_wait3A_639] : memref<2560x32xf32, #tpu.memory_space<vmem>> -> memref<128x32xf32, #tpu.memory_space<vmem>>
    %dma_wait3A_641 = arith.constant 0 : i32
    %dma_wait3A_642 = tpu.memref_slice %arg6[%dma_wait3A_637, %dma_wait3A_641] : memref<40x128xi32, #tpu.memory_space<vmem>> -> memref<1x128xi32, #tpu.memory_space<vmem>>
    %dma_wait3A_643 = tpu.memref_squeeze %dma_wait3A_642 : memref<1x128xi32, #tpu.memory_space<vmem>> -> memref<128xi32, #tpu.memory_space<vmem>>
    %dma_wait3A_644 = arith.constant 0 : i32
    %dma_wait3A_645 = arith.constant 0 : i32
    %dma_wait3A_646 = tpu.memref_slice %arg8[%dma_wait3A_644, %dma_wait3A_645] : memref<10016x32xf32, #tpu.memory_space<vmem_shared>> -> memref<10016x32xf32, #tpu.memory_space<vmem_shared>>
    tpu.wait_indirect_dma semaphore(%arg9 : memref<!tpu.dma_semaphore, #tpu.memory_space<semaphore_mem>>) src(%dma_wait3A_640 : memref<128x32xf32, #tpu.memory_space<vmem>>) dst(%dma_wait3A_646 : memref<10016x32xf32, #tpu.memory_space<vmem_shared>>)
    %dma_wait3A_647 = arith.constant 22 : i32
    %dma_wait3A_648 = arith.constant 256 : i32
    %dma_wait3A_649 = arith.constant 0 : i32
    %dma_wait3A_650 = tpu.memref_slice %arg7[%dma_wait3A_648, %dma_wait3A_649] : memref<2560x32xf32, #tpu.memory_space<vmem>> -> memref<128x32xf32, #tpu.memory_space<vmem>>
    %dma_wait3A_651 = arith.constant 0 : i32
    %dma_wait3A_652 = tpu.memref_slice %arg6[%dma_wait3A_647, %dma_wait3A_651] : memref<40x128xi32, #tpu.memory_space<vmem>> -> memref<1x128xi32, #tpu.memory_space<vmem>>
    %dma_wait3A_653 = tpu.memref_squeeze %dma_wait3A_652 : memref<1x128xi32, #tpu.memory_space<vmem>> -> memref<128xi32, #tpu.memory_space<vmem>>
    %dma_wait3A_654 = arith.constant 0 : i32
    %dma_wait3A_655 = arith.constant 0 : i32
    %dma_wait3A_656 = tpu.memref_slice %arg8[%dma_wait3A_654, %dma_wait3A_655] : memref<10016x32xf32, #tpu.memory_space<vmem_shared>> -> memref<10016x32xf32, #tpu.memory_space<vmem_shared>>
    tpu.wait_indirect_dma semaphore(%arg9 : memref<!tpu.dma_semaphore, #tpu.memory_space<semaphore_mem>>) src(%dma_wait3A_650 : memref<128x32xf32, #tpu.memory_space<vmem>>) dst(%dma_wait3A_656 : memref<10016x32xf32, #tpu.memory_space<vmem_shared>>)
    %dma_wait3A_657 = arith.constant 23 : i32
    %dma_wait3A_658 = arith.constant 384 : i32
    %dma_wait3A_659 = arith.constant 0 : i32
    %dma_wait3A_660 = tpu.memref_slice %arg7[%dma_wait3A_658, %dma_wait3A_659] : memref<2560x32xf32, #tpu.memory_space<vmem>> -> memref<128x32xf32, #tpu.memory_space<vmem>>
    %dma_wait3A_661 = arith.constant 0 : i32
    %dma_wait3A_662 = tpu.memref_slice %arg6[%dma_wait3A_657, %dma_wait3A_661] : memref<40x128xi32, #tpu.memory_space<vmem>> -> memref<1x128xi32, #tpu.memory_space<vmem>>
    %dma_wait3A_663 = tpu.memref_squeeze %dma_wait3A_662 : memref<1x128xi32, #tpu.memory_space<vmem>> -> memref<128xi32, #tpu.memory_space<vmem>>
    %dma_wait3A_664 = arith.constant 0 : i32
    %dma_wait3A_665 = arith.constant 0 : i32
    %dma_wait3A_666 = tpu.memref_slice %arg8[%dma_wait3A_664, %dma_wait3A_665] : memref<10016x32xf32, #tpu.memory_space<vmem_shared>> -> memref<10016x32xf32, #tpu.memory_space<vmem_shared>>
    tpu.wait_indirect_dma semaphore(%arg9 : memref<!tpu.dma_semaphore, #tpu.memory_space<semaphore_mem>>) src(%dma_wait3A_660 : memref<128x32xf32, #tpu.memory_space<vmem>>) dst(%dma_wait3A_666 : memref<10016x32xf32, #tpu.memory_space<vmem_shared>>)
    %dma_wait3A_667 = arith.constant 24 : i32
    %dma_wait3A_668 = arith.constant 512 : i32
    %dma_wait3A_669 = arith.constant 0 : i32
    %dma_wait3A_670 = tpu.memref_slice %arg7[%dma_wait3A_668, %dma_wait3A_669] : memref<2560x32xf32, #tpu.memory_space<vmem>> -> memref<128x32xf32, #tpu.memory_space<vmem>>
    %dma_wait3A_671 = arith.constant 0 : i32
    %dma_wait3A_672 = tpu.memref_slice %arg6[%dma_wait3A_667, %dma_wait3A_671] : memref<40x128xi32, #tpu.memory_space<vmem>> -> memref<1x128xi32, #tpu.memory_space<vmem>>
    %dma_wait3A_673 = tpu.memref_squeeze %dma_wait3A_672 : memref<1x128xi32, #tpu.memory_space<vmem>> -> memref<128xi32, #tpu.memory_space<vmem>>
    %dma_wait3A_674 = arith.constant 0 : i32
    %dma_wait3A_675 = arith.constant 0 : i32
    %dma_wait3A_676 = tpu.memref_slice %arg8[%dma_wait3A_674, %dma_wait3A_675] : memref<10016x32xf32, #tpu.memory_space<vmem_shared>> -> memref<10016x32xf32, #tpu.memory_space<vmem_shared>>
    tpu.wait_indirect_dma semaphore(%arg9 : memref<!tpu.dma_semaphore, #tpu.memory_space<semaphore_mem>>) src(%dma_wait3A_670 : memref<128x32xf32, #tpu.memory_space<vmem>>) dst(%dma_wait3A_676 : memref<10016x32xf32, #tpu.memory_space<vmem_shared>>)
    %dma_wait3A_677 = arith.constant 25 : i32
    %dma_wait3A_678 = arith.constant 640 : i32
    %dma_wait3A_679 = arith.constant 0 : i32
    %dma_wait3A_680 = tpu.memref_slice %arg7[%dma_wait3A_678, %dma_wait3A_679] : memref<2560x32xf32, #tpu.memory_space<vmem>> -> memref<128x32xf32, #tpu.memory_space<vmem>>
    %dma_wait3A_681 = arith.constant 0 : i32
    %dma_wait3A_682 = tpu.memref_slice %arg6[%dma_wait3A_677, %dma_wait3A_681] : memref<40x128xi32, #tpu.memory_space<vmem>> -> memref<1x128xi32, #tpu.memory_space<vmem>>
    %dma_wait3A_683 = tpu.memref_squeeze %dma_wait3A_682 : memref<1x128xi32, #tpu.memory_space<vmem>> -> memref<128xi32, #tpu.memory_space<vmem>>
    %dma_wait3A_684 = arith.constant 0 : i32
    %dma_wait3A_685 = arith.constant 0 : i32
    %dma_wait3A_686 = tpu.memref_slice %arg8[%dma_wait3A_684, %dma_wait3A_685] : memref<10016x32xf32, #tpu.memory_space<vmem_shared>> -> memref<10016x32xf32, #tpu.memory_space<vmem_shared>>
    tpu.wait_indirect_dma semaphore(%arg9 : memref<!tpu.dma_semaphore, #tpu.memory_space<semaphore_mem>>) src(%dma_wait3A_680 : memref<128x32xf32, #tpu.memory_space<vmem>>) dst(%dma_wait3A_686 : memref<10016x32xf32, #tpu.memory_space<vmem_shared>>)
    %dma_wait3A_687 = arith.constant 26 : i32
    %dma_wait3A_688 = arith.constant 768 : i32
    %dma_wait3A_689 = arith.constant 0 : i32
    %dma_wait3A_690 = tpu.memref_slice %arg7[%dma_wait3A_688, %dma_wait3A_689] : memref<2560x32xf32, #tpu.memory_space<vmem>> -> memref<128x32xf32, #tpu.memory_space<vmem>>
    %dma_wait3A_691 = arith.constant 0 : i32
    %dma_wait3A_692 = tpu.memref_slice %arg6[%dma_wait3A_687, %dma_wait3A_691] : memref<40x128xi32, #tpu.memory_space<vmem>> -> memref<1x128xi32, #tpu.memory_space<vmem>>
    %dma_wait3A_693 = tpu.memref_squeeze %dma_wait3A_692 : memref<1x128xi32, #tpu.memory_space<vmem>> -> memref<128xi32, #tpu.memory_space<vmem>>
    %dma_wait3A_694 = arith.constant 0 : i32
    %dma_wait3A_695 = arith.constant 0 : i32
    %dma_wait3A_696 = tpu.memref_slice %arg8[%dma_wait3A_694, %dma_wait3A_695] : memref<10016x32xf32, #tpu.memory_space<vmem_shared>> -> memref<10016x32xf32, #tpu.memory_space<vmem_shared>>
    tpu.wait_indirect_dma semaphore(%arg9 : memref<!tpu.dma_semaphore, #tpu.memory_space<semaphore_mem>>) src(%dma_wait3A_690 : memref<128x32xf32, #tpu.memory_space<vmem>>) dst(%dma_wait3A_696 : memref<10016x32xf32, #tpu.memory_space<vmem_shared>>)
    %dma_wait3A_697 = arith.constant 27 : i32
    %dma_wait3A_698 = arith.constant 896 : i32
    %dma_wait3A_699 = arith.constant 0 : i32
    %dma_wait3A_700 = tpu.memref_slice %arg7[%dma_wait3A_698, %dma_wait3A_699] : memref<2560x32xf32, #tpu.memory_space<vmem>> -> memref<128x32xf32, #tpu.memory_space<vmem>>
    %dma_wait3A_701 = arith.constant 0 : i32
    %dma_wait3A_702 = tpu.memref_slice %arg6[%dma_wait3A_697, %dma_wait3A_701] : memref<40x128xi32, #tpu.memory_space<vmem>> -> memref<1x128xi32, #tpu.memory_space<vmem>>
    %dma_wait3A_703 = tpu.memref_squeeze %dma_wait3A_702 : memref<1x128xi32, #tpu.memory_space<vmem>> -> memref<128xi32, #tpu.memory_space<vmem>>
    %dma_wait3A_704 = arith.constant 0 : i32
    %dma_wait3A_705 = arith.constant 0 : i32
    %dma_wait3A_706 = tpu.memref_slice %arg8[%dma_wait3A_704, %dma_wait3A_705] : memref<10016x32xf32, #tpu.memory_space<vmem_shared>> -> memref<10016x32xf32, #tpu.memory_space<vmem_shared>>
    tpu.wait_indirect_dma semaphore(%arg9 : memref<!tpu.dma_semaphore, #tpu.memory_space<semaphore_mem>>) src(%dma_wait3A_700 : memref<128x32xf32, #tpu.memory_space<vmem>>) dst(%dma_wait3A_706 : memref<10016x32xf32, #tpu.memory_space<vmem_shared>>)
    %dma_wait3A_707 = arith.constant 28 : i32
    %dma_wait3A_708 = arith.constant 1024 : i32
    %dma_wait3A_709 = arith.constant 0 : i32
    %dma_wait3A_710 = tpu.memref_slice %arg7[%dma_wait3A_708, %dma_wait3A_709] : memref<2560x32xf32, #tpu.memory_space<vmem>> -> memref<128x32xf32, #tpu.memory_space<vmem>>
    %dma_wait3A_711 = arith.constant 0 : i32
    %dma_wait3A_712 = tpu.memref_slice %arg6[%dma_wait3A_707, %dma_wait3A_711] : memref<40x128xi32, #tpu.memory_space<vmem>> -> memref<1x128xi32, #tpu.memory_space<vmem>>
    %dma_wait3A_713 = tpu.memref_squeeze %dma_wait3A_712 : memref<1x128xi32, #tpu.memory_space<vmem>> -> memref<128xi32, #tpu.memory_space<vmem>>
    %dma_wait3A_714 = arith.constant 0 : i32
    %dma_wait3A_715 = arith.constant 0 : i32
    %dma_wait3A_716 = tpu.memref_slice %arg8[%dma_wait3A_714, %dma_wait3A_715] : memref<10016x32xf32, #tpu.memory_space<vmem_shared>> -> memref<10016x32xf32, #tpu.memory_space<vmem_shared>>
    tpu.wait_indirect_dma semaphore(%arg9 : memref<!tpu.dma_semaphore, #tpu.memory_space<semaphore_mem>>) src(%dma_wait3A_710 : memref<128x32xf32, #tpu.memory_space<vmem>>) dst(%dma_wait3A_716 : memref<10016x32xf32, #tpu.memory_space<vmem_shared>>)
    %dma_wait3A_717 = arith.constant 29 : i32
    %dma_wait3A_718 = arith.constant 1152 : i32
    %dma_wait3A_719 = arith.constant 0 : i32
    %dma_wait3A_720 = tpu.memref_slice %arg7[%dma_wait3A_718, %dma_wait3A_719] : memref<2560x32xf32, #tpu.memory_space<vmem>> -> memref<128x32xf32, #tpu.memory_space<vmem>>
    %dma_wait3A_721 = arith.constant 0 : i32
    %dma_wait3A_722 = tpu.memref_slice %arg6[%dma_wait3A_717, %dma_wait3A_721] : memref<40x128xi32, #tpu.memory_space<vmem>> -> memref<1x128xi32, #tpu.memory_space<vmem>>
    %dma_wait3A_723 = tpu.memref_squeeze %dma_wait3A_722 : memref<1x128xi32, #tpu.memory_space<vmem>> -> memref<128xi32, #tpu.memory_space<vmem>>
    %dma_wait3A_724 = arith.constant 0 : i32
    %dma_wait3A_725 = arith.constant 0 : i32
    %dma_wait3A_726 = tpu.memref_slice %arg8[%dma_wait3A_724, %dma_wait3A_725] : memref<10016x32xf32, #tpu.memory_space<vmem_shared>> -> memref<10016x32xf32, #tpu.memory_space<vmem_shared>>
    tpu.wait_indirect_dma semaphore(%arg9 : memref<!tpu.dma_semaphore, #tpu.memory_space<semaphore_mem>>) src(%dma_wait3A_720 : memref<128x32xf32, #tpu.memory_space<vmem>>) dst(%dma_wait3A_726 : memref<10016x32xf32, #tpu.memory_space<vmem_shared>>)
    %dma_wait3A_727 = arith.constant 30 : i32
    %dma_wait3A_728 = arith.constant 1280 : i32
    %dma_wait3A_729 = arith.constant 0 : i32
    %dma_wait3A_730 = tpu.memref_slice %arg7[%dma_wait3A_728, %dma_wait3A_729] : memref<2560x32xf32, #tpu.memory_space<vmem>> -> memref<128x32xf32, #tpu.memory_space<vmem>>
    %dma_wait3A_731 = arith.constant 0 : i32
    %dma_wait3A_732 = tpu.memref_slice %arg6[%dma_wait3A_727, %dma_wait3A_731] : memref<40x128xi32, #tpu.memory_space<vmem>> -> memref<1x128xi32, #tpu.memory_space<vmem>>
    %dma_wait3A_733 = tpu.memref_squeeze %dma_wait3A_732 : memref<1x128xi32, #tpu.memory_space<vmem>> -> memref<128xi32, #tpu.memory_space<vmem>>
    %dma_wait3A_734 = arith.constant 0 : i32
    %dma_wait3A_735 = arith.constant 0 : i32
    %dma_wait3A_736 = tpu.memref_slice %arg8[%dma_wait3A_734, %dma_wait3A_735] : memref<10016x32xf32, #tpu.memory_space<vmem_shared>> -> memref<10016x32xf32, #tpu.memory_space<vmem_shared>>
    tpu.wait_indirect_dma semaphore(%arg9 : memref<!tpu.dma_semaphore, #tpu.memory_space<semaphore_mem>>) src(%dma_wait3A_730 : memref<128x32xf32, #tpu.memory_space<vmem>>) dst(%dma_wait3A_736 : memref<10016x32xf32, #tpu.memory_space<vmem_shared>>)
    %dma_wait3A_737 = arith.constant 31 : i32
    %dma_wait3A_738 = arith.constant 1408 : i32
    %dma_wait3A_739 = arith.constant 0 : i32
    %dma_wait3A_740 = tpu.memref_slice %arg7[%dma_wait3A_738, %dma_wait3A_739] : memref<2560x32xf32, #tpu.memory_space<vmem>> -> memref<128x32xf32, #tpu.memory_space<vmem>>
    %dma_wait3A_741 = arith.constant 0 : i32
    %dma_wait3A_742 = tpu.memref_slice %arg6[%dma_wait3A_737, %dma_wait3A_741] : memref<40x128xi32, #tpu.memory_space<vmem>> -> memref<1x128xi32, #tpu.memory_space<vmem>>
    %dma_wait3A_743 = tpu.memref_squeeze %dma_wait3A_742 : memref<1x128xi32, #tpu.memory_space<vmem>> -> memref<128xi32, #tpu.memory_space<vmem>>
    %dma_wait3A_744 = arith.constant 0 : i32
    %dma_wait3A_745 = arith.constant 0 : i32
    %dma_wait3A_746 = tpu.memref_slice %arg8[%dma_wait3A_744, %dma_wait3A_745] : memref<10016x32xf32, #tpu.memory_space<vmem_shared>> -> memref<10016x32xf32, #tpu.memory_space<vmem_shared>>
    tpu.wait_indirect_dma semaphore(%arg9 : memref<!tpu.dma_semaphore, #tpu.memory_space<semaphore_mem>>) src(%dma_wait3A_740 : memref<128x32xf32, #tpu.memory_space<vmem>>) dst(%dma_wait3A_746 : memref<10016x32xf32, #tpu.memory_space<vmem_shared>>)
    %dma_wait3A_747 = arith.constant 32 : i32
    %dma_wait3A_748 = arith.constant 1536 : i32
    %dma_wait3A_749 = arith.constant 0 : i32
    %dma_wait3A_750 = tpu.memref_slice %arg7[%dma_wait3A_748, %dma_wait3A_749] : memref<2560x32xf32, #tpu.memory_space<vmem>> -> memref<128x32xf32, #tpu.memory_space<vmem>>
    %dma_wait3A_751 = arith.constant 0 : i32
    %dma_wait3A_752 = tpu.memref_slice %arg6[%dma_wait3A_747, %dma_wait3A_751] : memref<40x128xi32, #tpu.memory_space<vmem>> -> memref<1x128xi32, #tpu.memory_space<vmem>>
    %dma_wait3A_753 = tpu.memref_squeeze %dma_wait3A_752 : memref<1x128xi32, #tpu.memory_space<vmem>> -> memref<128xi32, #tpu.memory_space<vmem>>
    %dma_wait3A_754 = arith.constant 0 : i32
    %dma_wait3A_755 = arith.constant 0 : i32
    %dma_wait3A_756 = tpu.memref_slice %arg8[%dma_wait3A_754, %dma_wait3A_755] : memref<10016x32xf32, #tpu.memory_space<vmem_shared>> -> memref<10016x32xf32, #tpu.memory_space<vmem_shared>>
    tpu.wait_indirect_dma semaphore(%arg9 : memref<!tpu.dma_semaphore, #tpu.memory_space<semaphore_mem>>) src(%dma_wait3A_750 : memref<128x32xf32, #tpu.memory_space<vmem>>) dst(%dma_wait3A_756 : memref<10016x32xf32, #tpu.memory_space<vmem_shared>>)
    %dma_wait3A_757 = arith.constant 33 : i32
    %dma_wait3A_758 = arith.constant 1664 : i32
    %dma_wait3A_759 = arith.constant 0 : i32
    %dma_wait3A_760 = tpu.memref_slice %arg7[%dma_wait3A_758, %dma_wait3A_759] : memref<2560x32xf32, #tpu.memory_space<vmem>> -> memref<128x32xf32, #tpu.memory_space<vmem>>
    %dma_wait3A_761 = arith.constant 0 : i32
    %dma_wait3A_762 = tpu.memref_slice %arg6[%dma_wait3A_757, %dma_wait3A_761] : memref<40x128xi32, #tpu.memory_space<vmem>> -> memref<1x128xi32, #tpu.memory_space<vmem>>
    %dma_wait3A_763 = tpu.memref_squeeze %dma_wait3A_762 : memref<1x128xi32, #tpu.memory_space<vmem>> -> memref<128xi32, #tpu.memory_space<vmem>>
    %dma_wait3A_764 = arith.constant 0 : i32
    %dma_wait3A_765 = arith.constant 0 : i32
    %dma_wait3A_766 = tpu.memref_slice %arg8[%dma_wait3A_764, %dma_wait3A_765] : memref<10016x32xf32, #tpu.memory_space<vmem_shared>> -> memref<10016x32xf32, #tpu.memory_space<vmem_shared>>
    tpu.wait_indirect_dma semaphore(%arg9 : memref<!tpu.dma_semaphore, #tpu.memory_space<semaphore_mem>>) src(%dma_wait3A_760 : memref<128x32xf32, #tpu.memory_space<vmem>>) dst(%dma_wait3A_766 : memref<10016x32xf32, #tpu.memory_space<vmem_shared>>)
    %dma_wait3A_767 = arith.constant 34 : i32
    %dma_wait3A_768 = arith.constant 1792 : i32
    %dma_wait3A_769 = arith.constant 0 : i32
    %dma_wait3A_770 = tpu.memref_slice %arg7[%dma_wait3A_768, %dma_wait3A_769] : memref<2560x32xf32, #tpu.memory_space<vmem>> -> memref<128x32xf32, #tpu.memory_space<vmem>>
    %dma_wait3A_771 = arith.constant 0 : i32
    %dma_wait3A_772 = tpu.memref_slice %arg6[%dma_wait3A_767, %dma_wait3A_771] : memref<40x128xi32, #tpu.memory_space<vmem>> -> memref<1x128xi32, #tpu.memory_space<vmem>>
    %dma_wait3A_773 = tpu.memref_squeeze %dma_wait3A_772 : memref<1x128xi32, #tpu.memory_space<vmem>> -> memref<128xi32, #tpu.memory_space<vmem>>
    %dma_wait3A_774 = arith.constant 0 : i32
    %dma_wait3A_775 = arith.constant 0 : i32
    %dma_wait3A_776 = tpu.memref_slice %arg8[%dma_wait3A_774, %dma_wait3A_775] : memref<10016x32xf32, #tpu.memory_space<vmem_shared>> -> memref<10016x32xf32, #tpu.memory_space<vmem_shared>>
    tpu.wait_indirect_dma semaphore(%arg9 : memref<!tpu.dma_semaphore, #tpu.memory_space<semaphore_mem>>) src(%dma_wait3A_770 : memref<128x32xf32, #tpu.memory_space<vmem>>) dst(%dma_wait3A_776 : memref<10016x32xf32, #tpu.memory_space<vmem_shared>>)
    %dma_wait3A_777 = arith.constant 35 : i32
    %dma_wait3A_778 = arith.constant 1920 : i32
    %dma_wait3A_779 = arith.constant 0 : i32
    %dma_wait3A_780 = tpu.memref_slice %arg7[%dma_wait3A_778, %dma_wait3A_779] : memref<2560x32xf32, #tpu.memory_space<vmem>> -> memref<128x32xf32, #tpu.memory_space<vmem>>
    %dma_wait3A_781 = arith.constant 0 : i32
    %dma_wait3A_782 = tpu.memref_slice %arg6[%dma_wait3A_777, %dma_wait3A_781] : memref<40x128xi32, #tpu.memory_space<vmem>> -> memref<1x128xi32, #tpu.memory_space<vmem>>
    %dma_wait3A_783 = tpu.memref_squeeze %dma_wait3A_782 : memref<1x128xi32, #tpu.memory_space<vmem>> -> memref<128xi32, #tpu.memory_space<vmem>>
    %dma_wait3A_784 = arith.constant 0 : i32
    %dma_wait3A_785 = arith.constant 0 : i32
    %dma_wait3A_786 = tpu.memref_slice %arg8[%dma_wait3A_784, %dma_wait3A_785] : memref<10016x32xf32, #tpu.memory_space<vmem_shared>> -> memref<10016x32xf32, #tpu.memory_space<vmem_shared>>
    tpu.wait_indirect_dma semaphore(%arg9 : memref<!tpu.dma_semaphore, #tpu.memory_space<semaphore_mem>>) src(%dma_wait3A_780 : memref<128x32xf32, #tpu.memory_space<vmem>>) dst(%dma_wait3A_786 : memref<10016x32xf32, #tpu.memory_space<vmem_shared>>)
    %dma_wait3A_787 = arith.constant 36 : i32
    %dma_wait3A_788 = arith.constant 2048 : i32
    %dma_wait3A_789 = arith.constant 0 : i32
    %dma_wait3A_790 = tpu.memref_slice %arg7[%dma_wait3A_788, %dma_wait3A_789] : memref<2560x32xf32, #tpu.memory_space<vmem>> -> memref<128x32xf32, #tpu.memory_space<vmem>>
    %dma_wait3A_791 = arith.constant 0 : i32
    %dma_wait3A_792 = tpu.memref_slice %arg6[%dma_wait3A_787, %dma_wait3A_791] : memref<40x128xi32, #tpu.memory_space<vmem>> -> memref<1x128xi32, #tpu.memory_space<vmem>>
    %dma_wait3A_793 = tpu.memref_squeeze %dma_wait3A_792 : memref<1x128xi32, #tpu.memory_space<vmem>> -> memref<128xi32, #tpu.memory_space<vmem>>
    %dma_wait3A_794 = arith.constant 0 : i32
    %dma_wait3A_795 = arith.constant 0 : i32
    %dma_wait3A_796 = tpu.memref_slice %arg8[%dma_wait3A_794, %dma_wait3A_795] : memref<10016x32xf32, #tpu.memory_space<vmem_shared>> -> memref<10016x32xf32, #tpu.memory_space<vmem_shared>>
    tpu.wait_indirect_dma semaphore(%arg9 : memref<!tpu.dma_semaphore, #tpu.memory_space<semaphore_mem>>) src(%dma_wait3A_790 : memref<128x32xf32, #tpu.memory_space<vmem>>) dst(%dma_wait3A_796 : memref<10016x32xf32, #tpu.memory_space<vmem_shared>>)
    %dma_wait3A_797 = arith.constant 37 : i32
    %dma_wait3A_798 = arith.constant 2176 : i32
    %dma_wait3A_799 = arith.constant 0 : i32
    %dma_wait3A_800 = tpu.memref_slice %arg7[%dma_wait3A_798, %dma_wait3A_799] : memref<2560x32xf32, #tpu.memory_space<vmem>> -> memref<128x32xf32, #tpu.memory_space<vmem>>
    %dma_wait3A_801 = arith.constant 0 : i32
    %dma_wait3A_802 = tpu.memref_slice %arg6[%dma_wait3A_797, %dma_wait3A_801] : memref<40x128xi32, #tpu.memory_space<vmem>> -> memref<1x128xi32, #tpu.memory_space<vmem>>
    %dma_wait3A_803 = tpu.memref_squeeze %dma_wait3A_802 : memref<1x128xi32, #tpu.memory_space<vmem>> -> memref<128xi32, #tpu.memory_space<vmem>>
    %dma_wait3A_804 = arith.constant 0 : i32
    %dma_wait3A_805 = arith.constant 0 : i32
    %dma_wait3A_806 = tpu.memref_slice %arg8[%dma_wait3A_804, %dma_wait3A_805] : memref<10016x32xf32, #tpu.memory_space<vmem_shared>> -> memref<10016x32xf32, #tpu.memory_space<vmem_shared>>
    tpu.wait_indirect_dma semaphore(%arg9 : memref<!tpu.dma_semaphore, #tpu.memory_space<semaphore_mem>>) src(%dma_wait3A_800 : memref<128x32xf32, #tpu.memory_space<vmem>>) dst(%dma_wait3A_806 : memref<10016x32xf32, #tpu.memory_space<vmem_shared>>)
    %dma_wait3A_807 = arith.constant 38 : i32
    %dma_wait3A_808 = arith.constant 2304 : i32
    %dma_wait3A_809 = arith.constant 0 : i32
    %dma_wait3A_810 = tpu.memref_slice %arg7[%dma_wait3A_808, %dma_wait3A_809] : memref<2560x32xf32, #tpu.memory_space<vmem>> -> memref<128x32xf32, #tpu.memory_space<vmem>>
    %dma_wait3A_811 = arith.constant 0 : i32
    %dma_wait3A_812 = tpu.memref_slice %arg6[%dma_wait3A_807, %dma_wait3A_811] : memref<40x128xi32, #tpu.memory_space<vmem>> -> memref<1x128xi32, #tpu.memory_space<vmem>>
    %dma_wait3A_813 = tpu.memref_squeeze %dma_wait3A_812 : memref<1x128xi32, #tpu.memory_space<vmem>> -> memref<128xi32, #tpu.memory_space<vmem>>
    %dma_wait3A_814 = arith.constant 0 : i32
    %dma_wait3A_815 = arith.constant 0 : i32
    %dma_wait3A_816 = tpu.memref_slice %arg8[%dma_wait3A_814, %dma_wait3A_815] : memref<10016x32xf32, #tpu.memory_space<vmem_shared>> -> memref<10016x32xf32, #tpu.memory_space<vmem_shared>>
    tpu.wait_indirect_dma semaphore(%arg9 : memref<!tpu.dma_semaphore, #tpu.memory_space<semaphore_mem>>) src(%dma_wait3A_810 : memref<128x32xf32, #tpu.memory_space<vmem>>) dst(%dma_wait3A_816 : memref<10016x32xf32, #tpu.memory_space<vmem_shared>>)
    %dma_wait3A_817 = arith.constant 39 : i32
    %dma_wait3A_818 = arith.constant 2432 : i32
    %dma_wait3A_819 = arith.constant 0 : i32
    %dma_wait3A_820 = tpu.memref_slice %arg7[%dma_wait3A_818, %dma_wait3A_819] : memref<2560x32xf32, #tpu.memory_space<vmem>> -> memref<128x32xf32, #tpu.memory_space<vmem>>
    %dma_wait3A_821 = arith.constant 0 : i32
    %dma_wait3A_822 = tpu.memref_slice %arg6[%dma_wait3A_817, %dma_wait3A_821] : memref<40x128xi32, #tpu.memory_space<vmem>> -> memref<1x128xi32, #tpu.memory_space<vmem>>
    %dma_wait3A_823 = tpu.memref_squeeze %dma_wait3A_822 : memref<1x128xi32, #tpu.memory_space<vmem>> -> memref<128xi32, #tpu.memory_space<vmem>>
    %dma_wait3A_824 = arith.constant 0 : i32
    %dma_wait3A_825 = arith.constant 0 : i32
    %dma_wait3A_826 = tpu.memref_slice %arg8[%dma_wait3A_824, %dma_wait3A_825] : memref<10016x32xf32, #tpu.memory_space<vmem_shared>> -> memref<10016x32xf32, #tpu.memory_space<vmem_shared>>
    tpu.wait_indirect_dma semaphore(%arg9 : memref<!tpu.dma_semaphore, #tpu.memory_space<semaphore_mem>>) src(%dma_wait3A_820 : memref<128x32xf32, #tpu.memory_space<vmem>>) dst(%dma_wait3A_826 : memref<10016x32xf32, #tpu.memory_space<vmem_shared>>)
    %barrier3A_827 = arith.constant 0 : index
    tpu.barrier barrier_id(%barrier3A_827)
    %mul3A_828 = arith.constant 626 : i32
    %mul3A_829 = arith.muli %arg1, %mul3A_828 : i32
    %mul3A_830 = arith.constant 626 : i32
    %mul3A_831 = arith.muli %arg1, %mul3A_830 : i32
    "tpu.region"() ({
      %run_scoped3A = tpu.sem_alloc : memref<!tpu.dma_semaphore, #tpu.memory_space<semaphore_mem>>
      %dma_start3A_832 = arith.constant 0 : i32
      %dma_start3A_833 = tpu.memref_slice %arg5[%arg0, %mul3A_831, %dma_start3A_832] : memref<2x10016x32xf32, #tpu.memory_space<hbm>> -> memref<1x626x32xf32, #tpu.memory_space<hbm>>
      %dma_start3A_834 = tpu.memref_squeeze %dma_start3A_833 : memref<1x626x32xf32, #tpu.memory_space<hbm>> -> memref<626x32xf32, #tpu.memory_space<hbm>>
      %dma_start3A_835 = arith.constant 0 : i32
      %dma_start3A_836 = tpu.memref_slice %arg8[%mul3A_829, %dma_start3A_835] : memref<10016x32xf32, #tpu.memory_space<vmem_shared>> -> memref<626x32xf32, #tpu.memory_space<vmem_shared>>
      tpu.enqueue_dma source(%dma_start3A_836 : memref<626x32xf32, #tpu.memory_space<vmem_shared>>) target(%dma_start3A_834 : memref<626x32xf32, #tpu.memory_space<hbm>>) target_semaphore(%run_scoped3A : memref<!tpu.dma_semaphore, #tpu.memory_space<semaphore_mem>>)
      %dma_wait3A_837 = arith.constant 0 : i32
      %dma_wait3A_838 = tpu.memref_slice %arg5[%arg0, %mul3A_831, %dma_wait3A_837] : memref<2x10016x32xf32, #tpu.memory_space<hbm>> -> memref<1x626x32xf32, #tpu.memory_space<hbm>>
      %dma_wait3A_839 = tpu.memref_squeeze %dma_wait3A_838 : memref<1x626x32xf32, #tpu.memory_space<hbm>> -> memref<626x32xf32, #tpu.memory_space<hbm>>
      %dma_wait3A_840 = arith.constant 0 : i32
      %dma_wait3A_841 = tpu.memref_slice %arg8[%mul3A_829, %dma_wait3A_840] : memref<10016x32xf32, #tpu.memory_space<vmem_shared>> -> memref<626x32xf32, #tpu.memory_space<vmem_shared>>
      tpu.wait_dma2 semaphore(%run_scoped3A : memref<!tpu.dma_semaphore, #tpu.memory_space<semaphore_mem>>) src(%dma_wait3A_841 : memref<626x32xf32, #tpu.memory_space<vmem_shared>>) dst(%dma_wait3A_839 : memref<626x32xf32, #tpu.memory_space<hbm>>)
      tpu.yield
    }) : () -> ()
    return
  }
}

#map = affine_map<(d0, d1) -> (0, 0)>
#map1 = affine_map<(d0, d1) -> (0)>
module attributes {stable_mosaic.version = 14 : i64} {
  func.func @gather(%arg0: i32, %arg1: i32, %arg2: memref<10000x32xf32, #tpu.memory_space<hbm>>, %arg3: memref<163840xi32, #tpu.memory_space<hbm>>, %arg4: memref<163840x32xf32, #tpu.memory_space<hbm>>, %arg5: memref<5120xi32, #tpu.memory_space<vmem>>, %arg6: memref<2560x32xf32, #tpu.memory_space<vmem>>, %arg7: memref<!tpu.dma_semaphore, #tpu.memory_space<semaphore_mem>>) attributes {dimension_semantics = [#tpu.dimension_semantics<core_parallel>, #tpu.dimension_semantics<subcore_parallel>], iteration_bounds = array<i64: 2, 16>, scalar_prefetch = 0 : i64, scratch_operands = 3 : i64, tpu.core_type = #tpu.core_type<sc_vector_subcore>, window_params = [{transform_indices = #map}, {transform_indices = #map1}, {transform_indices = #map}]} {
    %mul3A = arith.constant 2 : i32
    %mul3A_0 = arith.muli %arg1, %mul3A : i32
    %add3A = arith.addi %mul3A_0, %arg0 : i32
    %mul3A_1 = arith.constant 5120 : i32
    %mul3A_2 = arith.muli %add3A, %mul3A_1 : i32
    "tpu.region"() ({
      %run_scoped3A = tpu.sem_alloc : memref<!tpu.dma_semaphore, #tpu.memory_space<semaphore_mem>>
      %dma_start3A_29 = tpu.memref_slice %arg3[%mul3A_2] : memref<163840xi32, #tpu.memory_space<hbm>> -> memref<5120xi32, #tpu.memory_space<hbm>>
      %dma_start3A_30 = tpu.memref_slice %arg3[%mul3A_2] : memref<163840xi32, #tpu.memory_space<hbm>> -> memref<5120xi32, #tpu.memory_space<hbm>>
      tpu.enqueue_dma source(%dma_start3A_30 : memref<5120xi32, #tpu.memory_space<hbm>>) target(%arg5 : memref<5120xi32, #tpu.memory_space<vmem>>) target_semaphore(%run_scoped3A : memref<!tpu.dma_semaphore, #tpu.memory_space<semaphore_mem>>)
      %dma_wait3A_31 = tpu.memref_slice %arg3[%mul3A_2] : memref<163840xi32, #tpu.memory_space<hbm>> -> memref<5120xi32, #tpu.memory_space<hbm>>
      %dma_wait3A_32 = tpu.memref_slice %arg3[%mul3A_2] : memref<163840xi32, #tpu.memory_space<hbm>> -> memref<5120xi32, #tpu.memory_space<hbm>>
      tpu.wait_dma2 semaphore(%run_scoped3A : memref<!tpu.dma_semaphore, #tpu.memory_space<semaphore_mem>>) src(%dma_wait3A_32 : memref<5120xi32, #tpu.memory_space<hbm>>) dst(%arg5 : memref<5120xi32, #tpu.memory_space<vmem>>)
      tpu.yield
    }) : () -> ()
    %dma_start3A = arith.constant 0 : i32
    %dma_start3A_3 = tpu.memref_slice %arg5[%dma_start3A] : memref<5120xi32, #tpu.memory_space<vmem>> -> memref<2560xi32, #tpu.memory_space<vmem>>
    %dma_start3A_4 = arith.constant 0 : i32
    %dma_start3A_5 = arith.constant 0 : i32
    %dma_start3A_6 = tpu.memref_slice %arg2[%dma_start3A_4, %dma_start3A_5] : memref<10000x32xf32, #tpu.memory_space<hbm>> -> memref<10000x32xf32, #tpu.memory_space<hbm>>
    tpu.enqueue_indirect_dma source(%dma_start3A_6 : memref<10000x32xf32, #tpu.memory_space<hbm>>) target(%arg6 : memref<2560x32xf32, #tpu.memory_space<vmem>>) offsets(%dma_start3A_3 : memref<2560xi32, #tpu.memory_space<vmem>>) semaphore(%arg7 : memref<!tpu.dma_semaphore, #tpu.memory_space<semaphore_mem>>)
    %dma_wait3A = arith.constant 0 : i32
    %dma_wait3A_7 = tpu.memref_slice %arg5[%dma_wait3A] : memref<5120xi32, #tpu.memory_space<vmem>> -> memref<2560xi32, #tpu.memory_space<vmem>>
    %dma_wait3A_8 = arith.constant 0 : i32
    %dma_wait3A_9 = arith.constant 0 : i32
    %dma_wait3A_10 = tpu.memref_slice %arg2[%dma_wait3A_8, %dma_wait3A_9] : memref<10000x32xf32, #tpu.memory_space<hbm>> -> memref<10000x32xf32, #tpu.memory_space<hbm>>
    tpu.wait_indirect_dma semaphore(%arg7 : memref<!tpu.dma_semaphore, #tpu.memory_space<semaphore_mem>>) src(%dma_wait3A_10 : memref<10000x32xf32, #tpu.memory_space<hbm>>) dst(%arg6 : memref<2560x32xf32, #tpu.memory_space<vmem>>)
    %mul3A_11 = arith.constant 5120 : i32
    %mul3A_12 = arith.muli %add3A, %mul3A_11 : i32
    %add3A_13 = arith.constant 0 : i32
    %add3A_14 = arith.addi %mul3A_12, %add3A_13 : i32
    "tpu.region"() ({
      %run_scoped3A = tpu.sem_alloc : memref<!tpu.dma_semaphore, #tpu.memory_space<semaphore_mem>>
      %dma_start3A_29 = arith.constant 0 : i32
      %dma_start3A_30 = tpu.memref_slice %arg4[%add3A_14, %dma_start3A_29] : memref<163840x32xf32, #tpu.memory_space<hbm>> -> memref<2560x32xf32, #tpu.memory_space<hbm>>
      %dma_start3A_31 = arith.constant 0 : i32
      %dma_start3A_32 = tpu.memref_slice %arg4[%add3A_14, %dma_start3A_31] : memref<163840x32xf32, #tpu.memory_space<hbm>> -> memref<2560x32xf32, #tpu.memory_space<hbm>>
      tpu.enqueue_dma source(%arg6 : memref<2560x32xf32, #tpu.memory_space<vmem>>) target(%dma_start3A_32 : memref<2560x32xf32, #tpu.memory_space<hbm>>) target_semaphore(%run_scoped3A : memref<!tpu.dma_semaphore, #tpu.memory_space<semaphore_mem>>)
      %dma_wait3A_33 = arith.constant 0 : i32
      %dma_wait3A_34 = tpu.memref_slice %arg4[%add3A_14, %dma_wait3A_33] : memref<163840x32xf32, #tpu.memory_space<hbm>> -> memref<2560x32xf32, #tpu.memory_space<hbm>>
      %dma_wait3A_35 = arith.constant 0 : i32
      %dma_wait3A_36 = tpu.memref_slice %arg4[%add3A_14, %dma_wait3A_35] : memref<163840x32xf32, #tpu.memory_space<hbm>> -> memref<2560x32xf32, #tpu.memory_space<hbm>>
      tpu.wait_dma2 semaphore(%run_scoped3A : memref<!tpu.dma_semaphore, #tpu.memory_space<semaphore_mem>>) src(%arg6 : memref<2560x32xf32, #tpu.memory_space<vmem>>) dst(%dma_wait3A_36 : memref<2560x32xf32, #tpu.memory_space<hbm>>)
      tpu.yield
    }) : () -> ()
    %dma_start3A_15 = arith.constant 2560 : i32
    %dma_start3A_16 = tpu.memref_slice %arg5[%dma_start3A_15] : memref<5120xi32, #tpu.memory_space<vmem>> -> memref<2560xi32, #tpu.memory_space<vmem>>
    %dma_start3A_17 = arith.constant 0 : i32
    %dma_start3A_18 = arith.constant 0 : i32
    %dma_start3A_19 = tpu.memref_slice %arg2[%dma_start3A_17, %dma_start3A_18] : memref<10000x32xf32, #tpu.memory_space<hbm>> -> memref<10000x32xf32, #tpu.memory_space<hbm>>
    tpu.enqueue_indirect_dma source(%dma_start3A_19 : memref<10000x32xf32, #tpu.memory_space<hbm>>) target(%arg6 : memref<2560x32xf32, #tpu.memory_space<vmem>>) offsets(%dma_start3A_16 : memref<2560xi32, #tpu.memory_space<vmem>>) semaphore(%arg7 : memref<!tpu.dma_semaphore, #tpu.memory_space<semaphore_mem>>)
    %dma_wait3A_20 = arith.constant 2560 : i32
    %dma_wait3A_21 = tpu.memref_slice %arg5[%dma_wait3A_20] : memref<5120xi32, #tpu.memory_space<vmem>> -> memref<2560xi32, #tpu.memory_space<vmem>>
    %dma_wait3A_22 = arith.constant 0 : i32
    %dma_wait3A_23 = arith.constant 0 : i32
    %dma_wait3A_24 = tpu.memref_slice %arg2[%dma_wait3A_22, %dma_wait3A_23] : memref<10000x32xf32, #tpu.memory_space<hbm>> -> memref<10000x32xf32, #tpu.memory_space<hbm>>
    tpu.wait_indirect_dma semaphore(%arg7 : memref<!tpu.dma_semaphore, #tpu.memory_space<semaphore_mem>>) src(%dma_wait3A_24 : memref<10000x32xf32, #tpu.memory_space<hbm>>) dst(%arg6 : memref<2560x32xf32, #tpu.memory_space<vmem>>)
    %mul3A_25 = arith.constant 5120 : i32
    %mul3A_26 = arith.muli %add3A, %mul3A_25 : i32
    %add3A_27 = arith.constant 2560 : i32
    %add3A_28 = arith.addi %mul3A_26, %add3A_27 : i32
    "tpu.region"() ({
      %run_scoped3A = tpu.sem_alloc : memref<!tpu.dma_semaphore, #tpu.memory_space<semaphore_mem>>
      %dma_start3A_29 = arith.constant 0 : i32
      %dma_start3A_30 = tpu.memref_slice %arg4[%add3A_28, %dma_start3A_29] : memref<163840x32xf32, #tpu.memory_space<hbm>> -> memref<2560x32xf32, #tpu.memory_space<hbm>>
      %dma_start3A_31 = arith.constant 0 : i32
      %dma_start3A_32 = tpu.memref_slice %arg4[%add3A_28, %dma_start3A_31] : memref<163840x32xf32, #tpu.memory_space<hbm>> -> memref<2560x32xf32, #tpu.memory_space<hbm>>
      tpu.enqueue_dma source(%arg6 : memref<2560x32xf32, #tpu.memory_space<vmem>>) target(%dma_start3A_32 : memref<2560x32xf32, #tpu.memory_space<hbm>>) target_semaphore(%run_scoped3A : memref<!tpu.dma_semaphore, #tpu.memory_space<semaphore_mem>>)
      %dma_wait3A_33 = arith.constant 0 : i32
      %dma_wait3A_34 = tpu.memref_slice %arg4[%add3A_28, %dma_wait3A_33] : memref<163840x32xf32, #tpu.memory_space<hbm>> -> memref<2560x32xf32, #tpu.memory_space<hbm>>
      %dma_wait3A_35 = arith.constant 0 : i32
      %dma_wait3A_36 = tpu.memref_slice %arg4[%add3A_28, %dma_wait3A_35] : memref<163840x32xf32, #tpu.memory_space<hbm>> -> memref<2560x32xf32, #tpu.memory_space<hbm>>
      tpu.wait_dma2 semaphore(%run_scoped3A : memref<!tpu.dma_semaphore, #tpu.memory_space<semaphore_mem>>) src(%arg6 : memref<2560x32xf32, #tpu.memory_space<vmem>>) dst(%dma_wait3A_36 : memref<2560x32xf32, #tpu.memory_space<hbm>>)
      tpu.yield
    }) : () -> ()
    return
  }
}

#map = affine_map<(d0, d1) -> (0, 0)>
#map1 = affine_map<(d0, d1) -> (0, 0, 0)>
module attributes {stable_mosaic.version = 14 : i64} {
  func.func @scatter(%arg0: i32, %arg1: i32, %arg2: memref<163840x32xf32, #tpu.memory_space<hbm>>, %arg3: memref<32x40x128xi32, #tpu.memory_space<hbm>>, %arg4: memref<10016x32xf32, #tpu.memory_space<hbm>>, %arg5: memref<2x10016x32xf32, #tpu.memory_space<hbm>>, %arg6: memref<40x128xi32, #tpu.memory_space<vmem>>, %arg7: memref<2560x32xf32, #tpu.memory_space<vmem>>, %arg8: memref<10016x32xf32, #tpu.memory_space<vmem_shared>>, %arg9: memref<!tpu.dma_semaphore, #tpu.memory_space<semaphore_mem>>) attributes {dimension_semantics = [#tpu.dimension_semantics<core_parallel>, #tpu.dimension_semantics<subcore_parallel>], iteration_bounds = array<i64: 2, 16>, scalar_prefetch = 0 : i64, scratch_operands = 4 : i64, tpu.core_type = #tpu.core_type<sc_vector_subcore>, window_params = [{transform_indices = #map}, {transform_indices = #map1}, {transform_indices = #map}, {transform_indices = #map1}]} {
    %mul3A = arith.constant 2 : i32
    %mul3A_0 = arith.muli %arg1, %mul3A : i32
    %add3A = arith.addi %mul3A_0, %arg0 : i32
    %mul3A_1 = arith.constant 626 : i32
    %mul3A_2 = arith.muli %arg1, %mul3A_1 : i32
    %mul3A_3 = arith.constant 626 : i32
    %mul3A_4 = arith.muli %arg1, %mul3A_3 : i32
    "tpu.region"() ({
      %run_scoped3A = tpu.sem_alloc : memref<!tpu.dma_semaphore, #tpu.memory_space<semaphore_mem>>
      %dma_start3A_832 = arith.constant 0 : i32
      %dma_start3A_833 = tpu.memref_slice %arg8[%mul3A_4, %dma_start3A_832] : memref<10016x32xf32, #tpu.memory_space<vmem_shared>> -> memref<626x32xf32, #tpu.memory_space<vmem_shared>>
      %dma_start3A_834 = arith.constant 0 : i32
      %dma_start3A_835 = tpu.memref_slice %arg4[%mul3A_2, %dma_start3A_834] : memref<10016x32xf32, #tpu.memory_space<hbm>> -> memref<626x32xf32, #tpu.memory_space<hbm>>
      tpu.enqueue_dma source(%dma_start3A_835 : memref<626x32xf32, #tpu.memory_space<hbm>>) target(%dma_start3A_833 : memref<626x32xf32, #tpu.memory_space<vmem_shared>>) target_semaphore(%run_scoped3A : memref<!tpu.dma_semaphore, #tpu.memory_space<semaphore_mem>>)
      %dma_wait3A_836 = arith.constant 0 : i32
      %dma_wait3A_837 = tpu.memref_slice %arg8[%mul3A_4, %dma_wait3A_836] : memref<10016x32xf32, #tpu.memory_space<vmem_shared>> -> memref<626x32xf32, #tpu.memory_space<vmem_shared>>
      %dma_wait3A_838 = arith.constant 0 : i32
      %dma_wait3A_839 = tpu.memref_slice %arg4[%mul3A_2, %dma_wait3A_838] : memref<10016x32xf32, #tpu.memory_space<hbm>> -> memref<626x32xf32, #tpu.memory_space<hbm>>
      tpu.wait_dma2 semaphore(%run_scoped3A : memref<!tpu.dma_semaphore, #tpu.memory_space<semaphore_mem>>) src(%dma_wait3A_839 : memref<626x32xf32, #tpu.memory_space<hbm>>) dst(%dma_wait3A_837 : memref<626x32xf32, #tpu.memory_space<vmem_shared>>)
      tpu.yield
    }) : () -> ()
    "tpu.region"() ({
      %run_scoped3A = tpu.sem_alloc : memref<!tpu.dma_semaphore, #tpu.memory_space<semaphore_mem>>
      %dma_start3A_832 = arith.constant 0 : i32
      %dma_start3A_833 = arith.constant 0 : i32
      %dma_start3A_834 = tpu.memref_slice %arg3[%add3A, %dma_start3A_832, %dma_start3A_833] : memref<32x40x128xi32, #tpu.memory_space<hbm>> -> memref<1x40x128xi32, #tpu.memory_space<hbm>>
      %dma_start3A_835 = tpu.memref_squeeze %dma_start3A_834 : memref<1x40x128xi32, #tpu.memory_space<hbm>> -> memref<40x128xi32, #tpu.memory_space<hbm>>
      %dma_start3A_836 = arith.constant 0 : i32
      %dma_start3A_837 = arith.constant 0 : i32
      %dma_start3A_838 = tpu.memref_slice %arg3[%add3A, %dma_start3A_836, %dma_start3A_837] : memref<32x40x128xi32, #tpu.memory_space<hbm>> -> memref<1x40x128xi32, #tpu.memory_space<hbm>>
      %dma_start3A_839 = tpu.memref_squeeze %dma_start3A_838 : memref<1x40x128xi32, #tpu.memory_space<hbm>> -> memref<40x128xi32, #tpu.memory_space<hbm>>
      tpu.enqueue_dma source(%dma_start3A_839 : memref<40x128xi32, #tpu.memory_space<hbm>>) target(%arg6 : memref<40x128xi32, #tpu.memory_space<vmem>>) target_semaphore(%run_scoped3A : memref<!tpu.dma_semaphore, #tpu.memory_space<semaphore_mem>>)
      %dma_wait3A_840 = arith.constant 0 : i32
      %dma_wait3A_841 = arith.constant 0 : i32
      %dma_wait3A_842 = tpu.memref_slice %arg3[%add3A, %dma_wait3A_840, %dma_wait3A_841] : memref<32x40x128xi32, #tpu.memory_space<hbm>> -> memref<1x40x128xi32, #tpu.memory_space<hbm>>
      %dma_wait3A_843 = tpu.memref_squeeze %dma_wait3A_842 : memref<1x40x128xi32, #tpu.memory_space<hbm>> -> memref<40x128xi32, #tpu.memory_space<hbm>>
      %dma_wait3A_844 = arith.constant 0 : i32
      %dma_wait3A_845 = arith.constant 0 : i32
      %dma_wait3A_846 = tpu.memref_slice %arg3[%add3A, %dma_wait3A_844, %dma_wait3A_845] : memref<32x40x128xi32, #tpu.memory_space<hbm>> -> memref<1x40x128xi32, #tpu.memory_space<hbm>>
      %dma_wait3A_847 = tpu.memref_squeeze %dma_wait3A_846 : memref<1x40x128xi32, #tpu.memory_space<hbm>> -> memref<40x128xi32, #tpu.memory_space<hbm>>
      tpu.wait_dma2 semaphore(%run_scoped3A : memref<!tpu.dma_semaphore, #tpu.memory_space<semaphore_mem>>) src(%dma_wait3A_847 : memref<40x128xi32, #tpu.memory_space<hbm>>) dst(%arg6 : memref<40x128xi32, #tpu.memory_space<vmem>>)
      tpu.yield
    }) : () -> ()
    %barrier3A = arith.constant 0 : index
    tpu.barrier barrier_id(%barrier3A)
    %mul3A_5 = arith.constant 5120 : i32
    %mul3A_6 = arith.muli %add3A, %mul3A_5 : i32
    %add3A_7 = arith.constant 0 : i32
    %add3A_8 = arith.addi %mul3A_6, %add3A_7 : i32
    %dma_start3A = arith.constant 0 : i32
    %dma_start3A_9 = tpu.memref_slice %arg2[%add3A_8, %dma_start3A] : memref<163840x32xf32, #tpu.memory_space<hbm>> -> memref<2560x32xf32, #tpu.memory_space<hbm>>
    %dma_start3A_10 = arith.constant 0 : i32
    %dma_start3A_11 = tpu.memref_slice %arg2[%add3A_8, %dma_start3A_10] : memref<163840x32xf32, #tpu.memory_space<hbm>> -> memref<2560x32xf32, #tpu.memory_space<hbm>>
    tpu.enqueue_dma source(%dma_start3A_11 : memref<2560x32xf32, #tpu.memory_space<hbm>>) target(%arg7 : memref<2560x32xf32, #tpu.memory_space<vmem>>) target_semaphore(%arg9 : memref<!tpu.dma_semaphore, #tpu.memory_space<semaphore_mem>>)
    %dma_wait3A = arith.constant 0 : i32
    %dma_wait3A_12 = tpu.memref_slice %arg2[%add3A_8, %dma_wait3A] : memref<163840x32xf32, #tpu.memory_space<hbm>> -> memref<2560x32xf32, #tpu.memory_space<hbm>>
    %dma_wait3A_13 = arith.constant 0 : i32
    %dma_wait3A_14 = tpu.memref_slice %arg2[%add3A_8, %dma_wait3A_13] : memref<163840x32xf32, #tpu.memory_space<hbm>> -> memref<2560x32xf32, #tpu.memory_space<hbm>>
    tpu.wait_dma2 semaphore(%arg9 : memref<!tpu.dma_semaphore, #tpu.memory_space<semaphore_mem>>) src(%dma_wait3A_14 : memref<2560x32xf32, #tpu.memory_space<hbm>>) dst(%arg7 : memref<2560x32xf32, #tpu.memory_space<vmem>>)
    %dma_start3A_15 = arith.constant 0 : i32
    %dma_start3A_16 = arith.constant 0 : i32
    %dma_start3A_17 = arith.constant 0 : i32
    %dma_start3A_18 = tpu.memref_slice %arg7[%dma_start3A_16, %dma_start3A_17] : memref<2560x32xf32, #tpu.memory_space<vmem>> -> memref<128x32xf32, #tpu.memory_space<vmem>>
    %dma_start3A_19 = arith.constant 0 : i32
    %dma_start3A_20 = tpu.memref_slice %arg6[%dma_start3A_15, %dma_start3A_19] : memref<40x128xi32, #tpu.memory_space<vmem>> -> memref<1x128xi32, #tpu.memory_space<vmem>>
    %dma_start3A_21 = tpu.memref_squeeze %dma_start3A_20 : memref<1x128xi32, #tpu.memory_space<vmem>> -> memref<128xi32, #tpu.memory_space<vmem>>
    %dma_start3A_22 = arith.constant 0 : i32
    %dma_start3A_23 = arith.constant 0 : i32
    %dma_start3A_24 = tpu.memref_slice %arg8[%dma_start3A_22, %dma_start3A_23] : memref<10016x32xf32, #tpu.memory_space<vmem_shared>> -> memref<10016x32xf32, #tpu.memory_space<vmem_shared>>
    tpu.enqueue_indirect_dma source(%dma_start3A_18 : memref<128x32xf32, #tpu.memory_space<vmem>>) target(%dma_start3A_24 : memref<10016x32xf32, #tpu.memory_space<vmem_shared>>) offsets(%dma_start3A_21 : memref<128xi32, #tpu.memory_space<vmem>>) semaphore(%arg9 : memref<!tpu.dma_semaphore, #tpu.memory_space<semaphore_mem>>) {add = true}
    %dma_start3A_25 = arith.constant 1 : i32
    %dma_start3A_26 = arith.constant 128 : i32
    %dma_start3A_27 = arith.constant 0 : i32
    %dma_start3A_28 = tpu.memref_slice %arg7[%dma_start3A_26, %dma_start3A_27] : memref<2560x32xf32, #tpu.memory_space<vmem>> -> memref<128x32xf32, #tpu.memory_space<vmem>>
    %dma_start3A_29 = arith.constant 0 : i32
    %dma_start3A_30 = tpu.memref_slice %arg6[%dma_start3A_25, %dma_start3A_29] : memref<40x128xi32, #tpu.memory_space<vmem>> -> memref<1x128xi32, #tpu.memory_space<vmem>>
    %dma_start3A_31 = tpu.memref_squeeze %dma_start3A_30 : memref<1x128xi32, #tpu.memory_space<vmem>> -> memref<128xi32, #tpu.memory_space<vmem>>
    %dma_start3A_32 = arith.constant 0 : i32
    %dma_start3A_33 = arith.constant 0 : i32
    %dma_start3A_34 = tpu.memref_slice %arg8[%dma_start3A_32, %dma_start3A_33] : memref<10016x32xf32, #tpu.memory_space<vmem_shared>> -> memref<10016x32xf32, #tpu.memory_space<vmem_shared>>
    tpu.enqueue_indirect_dma source(%dma_start3A_28 : memref<128x32xf32, #tpu.memory_space<vmem>>) target(%dma_start3A_34 : memref<10016x32xf32, #tpu.memory_space<vmem_shared>>) offsets(%dma_start3A_31 : memref<128xi32, #tpu.memory_space<vmem>>) semaphore(%arg9 : memref<!tpu.dma_semaphore, #tpu.memory_space<semaphore_mem>>) {add = true}
    %dma_start3A_35 = arith.constant 2 : i32
    %dma_start3A_36 = arith.constant 256 : i32
    %dma_start3A_37 = arith.constant 0 : i32
    %dma_start3A_38 = tpu.memref_slice %arg7[%dma_start3A_36, %dma_start3A_37] : memref<2560x32xf32, #tpu.memory_space<vmem>> -> memref<128x32xf32, #tpu.memory_space<vmem>>
    %dma_start3A_39 = arith.constant 0 : i32
    %dma_start3A_40 = tpu.memref_slice %arg6[%dma_start3A_35, %dma_start3A_39] : memref<40x128xi32, #tpu.memory_space<vmem>> -> memref<1x128xi32, #tpu.memory_space<vmem>>
    %dma_start3A_41 = tpu.memref_squeeze %dma_start3A_40 : memref<1x128xi32, #tpu.memory_space<vmem>> -> memref<128xi32, #tpu.memory_space<vmem>>
    %dma_start3A_42 = arith.constant 0 : i32
    %dma_start3A_43 = arith.constant 0 : i32
    %dma_start3A_44 = tpu.memref_slice %arg8[%dma_start3A_42, %dma_start3A_43] : memref<10016x32xf32, #tpu.memory_space<vmem_shared>> -> memref<10016x32xf32, #tpu.memory_space<vmem_shared>>
    tpu.enqueue_indirect_dma source(%dma_start3A_38 : memref<128x32xf32, #tpu.memory_space<vmem>>) target(%dma_start3A_44 : memref<10016x32xf32, #tpu.memory_space<vmem_shared>>) offsets(%dma_start3A_41 : memref<128xi32, #tpu.memory_space<vmem>>) semaphore(%arg9 : memref<!tpu.dma_semaphore, #tpu.memory_space<semaphore_mem>>) {add = true}
    %dma_start3A_45 = arith.constant 3 : i32
    %dma_start3A_46 = arith.constant 384 : i32
    %dma_start3A_47 = arith.constant 0 : i32
    %dma_start3A_48 = tpu.memref_slice %arg7[%dma_start3A_46, %dma_start3A_47] : memref<2560x32xf32, #tpu.memory_space<vmem>> -> memref<128x32xf32, #tpu.memory_space<vmem>>
    %dma_start3A_49 = arith.constant 0 : i32
    %dma_start3A_50 = tpu.memref_slice %arg6[%dma_start3A_45, %dma_start3A_49] : memref<40x128xi32, #tpu.memory_space<vmem>> -> memref<1x128xi32, #tpu.memory_space<vmem>>
    %dma_start3A_51 = tpu.memref_squeeze %dma_start3A_50 : memref<1x128xi32, #tpu.memory_space<vmem>> -> memref<128xi32, #tpu.memory_space<vmem>>
    %dma_start3A_52 = arith.constant 0 : i32
    %dma_start3A_53 = arith.constant 0 : i32
    %dma_start3A_54 = tpu.memref_slice %arg8[%dma_start3A_52, %dma_start3A_53] : memref<10016x32xf32, #tpu.memory_space<vmem_shared>> -> memref<10016x32xf32, #tpu.memory_space<vmem_shared>>
    tpu.enqueue_indirect_dma source(%dma_start3A_48 : memref<128x32xf32, #tpu.memory_space<vmem>>) target(%dma_start3A_54 : memref<10016x32xf32, #tpu.memory_space<vmem_shared>>) offsets(%dma_start3A_51 : memref<128xi32, #tpu.memory_space<vmem>>) semaphore(%arg9 : memref<!tpu.dma_semaphore, #tpu.memory_space<semaphore_mem>>) {add = true}
    %dma_start3A_55 = arith.constant 4 : i32
    %dma_start3A_56 = arith.constant 512 : i32
    %dma_start3A_57 = arith.constant 0 : i32
    %dma_start3A_58 = tpu.memref_slice %arg7[%dma_start3A_56, %dma_start3A_57] : memref<2560x32xf32, #tpu.memory_space<vmem>> -> memref<128x32xf32, #tpu.memory_space<vmem>>
    %dma_start3A_59 = arith.constant 0 : i32
    %dma_start3A_60 = tpu.memref_slice %arg6[%dma_start3A_55, %dma_start3A_59] : memref<40x128xi32, #tpu.memory_space<vmem>> -> memref<1x128xi32, #tpu.memory_space<vmem>>
    %dma_start3A_61 = tpu.memref_squeeze %dma_start3A_60 : memref<1x128xi32, #tpu.memory_space<vmem>> -> memref<128xi32, #tpu.memory_space<vmem>>
    %dma_start3A_62 = arith.constant 0 : i32
    %dma_start3A_63 = arith.constant 0 : i32
    %dma_start3A_64 = tpu.memref_slice %arg8[%dma_start3A_62, %dma_start3A_63] : memref<10016x32xf32, #tpu.memory_space<vmem_shared>> -> memref<10016x32xf32, #tpu.memory_space<vmem_shared>>
    tpu.enqueue_indirect_dma source(%dma_start3A_58 : memref<128x32xf32, #tpu.memory_space<vmem>>) target(%dma_start3A_64 : memref<10016x32xf32, #tpu.memory_space<vmem_shared>>) offsets(%dma_start3A_61 : memref<128xi32, #tpu.memory_space<vmem>>) semaphore(%arg9 : memref<!tpu.dma_semaphore, #tpu.memory_space<semaphore_mem>>) {add = true}
    %dma_start3A_65 = arith.constant 5 : i32
    %dma_start3A_66 = arith.constant 640 : i32
    %dma_start3A_67 = arith.constant 0 : i32
    %dma_start3A_68 = tpu.memref_slice %arg7[%dma_start3A_66, %dma_start3A_67] : memref<2560x32xf32, #tpu.memory_space<vmem>> -> memref<128x32xf32, #tpu.memory_space<vmem>>
    %dma_start3A_69 = arith.constant 0 : i32
    %dma_start3A_70 = tpu.memref_slice %arg6[%dma_start3A_65, %dma_start3A_69] : memref<40x128xi32, #tpu.memory_space<vmem>> -> memref<1x128xi32, #tpu.memory_space<vmem>>
    %dma_start3A_71 = tpu.memref_squeeze %dma_start3A_70 : memref<1x128xi32, #tpu.memory_space<vmem>> -> memref<128xi32, #tpu.memory_space<vmem>>
    %dma_start3A_72 = arith.constant 0 : i32
    %dma_start3A_73 = arith.constant 0 : i32
    %dma_start3A_74 = tpu.memref_slice %arg8[%dma_start3A_72, %dma_start3A_73] : memref<10016x32xf32, #tpu.memory_space<vmem_shared>> -> memref<10016x32xf32, #tpu.memory_space<vmem_shared>>
    tpu.enqueue_indirect_dma source(%dma_start3A_68 : memref<128x32xf32, #tpu.memory_space<vmem>>) target(%dma_start3A_74 : memref<10016x32xf32, #tpu.memory_space<vmem_shared>>) offsets(%dma_start3A_71 : memref<128xi32, #tpu.memory_space<vmem>>) semaphore(%arg9 : memref<!tpu.dma_semaphore, #tpu.memory_space<semaphore_mem>>) {add = true}
    %dma_start3A_75 = arith.constant 6 : i32
    %dma_start3A_76 = arith.constant 768 : i32
    %dma_start3A_77 = arith.constant 0 : i32
    %dma_start3A_78 = tpu.memref_slice %arg7[%dma_start3A_76, %dma_start3A_77] : memref<2560x32xf32, #tpu.memory_space<vmem>> -> memref<128x32xf32, #tpu.memory_space<vmem>>
    %dma_start3A_79 = arith.constant 0 : i32
    %dma_start3A_80 = tpu.memref_slice %arg6[%dma_start3A_75, %dma_start3A_79] : memref<40x128xi32, #tpu.memory_space<vmem>> -> memref<1x128xi32, #tpu.memory_space<vmem>>
    %dma_start3A_81 = tpu.memref_squeeze %dma_start3A_80 : memref<1x128xi32, #tpu.memory_space<vmem>> -> memref<128xi32, #tpu.memory_space<vmem>>
    %dma_start3A_82 = arith.constant 0 : i32
    %dma_start3A_83 = arith.constant 0 : i32
    %dma_start3A_84 = tpu.memref_slice %arg8[%dma_start3A_82, %dma_start3A_83] : memref<10016x32xf32, #tpu.memory_space<vmem_shared>> -> memref<10016x32xf32, #tpu.memory_space<vmem_shared>>
    tpu.enqueue_indirect_dma source(%dma_start3A_78 : memref<128x32xf32, #tpu.memory_space<vmem>>) target(%dma_start3A_84 : memref<10016x32xf32, #tpu.memory_space<vmem_shared>>) offsets(%dma_start3A_81 : memref<128xi32, #tpu.memory_space<vmem>>) semaphore(%arg9 : memref<!tpu.dma_semaphore, #tpu.memory_space<semaphore_mem>>) {add = true}
    %dma_start3A_85 = arith.constant 7 : i32
    %dma_start3A_86 = arith.constant 896 : i32
    %dma_start3A_87 = arith.constant 0 : i32
    %dma_start3A_88 = tpu.memref_slice %arg7[%dma_start3A_86, %dma_start3A_87] : memref<2560x32xf32, #tpu.memory_space<vmem>> -> memref<128x32xf32, #tpu.memory_space<vmem>>
    %dma_start3A_89 = arith.constant 0 : i32
    %dma_start3A_90 = tpu.memref_slice %arg6[%dma_start3A_85, %dma_start3A_89] : memref<40x128xi32, #tpu.memory_space<vmem>> -> memref<1x128xi32, #tpu.memory_space<vmem>>
    %dma_start3A_91 = tpu.memref_squeeze %dma_start3A_90 : memref<1x128xi32, #tpu.memory_space<vmem>> -> memref<128xi32, #tpu.memory_space<vmem>>
    %dma_start3A_92 = arith.constant 0 : i32
    %dma_start3A_93 = arith.constant 0 : i32
    %dma_start3A_94 = tpu.memref_slice %arg8[%dma_start3A_92, %dma_start3A_93] : memref<10016x32xf32, #tpu.memory_space<vmem_shared>> -> memref<10016x32xf32, #tpu.memory_space<vmem_shared>>
    tpu.enqueue_indirect_dma source(%dma_start3A_88 : memref<128x32xf32, #tpu.memory_space<vmem>>) target(%dma_start3A_94 : memref<10016x32xf32, #tpu.memory_space<vmem_shared>>) offsets(%dma_start3A_91 : memref<128xi32, #tpu.memory_space<vmem>>) semaphore(%arg9 : memref<!tpu.dma_semaphore, #tpu.memory_space<semaphore_mem>>) {add = true}
    %dma_start3A_95 = arith.constant 8 : i32
    %dma_start3A_96 = arith.constant 1024 : i32
    %dma_start3A_97 = arith.constant 0 : i32
    %dma_start3A_98 = tpu.memref_slice %arg7[%dma_start3A_96, %dma_start3A_97] : memref<2560x32xf32, #tpu.memory_space<vmem>> -> memref<128x32xf32, #tpu.memory_space<vmem>>
    %dma_start3A_99 = arith.constant 0 : i32
    %dma_start3A_100 = tpu.memref_slice %arg6[%dma_start3A_95, %dma_start3A_99] : memref<40x128xi32, #tpu.memory_space<vmem>> -> memref<1x128xi32, #tpu.memory_space<vmem>>
    %dma_start3A_101 = tpu.memref_squeeze %dma_start3A_100 : memref<1x128xi32, #tpu.memory_space<vmem>> -> memref<128xi32, #tpu.memory_space<vmem>>
    %dma_start3A_102 = arith.constant 0 : i32
    %dma_start3A_103 = arith.constant 0 : i32
    %dma_start3A_104 = tpu.memref_slice %arg8[%dma_start3A_102, %dma_start3A_103] : memref<10016x32xf32, #tpu.memory_space<vmem_shared>> -> memref<10016x32xf32, #tpu.memory_space<vmem_shared>>
    tpu.enqueue_indirect_dma source(%dma_start3A_98 : memref<128x32xf32, #tpu.memory_space<vmem>>) target(%dma_start3A_104 : memref<10016x32xf32, #tpu.memory_space<vmem_shared>>) offsets(%dma_start3A_101 : memref<128xi32, #tpu.memory_space<vmem>>) semaphore(%arg9 : memref<!tpu.dma_semaphore, #tpu.memory_space<semaphore_mem>>) {add = true}
    %dma_start3A_105 = arith.constant 9 : i32
    %dma_start3A_106 = arith.constant 1152 : i32
    %dma_start3A_107 = arith.constant 0 : i32
    %dma_start3A_108 = tpu.memref_slice %arg7[%dma_start3A_106, %dma_start3A_107] : memref<2560x32xf32, #tpu.memory_space<vmem>> -> memref<128x32xf32, #tpu.memory_space<vmem>>
    %dma_start3A_109 = arith.constant 0 : i32
    %dma_start3A_110 = tpu.memref_slice %arg6[%dma_start3A_105, %dma_start3A_109] : memref<40x128xi32, #tpu.memory_space<vmem>> -> memref<1x128xi32, #tpu.memory_space<vmem>>
    %dma_start3A_111 = tpu.memref_squeeze %dma_start3A_110 : memref<1x128xi32, #tpu.memory_space<vmem>> -> memref<128xi32, #tpu.memory_space<vmem>>
    %dma_start3A_112 = arith.constant 0 : i32
    %dma_start3A_113 = arith.constant 0 : i32
    %dma_start3A_114 = tpu.memref_slice %arg8[%dma_start3A_112, %dma_start3A_113] : memref<10016x32xf32, #tpu.memory_space<vmem_shared>> -> memref<10016x32xf32, #tpu.memory_space<vmem_shared>>
    tpu.enqueue_indirect_dma source(%dma_start3A_108 : memref<128x32xf32, #tpu.memory_space<vmem>>) target(%dma_start3A_114 : memref<10016x32xf32, #tpu.memory_space<vmem_shared>>) offsets(%dma_start3A_111 : memref<128xi32, #tpu.memory_space<vmem>>) semaphore(%arg9 : memref<!tpu.dma_semaphore, #tpu.memory_space<semaphore_mem>>) {add = true}
    %dma_start3A_115 = arith.constant 10 : i32
    %dma_start3A_116 = arith.constant 1280 : i32
    %dma_start3A_117 = arith.constant 0 : i32
    %dma_start3A_118 = tpu.memref_slice %arg7[%dma_start3A_116, %dma_start3A_117] : memref<2560x32xf32, #tpu.memory_space<vmem>> -> memref<128x32xf32, #tpu.memory_space<vmem>>
    %dma_start3A_119 = arith.constant 0 : i32
    %dma_start3A_120 = tpu.memref_slice %arg6[%dma_start3A_115, %dma_start3A_119] : memref<40x128xi32, #tpu.memory_space<vmem>> -> memref<1x128xi32, #tpu.memory_space<vmem>>
    %dma_start3A_121 = tpu.memref_squeeze %dma_start3A_120 : memref<1x128xi32, #tpu.memory_space<vmem>> -> memref<128xi32, #tpu.memory_space<vmem>>
    %dma_start3A_122 = arith.constant 0 : i32
    %dma_start3A_123 = arith.constant 0 : i32
    %dma_start3A_124 = tpu.memref_slice %arg8[%dma_start3A_122, %dma_start3A_123] : memref<10016x32xf32, #tpu.memory_space<vmem_shared>> -> memref<10016x32xf32, #tpu.memory_space<vmem_shared>>
    tpu.enqueue_indirect_dma source(%dma_start3A_118 : memref<128x32xf32, #tpu.memory_space<vmem>>) target(%dma_start3A_124 : memref<10016x32xf32, #tpu.memory_space<vmem_shared>>) offsets(%dma_start3A_121 : memref<128xi32, #tpu.memory_space<vmem>>) semaphore(%arg9 : memref<!tpu.dma_semaphore, #tpu.memory_space<semaphore_mem>>) {add = true}
    %dma_start3A_125 = arith.constant 11 : i32
    %dma_start3A_126 = arith.constant 1408 : i32
    %dma_start3A_127 = arith.constant 0 : i32
    %dma_start3A_128 = tpu.memref_slice %arg7[%dma_start3A_126, %dma_start3A_127] : memref<2560x32xf32, #tpu.memory_space<vmem>> -> memref<128x32xf32, #tpu.memory_space<vmem>>
    %dma_start3A_129 = arith.constant 0 : i32
    %dma_start3A_130 = tpu.memref_slice %arg6[%dma_start3A_125, %dma_start3A_129] : memref<40x128xi32, #tpu.memory_space<vmem>> -> memref<1x128xi32, #tpu.memory_space<vmem>>
    %dma_start3A_131 = tpu.memref_squeeze %dma_start3A_130 : memref<1x128xi32, #tpu.memory_space<vmem>> -> memref<128xi32, #tpu.memory_space<vmem>>
    %dma_start3A_132 = arith.constant 0 : i32
    %dma_start3A_133 = arith.constant 0 : i32
    %dma_start3A_134 = tpu.memref_slice %arg8[%dma_start3A_132, %dma_start3A_133] : memref<10016x32xf32, #tpu.memory_space<vmem_shared>> -> memref<10016x32xf32, #tpu.memory_space<vmem_shared>>
    tpu.enqueue_indirect_dma source(%dma_start3A_128 : memref<128x32xf32, #tpu.memory_space<vmem>>) target(%dma_start3A_134 : memref<10016x32xf32, #tpu.memory_space<vmem_shared>>) offsets(%dma_start3A_131 : memref<128xi32, #tpu.memory_space<vmem>>) semaphore(%arg9 : memref<!tpu.dma_semaphore, #tpu.memory_space<semaphore_mem>>) {add = true}
    %dma_start3A_135 = arith.constant 12 : i32
    %dma_start3A_136 = arith.constant 1536 : i32
    %dma_start3A_137 = arith.constant 0 : i32
    %dma_start3A_138 = tpu.memref_slice %arg7[%dma_start3A_136, %dma_start3A_137] : memref<2560x32xf32, #tpu.memory_space<vmem>> -> memref<128x32xf32, #tpu.memory_space<vmem>>
    %dma_start3A_139 = arith.constant 0 : i32
    %dma_start3A_140 = tpu.memref_slice %arg6[%dma_start3A_135, %dma_start3A_139] : memref<40x128xi32, #tpu.memory_space<vmem>> -> memref<1x128xi32, #tpu.memory_space<vmem>>
    %dma_start3A_141 = tpu.memref_squeeze %dma_start3A_140 : memref<1x128xi32, #tpu.memory_space<vmem>> -> memref<128xi32, #tpu.memory_space<vmem>>
    %dma_start3A_142 = arith.constant 0 : i32
    %dma_start3A_143 = arith.constant 0 : i32
    %dma_start3A_144 = tpu.memref_slice %arg8[%dma_start3A_142, %dma_start3A_143] : memref<10016x32xf32, #tpu.memory_space<vmem_shared>> -> memref<10016x32xf32, #tpu.memory_space<vmem_shared>>
    tpu.enqueue_indirect_dma source(%dma_start3A_138 : memref<128x32xf32, #tpu.memory_space<vmem>>) target(%dma_start3A_144 : memref<10016x32xf32, #tpu.memory_space<vmem_shared>>) offsets(%dma_start3A_141 : memref<128xi32, #tpu.memory_space<vmem>>) semaphore(%arg9 : memref<!tpu.dma_semaphore, #tpu.memory_space<semaphore_mem>>) {add = true}
    %dma_start3A_145 = arith.constant 13 : i32
    %dma_start3A_146 = arith.constant 1664 : i32
    %dma_start3A_147 = arith.constant 0 : i32
    %dma_start3A_148 = tpu.memref_slice %arg7[%dma_start3A_146, %dma_start3A_147] : memref<2560x32xf32, #tpu.memory_space<vmem>> -> memref<128x32xf32, #tpu.memory_space<vmem>>
    %dma_start3A_149 = arith.constant 0 : i32
    %dma_start3A_150 = tpu.memref_slice %arg6[%dma_start3A_145, %dma_start3A_149] : memref<40x128xi32, #tpu.memory_space<vmem>> -> memref<1x128xi32, #tpu.memory_space<vmem>>
    %dma_start3A_151 = tpu.memref_squeeze %dma_start3A_150 : memref<1x128xi32, #tpu.memory_space<vmem>> -> memref<128xi32, #tpu.memory_space<vmem>>
    %dma_start3A_152 = arith.constant 0 : i32
    %dma_start3A_153 = arith.constant 0 : i32
    %dma_start3A_154 = tpu.memref_slice %arg8[%dma_start3A_152, %dma_start3A_153] : memref<10016x32xf32, #tpu.memory_space<vmem_shared>> -> memref<10016x32xf32, #tpu.memory_space<vmem_shared>>
    tpu.enqueue_indirect_dma source(%dma_start3A_148 : memref<128x32xf32, #tpu.memory_space<vmem>>) target(%dma_start3A_154 : memref<10016x32xf32, #tpu.memory_space<vmem_shared>>) offsets(%dma_start3A_151 : memref<128xi32, #tpu.memory_space<vmem>>) semaphore(%arg9 : memref<!tpu.dma_semaphore, #tpu.memory_space<semaphore_mem>>) {add = true}
    %dma_start3A_155 = arith.constant 14 : i32
    %dma_start3A_156 = arith.constant 1792 : i32
    %dma_start3A_157 = arith.constant 0 : i32
    %dma_start3A_158 = tpu.memref_slice %arg7[%dma_start3A_156, %dma_start3A_157] : memref<2560x32xf32, #tpu.memory_space<vmem>> -> memref<128x32xf32, #tpu.memory_space<vmem>>
    %dma_start3A_159 = arith.constant 0 : i32
    %dma_start3A_160 = tpu.memref_slice %arg6[%dma_start3A_155, %dma_start3A_159] : memref<40x128xi32, #tpu.memory_space<vmem>> -> memref<1x128xi32, #tpu.memory_space<vmem>>
    %dma_start3A_161 = tpu.memref_squeeze %dma_start3A_160 : memref<1x128xi32, #tpu.memory_space<vmem>> -> memref<128xi32, #tpu.memory_space<vmem>>
    %dma_start3A_162 = arith.constant 0 : i32
    %dma_start3A_163 = arith.constant 0 : i32
    %dma_start3A_164 = tpu.memref_slice %arg8[%dma_start3A_162, %dma_start3A_163] : memref<10016x32xf32, #tpu.memory_space<vmem_shared>> -> memref<10016x32xf32, #tpu.memory_space<vmem_shared>>
    tpu.enqueue_indirect_dma source(%dma_start3A_158 : memref<128x32xf32, #tpu.memory_space<vmem>>) target(%dma_start3A_164 : memref<10016x32xf32, #tpu.memory_space<vmem_shared>>) offsets(%dma_start3A_161 : memref<128xi32, #tpu.memory_space<vmem>>) semaphore(%arg9 : memref<!tpu.dma_semaphore, #tpu.memory_space<semaphore_mem>>) {add = true}
    %dma_start3A_165 = arith.constant 15 : i32
    %dma_start3A_166 = arith.constant 1920 : i32
    %dma_start3A_167 = arith.constant 0 : i32
    %dma_start3A_168 = tpu.memref_slice %arg7[%dma_start3A_166, %dma_start3A_167] : memref<2560x32xf32, #tpu.memory_space<vmem>> -> memref<128x32xf32, #tpu.memory_space<vmem>>
    %dma_start3A_169 = arith.constant 0 : i32
    %dma_start3A_170 = tpu.memref_slice %arg6[%dma_start3A_165, %dma_start3A_169] : memref<40x128xi32, #tpu.memory_space<vmem>> -> memref<1x128xi32, #tpu.memory_space<vmem>>
    %dma_start3A_171 = tpu.memref_squeeze %dma_start3A_170 : memref<1x128xi32, #tpu.memory_space<vmem>> -> memref<128xi32, #tpu.memory_space<vmem>>
    %dma_start3A_172 = arith.constant 0 : i32
    %dma_start3A_173 = arith.constant 0 : i32
    %dma_start3A_174 = tpu.memref_slice %arg8[%dma_start3A_172, %dma_start3A_173] : memref<10016x32xf32, #tpu.memory_space<vmem_shared>> -> memref<10016x32xf32, #tpu.memory_space<vmem_shared>>
    tpu.enqueue_indirect_dma source(%dma_start3A_168 : memref<128x32xf32, #tpu.memory_space<vmem>>) target(%dma_start3A_174 : memref<10016x32xf32, #tpu.memory_space<vmem_shared>>) offsets(%dma_start3A_171 : memref<128xi32, #tpu.memory_space<vmem>>) semaphore(%arg9 : memref<!tpu.dma_semaphore, #tpu.memory_space<semaphore_mem>>) {add = true}
    %dma_start3A_175 = arith.constant 16 : i32
    %dma_start3A_176 = arith.constant 2048 : i32
    %dma_start3A_177 = arith.constant 0 : i32
    %dma_start3A_178 = tpu.memref_slice %arg7[%dma_start3A_176, %dma_start3A_177] : memref<2560x32xf32, #tpu.memory_space<vmem>> -> memref<128x32xf32, #tpu.memory_space<vmem>>
    %dma_start3A_179 = arith.constant 0 : i32
    %dma_start3A_180 = tpu.memref_slice %arg6[%dma_start3A_175, %dma_start3A_179] : memref<40x128xi32, #tpu.memory_space<vmem>> -> memref<1x128xi32, #tpu.memory_space<vmem>>
    %dma_start3A_181 = tpu.memref_squeeze %dma_start3A_180 : memref<1x128xi32, #tpu.memory_space<vmem>> -> memref<128xi32, #tpu.memory_space<vmem>>
    %dma_start3A_182 = arith.constant 0 : i32
    %dma_start3A_183 = arith.constant 0 : i32
    %dma_start3A_184 = tpu.memref_slice %arg8[%dma_start3A_182, %dma_start3A_183] : memref<10016x32xf32, #tpu.memory_space<vmem_shared>> -> memref<10016x32xf32, #tpu.memory_space<vmem_shared>>
    tpu.enqueue_indirect_dma source(%dma_start3A_178 : memref<128x32xf32, #tpu.memory_space<vmem>>) target(%dma_start3A_184 : memref<10016x32xf32, #tpu.memory_space<vmem_shared>>) offsets(%dma_start3A_181 : memref<128xi32, #tpu.memory_space<vmem>>) semaphore(%arg9 : memref<!tpu.dma_semaphore, #tpu.memory_space<semaphore_mem>>) {add = true}
    %dma_start3A_185 = arith.constant 17 : i32
    %dma_start3A_186 = arith.constant 2176 : i32
    %dma_start3A_187 = arith.constant 0 : i32
    %dma_start3A_188 = tpu.memref_slice %arg7[%dma_start3A_186, %dma_start3A_187] : memref<2560x32xf32, #tpu.memory_space<vmem>> -> memref<128x32xf32, #tpu.memory_space<vmem>>
    %dma_start3A_189 = arith.constant 0 : i32
    %dma_start3A_190 = tpu.memref_slice %arg6[%dma_start3A_185, %dma_start3A_189] : memref<40x128xi32, #tpu.memory_space<vmem>> -> memref<1x128xi32, #tpu.memory_space<vmem>>
    %dma_start3A_191 = tpu.memref_squeeze %dma_start3A_190 : memref<1x128xi32, #tpu.memory_space<vmem>> -> memref<128xi32, #tpu.memory_space<vmem>>
    %dma_start3A_192 = arith.constant 0 : i32
    %dma_start3A_193 = arith.constant 0 : i32
    %dma_start3A_194 = tpu.memref_slice %arg8[%dma_start3A_192, %dma_start3A_193] : memref<10016x32xf32, #tpu.memory_space<vmem_shared>> -> memref<10016x32xf32, #tpu.memory_space<vmem_shared>>
    tpu.enqueue_indirect_dma source(%dma_start3A_188 : memref<128x32xf32, #tpu.memory_space<vmem>>) target(%dma_start3A_194 : memref<10016x32xf32, #tpu.memory_space<vmem_shared>>) offsets(%dma_start3A_191 : memref<128xi32, #tpu.memory_space<vmem>>) semaphore(%arg9 : memref<!tpu.dma_semaphore, #tpu.memory_space<semaphore_mem>>) {add = true}
    %dma_start3A_195 = arith.constant 18 : i32
    %dma_start3A_196 = arith.constant 2304 : i32
    %dma_start3A_197 = arith.constant 0 : i32
    %dma_start3A_198 = tpu.memref_slice %arg7[%dma_start3A_196, %dma_start3A_197] : memref<2560x32xf32, #tpu.memory_space<vmem>> -> memref<128x32xf32, #tpu.memory_space<vmem>>
    %dma_start3A_199 = arith.constant 0 : i32
    %dma_start3A_200 = tpu.memref_slice %arg6[%dma_start3A_195, %dma_start3A_199] : memref<40x128xi32, #tpu.memory_space<vmem>> -> memref<1x128xi32, #tpu.memory_space<vmem>>
    %dma_start3A_201 = tpu.memref_squeeze %dma_start3A_200 : memref<1x128xi32, #tpu.memory_space<vmem>> -> memref<128xi32, #tpu.memory_space<vmem>>
    %dma_start3A_202 = arith.constant 0 : i32
    %dma_start3A_203 = arith.constant 0 : i32
    %dma_start3A_204 = tpu.memref_slice %arg8[%dma_start3A_202, %dma_start3A_203] : memref<10016x32xf32, #tpu.memory_space<vmem_shared>> -> memref<10016x32xf32, #tpu.memory_space<vmem_shared>>
    tpu.enqueue_indirect_dma source(%dma_start3A_198 : memref<128x32xf32, #tpu.memory_space<vmem>>) target(%dma_start3A_204 : memref<10016x32xf32, #tpu.memory_space<vmem_shared>>) offsets(%dma_start3A_201 : memref<128xi32, #tpu.memory_space<vmem>>) semaphore(%arg9 : memref<!tpu.dma_semaphore, #tpu.memory_space<semaphore_mem>>) {add = true}
    %dma_start3A_205 = arith.constant 19 : i32
    %dma_start3A_206 = arith.constant 2432 : i32
    %dma_start3A_207 = arith.constant 0 : i32
    %dma_start3A_208 = tpu.memref_slice %arg7[%dma_start3A_206, %dma_start3A_207] : memref<2560x32xf32, #tpu.memory_space<vmem>> -> memref<128x32xf32, #tpu.memory_space<vmem>>
    %dma_start3A_209 = arith.constant 0 : i32
    %dma_start3A_210 = tpu.memref_slice %arg6[%dma_start3A_205, %dma_start3A_209] : memref<40x128xi32, #tpu.memory_space<vmem>> -> memref<1x128xi32, #tpu.memory_space<vmem>>
    %dma_start3A_211 = tpu.memref_squeeze %dma_start3A_210 : memref<1x128xi32, #tpu.memory_space<vmem>> -> memref<128xi32, #tpu.memory_space<vmem>>
    %dma_start3A_212 = arith.constant 0 : i32
    %dma_start3A_213 = arith.constant 0 : i32
    %dma_start3A_214 = tpu.memref_slice %arg8[%dma_start3A_212, %dma_start3A_213] : memref<10016x32xf32, #tpu.memory_space<vmem_shared>> -> memref<10016x32xf32, #tpu.memory_space<vmem_shared>>
    tpu.enqueue_indirect_dma source(%dma_start3A_208 : memref<128x32xf32, #tpu.memory_space<vmem>>) target(%dma_start3A_214 : memref<10016x32xf32, #tpu.memory_space<vmem_shared>>) offsets(%dma_start3A_211 : memref<128xi32, #tpu.memory_space<vmem>>) semaphore(%arg9 : memref<!tpu.dma_semaphore, #tpu.memory_space<semaphore_mem>>) {add = true}
    %dma_wait3A_215 = arith.constant 0 : i32
    %dma_wait3A_216 = arith.constant 0 : i32
    %dma_wait3A_217 = arith.constant 0 : i32
    %dma_wait3A_218 = tpu.memref_slice %arg7[%dma_wait3A_216, %dma_wait3A_217] : memref<2560x32xf32, #tpu.memory_space<vmem>> -> memref<128x32xf32, #tpu.memory_space<vmem>>
    %dma_wait3A_219 = arith.constant 0 : i32
    %dma_wait3A_220 = tpu.memref_slice %arg6[%dma_wait3A_215, %dma_wait3A_219] : memref<40x128xi32, #tpu.memory_space<vmem>> -> memref<1x128xi32, #tpu.memory_space<vmem>>
    %dma_wait3A_221 = tpu.memref_squeeze %dma_wait3A_220 : memref<1x128xi32, #tpu.memory_space<vmem>> -> memref<128xi32, #tpu.memory_space<vmem>>
    %dma_wait3A_222 = arith.constant 0 : i32
    %dma_wait3A_223 = arith.constant 0 : i32
    %dma_wait3A_224 = tpu.memref_slice %arg8[%dma_wait3A_222, %dma_wait3A_223] : memref<10016x32xf32, #tpu.memory_space<vmem_shared>> -> memref<10016x32xf32, #tpu.memory_space<vmem_shared>>
    tpu.wait_indirect_dma semaphore(%arg9 : memref<!tpu.dma_semaphore, #tpu.memory_space<semaphore_mem>>) src(%dma_wait3A_218 : memref<128x32xf32, #tpu.memory_space<vmem>>) dst(%dma_wait3A_224 : memref<10016x32xf32, #tpu.memory_space<vmem_shared>>)
    %dma_wait3A_225 = arith.constant 1 : i32
    %dma_wait3A_226 = arith.constant 128 : i32
    %dma_wait3A_227 = arith.constant 0 : i32
    %dma_wait3A_228 = tpu.memref_slice %arg7[%dma_wait3A_226, %dma_wait3A_227] : memref<2560x32xf32, #tpu.memory_space<vmem>> -> memref<128x32xf32, #tpu.memory_space<vmem>>
    %dma_wait3A_229 = arith.constant 0 : i32
    %dma_wait3A_230 = tpu.memref_slice %arg6[%dma_wait3A_225, %dma_wait3A_229] : memref<40x128xi32, #tpu.memory_space<vmem>> -> memref<1x128xi32, #tpu.memory_space<vmem>>
    %dma_wait3A_231 = tpu.memref_squeeze %dma_wait3A_230 : memref<1x128xi32, #tpu.memory_space<vmem>> -> memref<128xi32, #tpu.memory_space<vmem>>
    %dma_wait3A_232 = arith.constant 0 : i32
    %dma_wait3A_233 = arith.constant 0 : i32
    %dma_wait3A_234 = tpu.memref_slice %arg8[%dma_wait3A_232, %dma_wait3A_233] : memref<10016x32xf32, #tpu.memory_space<vmem_shared>> -> memref<10016x32xf32, #tpu.memory_space<vmem_shared>>
    tpu.wait_indirect_dma semaphore(%arg9 : memref<!tpu.dma_semaphore, #tpu.memory_space<semaphore_mem>>) src(%dma_wait3A_228 : memref<128x32xf32, #tpu.memory_space<vmem>>) dst(%dma_wait3A_234 : memref<10016x32xf32, #tpu.memory_space<vmem_shared>>)
    %dma_wait3A_235 = arith.constant 2 : i32
    %dma_wait3A_236 = arith.constant 256 : i32
    %dma_wait3A_237 = arith.constant 0 : i32
    %dma_wait3A_238 = tpu.memref_slice %arg7[%dma_wait3A_236, %dma_wait3A_237] : memref<2560x32xf32, #tpu.memory_space<vmem>> -> memref<128x32xf32, #tpu.memory_space<vmem>>
    %dma_wait3A_239 = arith.constant 0 : i32
    %dma_wait3A_240 = tpu.memref_slice %arg6[%dma_wait3A_235, %dma_wait3A_239] : memref<40x128xi32, #tpu.memory_space<vmem>> -> memref<1x128xi32, #tpu.memory_space<vmem>>
    %dma_wait3A_241 = tpu.memref_squeeze %dma_wait3A_240 : memref<1x128xi32, #tpu.memory_space<vmem>> -> memref<128xi32, #tpu.memory_space<vmem>>
    %dma_wait3A_242 = arith.constant 0 : i32
    %dma_wait3A_243 = arith.constant 0 : i32
    %dma_wait3A_244 = tpu.memref_slice %arg8[%dma_wait3A_242, %dma_wait3A_243] : memref<10016x32xf32, #tpu.memory_space<vmem_shared>> -> memref<10016x32xf32, #tpu.memory_space<vmem_shared>>
    tpu.wait_indirect_dma semaphore(%arg9 : memref<!tpu.dma_semaphore, #tpu.memory_space<semaphore_mem>>) src(%dma_wait3A_238 : memref<128x32xf32, #tpu.memory_space<vmem>>) dst(%dma_wait3A_244 : memref<10016x32xf32, #tpu.memory_space<vmem_shared>>)
    %dma_wait3A_245 = arith.constant 3 : i32
    %dma_wait3A_246 = arith.constant 384 : i32
    %dma_wait3A_247 = arith.constant 0 : i32
    %dma_wait3A_248 = tpu.memref_slice %arg7[%dma_wait3A_246, %dma_wait3A_247] : memref<2560x32xf32, #tpu.memory_space<vmem>> -> memref<128x32xf32, #tpu.memory_space<vmem>>
    %dma_wait3A_249 = arith.constant 0 : i32
    %dma_wait3A_250 = tpu.memref_slice %arg6[%dma_wait3A_245, %dma_wait3A_249] : memref<40x128xi32, #tpu.memory_space<vmem>> -> memref<1x128xi32, #tpu.memory_space<vmem>>
    %dma_wait3A_251 = tpu.memref_squeeze %dma_wait3A_250 : memref<1x128xi32, #tpu.memory_space<vmem>> -> memref<128xi32, #tpu.memory_space<vmem>>
    %dma_wait3A_252 = arith.constant 0 : i32
    %dma_wait3A_253 = arith.constant 0 : i32
    %dma_wait3A_254 = tpu.memref_slice %arg8[%dma_wait3A_252, %dma_wait3A_253] : memref<10016x32xf32, #tpu.memory_space<vmem_shared>> -> memref<10016x32xf32, #tpu.memory_space<vmem_shared>>
    tpu.wait_indirect_dma semaphore(%arg9 : memref<!tpu.dma_semaphore, #tpu.memory_space<semaphore_mem>>) src(%dma_wait3A_248 : memref<128x32xf32, #tpu.memory_space<vmem>>) dst(%dma_wait3A_254 : memref<10016x32xf32, #tpu.memory_space<vmem_shared>>)
    %dma_wait3A_255 = arith.constant 4 : i32
    %dma_wait3A_256 = arith.constant 512 : i32
    %dma_wait3A_257 = arith.constant 0 : i32
    %dma_wait3A_258 = tpu.memref_slice %arg7[%dma_wait3A_256, %dma_wait3A_257] : memref<2560x32xf32, #tpu.memory_space<vmem>> -> memref<128x32xf32, #tpu.memory_space<vmem>>
    %dma_wait3A_259 = arith.constant 0 : i32
    %dma_wait3A_260 = tpu.memref_slice %arg6[%dma_wait3A_255, %dma_wait3A_259] : memref<40x128xi32, #tpu.memory_space<vmem>> -> memref<1x128xi32, #tpu.memory_space<vmem>>
    %dma_wait3A_261 = tpu.memref_squeeze %dma_wait3A_260 : memref<1x128xi32, #tpu.memory_space<vmem>> -> memref<128xi32, #tpu.memory_space<vmem>>
    %dma_wait3A_262 = arith.constant 0 : i32
    %dma_wait3A_263 = arith.constant 0 : i32
    %dma_wait3A_264 = tpu.memref_slice %arg8[%dma_wait3A_262, %dma_wait3A_263] : memref<10016x32xf32, #tpu.memory_space<vmem_shared>> -> memref<10016x32xf32, #tpu.memory_space<vmem_shared>>
    tpu.wait_indirect_dma semaphore(%arg9 : memref<!tpu.dma_semaphore, #tpu.memory_space<semaphore_mem>>) src(%dma_wait3A_258 : memref<128x32xf32, #tpu.memory_space<vmem>>) dst(%dma_wait3A_264 : memref<10016x32xf32, #tpu.memory_space<vmem_shared>>)
    %dma_wait3A_265 = arith.constant 5 : i32
    %dma_wait3A_266 = arith.constant 640 : i32
    %dma_wait3A_267 = arith.constant 0 : i32
    %dma_wait3A_268 = tpu.memref_slice %arg7[%dma_wait3A_266, %dma_wait3A_267] : memref<2560x32xf32, #tpu.memory_space<vmem>> -> memref<128x32xf32, #tpu.memory_space<vmem>>
    %dma_wait3A_269 = arith.constant 0 : i32
    %dma_wait3A_270 = tpu.memref_slice %arg6[%dma_wait3A_265, %dma_wait3A_269] : memref<40x128xi32, #tpu.memory_space<vmem>> -> memref<1x128xi32, #tpu.memory_space<vmem>>
    %dma_wait3A_271 = tpu.memref_squeeze %dma_wait3A_270 : memref<1x128xi32, #tpu.memory_space<vmem>> -> memref<128xi32, #tpu.memory_space<vmem>>
    %dma_wait3A_272 = arith.constant 0 : i32
    %dma_wait3A_273 = arith.constant 0 : i32
    %dma_wait3A_274 = tpu.memref_slice %arg8[%dma_wait3A_272, %dma_wait3A_273] : memref<10016x32xf32, #tpu.memory_space<vmem_shared>> -> memref<10016x32xf32, #tpu.memory_space<vmem_shared>>
    tpu.wait_indirect_dma semaphore(%arg9 : memref<!tpu.dma_semaphore, #tpu.memory_space<semaphore_mem>>) src(%dma_wait3A_268 : memref<128x32xf32, #tpu.memory_space<vmem>>) dst(%dma_wait3A_274 : memref<10016x32xf32, #tpu.memory_space<vmem_shared>>)
    %dma_wait3A_275 = arith.constant 6 : i32
    %dma_wait3A_276 = arith.constant 768 : i32
    %dma_wait3A_277 = arith.constant 0 : i32
    %dma_wait3A_278 = tpu.memref_slice %arg7[%dma_wait3A_276, %dma_wait3A_277] : memref<2560x32xf32, #tpu.memory_space<vmem>> -> memref<128x32xf32, #tpu.memory_space<vmem>>
    %dma_wait3A_279 = arith.constant 0 : i32
    %dma_wait3A_280 = tpu.memref_slice %arg6[%dma_wait3A_275, %dma_wait3A_279] : memref<40x128xi32, #tpu.memory_space<vmem>> -> memref<1x128xi32, #tpu.memory_space<vmem>>
    %dma_wait3A_281 = tpu.memref_squeeze %dma_wait3A_280 : memref<1x128xi32, #tpu.memory_space<vmem>> -> memref<128xi32, #tpu.memory_space<vmem>>
    %dma_wait3A_282 = arith.constant 0 : i32
    %dma_wait3A_283 = arith.constant 0 : i32
    %dma_wait3A_284 = tpu.memref_slice %arg8[%dma_wait3A_282, %dma_wait3A_283] : memref<10016x32xf32, #tpu.memory_space<vmem_shared>> -> memref<10016x32xf32, #tpu.memory_space<vmem_shared>>
    tpu.wait_indirect_dma semaphore(%arg9 : memref<!tpu.dma_semaphore, #tpu.memory_space<semaphore_mem>>) src(%dma_wait3A_278 : memref<128x32xf32, #tpu.memory_space<vmem>>) dst(%dma_wait3A_284 : memref<10016x32xf32, #tpu.memory_space<vmem_shared>>)
    %dma_wait3A_285 = arith.constant 7 : i32
    %dma_wait3A_286 = arith.constant 896 : i32
    %dma_wait3A_287 = arith.constant 0 : i32
    %dma_wait3A_288 = tpu.memref_slice %arg7[%dma_wait3A_286, %dma_wait3A_287] : memref<2560x32xf32, #tpu.memory_space<vmem>> -> memref<128x32xf32, #tpu.memory_space<vmem>>
    %dma_wait3A_289 = arith.constant 0 : i32
    %dma_wait3A_290 = tpu.memref_slice %arg6[%dma_wait3A_285, %dma_wait3A_289] : memref<40x128xi32, #tpu.memory_space<vmem>> -> memref<1x128xi32, #tpu.memory_space<vmem>>
    %dma_wait3A_291 = tpu.memref_squeeze %dma_wait3A_290 : memref<1x128xi32, #tpu.memory_space<vmem>> -> memref<128xi32, #tpu.memory_space<vmem>>
    %dma_wait3A_292 = arith.constant 0 : i32
    %dma_wait3A_293 = arith.constant 0 : i32
    %dma_wait3A_294 = tpu.memref_slice %arg8[%dma_wait3A_292, %dma_wait3A_293] : memref<10016x32xf32, #tpu.memory_space<vmem_shared>> -> memref<10016x32xf32, #tpu.memory_space<vmem_shared>>
    tpu.wait_indirect_dma semaphore(%arg9 : memref<!tpu.dma_semaphore, #tpu.memory_space<semaphore_mem>>) src(%dma_wait3A_288 : memref<128x32xf32, #tpu.memory_space<vmem>>) dst(%dma_wait3A_294 : memref<10016x32xf32, #tpu.memory_space<vmem_shared>>)
    %dma_wait3A_295 = arith.constant 8 : i32
    %dma_wait3A_296 = arith.constant 1024 : i32
    %dma_wait3A_297 = arith.constant 0 : i32
    %dma_wait3A_298 = tpu.memref_slice %arg7[%dma_wait3A_296, %dma_wait3A_297] : memref<2560x32xf32, #tpu.memory_space<vmem>> -> memref<128x32xf32, #tpu.memory_space<vmem>>
    %dma_wait3A_299 = arith.constant 0 : i32
    %dma_wait3A_300 = tpu.memref_slice %arg6[%dma_wait3A_295, %dma_wait3A_299] : memref<40x128xi32, #tpu.memory_space<vmem>> -> memref<1x128xi32, #tpu.memory_space<vmem>>
    %dma_wait3A_301 = tpu.memref_squeeze %dma_wait3A_300 : memref<1x128xi32, #tpu.memory_space<vmem>> -> memref<128xi32, #tpu.memory_space<vmem>>
    %dma_wait3A_302 = arith.constant 0 : i32
    %dma_wait3A_303 = arith.constant 0 : i32
    %dma_wait3A_304 = tpu.memref_slice %arg8[%dma_wait3A_302, %dma_wait3A_303] : memref<10016x32xf32, #tpu.memory_space<vmem_shared>> -> memref<10016x32xf32, #tpu.memory_space<vmem_shared>>
    tpu.wait_indirect_dma semaphore(%arg9 : memref<!tpu.dma_semaphore, #tpu.memory_space<semaphore_mem>>) src(%dma_wait3A_298 : memref<128x32xf32, #tpu.memory_space<vmem>>) dst(%dma_wait3A_304 : memref<10016x32xf32, #tpu.memory_space<vmem_shared>>)
    %dma_wait3A_305 = arith.constant 9 : i32
    %dma_wait3A_306 = arith.constant 1152 : i32
    %dma_wait3A_307 = arith.constant 0 : i32
    %dma_wait3A_308 = tpu.memref_slice %arg7[%dma_wait3A_306, %dma_wait3A_307] : memref<2560x32xf32, #tpu.memory_space<vmem>> -> memref<128x32xf32, #tpu.memory_space<vmem>>
    %dma_wait3A_309 = arith.constant 0 : i32
    %dma_wait3A_310 = tpu.memref_slice %arg6[%dma_wait3A_305, %dma_wait3A_309] : memref<40x128xi32, #tpu.memory_space<vmem>> -> memref<1x128xi32, #tpu.memory_space<vmem>>
    %dma_wait3A_311 = tpu.memref_squeeze %dma_wait3A_310 : memref<1x128xi32, #tpu.memory_space<vmem>> -> memref<128xi32, #tpu.memory_space<vmem>>
    %dma_wait3A_312 = arith.constant 0 : i32
    %dma_wait3A_313 = arith.constant 0 : i32
    %dma_wait3A_314 = tpu.memref_slice %arg8[%dma_wait3A_312, %dma_wait3A_313] : memref<10016x32xf32, #tpu.memory_space<vmem_shared>> -> memref<10016x32xf32, #tpu.memory_space<vmem_shared>>
    tpu.wait_indirect_dma semaphore(%arg9 : memref<!tpu.dma_semaphore, #tpu.memory_space<semaphore_mem>>) src(%dma_wait3A_308 : memref<128x32xf32, #tpu.memory_space<vmem>>) dst(%dma_wait3A_314 : memref<10016x32xf32, #tpu.memory_space<vmem_shared>>)
    %dma_wait3A_315 = arith.constant 10 : i32
    %dma_wait3A_316 = arith.constant 1280 : i32
    %dma_wait3A_317 = arith.constant 0 : i32
    %dma_wait3A_318 = tpu.memref_slice %arg7[%dma_wait3A_316, %dma_wait3A_317] : memref<2560x32xf32, #tpu.memory_space<vmem>> -> memref<128x32xf32, #tpu.memory_space<vmem>>
    %dma_wait3A_319 = arith.constant 0 : i32
    %dma_wait3A_320 = tpu.memref_slice %arg6[%dma_wait3A_315, %dma_wait3A_319] : memref<40x128xi32, #tpu.memory_space<vmem>> -> memref<1x128xi32, #tpu.memory_space<vmem>>
    %dma_wait3A_321 = tpu.memref_squeeze %dma_wait3A_320 : memref<1x128xi32, #tpu.memory_space<vmem>> -> memref<128xi32, #tpu.memory_space<vmem>>
    %dma_wait3A_322 = arith.constant 0 : i32
    %dma_wait3A_323 = arith.constant 0 : i32
    %dma_wait3A_324 = tpu.memref_slice %arg8[%dma_wait3A_322, %dma_wait3A_323] : memref<10016x32xf32, #tpu.memory_space<vmem_shared>> -> memref<10016x32xf32, #tpu.memory_space<vmem_shared>>
    tpu.wait_indirect_dma semaphore(%arg9 : memref<!tpu.dma_semaphore, #tpu.memory_space<semaphore_mem>>) src(%dma_wait3A_318 : memref<128x32xf32, #tpu.memory_space<vmem>>) dst(%dma_wait3A_324 : memref<10016x32xf32, #tpu.memory_space<vmem_shared>>)
    %dma_wait3A_325 = arith.constant 11 : i32
    %dma_wait3A_326 = arith.constant 1408 : i32
    %dma_wait3A_327 = arith.constant 0 : i32
    %dma_wait3A_328 = tpu.memref_slice %arg7[%dma_wait3A_326, %dma_wait3A_327] : memref<2560x32xf32, #tpu.memory_space<vmem>> -> memref<128x32xf32, #tpu.memory_space<vmem>>
    %dma_wait3A_329 = arith.constant 0 : i32
    %dma_wait3A_330 = tpu.memref_slice %arg6[%dma_wait3A_325, %dma_wait3A_329] : memref<40x128xi32, #tpu.memory_space<vmem>> -> memref<1x128xi32, #tpu.memory_space<vmem>>
    %dma_wait3A_331 = tpu.memref_squeeze %dma_wait3A_330 : memref<1x128xi32, #tpu.memory_space<vmem>> -> memref<128xi32, #tpu.memory_space<vmem>>
    %dma_wait3A_332 = arith.constant 0 : i32
    %dma_wait3A_333 = arith.constant 0 : i32
    %dma_wait3A_334 = tpu.memref_slice %arg8[%dma_wait3A_332, %dma_wait3A_333] : memref<10016x32xf32, #tpu.memory_space<vmem_shared>> -> memref<10016x32xf32, #tpu.memory_space<vmem_shared>>
    tpu.wait_indirect_dma semaphore(%arg9 : memref<!tpu.dma_semaphore, #tpu.memory_space<semaphore_mem>>) src(%dma_wait3A_328 : memref<128x32xf32, #tpu.memory_space<vmem>>) dst(%dma_wait3A_334 : memref<10016x32xf32, #tpu.memory_space<vmem_shared>>)
    %dma_wait3A_335 = arith.constant 12 : i32
    %dma_wait3A_336 = arith.constant 1536 : i32
    %dma_wait3A_337 = arith.constant 0 : i32
    %dma_wait3A_338 = tpu.memref_slice %arg7[%dma_wait3A_336, %dma_wait3A_337] : memref<2560x32xf32, #tpu.memory_space<vmem>> -> memref<128x32xf32, #tpu.memory_space<vmem>>
    %dma_wait3A_339 = arith.constant 0 : i32
    %dma_wait3A_340 = tpu.memref_slice %arg6[%dma_wait3A_335, %dma_wait3A_339] : memref<40x128xi32, #tpu.memory_space<vmem>> -> memref<1x128xi32, #tpu.memory_space<vmem>>
    %dma_wait3A_341 = tpu.memref_squeeze %dma_wait3A_340 : memref<1x128xi32, #tpu.memory_space<vmem>> -> memref<128xi32, #tpu.memory_space<vmem>>
    %dma_wait3A_342 = arith.constant 0 : i32
    %dma_wait3A_343 = arith.constant 0 : i32
    %dma_wait3A_344 = tpu.memref_slice %arg8[%dma_wait3A_342, %dma_wait3A_343] : memref<10016x32xf32, #tpu.memory_space<vmem_shared>> -> memref<10016x32xf32, #tpu.memory_space<vmem_shared>>
    tpu.wait_indirect_dma semaphore(%arg9 : memref<!tpu.dma_semaphore, #tpu.memory_space<semaphore_mem>>) src(%dma_wait3A_338 : memref<128x32xf32, #tpu.memory_space<vmem>>) dst(%dma_wait3A_344 : memref<10016x32xf32, #tpu.memory_space<vmem_shared>>)
    %dma_wait3A_345 = arith.constant 13 : i32
    %dma_wait3A_346 = arith.constant 1664 : i32
    %dma_wait3A_347 = arith.constant 0 : i32
    %dma_wait3A_348 = tpu.memref_slice %arg7[%dma_wait3A_346, %dma_wait3A_347] : memref<2560x32xf32, #tpu.memory_space<vmem>> -> memref<128x32xf32, #tpu.memory_space<vmem>>
    %dma_wait3A_349 = arith.constant 0 : i32
    %dma_wait3A_350 = tpu.memref_slice %arg6[%dma_wait3A_345, %dma_wait3A_349] : memref<40x128xi32, #tpu.memory_space<vmem>> -> memref<1x128xi32, #tpu.memory_space<vmem>>
    %dma_wait3A_351 = tpu.memref_squeeze %dma_wait3A_350 : memref<1x128xi32, #tpu.memory_space<vmem>> -> memref<128xi32, #tpu.memory_space<vmem>>
    %dma_wait3A_352 = arith.constant 0 : i32
    %dma_wait3A_353 = arith.constant 0 : i32
    %dma_wait3A_354 = tpu.memref_slice %arg8[%dma_wait3A_352, %dma_wait3A_353] : memref<10016x32xf32, #tpu.memory_space<vmem_shared>> -> memref<10016x32xf32, #tpu.memory_space<vmem_shared>>
    tpu.wait_indirect_dma semaphore(%arg9 : memref<!tpu.dma_semaphore, #tpu.memory_space<semaphore_mem>>) src(%dma_wait3A_348 : memref<128x32xf32, #tpu.memory_space<vmem>>) dst(%dma_wait3A_354 : memref<10016x32xf32, #tpu.memory_space<vmem_shared>>)
    %dma_wait3A_355 = arith.constant 14 : i32
    %dma_wait3A_356 = arith.constant 1792 : i32
    %dma_wait3A_357 = arith.constant 0 : i32
    %dma_wait3A_358 = tpu.memref_slice %arg7[%dma_wait3A_356, %dma_wait3A_357] : memref<2560x32xf32, #tpu.memory_space<vmem>> -> memref<128x32xf32, #tpu.memory_space<vmem>>
    %dma_wait3A_359 = arith.constant 0 : i32
    %dma_wait3A_360 = tpu.memref_slice %arg6[%dma_wait3A_355, %dma_wait3A_359] : memref<40x128xi32, #tpu.memory_space<vmem>> -> memref<1x128xi32, #tpu.memory_space<vmem>>
    %dma_wait3A_361 = tpu.memref_squeeze %dma_wait3A_360 : memref<1x128xi32, #tpu.memory_space<vmem>> -> memref<128xi32, #tpu.memory_space<vmem>>
    %dma_wait3A_362 = arith.constant 0 : i32
    %dma_wait3A_363 = arith.constant 0 : i32
    %dma_wait3A_364 = tpu.memref_slice %arg8[%dma_wait3A_362, %dma_wait3A_363] : memref<10016x32xf32, #tpu.memory_space<vmem_shared>> -> memref<10016x32xf32, #tpu.memory_space<vmem_shared>>
    tpu.wait_indirect_dma semaphore(%arg9 : memref<!tpu.dma_semaphore, #tpu.memory_space<semaphore_mem>>) src(%dma_wait3A_358 : memref<128x32xf32, #tpu.memory_space<vmem>>) dst(%dma_wait3A_364 : memref<10016x32xf32, #tpu.memory_space<vmem_shared>>)
    %dma_wait3A_365 = arith.constant 15 : i32
    %dma_wait3A_366 = arith.constant 1920 : i32
    %dma_wait3A_367 = arith.constant 0 : i32
    %dma_wait3A_368 = tpu.memref_slice %arg7[%dma_wait3A_366, %dma_wait3A_367] : memref<2560x32xf32, #tpu.memory_space<vmem>> -> memref<128x32xf32, #tpu.memory_space<vmem>>
    %dma_wait3A_369 = arith.constant 0 : i32
    %dma_wait3A_370 = tpu.memref_slice %arg6[%dma_wait3A_365, %dma_wait3A_369] : memref<40x128xi32, #tpu.memory_space<vmem>> -> memref<1x128xi32, #tpu.memory_space<vmem>>
    %dma_wait3A_371 = tpu.memref_squeeze %dma_wait3A_370 : memref<1x128xi32, #tpu.memory_space<vmem>> -> memref<128xi32, #tpu.memory_space<vmem>>
    %dma_wait3A_372 = arith.constant 0 : i32
    %dma_wait3A_373 = arith.constant 0 : i32
    %dma_wait3A_374 = tpu.memref_slice %arg8[%dma_wait3A_372, %dma_wait3A_373] : memref<10016x32xf32, #tpu.memory_space<vmem_shared>> -> memref<10016x32xf32, #tpu.memory_space<vmem_shared>>
    tpu.wait_indirect_dma semaphore(%arg9 : memref<!tpu.dma_semaphore, #tpu.memory_space<semaphore_mem>>) src(%dma_wait3A_368 : memref<128x32xf32, #tpu.memory_space<vmem>>) dst(%dma_wait3A_374 : memref<10016x32xf32, #tpu.memory_space<vmem_shared>>)
    %dma_wait3A_375 = arith.constant 16 : i32
    %dma_wait3A_376 = arith.constant 2048 : i32
    %dma_wait3A_377 = arith.constant 0 : i32
    %dma_wait3A_378 = tpu.memref_slice %arg7[%dma_wait3A_376, %dma_wait3A_377] : memref<2560x32xf32, #tpu.memory_space<vmem>> -> memref<128x32xf32, #tpu.memory_space<vmem>>
    %dma_wait3A_379 = arith.constant 0 : i32
    %dma_wait3A_380 = tpu.memref_slice %arg6[%dma_wait3A_375, %dma_wait3A_379] : memref<40x128xi32, #tpu.memory_space<vmem>> -> memref<1x128xi32, #tpu.memory_space<vmem>>
    %dma_wait3A_381 = tpu.memref_squeeze %dma_wait3A_380 : memref<1x128xi32, #tpu.memory_space<vmem>> -> memref<128xi32, #tpu.memory_space<vmem>>
    %dma_wait3A_382 = arith.constant 0 : i32
    %dma_wait3A_383 = arith.constant 0 : i32
    %dma_wait3A_384 = tpu.memref_slice %arg8[%dma_wait3A_382, %dma_wait3A_383] : memref<10016x32xf32, #tpu.memory_space<vmem_shared>> -> memref<10016x32xf32, #tpu.memory_space<vmem_shared>>
    tpu.wait_indirect_dma semaphore(%arg9 : memref<!tpu.dma_semaphore, #tpu.memory_space<semaphore_mem>>) src(%dma_wait3A_378 : memref<128x32xf32, #tpu.memory_space<vmem>>) dst(%dma_wait3A_384 : memref<10016x32xf32, #tpu.memory_space<vmem_shared>>)
    %dma_wait3A_385 = arith.constant 17 : i32
    %dma_wait3A_386 = arith.constant 2176 : i32
    %dma_wait3A_387 = arith.constant 0 : i32
    %dma_wait3A_388 = tpu.memref_slice %arg7[%dma_wait3A_386, %dma_wait3A_387] : memref<2560x32xf32, #tpu.memory_space<vmem>> -> memref<128x32xf32, #tpu.memory_space<vmem>>
    %dma_wait3A_389 = arith.constant 0 : i32
    %dma_wait3A_390 = tpu.memref_slice %arg6[%dma_wait3A_385, %dma_wait3A_389] : memref<40x128xi32, #tpu.memory_space<vmem>> -> memref<1x128xi32, #tpu.memory_space<vmem>>
    %dma_wait3A_391 = tpu.memref_squeeze %dma_wait3A_390 : memref<1x128xi32, #tpu.memory_space<vmem>> -> memref<128xi32, #tpu.memory_space<vmem>>
    %dma_wait3A_392 = arith.constant 0 : i32
    %dma_wait3A_393 = arith.constant 0 : i32
    %dma_wait3A_394 = tpu.memref_slice %arg8[%dma_wait3A_392, %dma_wait3A_393] : memref<10016x32xf32, #tpu.memory_space<vmem_shared>> -> memref<10016x32xf32, #tpu.memory_space<vmem_shared>>
    tpu.wait_indirect_dma semaphore(%arg9 : memref<!tpu.dma_semaphore, #tpu.memory_space<semaphore_mem>>) src(%dma_wait3A_388 : memref<128x32xf32, #tpu.memory_space<vmem>>) dst(%dma_wait3A_394 : memref<10016x32xf32, #tpu.memory_space<vmem_shared>>)
    %dma_wait3A_395 = arith.constant 18 : i32
    %dma_wait3A_396 = arith.constant 2304 : i32
    %dma_wait3A_397 = arith.constant 0 : i32
    %dma_wait3A_398 = tpu.memref_slice %arg7[%dma_wait3A_396, %dma_wait3A_397] : memref<2560x32xf32, #tpu.memory_space<vmem>> -> memref<128x32xf32, #tpu.memory_space<vmem>>
    %dma_wait3A_399 = arith.constant 0 : i32
    %dma_wait3A_400 = tpu.memref_slice %arg6[%dma_wait3A_395, %dma_wait3A_399] : memref<40x128xi32, #tpu.memory_space<vmem>> -> memref<1x128xi32, #tpu.memory_space<vmem>>
    %dma_wait3A_401 = tpu.memref_squeeze %dma_wait3A_400 : memref<1x128xi32, #tpu.memory_space<vmem>> -> memref<128xi32, #tpu.memory_space<vmem>>
    %dma_wait3A_402 = arith.constant 0 : i32
    %dma_wait3A_403 = arith.constant 0 : i32
    %dma_wait3A_404 = tpu.memref_slice %arg8[%dma_wait3A_402, %dma_wait3A_403] : memref<10016x32xf32, #tpu.memory_space<vmem_shared>> -> memref<10016x32xf32, #tpu.memory_space<vmem_shared>>
    tpu.wait_indirect_dma semaphore(%arg9 : memref<!tpu.dma_semaphore, #tpu.memory_space<semaphore_mem>>) src(%dma_wait3A_398 : memref<128x32xf32, #tpu.memory_space<vmem>>) dst(%dma_wait3A_404 : memref<10016x32xf32, #tpu.memory_space<vmem_shared>>)
    %dma_wait3A_405 = arith.constant 19 : i32
    %dma_wait3A_406 = arith.constant 2432 : i32
    %dma_wait3A_407 = arith.constant 0 : i32
    %dma_wait3A_408 = tpu.memref_slice %arg7[%dma_wait3A_406, %dma_wait3A_407] : memref<2560x32xf32, #tpu.memory_space<vmem>> -> memref<128x32xf32, #tpu.memory_space<vmem>>
    %dma_wait3A_409 = arith.constant 0 : i32
    %dma_wait3A_410 = tpu.memref_slice %arg6[%dma_wait3A_405, %dma_wait3A_409] : memref<40x128xi32, #tpu.memory_space<vmem>> -> memref<1x128xi32, #tpu.memory_space<vmem>>
    %dma_wait3A_411 = tpu.memref_squeeze %dma_wait3A_410 : memref<1x128xi32, #tpu.memory_space<vmem>> -> memref<128xi32, #tpu.memory_space<vmem>>
    %dma_wait3A_412 = arith.constant 0 : i32
    %dma_wait3A_413 = arith.constant 0 : i32
    %dma_wait3A_414 = tpu.memref_slice %arg8[%dma_wait3A_412, %dma_wait3A_413] : memref<10016x32xf32, #tpu.memory_space<vmem_shared>> -> memref<10016x32xf32, #tpu.memory_space<vmem_shared>>
    tpu.wait_indirect_dma semaphore(%arg9 : memref<!tpu.dma_semaphore, #tpu.memory_space<semaphore_mem>>) src(%dma_wait3A_408 : memref<128x32xf32, #tpu.memory_space<vmem>>) dst(%dma_wait3A_414 : memref<10016x32xf32, #tpu.memory_space<vmem_shared>>)
    %mul3A_415 = arith.constant 5120 : i32
    %mul3A_416 = arith.muli %add3A, %mul3A_415 : i32
    %add3A_417 = arith.constant 2560 : i32
    %add3A_418 = arith.addi %mul3A_416, %add3A_417 : i32
    %dma_start3A_419 = arith.constant 0 : i32
    %dma_start3A_420 = tpu.memref_slice %arg2[%add3A_418, %dma_start3A_419] : memref<163840x32xf32, #tpu.memory_space<hbm>> -> memref<2560x32xf32, #tpu.memory_space<hbm>>
    %dma_start3A_421 = arith.constant 0 : i32
    %dma_start3A_422 = tpu.memref_slice %arg2[%add3A_418, %dma_start3A_421] : memref<163840x32xf32, #tpu.memory_space<hbm>> -> memref<2560x32xf32, #tpu.memory_space<hbm>>
    tpu.enqueue_dma source(%dma_start3A_422 : memref<2560x32xf32, #tpu.memory_space<hbm>>) target(%arg7 : memref<2560x32xf32, #tpu.memory_space<vmem>>) target_semaphore(%arg9 : memref<!tpu.dma_semaphore, #tpu.memory_space<semaphore_mem>>)
    %dma_wait3A_423 = arith.constant 0 : i32
    %dma_wait3A_424 = tpu.memref_slice %arg2[%add3A_418, %dma_wait3A_423] : memref<163840x32xf32, #tpu.memory_space<hbm>> -> memref<2560x32xf32, #tpu.memory_space<hbm>>
    %dma_wait3A_425 = arith.constant 0 : i32
    %dma_wait3A_426 = tpu.memref_slice %arg2[%add3A_418, %dma_wait3A_425] : memref<163840x32xf32, #tpu.memory_space<hbm>> -> memref<2560x32xf32, #tpu.memory_space<hbm>>
    tpu.wait_dma2 semaphore(%arg9 : memref<!tpu.dma_semaphore, #tpu.memory_space<semaphore_mem>>) src(%dma_wait3A_426 : memref<2560x32xf32, #tpu.memory_space<hbm>>) dst(%arg7 : memref<2560x32xf32, #tpu.memory_space<vmem>>)
    %dma_start3A_427 = arith.constant 20 : i32
    %dma_start3A_428 = arith.constant 0 : i32
    %dma_start3A_429 = arith.constant 0 : i32
    %dma_start3A_430 = tpu.memref_slice %arg7[%dma_start3A_428, %dma_start3A_429] : memref<2560x32xf32, #tpu.memory_space<vmem>> -> memref<128x32xf32, #tpu.memory_space<vmem>>
    %dma_start3A_431 = arith.constant 0 : i32
    %dma_start3A_432 = tpu.memref_slice %arg6[%dma_start3A_427, %dma_start3A_431] : memref<40x128xi32, #tpu.memory_space<vmem>> -> memref<1x128xi32, #tpu.memory_space<vmem>>
    %dma_start3A_433 = tpu.memref_squeeze %dma_start3A_432 : memref<1x128xi32, #tpu.memory_space<vmem>> -> memref<128xi32, #tpu.memory_space<vmem>>
    %dma_start3A_434 = arith.constant 0 : i32
    %dma_start3A_435 = arith.constant 0 : i32
    %dma_start3A_436 = tpu.memref_slice %arg8[%dma_start3A_434, %dma_start3A_435] : memref<10016x32xf32, #tpu.memory_space<vmem_shared>> -> memref<10016x32xf32, #tpu.memory_space<vmem_shared>>
    tpu.enqueue_indirect_dma source(%dma_start3A_430 : memref<128x32xf32, #tpu.memory_space<vmem>>) target(%dma_start3A_436 : memref<10016x32xf32, #tpu.memory_space<vmem_shared>>) offsets(%dma_start3A_433 : memref<128xi32, #tpu.memory_space<vmem>>) semaphore(%arg9 : memref<!tpu.dma_semaphore, #tpu.memory_space<semaphore_mem>>) {add = true}
    %dma_start3A_437 = arith.constant 21 : i32
    %dma_start3A_438 = arith.constant 128 : i32
    %dma_start3A_439 = arith.constant 0 : i32
    %dma_start3A_440 = tpu.memref_slice %arg7[%dma_start3A_438, %dma_start3A_439] : memref<2560x32xf32, #tpu.memory_space<vmem>> -> memref<128x32xf32, #tpu.memory_space<vmem>>
    %dma_start3A_441 = arith.constant 0 : i32
    %dma_start3A_442 = tpu.memref_slice %arg6[%dma_start3A_437, %dma_start3A_441] : memref<40x128xi32, #tpu.memory_space<vmem>> -> memref<1x128xi32, #tpu.memory_space<vmem>>
    %dma_start3A_443 = tpu.memref_squeeze %dma_start3A_442 : memref<1x128xi32, #tpu.memory_space<vmem>> -> memref<128xi32, #tpu.memory_space<vmem>>
    %dma_start3A_444 = arith.constant 0 : i32
    %dma_start3A_445 = arith.constant 0 : i32
    %dma_start3A_446 = tpu.memref_slice %arg8[%dma_start3A_444, %dma_start3A_445] : memref<10016x32xf32, #tpu.memory_space<vmem_shared>> -> memref<10016x32xf32, #tpu.memory_space<vmem_shared>>
    tpu.enqueue_indirect_dma source(%dma_start3A_440 : memref<128x32xf32, #tpu.memory_space<vmem>>) target(%dma_start3A_446 : memref<10016x32xf32, #tpu.memory_space<vmem_shared>>) offsets(%dma_start3A_443 : memref<128xi32, #tpu.memory_space<vmem>>) semaphore(%arg9 : memref<!tpu.dma_semaphore, #tpu.memory_space<semaphore_mem>>) {add = true}
    %dma_start3A_447 = arith.constant 22 : i32
    %dma_start3A_448 = arith.constant 256 : i32
    %dma_start3A_449 = arith.constant 0 : i32
    %dma_start3A_450 = tpu.memref_slice %arg7[%dma_start3A_448, %dma_start3A_449] : memref<2560x32xf32, #tpu.memory_space<vmem>> -> memref<128x32xf32, #tpu.memory_space<vmem>>
    %dma_start3A_451 = arith.constant 0 : i32
    %dma_start3A_452 = tpu.memref_slice %arg6[%dma_start3A_447, %dma_start3A_451] : memref<40x128xi32, #tpu.memory_space<vmem>> -> memref<1x128xi32, #tpu.memory_space<vmem>>
    %dma_start3A_453 = tpu.memref_squeeze %dma_start3A_452 : memref<1x128xi32, #tpu.memory_space<vmem>> -> memref<128xi32, #tpu.memory_space<vmem>>
    %dma_start3A_454 = arith.constant 0 : i32
    %dma_start3A_455 = arith.constant 0 : i32
    %dma_start3A_456 = tpu.memref_slice %arg8[%dma_start3A_454, %dma_start3A_455] : memref<10016x32xf32, #tpu.memory_space<vmem_shared>> -> memref<10016x32xf32, #tpu.memory_space<vmem_shared>>
    tpu.enqueue_indirect_dma source(%dma_start3A_450 : memref<128x32xf32, #tpu.memory_space<vmem>>) target(%dma_start3A_456 : memref<10016x32xf32, #tpu.memory_space<vmem_shared>>) offsets(%dma_start3A_453 : memref<128xi32, #tpu.memory_space<vmem>>) semaphore(%arg9 : memref<!tpu.dma_semaphore, #tpu.memory_space<semaphore_mem>>) {add = true}
    %dma_start3A_457 = arith.constant 23 : i32
    %dma_start3A_458 = arith.constant 384 : i32
    %dma_start3A_459 = arith.constant 0 : i32
    %dma_start3A_460 = tpu.memref_slice %arg7[%dma_start3A_458, %dma_start3A_459] : memref<2560x32xf32, #tpu.memory_space<vmem>> -> memref<128x32xf32, #tpu.memory_space<vmem>>
    %dma_start3A_461 = arith.constant 0 : i32
    %dma_start3A_462 = tpu.memref_slice %arg6[%dma_start3A_457, %dma_start3A_461] : memref<40x128xi32, #tpu.memory_space<vmem>> -> memref<1x128xi32, #tpu.memory_space<vmem>>
    %dma_start3A_463 = tpu.memref_squeeze %dma_start3A_462 : memref<1x128xi32, #tpu.memory_space<vmem>> -> memref<128xi32, #tpu.memory_space<vmem>>
    %dma_start3A_464 = arith.constant 0 : i32
    %dma_start3A_465 = arith.constant 0 : i32
    %dma_start3A_466 = tpu.memref_slice %arg8[%dma_start3A_464, %dma_start3A_465] : memref<10016x32xf32, #tpu.memory_space<vmem_shared>> -> memref<10016x32xf32, #tpu.memory_space<vmem_shared>>
    tpu.enqueue_indirect_dma source(%dma_start3A_460 : memref<128x32xf32, #tpu.memory_space<vmem>>) target(%dma_start3A_466 : memref<10016x32xf32, #tpu.memory_space<vmem_shared>>) offsets(%dma_start3A_463 : memref<128xi32, #tpu.memory_space<vmem>>) semaphore(%arg9 : memref<!tpu.dma_semaphore, #tpu.memory_space<semaphore_mem>>) {add = true}
    %dma_start3A_467 = arith.constant 24 : i32
    %dma_start3A_468 = arith.constant 512 : i32
    %dma_start3A_469 = arith.constant 0 : i32
    %dma_start3A_470 = tpu.memref_slice %arg7[%dma_start3A_468, %dma_start3A_469] : memref<2560x32xf32, #tpu.memory_space<vmem>> -> memref<128x32xf32, #tpu.memory_space<vmem>>
    %dma_start3A_471 = arith.constant 0 : i32
    %dma_start3A_472 = tpu.memref_slice %arg6[%dma_start3A_467, %dma_start3A_471] : memref<40x128xi32, #tpu.memory_space<vmem>> -> memref<1x128xi32, #tpu.memory_space<vmem>>
    %dma_start3A_473 = tpu.memref_squeeze %dma_start3A_472 : memref<1x128xi32, #tpu.memory_space<vmem>> -> memref<128xi32, #tpu.memory_space<vmem>>
    %dma_start3A_474 = arith.constant 0 : i32
    %dma_start3A_475 = arith.constant 0 : i32
    %dma_start3A_476 = tpu.memref_slice %arg8[%dma_start3A_474, %dma_start3A_475] : memref<10016x32xf32, #tpu.memory_space<vmem_shared>> -> memref<10016x32xf32, #tpu.memory_space<vmem_shared>>
    tpu.enqueue_indirect_dma source(%dma_start3A_470 : memref<128x32xf32, #tpu.memory_space<vmem>>) target(%dma_start3A_476 : memref<10016x32xf32, #tpu.memory_space<vmem_shared>>) offsets(%dma_start3A_473 : memref<128xi32, #tpu.memory_space<vmem>>) semaphore(%arg9 : memref<!tpu.dma_semaphore, #tpu.memory_space<semaphore_mem>>) {add = true}
    %dma_start3A_477 = arith.constant 25 : i32
    %dma_start3A_478 = arith.constant 640 : i32
    %dma_start3A_479 = arith.constant 0 : i32
    %dma_start3A_480 = tpu.memref_slice %arg7[%dma_start3A_478, %dma_start3A_479] : memref<2560x32xf32, #tpu.memory_space<vmem>> -> memref<128x32xf32, #tpu.memory_space<vmem>>
    %dma_start3A_481 = arith.constant 0 : i32
    %dma_start3A_482 = tpu.memref_slice %arg6[%dma_start3A_477, %dma_start3A_481] : memref<40x128xi32, #tpu.memory_space<vmem>> -> memref<1x128xi32, #tpu.memory_space<vmem>>
    %dma_start3A_483 = tpu.memref_squeeze %dma_start3A_482 : memref<1x128xi32, #tpu.memory_space<vmem>> -> memref<128xi32, #tpu.memory_space<vmem>>
    %dma_start3A_484 = arith.constant 0 : i32
    %dma_start3A_485 = arith.constant 0 : i32
    %dma_start3A_486 = tpu.memref_slice %arg8[%dma_start3A_484, %dma_start3A_485] : memref<10016x32xf32, #tpu.memory_space<vmem_shared>> -> memref<10016x32xf32, #tpu.memory_space<vmem_shared>>
    tpu.enqueue_indirect_dma source(%dma_start3A_480 : memref<128x32xf32, #tpu.memory_space<vmem>>) target(%dma_start3A_486 : memref<10016x32xf32, #tpu.memory_space<vmem_shared>>) offsets(%dma_start3A_483 : memref<128xi32, #tpu.memory_space<vmem>>) semaphore(%arg9 : memref<!tpu.dma_semaphore, #tpu.memory_space<semaphore_mem>>) {add = true}
    %dma_start3A_487 = arith.constant 26 : i32
    %dma_start3A_488 = arith.constant 768 : i32
    %dma_start3A_489 = arith.constant 0 : i32
    %dma_start3A_490 = tpu.memref_slice %arg7[%dma_start3A_488, %dma_start3A_489] : memref<2560x32xf32, #tpu.memory_space<vmem>> -> memref<128x32xf32, #tpu.memory_space<vmem>>
    %dma_start3A_491 = arith.constant 0 : i32
    %dma_start3A_492 = tpu.memref_slice %arg6[%dma_start3A_487, %dma_start3A_491] : memref<40x128xi32, #tpu.memory_space<vmem>> -> memref<1x128xi32, #tpu.memory_space<vmem>>
    %dma_start3A_493 = tpu.memref_squeeze %dma_start3A_492 : memref<1x128xi32, #tpu.memory_space<vmem>> -> memref<128xi32, #tpu.memory_space<vmem>>
    %dma_start3A_494 = arith.constant 0 : i32
    %dma_start3A_495 = arith.constant 0 : i32
    %dma_start3A_496 = tpu.memref_slice %arg8[%dma_start3A_494, %dma_start3A_495] : memref<10016x32xf32, #tpu.memory_space<vmem_shared>> -> memref<10016x32xf32, #tpu.memory_space<vmem_shared>>
    tpu.enqueue_indirect_dma source(%dma_start3A_490 : memref<128x32xf32, #tpu.memory_space<vmem>>) target(%dma_start3A_496 : memref<10016x32xf32, #tpu.memory_space<vmem_shared>>) offsets(%dma_start3A_493 : memref<128xi32, #tpu.memory_space<vmem>>) semaphore(%arg9 : memref<!tpu.dma_semaphore, #tpu.memory_space<semaphore_mem>>) {add = true}
    %dma_start3A_497 = arith.constant 27 : i32
    %dma_start3A_498 = arith.constant 896 : i32
    %dma_start3A_499 = arith.constant 0 : i32
    %dma_start3A_500 = tpu.memref_slice %arg7[%dma_start3A_498, %dma_start3A_499] : memref<2560x32xf32, #tpu.memory_space<vmem>> -> memref<128x32xf32, #tpu.memory_space<vmem>>
    %dma_start3A_501 = arith.constant 0 : i32
    %dma_start3A_502 = tpu.memref_slice %arg6[%dma_start3A_497, %dma_start3A_501] : memref<40x128xi32, #tpu.memory_space<vmem>> -> memref<1x128xi32, #tpu.memory_space<vmem>>
    %dma_start3A_503 = tpu.memref_squeeze %dma_start3A_502 : memref<1x128xi32, #tpu.memory_space<vmem>> -> memref<128xi32, #tpu.memory_space<vmem>>
    %dma_start3A_504 = arith.constant 0 : i32
    %dma_start3A_505 = arith.constant 0 : i32
    %dma_start3A_506 = tpu.memref_slice %arg8[%dma_start3A_504, %dma_start3A_505] : memref<10016x32xf32, #tpu.memory_space<vmem_shared>> -> memref<10016x32xf32, #tpu.memory_space<vmem_shared>>
    tpu.enqueue_indirect_dma source(%dma_start3A_500 : memref<128x32xf32, #tpu.memory_space<vmem>>) target(%dma_start3A_506 : memref<10016x32xf32, #tpu.memory_space<vmem_shared>>) offsets(%dma_start3A_503 : memref<128xi32, #tpu.memory_space<vmem>>) semaphore(%arg9 : memref<!tpu.dma_semaphore, #tpu.memory_space<semaphore_mem>>) {add = true}
    %dma_start3A_507 = arith.constant 28 : i32
    %dma_start3A_508 = arith.constant 1024 : i32
    %dma_start3A_509 = arith.constant 0 : i32
    %dma_start3A_510 = tpu.memref_slice %arg7[%dma_start3A_508, %dma_start3A_509] : memref<2560x32xf32, #tpu.memory_space<vmem>> -> memref<128x32xf32, #tpu.memory_space<vmem>>
    %dma_start3A_511 = arith.constant 0 : i32
    %dma_start3A_512 = tpu.memref_slice %arg6[%dma_start3A_507, %dma_start3A_511] : memref<40x128xi32, #tpu.memory_space<vmem>> -> memref<1x128xi32, #tpu.memory_space<vmem>>
    %dma_start3A_513 = tpu.memref_squeeze %dma_start3A_512 : memref<1x128xi32, #tpu.memory_space<vmem>> -> memref<128xi32, #tpu.memory_space<vmem>>
    %dma_start3A_514 = arith.constant 0 : i32
    %dma_start3A_515 = arith.constant 0 : i32
    %dma_start3A_516 = tpu.memref_slice %arg8[%dma_start3A_514, %dma_start3A_515] : memref<10016x32xf32, #tpu.memory_space<vmem_shared>> -> memref<10016x32xf32, #tpu.memory_space<vmem_shared>>
    tpu.enqueue_indirect_dma source(%dma_start3A_510 : memref<128x32xf32, #tpu.memory_space<vmem>>) target(%dma_start3A_516 : memref<10016x32xf32, #tpu.memory_space<vmem_shared>>) offsets(%dma_start3A_513 : memref<128xi32, #tpu.memory_space<vmem>>) semaphore(%arg9 : memref<!tpu.dma_semaphore, #tpu.memory_space<semaphore_mem>>) {add = true}
    %dma_start3A_517 = arith.constant 29 : i32
    %dma_start3A_518 = arith.constant 1152 : i32
    %dma_start3A_519 = arith.constant 0 : i32
    %dma_start3A_520 = tpu.memref_slice %arg7[%dma_start3A_518, %dma_start3A_519] : memref<2560x32xf32, #tpu.memory_space<vmem>> -> memref<128x32xf32, #tpu.memory_space<vmem>>
    %dma_start3A_521 = arith.constant 0 : i32
    %dma_start3A_522 = tpu.memref_slice %arg6[%dma_start3A_517, %dma_start3A_521] : memref<40x128xi32, #tpu.memory_space<vmem>> -> memref<1x128xi32, #tpu.memory_space<vmem>>
    %dma_start3A_523 = tpu.memref_squeeze %dma_start3A_522 : memref<1x128xi32, #tpu.memory_space<vmem>> -> memref<128xi32, #tpu.memory_space<vmem>>
    %dma_start3A_524 = arith.constant 0 : i32
    %dma_start3A_525 = arith.constant 0 : i32
    %dma_start3A_526 = tpu.memref_slice %arg8[%dma_start3A_524, %dma_start3A_525] : memref<10016x32xf32, #tpu.memory_space<vmem_shared>> -> memref<10016x32xf32, #tpu.memory_space<vmem_shared>>
    tpu.enqueue_indirect_dma source(%dma_start3A_520 : memref<128x32xf32, #tpu.memory_space<vmem>>) target(%dma_start3A_526 : memref<10016x32xf32, #tpu.memory_space<vmem_shared>>) offsets(%dma_start3A_523 : memref<128xi32, #tpu.memory_space<vmem>>) semaphore(%arg9 : memref<!tpu.dma_semaphore, #tpu.memory_space<semaphore_mem>>) {add = true}
    %dma_start3A_527 = arith.constant 30 : i32
    %dma_start3A_528 = arith.constant 1280 : i32
    %dma_start3A_529 = arith.constant 0 : i32
    %dma_start3A_530 = tpu.memref_slice %arg7[%dma_start3A_528, %dma_start3A_529] : memref<2560x32xf32, #tpu.memory_space<vmem>> -> memref<128x32xf32, #tpu.memory_space<vmem>>
    %dma_start3A_531 = arith.constant 0 : i32
    %dma_start3A_532 = tpu.memref_slice %arg6[%dma_start3A_527, %dma_start3A_531] : memref<40x128xi32, #tpu.memory_space<vmem>> -> memref<1x128xi32, #tpu.memory_space<vmem>>
    %dma_start3A_533 = tpu.memref_squeeze %dma_start3A_532 : memref<1x128xi32, #tpu.memory_space<vmem>> -> memref<128xi32, #tpu.memory_space<vmem>>
    %dma_start3A_534 = arith.constant 0 : i32
    %dma_start3A_535 = arith.constant 0 : i32
    %dma_start3A_536 = tpu.memref_slice %arg8[%dma_start3A_534, %dma_start3A_535] : memref<10016x32xf32, #tpu.memory_space<vmem_shared>> -> memref<10016x32xf32, #tpu.memory_space<vmem_shared>>
    tpu.enqueue_indirect_dma source(%dma_start3A_530 : memref<128x32xf32, #tpu.memory_space<vmem>>) target(%dma_start3A_536 : memref<10016x32xf32, #tpu.memory_space<vmem_shared>>) offsets(%dma_start3A_533 : memref<128xi32, #tpu.memory_space<vmem>>) semaphore(%arg9 : memref<!tpu.dma_semaphore, #tpu.memory_space<semaphore_mem>>) {add = true}
    %dma_start3A_537 = arith.constant 31 : i32
    %dma_start3A_538 = arith.constant 1408 : i32
    %dma_start3A_539 = arith.constant 0 : i32
    %dma_start3A_540 = tpu.memref_slice %arg7[%dma_start3A_538, %dma_start3A_539] : memref<2560x32xf32, #tpu.memory_space<vmem>> -> memref<128x32xf32, #tpu.memory_space<vmem>>
    %dma_start3A_541 = arith.constant 0 : i32
    %dma_start3A_542 = tpu.memref_slice %arg6[%dma_start3A_537, %dma_start3A_541] : memref<40x128xi32, #tpu.memory_space<vmem>> -> memref<1x128xi32, #tpu.memory_space<vmem>>
    %dma_start3A_543 = tpu.memref_squeeze %dma_start3A_542 : memref<1x128xi32, #tpu.memory_space<vmem>> -> memref<128xi32, #tpu.memory_space<vmem>>
    %dma_start3A_544 = arith.constant 0 : i32
    %dma_start3A_545 = arith.constant 0 : i32
    %dma_start3A_546 = tpu.memref_slice %arg8[%dma_start3A_544, %dma_start3A_545] : memref<10016x32xf32, #tpu.memory_space<vmem_shared>> -> memref<10016x32xf32, #tpu.memory_space<vmem_shared>>
    tpu.enqueue_indirect_dma source(%dma_start3A_540 : memref<128x32xf32, #tpu.memory_space<vmem>>) target(%dma_start3A_546 : memref<10016x32xf32, #tpu.memory_space<vmem_shared>>) offsets(%dma_start3A_543 : memref<128xi32, #tpu.memory_space<vmem>>) semaphore(%arg9 : memref<!tpu.dma_semaphore, #tpu.memory_space<semaphore_mem>>) {add = true}
    %dma_start3A_547 = arith.constant 32 : i32
    %dma_start3A_548 = arith.constant 1536 : i32
    %dma_start3A_549 = arith.constant 0 : i32
    %dma_start3A_550 = tpu.memref_slice %arg7[%dma_start3A_548, %dma_start3A_549] : memref<2560x32xf32, #tpu.memory_space<vmem>> -> memref<128x32xf32, #tpu.memory_space<vmem>>
    %dma_start3A_551 = arith.constant 0 : i32
    %dma_start3A_552 = tpu.memref_slice %arg6[%dma_start3A_547, %dma_start3A_551] : memref<40x128xi32, #tpu.memory_space<vmem>> -> memref<1x128xi32, #tpu.memory_space<vmem>>
    %dma_start3A_553 = tpu.memref_squeeze %dma_start3A_552 : memref<1x128xi32, #tpu.memory_space<vmem>> -> memref<128xi32, #tpu.memory_space<vmem>>
    %dma_start3A_554 = arith.constant 0 : i32
    %dma_start3A_555 = arith.constant 0 : i32
    %dma_start3A_556 = tpu.memref_slice %arg8[%dma_start3A_554, %dma_start3A_555] : memref<10016x32xf32, #tpu.memory_space<vmem_shared>> -> memref<10016x32xf32, #tpu.memory_space<vmem_shared>>
    tpu.enqueue_indirect_dma source(%dma_start3A_550 : memref<128x32xf32, #tpu.memory_space<vmem>>) target(%dma_start3A_556 : memref<10016x32xf32, #tpu.memory_space<vmem_shared>>) offsets(%dma_start3A_553 : memref<128xi32, #tpu.memory_space<vmem>>) semaphore(%arg9 : memref<!tpu.dma_semaphore, #tpu.memory_space<semaphore_mem>>) {add = true}
    %dma_start3A_557 = arith.constant 33 : i32
    %dma_start3A_558 = arith.constant 1664 : i32
    %dma_start3A_559 = arith.constant 0 : i32
    %dma_start3A_560 = tpu.memref_slice %arg7[%dma_start3A_558, %dma_start3A_559] : memref<2560x32xf32, #tpu.memory_space<vmem>> -> memref<128x32xf32, #tpu.memory_space<vmem>>
    %dma_start3A_561 = arith.constant 0 : i32
    %dma_start3A_562 = tpu.memref_slice %arg6[%dma_start3A_557, %dma_start3A_561] : memref<40x128xi32, #tpu.memory_space<vmem>> -> memref<1x128xi32, #tpu.memory_space<vmem>>
    %dma_start3A_563 = tpu.memref_squeeze %dma_start3A_562 : memref<1x128xi32, #tpu.memory_space<vmem>> -> memref<128xi32, #tpu.memory_space<vmem>>
    %dma_start3A_564 = arith.constant 0 : i32
    %dma_start3A_565 = arith.constant 0 : i32
    %dma_start3A_566 = tpu.memref_slice %arg8[%dma_start3A_564, %dma_start3A_565] : memref<10016x32xf32, #tpu.memory_space<vmem_shared>> -> memref<10016x32xf32, #tpu.memory_space<vmem_shared>>
    tpu.enqueue_indirect_dma source(%dma_start3A_560 : memref<128x32xf32, #tpu.memory_space<vmem>>) target(%dma_start3A_566 : memref<10016x32xf32, #tpu.memory_space<vmem_shared>>) offsets(%dma_start3A_563 : memref<128xi32, #tpu.memory_space<vmem>>) semaphore(%arg9 : memref<!tpu.dma_semaphore, #tpu.memory_space<semaphore_mem>>) {add = true}
    %dma_start3A_567 = arith.constant 34 : i32
    %dma_start3A_568 = arith.constant 1792 : i32
    %dma_start3A_569 = arith.constant 0 : i32
    %dma_start3A_570 = tpu.memref_slice %arg7[%dma_start3A_568, %dma_start3A_569] : memref<2560x32xf32, #tpu.memory_space<vmem>> -> memref<128x32xf32, #tpu.memory_space<vmem>>
    %dma_start3A_571 = arith.constant 0 : i32
    %dma_start3A_572 = tpu.memref_slice %arg6[%dma_start3A_567, %dma_start3A_571] : memref<40x128xi32, #tpu.memory_space<vmem>> -> memref<1x128xi32, #tpu.memory_space<vmem>>
    %dma_start3A_573 = tpu.memref_squeeze %dma_start3A_572 : memref<1x128xi32, #tpu.memory_space<vmem>> -> memref<128xi32, #tpu.memory_space<vmem>>
    %dma_start3A_574 = arith.constant 0 : i32
    %dma_start3A_575 = arith.constant 0 : i32
    %dma_start3A_576 = tpu.memref_slice %arg8[%dma_start3A_574, %dma_start3A_575] : memref<10016x32xf32, #tpu.memory_space<vmem_shared>> -> memref<10016x32xf32, #tpu.memory_space<vmem_shared>>
    tpu.enqueue_indirect_dma source(%dma_start3A_570 : memref<128x32xf32, #tpu.memory_space<vmem>>) target(%dma_start3A_576 : memref<10016x32xf32, #tpu.memory_space<vmem_shared>>) offsets(%dma_start3A_573 : memref<128xi32, #tpu.memory_space<vmem>>) semaphore(%arg9 : memref<!tpu.dma_semaphore, #tpu.memory_space<semaphore_mem>>) {add = true}
    %dma_start3A_577 = arith.constant 35 : i32
    %dma_start3A_578 = arith.constant 1920 : i32
    %dma_start3A_579 = arith.constant 0 : i32
    %dma_start3A_580 = tpu.memref_slice %arg7[%dma_start3A_578, %dma_start3A_579] : memref<2560x32xf32, #tpu.memory_space<vmem>> -> memref<128x32xf32, #tpu.memory_space<vmem>>
    %dma_start3A_581 = arith.constant 0 : i32
    %dma_start3A_582 = tpu.memref_slice %arg6[%dma_start3A_577, %dma_start3A_581] : memref<40x128xi32, #tpu.memory_space<vmem>> -> memref<1x128xi32, #tpu.memory_space<vmem>>
    %dma_start3A_583 = tpu.memref_squeeze %dma_start3A_582 : memref<1x128xi32, #tpu.memory_space<vmem>> -> memref<128xi32, #tpu.memory_space<vmem>>
    %dma_start3A_584 = arith.constant 0 : i32
    %dma_start3A_585 = arith.constant 0 : i32
    %dma_start3A_586 = tpu.memref_slice %arg8[%dma_start3A_584, %dma_start3A_585] : memref<10016x32xf32, #tpu.memory_space<vmem_shared>> -> memref<10016x32xf32, #tpu.memory_space<vmem_shared>>
    tpu.enqueue_indirect_dma source(%dma_start3A_580 : memref<128x32xf32, #tpu.memory_space<vmem>>) target(%dma_start3A_586 : memref<10016x32xf32, #tpu.memory_space<vmem_shared>>) offsets(%dma_start3A_583 : memref<128xi32, #tpu.memory_space<vmem>>) semaphore(%arg9 : memref<!tpu.dma_semaphore, #tpu.memory_space<semaphore_mem>>) {add = true}
    %dma_start3A_587 = arith.constant 36 : i32
    %dma_start3A_588 = arith.constant 2048 : i32
    %dma_start3A_589 = arith.constant 0 : i32
    %dma_start3A_590 = tpu.memref_slice %arg7[%dma_start3A_588, %dma_start3A_589] : memref<2560x32xf32, #tpu.memory_space<vmem>> -> memref<128x32xf32, #tpu.memory_space<vmem>>
    %dma_start3A_591 = arith.constant 0 : i32
    %dma_start3A_592 = tpu.memref_slice %arg6[%dma_start3A_587, %dma_start3A_591] : memref<40x128xi32, #tpu.memory_space<vmem>> -> memref<1x128xi32, #tpu.memory_space<vmem>>
    %dma_start3A_593 = tpu.memref_squeeze %dma_start3A_592 : memref<1x128xi32, #tpu.memory_space<vmem>> -> memref<128xi32, #tpu.memory_space<vmem>>
    %dma_start3A_594 = arith.constant 0 : i32
    %dma_start3A_595 = arith.constant 0 : i32
    %dma_start3A_596 = tpu.memref_slice %arg8[%dma_start3A_594, %dma_start3A_595] : memref<10016x32xf32, #tpu.memory_space<vmem_shared>> -> memref<10016x32xf32, #tpu.memory_space<vmem_shared>>
    tpu.enqueue_indirect_dma source(%dma_start3A_590 : memref<128x32xf32, #tpu.memory_space<vmem>>) target(%dma_start3A_596 : memref<10016x32xf32, #tpu.memory_space<vmem_shared>>) offsets(%dma_start3A_593 : memref<128xi32, #tpu.memory_space<vmem>>) semaphore(%arg9 : memref<!tpu.dma_semaphore, #tpu.memory_space<semaphore_mem>>) {add = true}
    %dma_start3A_597 = arith.constant 37 : i32
    %dma_start3A_598 = arith.constant 2176 : i32
    %dma_start3A_599 = arith.constant 0 : i32
    %dma_start3A_600 = tpu.memref_slice %arg7[%dma_start3A_598, %dma_start3A_599] : memref<2560x32xf32, #tpu.memory_space<vmem>> -> memref<128x32xf32, #tpu.memory_space<vmem>>
    %dma_start3A_601 = arith.constant 0 : i32
    %dma_start3A_602 = tpu.memref_slice %arg6[%dma_start3A_597, %dma_start3A_601] : memref<40x128xi32, #tpu.memory_space<vmem>> -> memref<1x128xi32, #tpu.memory_space<vmem>>
    %dma_start3A_603 = tpu.memref_squeeze %dma_start3A_602 : memref<1x128xi32, #tpu.memory_space<vmem>> -> memref<128xi32, #tpu.memory_space<vmem>>
    %dma_start3A_604 = arith.constant 0 : i32
    %dma_start3A_605 = arith.constant 0 : i32
    %dma_start3A_606 = tpu.memref_slice %arg8[%dma_start3A_604, %dma_start3A_605] : memref<10016x32xf32, #tpu.memory_space<vmem_shared>> -> memref<10016x32xf32, #tpu.memory_space<vmem_shared>>
    tpu.enqueue_indirect_dma source(%dma_start3A_600 : memref<128x32xf32, #tpu.memory_space<vmem>>) target(%dma_start3A_606 : memref<10016x32xf32, #tpu.memory_space<vmem_shared>>) offsets(%dma_start3A_603 : memref<128xi32, #tpu.memory_space<vmem>>) semaphore(%arg9 : memref<!tpu.dma_semaphore, #tpu.memory_space<semaphore_mem>>) {add = true}
    %dma_start3A_607 = arith.constant 38 : i32
    %dma_start3A_608 = arith.constant 2304 : i32
    %dma_start3A_609 = arith.constant 0 : i32
    %dma_start3A_610 = tpu.memref_slice %arg7[%dma_start3A_608, %dma_start3A_609] : memref<2560x32xf32, #tpu.memory_space<vmem>> -> memref<128x32xf32, #tpu.memory_space<vmem>>
    %dma_start3A_611 = arith.constant 0 : i32
    %dma_start3A_612 = tpu.memref_slice %arg6[%dma_start3A_607, %dma_start3A_611] : memref<40x128xi32, #tpu.memory_space<vmem>> -> memref<1x128xi32, #tpu.memory_space<vmem>>
    %dma_start3A_613 = tpu.memref_squeeze %dma_start3A_612 : memref<1x128xi32, #tpu.memory_space<vmem>> -> memref<128xi32, #tpu.memory_space<vmem>>
    %dma_start3A_614 = arith.constant 0 : i32
    %dma_start3A_615 = arith.constant 0 : i32
    %dma_start3A_616 = tpu.memref_slice %arg8[%dma_start3A_614, %dma_start3A_615] : memref<10016x32xf32, #tpu.memory_space<vmem_shared>> -> memref<10016x32xf32, #tpu.memory_space<vmem_shared>>
    tpu.enqueue_indirect_dma source(%dma_start3A_610 : memref<128x32xf32, #tpu.memory_space<vmem>>) target(%dma_start3A_616 : memref<10016x32xf32, #tpu.memory_space<vmem_shared>>) offsets(%dma_start3A_613 : memref<128xi32, #tpu.memory_space<vmem>>) semaphore(%arg9 : memref<!tpu.dma_semaphore, #tpu.memory_space<semaphore_mem>>) {add = true}
    %dma_start3A_617 = arith.constant 39 : i32
    %dma_start3A_618 = arith.constant 2432 : i32
    %dma_start3A_619 = arith.constant 0 : i32
    %dma_start3A_620 = tpu.memref_slice %arg7[%dma_start3A_618, %dma_start3A_619] : memref<2560x32xf32, #tpu.memory_space<vmem>> -> memref<128x32xf32, #tpu.memory_space<vmem>>
    %dma_start3A_621 = arith.constant 0 : i32
    %dma_start3A_622 = tpu.memref_slice %arg6[%dma_start3A_617, %dma_start3A_621] : memref<40x128xi32, #tpu.memory_space<vmem>> -> memref<1x128xi32, #tpu.memory_space<vmem>>
    %dma_start3A_623 = tpu.memref_squeeze %dma_start3A_622 : memref<1x128xi32, #tpu.memory_space<vmem>> -> memref<128xi32, #tpu.memory_space<vmem>>
    %dma_start3A_624 = arith.constant 0 : i32
    %dma_start3A_625 = arith.constant 0 : i32
    %dma_start3A_626 = tpu.memref_slice %arg8[%dma_start3A_624, %dma_start3A_625] : memref<10016x32xf32, #tpu.memory_space<vmem_shared>> -> memref<10016x32xf32, #tpu.memory_space<vmem_shared>>
    tpu.enqueue_indirect_dma source(%dma_start3A_620 : memref<128x32xf32, #tpu.memory_space<vmem>>) target(%dma_start3A_626 : memref<10016x32xf32, #tpu.memory_space<vmem_shared>>) offsets(%dma_start3A_623 : memref<128xi32, #tpu.memory_space<vmem>>) semaphore(%arg9 : memref<!tpu.dma_semaphore, #tpu.memory_space<semaphore_mem>>) {add = true}
    %dma_wait3A_627 = arith.constant 20 : i32
    %dma_wait3A_628 = arith.constant 0 : i32
    %dma_wait3A_629 = arith.constant 0 : i32
    %dma_wait3A_630 = tpu.memref_slice %arg7[%dma_wait3A_628, %dma_wait3A_629] : memref<2560x32xf32, #tpu.memory_space<vmem>> -> memref<128x32xf32, #tpu.memory_space<vmem>>
    %dma_wait3A_631 = arith.constant 0 : i32
    %dma_wait3A_632 = tpu.memref_slice %arg6[%dma_wait3A_627, %dma_wait3A_631] : memref<40x128xi32, #tpu.memory_space<vmem>> -> memref<1x128xi32, #tpu.memory_space<vmem>>
    %dma_wait3A_633 = tpu.memref_squeeze %dma_wait3A_632 : memref<1x128xi32, #tpu.memory_space<vmem>> -> memref<128xi32, #tpu.memory_space<vmem>>
    %dma_wait3A_634 = arith.constant 0 : i32
    %dma_wait3A_635 = arith.constant 0 : i32
    %dma_wait3A_636 = tpu.memref_slice %arg8[%dma_wait3A_634, %dma_wait3A_635] : memref<10016x32xf32, #tpu.memory_space<vmem_shared>> -> memref<10016x32xf32, #tpu.memory_space<vmem_shared>>
    tpu.wait_indirect_dma semaphore(%arg9 : memref<!tpu.dma_semaphore, #tpu.memory_space<semaphore_mem>>) src(%dma_wait3A_630 : memref<128x32xf32, #tpu.memory_space<vmem>>) dst(%dma_wait3A_636 : memref<10016x32xf32, #tpu.memory_space<vmem_shared>>)
    %dma_wait3A_637 = arith.constant 21 : i32
    %dma_wait3A_638 = arith.constant 128 : i32
    %dma_wait3A_639 = arith.constant 0 : i32
    %dma_wait3A_640 = tpu.memref_slice %arg7[%dma_wait3A_638, %dma_wait3A_639] : memref<2560x32xf32, #tpu.memory_space<vmem>> -> memref<128x32xf32, #tpu.memory_space<vmem>>
    %dma_wait3A_641 = arith.constant 0 : i32
    %dma_wait3A_642 = tpu.memref_slice %arg6[%dma_wait3A_637, %dma_wait3A_641] : memref<40x128xi32, #tpu.memory_space<vmem>> -> memref<1x128xi32, #tpu.memory_space<vmem>>
    %dma_wait3A_643 = tpu.memref_squeeze %dma_wait3A_642 : memref<1x128xi32, #tpu.memory_space<vmem>> -> memref<128xi32, #tpu.memory_space<vmem>>
    %dma_wait3A_644 = arith.constant 0 : i32
    %dma_wait3A_645 = arith.constant 0 : i32
    %dma_wait3A_646 = tpu.memref_slice %arg8[%dma_wait3A_644, %dma_wait3A_645] : memref<10016x32xf32, #tpu.memory_space<vmem_shared>> -> memref<10016x32xf32, #tpu.memory_space<vmem_shared>>
    tpu.wait_indirect_dma semaphore(%arg9 : memref<!tpu.dma_semaphore, #tpu.memory_space<semaphore_mem>>) src(%dma_wait3A_640 : memref<128x32xf32, #tpu.memory_space<vmem>>) dst(%dma_wait3A_646 : memref<10016x32xf32, #tpu.memory_space<vmem_shared>>)
    %dma_wait3A_647 = arith.constant 22 : i32
    %dma_wait3A_648 = arith.constant 256 : i32
    %dma_wait3A_649 = arith.constant 0 : i32
    %dma_wait3A_650 = tpu.memref_slice %arg7[%dma_wait3A_648, %dma_wait3A_649] : memref<2560x32xf32, #tpu.memory_space<vmem>> -> memref<128x32xf32, #tpu.memory_space<vmem>>
    %dma_wait3A_651 = arith.constant 0 : i32
    %dma_wait3A_652 = tpu.memref_slice %arg6[%dma_wait3A_647, %dma_wait3A_651] : memref<40x128xi32, #tpu.memory_space<vmem>> -> memref<1x128xi32, #tpu.memory_space<vmem>>
    %dma_wait3A_653 = tpu.memref_squeeze %dma_wait3A_652 : memref<1x128xi32, #tpu.memory_space<vmem>> -> memref<128xi32, #tpu.memory_space<vmem>>
    %dma_wait3A_654 = arith.constant 0 : i32
    %dma_wait3A_655 = arith.constant 0 : i32
    %dma_wait3A_656 = tpu.memref_slice %arg8[%dma_wait3A_654, %dma_wait3A_655] : memref<10016x32xf32, #tpu.memory_space<vmem_shared>> -> memref<10016x32xf32, #tpu.memory_space<vmem_shared>>
    tpu.wait_indirect_dma semaphore(%arg9 : memref<!tpu.dma_semaphore, #tpu.memory_space<semaphore_mem>>) src(%dma_wait3A_650 : memref<128x32xf32, #tpu.memory_space<vmem>>) dst(%dma_wait3A_656 : memref<10016x32xf32, #tpu.memory_space<vmem_shared>>)
    %dma_wait3A_657 = arith.constant 23 : i32
    %dma_wait3A_658 = arith.constant 384 : i32
    %dma_wait3A_659 = arith.constant 0 : i32
    %dma_wait3A_660 = tpu.memref_slice %arg7[%dma_wait3A_658, %dma_wait3A_659] : memref<2560x32xf32, #tpu.memory_space<vmem>> -> memref<128x32xf32, #tpu.memory_space<vmem>>
    %dma_wait3A_661 = arith.constant 0 : i32
    %dma_wait3A_662 = tpu.memref_slice %arg6[%dma_wait3A_657, %dma_wait3A_661] : memref<40x128xi32, #tpu.memory_space<vmem>> -> memref<1x128xi32, #tpu.memory_space<vmem>>
    %dma_wait3A_663 = tpu.memref_squeeze %dma_wait3A_662 : memref<1x128xi32, #tpu.memory_space<vmem>> -> memref<128xi32, #tpu.memory_space<vmem>>
    %dma_wait3A_664 = arith.constant 0 : i32
    %dma_wait3A_665 = arith.constant 0 : i32
    %dma_wait3A_666 = tpu.memref_slice %arg8[%dma_wait3A_664, %dma_wait3A_665] : memref<10016x32xf32, #tpu.memory_space<vmem_shared>> -> memref<10016x32xf32, #tpu.memory_space<vmem_shared>>
    tpu.wait_indirect_dma semaphore(%arg9 : memref<!tpu.dma_semaphore, #tpu.memory_space<semaphore_mem>>) src(%dma_wait3A_660 : memref<128x32xf32, #tpu.memory_space<vmem>>) dst(%dma_wait3A_666 : memref<10016x32xf32, #tpu.memory_space<vmem_shared>>)
    %dma_wait3A_667 = arith.constant 24 : i32
    %dma_wait3A_668 = arith.constant 512 : i32
    %dma_wait3A_669 = arith.constant 0 : i32
    %dma_wait3A_670 = tpu.memref_slice %arg7[%dma_wait3A_668, %dma_wait3A_669] : memref<2560x32xf32, #tpu.memory_space<vmem>> -> memref<128x32xf32, #tpu.memory_space<vmem>>
    %dma_wait3A_671 = arith.constant 0 : i32
    %dma_wait3A_672 = tpu.memref_slice %arg6[%dma_wait3A_667, %dma_wait3A_671] : memref<40x128xi32, #tpu.memory_space<vmem>> -> memref<1x128xi32, #tpu.memory_space<vmem>>
    %dma_wait3A_673 = tpu.memref_squeeze %dma_wait3A_672 : memref<1x128xi32, #tpu.memory_space<vmem>> -> memref<128xi32, #tpu.memory_space<vmem>>
    %dma_wait3A_674 = arith.constant 0 : i32
    %dma_wait3A_675 = arith.constant 0 : i32
    %dma_wait3A_676 = tpu.memref_slice %arg8[%dma_wait3A_674, %dma_wait3A_675] : memref<10016x32xf32, #tpu.memory_space<vmem_shared>> -> memref<10016x32xf32, #tpu.memory_space<vmem_shared>>
    tpu.wait_indirect_dma semaphore(%arg9 : memref<!tpu.dma_semaphore, #tpu.memory_space<semaphore_mem>>) src(%dma_wait3A_670 : memref<128x32xf32, #tpu.memory_space<vmem>>) dst(%dma_wait3A_676 : memref<10016x32xf32, #tpu.memory_space<vmem_shared>>)
    %dma_wait3A_677 = arith.constant 25 : i32
    %dma_wait3A_678 = arith.constant 640 : i32
    %dma_wait3A_679 = arith.constant 0 : i32
    %dma_wait3A_680 = tpu.memref_slice %arg7[%dma_wait3A_678, %dma_wait3A_679] : memref<2560x32xf32, #tpu.memory_space<vmem>> -> memref<128x32xf32, #tpu.memory_space<vmem>>
    %dma_wait3A_681 = arith.constant 0 : i32
    %dma_wait3A_682 = tpu.memref_slice %arg6[%dma_wait3A_677, %dma_wait3A_681] : memref<40x128xi32, #tpu.memory_space<vmem>> -> memref<1x128xi32, #tpu.memory_space<vmem>>
    %dma_wait3A_683 = tpu.memref_squeeze %dma_wait3A_682 : memref<1x128xi32, #tpu.memory_space<vmem>> -> memref<128xi32, #tpu.memory_space<vmem>>
    %dma_wait3A_684 = arith.constant 0 : i32
    %dma_wait3A_685 = arith.constant 0 : i32
    %dma_wait3A_686 = tpu.memref_slice %arg8[%dma_wait3A_684, %dma_wait3A_685] : memref<10016x32xf32, #tpu.memory_space<vmem_shared>> -> memref<10016x32xf32, #tpu.memory_space<vmem_shared>>
    tpu.wait_indirect_dma semaphore(%arg9 : memref<!tpu.dma_semaphore, #tpu.memory_space<semaphore_mem>>) src(%dma_wait3A_680 : memref<128x32xf32, #tpu.memory_space<vmem>>) dst(%dma_wait3A_686 : memref<10016x32xf32, #tpu.memory_space<vmem_shared>>)
    %dma_wait3A_687 = arith.constant 26 : i32
    %dma_wait3A_688 = arith.constant 768 : i32
    %dma_wait3A_689 = arith.constant 0 : i32
    %dma_wait3A_690 = tpu.memref_slice %arg7[%dma_wait3A_688, %dma_wait3A_689] : memref<2560x32xf32, #tpu.memory_space<vmem>> -> memref<128x32xf32, #tpu.memory_space<vmem>>
    %dma_wait3A_691 = arith.constant 0 : i32
    %dma_wait3A_692 = tpu.memref_slice %arg6[%dma_wait3A_687, %dma_wait3A_691] : memref<40x128xi32, #tpu.memory_space<vmem>> -> memref<1x128xi32, #tpu.memory_space<vmem>>
    %dma_wait3A_693 = tpu.memref_squeeze %dma_wait3A_692 : memref<1x128xi32, #tpu.memory_space<vmem>> -> memref<128xi32, #tpu.memory_space<vmem>>
    %dma_wait3A_694 = arith.constant 0 : i32
    %dma_wait3A_695 = arith.constant 0 : i32
    %dma_wait3A_696 = tpu.memref_slice %arg8[%dma_wait3A_694, %dma_wait3A_695] : memref<10016x32xf32, #tpu.memory_space<vmem_shared>> -> memref<10016x32xf32, #tpu.memory_space<vmem_shared>>
    tpu.wait_indirect_dma semaphore(%arg9 : memref<!tpu.dma_semaphore, #tpu.memory_space<semaphore_mem>>) src(%dma_wait3A_690 : memref<128x32xf32, #tpu.memory_space<vmem>>) dst(%dma_wait3A_696 : memref<10016x32xf32, #tpu.memory_space<vmem_shared>>)
    %dma_wait3A_697 = arith.constant 27 : i32
    %dma_wait3A_698 = arith.constant 896 : i32
    %dma_wait3A_699 = arith.constant 0 : i32
    %dma_wait3A_700 = tpu.memref_slice %arg7[%dma_wait3A_698, %dma_wait3A_699] : memref<2560x32xf32, #tpu.memory_space<vmem>> -> memref<128x32xf32, #tpu.memory_space<vmem>>
    %dma_wait3A_701 = arith.constant 0 : i32
    %dma_wait3A_702 = tpu.memref_slice %arg6[%dma_wait3A_697, %dma_wait3A_701] : memref<40x128xi32, #tpu.memory_space<vmem>> -> memref<1x128xi32, #tpu.memory_space<vmem>>
    %dma_wait3A_703 = tpu.memref_squeeze %dma_wait3A_702 : memref<1x128xi32, #tpu.memory_space<vmem>> -> memref<128xi32, #tpu.memory_space<vmem>>
    %dma_wait3A_704 = arith.constant 0 : i32
    %dma_wait3A_705 = arith.constant 0 : i32
    %dma_wait3A_706 = tpu.memref_slice %arg8[%dma_wait3A_704, %dma_wait3A_705] : memref<10016x32xf32, #tpu.memory_space<vmem_shared>> -> memref<10016x32xf32, #tpu.memory_space<vmem_shared>>
    tpu.wait_indirect_dma semaphore(%arg9 : memref<!tpu.dma_semaphore, #tpu.memory_space<semaphore_mem>>) src(%dma_wait3A_700 : memref<128x32xf32, #tpu.memory_space<vmem>>) dst(%dma_wait3A_706 : memref<10016x32xf32, #tpu.memory_space<vmem_shared>>)
    %dma_wait3A_707 = arith.constant 28 : i32
    %dma_wait3A_708 = arith.constant 1024 : i32
    %dma_wait3A_709 = arith.constant 0 : i32
    %dma_wait3A_710 = tpu.memref_slice %arg7[%dma_wait3A_708, %dma_wait3A_709] : memref<2560x32xf32, #tpu.memory_space<vmem>> -> memref<128x32xf32, #tpu.memory_space<vmem>>
    %dma_wait3A_711 = arith.constant 0 : i32
    %dma_wait3A_712 = tpu.memref_slice %arg6[%dma_wait3A_707, %dma_wait3A_711] : memref<40x128xi32, #tpu.memory_space<vmem>> -> memref<1x128xi32, #tpu.memory_space<vmem>>
    %dma_wait3A_713 = tpu.memref_squeeze %dma_wait3A_712 : memref<1x128xi32, #tpu.memory_space<vmem>> -> memref<128xi32, #tpu.memory_space<vmem>>
    %dma_wait3A_714 = arith.constant 0 : i32
    %dma_wait3A_715 = arith.constant 0 : i32
    %dma_wait3A_716 = tpu.memref_slice %arg8[%dma_wait3A_714, %dma_wait3A_715] : memref<10016x32xf32, #tpu.memory_space<vmem_shared>> -> memref<10016x32xf32, #tpu.memory_space<vmem_shared>>
    tpu.wait_indirect_dma semaphore(%arg9 : memref<!tpu.dma_semaphore, #tpu.memory_space<semaphore_mem>>) src(%dma_wait3A_710 : memref<128x32xf32, #tpu.memory_space<vmem>>) dst(%dma_wait3A_716 : memref<10016x32xf32, #tpu.memory_space<vmem_shared>>)
    %dma_wait3A_717 = arith.constant 29 : i32
    %dma_wait3A_718 = arith.constant 1152 : i32
    %dma_wait3A_719 = arith.constant 0 : i32
    %dma_wait3A_720 = tpu.memref_slice %arg7[%dma_wait3A_718, %dma_wait3A_719] : memref<2560x32xf32, #tpu.memory_space<vmem>> -> memref<128x32xf32, #tpu.memory_space<vmem>>
    %dma_wait3A_721 = arith.constant 0 : i32
    %dma_wait3A_722 = tpu.memref_slice %arg6[%dma_wait3A_717, %dma_wait3A_721] : memref<40x128xi32, #tpu.memory_space<vmem>> -> memref<1x128xi32, #tpu.memory_space<vmem>>
    %dma_wait3A_723 = tpu.memref_squeeze %dma_wait3A_722 : memref<1x128xi32, #tpu.memory_space<vmem>> -> memref<128xi32, #tpu.memory_space<vmem>>
    %dma_wait3A_724 = arith.constant 0 : i32
    %dma_wait3A_725 = arith.constant 0 : i32
    %dma_wait3A_726 = tpu.memref_slice %arg8[%dma_wait3A_724, %dma_wait3A_725] : memref<10016x32xf32, #tpu.memory_space<vmem_shared>> -> memref<10016x32xf32, #tpu.memory_space<vmem_shared>>
    tpu.wait_indirect_dma semaphore(%arg9 : memref<!tpu.dma_semaphore, #tpu.memory_space<semaphore_mem>>) src(%dma_wait3A_720 : memref<128x32xf32, #tpu.memory_space<vmem>>) dst(%dma_wait3A_726 : memref<10016x32xf32, #tpu.memory_space<vmem_shared>>)
    %dma_wait3A_727 = arith.constant 30 : i32
    %dma_wait3A_728 = arith.constant 1280 : i32
    %dma_wait3A_729 = arith.constant 0 : i32
    %dma_wait3A_730 = tpu.memref_slice %arg7[%dma_wait3A_728, %dma_wait3A_729] : memref<2560x32xf32, #tpu.memory_space<vmem>> -> memref<128x32xf32, #tpu.memory_space<vmem>>
    %dma_wait3A_731 = arith.constant 0 : i32
    %dma_wait3A_732 = tpu.memref_slice %arg6[%dma_wait3A_727, %dma_wait3A_731] : memref<40x128xi32, #tpu.memory_space<vmem>> -> memref<1x128xi32, #tpu.memory_space<vmem>>
    %dma_wait3A_733 = tpu.memref_squeeze %dma_wait3A_732 : memref<1x128xi32, #tpu.memory_space<vmem>> -> memref<128xi32, #tpu.memory_space<vmem>>
    %dma_wait3A_734 = arith.constant 0 : i32
    %dma_wait3A_735 = arith.constant 0 : i32
    %dma_wait3A_736 = tpu.memref_slice %arg8[%dma_wait3A_734, %dma_wait3A_735] : memref<10016x32xf32, #tpu.memory_space<vmem_shared>> -> memref<10016x32xf32, #tpu.memory_space<vmem_shared>>
    tpu.wait_indirect_dma semaphore(%arg9 : memref<!tpu.dma_semaphore, #tpu.memory_space<semaphore_mem>>) src(%dma_wait3A_730 : memref<128x32xf32, #tpu.memory_space<vmem>>) dst(%dma_wait3A_736 : memref<10016x32xf32, #tpu.memory_space<vmem_shared>>)
    %dma_wait3A_737 = arith.constant 31 : i32
    %dma_wait3A_738 = arith.constant 1408 : i32
    %dma_wait3A_739 = arith.constant 0 : i32
    %dma_wait3A_740 = tpu.memref_slice %arg7[%dma_wait3A_738, %dma_wait3A_739] : memref<2560x32xf32, #tpu.memory_space<vmem>> -> memref<128x32xf32, #tpu.memory_space<vmem>>
    %dma_wait3A_741 = arith.constant 0 : i32
    %dma_wait3A_742 = tpu.memref_slice %arg6[%dma_wait3A_737, %dma_wait3A_741] : memref<40x128xi32, #tpu.memory_space<vmem>> -> memref<1x128xi32, #tpu.memory_space<vmem>>
    %dma_wait3A_743 = tpu.memref_squeeze %dma_wait3A_742 : memref<1x128xi32, #tpu.memory_space<vmem>> -> memref<128xi32, #tpu.memory_space<vmem>>
    %dma_wait3A_744 = arith.constant 0 : i32
    %dma_wait3A_745 = arith.constant 0 : i32
    %dma_wait3A_746 = tpu.memref_slice %arg8[%dma_wait3A_744, %dma_wait3A_745] : memref<10016x32xf32, #tpu.memory_space<vmem_shared>> -> memref<10016x32xf32, #tpu.memory_space<vmem_shared>>
    tpu.wait_indirect_dma semaphore(%arg9 : memref<!tpu.dma_semaphore, #tpu.memory_space<semaphore_mem>>) src(%dma_wait3A_740 : memref<128x32xf32, #tpu.memory_space<vmem>>) dst(%dma_wait3A_746 : memref<10016x32xf32, #tpu.memory_space<vmem_shared>>)
    %dma_wait3A_747 = arith.constant 32 : i32
    %dma_wait3A_748 = arith.constant 1536 : i32
    %dma_wait3A_749 = arith.constant 0 : i32
    %dma_wait3A_750 = tpu.memref_slice %arg7[%dma_wait3A_748, %dma_wait3A_749] : memref<2560x32xf32, #tpu.memory_space<vmem>> -> memref<128x32xf32, #tpu.memory_space<vmem>>
    %dma_wait3A_751 = arith.constant 0 : i32
    %dma_wait3A_752 = tpu.memref_slice %arg6[%dma_wait3A_747, %dma_wait3A_751] : memref<40x128xi32, #tpu.memory_space<vmem>> -> memref<1x128xi32, #tpu.memory_space<vmem>>
    %dma_wait3A_753 = tpu.memref_squeeze %dma_wait3A_752 : memref<1x128xi32, #tpu.memory_space<vmem>> -> memref<128xi32, #tpu.memory_space<vmem>>
    %dma_wait3A_754 = arith.constant 0 : i32
    %dma_wait3A_755 = arith.constant 0 : i32
    %dma_wait3A_756 = tpu.memref_slice %arg8[%dma_wait3A_754, %dma_wait3A_755] : memref<10016x32xf32, #tpu.memory_space<vmem_shared>> -> memref<10016x32xf32, #tpu.memory_space<vmem_shared>>
    tpu.wait_indirect_dma semaphore(%arg9 : memref<!tpu.dma_semaphore, #tpu.memory_space<semaphore_mem>>) src(%dma_wait3A_750 : memref<128x32xf32, #tpu.memory_space<vmem>>) dst(%dma_wait3A_756 : memref<10016x32xf32, #tpu.memory_space<vmem_shared>>)
    %dma_wait3A_757 = arith.constant 33 : i32
    %dma_wait3A_758 = arith.constant 1664 : i32
    %dma_wait3A_759 = arith.constant 0 : i32
    %dma_wait3A_760 = tpu.memref_slice %arg7[%dma_wait3A_758, %dma_wait3A_759] : memref<2560x32xf32, #tpu.memory_space<vmem>> -> memref<128x32xf32, #tpu.memory_space<vmem>>
    %dma_wait3A_761 = arith.constant 0 : i32
    %dma_wait3A_762 = tpu.memref_slice %arg6[%dma_wait3A_757, %dma_wait3A_761] : memref<40x128xi32, #tpu.memory_space<vmem>> -> memref<1x128xi32, #tpu.memory_space<vmem>>
    %dma_wait3A_763 = tpu.memref_squeeze %dma_wait3A_762 : memref<1x128xi32, #tpu.memory_space<vmem>> -> memref<128xi32, #tpu.memory_space<vmem>>
    %dma_wait3A_764 = arith.constant 0 : i32
    %dma_wait3A_765 = arith.constant 0 : i32
    %dma_wait3A_766 = tpu.memref_slice %arg8[%dma_wait3A_764, %dma_wait3A_765] : memref<10016x32xf32, #tpu.memory_space<vmem_shared>> -> memref<10016x32xf32, #tpu.memory_space<vmem_shared>>
    tpu.wait_indirect_dma semaphore(%arg9 : memref<!tpu.dma_semaphore, #tpu.memory_space<semaphore_mem>>) src(%dma_wait3A_760 : memref<128x32xf32, #tpu.memory_space<vmem>>) dst(%dma_wait3A_766 : memref<10016x32xf32, #tpu.memory_space<vmem_shared>>)
    %dma_wait3A_767 = arith.constant 34 : i32
    %dma_wait3A_768 = arith.constant 1792 : i32
    %dma_wait3A_769 = arith.constant 0 : i32
    %dma_wait3A_770 = tpu.memref_slice %arg7[%dma_wait3A_768, %dma_wait3A_769] : memref<2560x32xf32, #tpu.memory_space<vmem>> -> memref<128x32xf32, #tpu.memory_space<vmem>>
    %dma_wait3A_771 = arith.constant 0 : i32
    %dma_wait3A_772 = tpu.memref_slice %arg6[%dma_wait3A_767, %dma_wait3A_771] : memref<40x128xi32, #tpu.memory_space<vmem>> -> memref<1x128xi32, #tpu.memory_space<vmem>>
    %dma_wait3A_773 = tpu.memref_squeeze %dma_wait3A_772 : memref<1x128xi32, #tpu.memory_space<vmem>> -> memref<128xi32, #tpu.memory_space<vmem>>
    %dma_wait3A_774 = arith.constant 0 : i32
    %dma_wait3A_775 = arith.constant 0 : i32
    %dma_wait3A_776 = tpu.memref_slice %arg8[%dma_wait3A_774, %dma_wait3A_775] : memref<10016x32xf32, #tpu.memory_space<vmem_shared>> -> memref<10016x32xf32, #tpu.memory_space<vmem_shared>>
    tpu.wait_indirect_dma semaphore(%arg9 : memref<!tpu.dma_semaphore, #tpu.memory_space<semaphore_mem>>) src(%dma_wait3A_770 : memref<128x32xf32, #tpu.memory_space<vmem>>) dst(%dma_wait3A_776 : memref<10016x32xf32, #tpu.memory_space<vmem_shared>>)
    %dma_wait3A_777 = arith.constant 35 : i32
    %dma_wait3A_778 = arith.constant 1920 : i32
    %dma_wait3A_779 = arith.constant 0 : i32
    %dma_wait3A_780 = tpu.memref_slice %arg7[%dma_wait3A_778, %dma_wait3A_779] : memref<2560x32xf32, #tpu.memory_space<vmem>> -> memref<128x32xf32, #tpu.memory_space<vmem>>
    %dma_wait3A_781 = arith.constant 0 : i32
    %dma_wait3A_782 = tpu.memref_slice %arg6[%dma_wait3A_777, %dma_wait3A_781] : memref<40x128xi32, #tpu.memory_space<vmem>> -> memref<1x128xi32, #tpu.memory_space<vmem>>
    %dma_wait3A_783 = tpu.memref_squeeze %dma_wait3A_782 : memref<1x128xi32, #tpu.memory_space<vmem>> -> memref<128xi32, #tpu.memory_space<vmem>>
    %dma_wait3A_784 = arith.constant 0 : i32
    %dma_wait3A_785 = arith.constant 0 : i32
    %dma_wait3A_786 = tpu.memref_slice %arg8[%dma_wait3A_784, %dma_wait3A_785] : memref<10016x32xf32, #tpu.memory_space<vmem_shared>> -> memref<10016x32xf32, #tpu.memory_space<vmem_shared>>
    tpu.wait_indirect_dma semaphore(%arg9 : memref<!tpu.dma_semaphore, #tpu.memory_space<semaphore_mem>>) src(%dma_wait3A_780 : memref<128x32xf32, #tpu.memory_space<vmem>>) dst(%dma_wait3A_786 : memref<10016x32xf32, #tpu.memory_space<vmem_shared>>)
    %dma_wait3A_787 = arith.constant 36 : i32
    %dma_wait3A_788 = arith.constant 2048 : i32
    %dma_wait3A_789 = arith.constant 0 : i32
    %dma_wait3A_790 = tpu.memref_slice %arg7[%dma_wait3A_788, %dma_wait3A_789] : memref<2560x32xf32, #tpu.memory_space<vmem>> -> memref<128x32xf32, #tpu.memory_space<vmem>>
    %dma_wait3A_791 = arith.constant 0 : i32
    %dma_wait3A_792 = tpu.memref_slice %arg6[%dma_wait3A_787, %dma_wait3A_791] : memref<40x128xi32, #tpu.memory_space<vmem>> -> memref<1x128xi32, #tpu.memory_space<vmem>>
    %dma_wait3A_793 = tpu.memref_squeeze %dma_wait3A_792 : memref<1x128xi32, #tpu.memory_space<vmem>> -> memref<128xi32, #tpu.memory_space<vmem>>
    %dma_wait3A_794 = arith.constant 0 : i32
    %dma_wait3A_795 = arith.constant 0 : i32
    %dma_wait3A_796 = tpu.memref_slice %arg8[%dma_wait3A_794, %dma_wait3A_795] : memref<10016x32xf32, #tpu.memory_space<vmem_shared>> -> memref<10016x32xf32, #tpu.memory_space<vmem_shared>>
    tpu.wait_indirect_dma semaphore(%arg9 : memref<!tpu.dma_semaphore, #tpu.memory_space<semaphore_mem>>) src(%dma_wait3A_790 : memref<128x32xf32, #tpu.memory_space<vmem>>) dst(%dma_wait3A_796 : memref<10016x32xf32, #tpu.memory_space<vmem_shared>>)
    %dma_wait3A_797 = arith.constant 37 : i32
    %dma_wait3A_798 = arith.constant 2176 : i32
    %dma_wait3A_799 = arith.constant 0 : i32
    %dma_wait3A_800 = tpu.memref_slice %arg7[%dma_wait3A_798, %dma_wait3A_799] : memref<2560x32xf32, #tpu.memory_space<vmem>> -> memref<128x32xf32, #tpu.memory_space<vmem>>
    %dma_wait3A_801 = arith.constant 0 : i32
    %dma_wait3A_802 = tpu.memref_slice %arg6[%dma_wait3A_797, %dma_wait3A_801] : memref<40x128xi32, #tpu.memory_space<vmem>> -> memref<1x128xi32, #tpu.memory_space<vmem>>
    %dma_wait3A_803 = tpu.memref_squeeze %dma_wait3A_802 : memref<1x128xi32, #tpu.memory_space<vmem>> -> memref<128xi32, #tpu.memory_space<vmem>>
    %dma_wait3A_804 = arith.constant 0 : i32
    %dma_wait3A_805 = arith.constant 0 : i32
    %dma_wait3A_806 = tpu.memref_slice %arg8[%dma_wait3A_804, %dma_wait3A_805] : memref<10016x32xf32, #tpu.memory_space<vmem_shared>> -> memref<10016x32xf32, #tpu.memory_space<vmem_shared>>
    tpu.wait_indirect_dma semaphore(%arg9 : memref<!tpu.dma_semaphore, #tpu.memory_space<semaphore_mem>>) src(%dma_wait3A_800 : memref<128x32xf32, #tpu.memory_space<vmem>>) dst(%dma_wait3A_806 : memref<10016x32xf32, #tpu.memory_space<vmem_shared>>)
    %dma_wait3A_807 = arith.constant 38 : i32
    %dma_wait3A_808 = arith.constant 2304 : i32
    %dma_wait3A_809 = arith.constant 0 : i32
    %dma_wait3A_810 = tpu.memref_slice %arg7[%dma_wait3A_808, %dma_wait3A_809] : memref<2560x32xf32, #tpu.memory_space<vmem>> -> memref<128x32xf32, #tpu.memory_space<vmem>>
    %dma_wait3A_811 = arith.constant 0 : i32
    %dma_wait3A_812 = tpu.memref_slice %arg6[%dma_wait3A_807, %dma_wait3A_811] : memref<40x128xi32, #tpu.memory_space<vmem>> -> memref<1x128xi32, #tpu.memory_space<vmem>>
    %dma_wait3A_813 = tpu.memref_squeeze %dma_wait3A_812 : memref<1x128xi32, #tpu.memory_space<vmem>> -> memref<128xi32, #tpu.memory_space<vmem>>
    %dma_wait3A_814 = arith.constant 0 : i32
    %dma_wait3A_815 = arith.constant 0 : i32
    %dma_wait3A_816 = tpu.memref_slice %arg8[%dma_wait3A_814, %dma_wait3A_815] : memref<10016x32xf32, #tpu.memory_space<vmem_shared>> -> memref<10016x32xf32, #tpu.memory_space<vmem_shared>>
    tpu.wait_indirect_dma semaphore(%arg9 : memref<!tpu.dma_semaphore, #tpu.memory_space<semaphore_mem>>) src(%dma_wait3A_810 : memref<128x32xf32, #tpu.memory_space<vmem>>) dst(%dma_wait3A_816 : memref<10016x32xf32, #tpu.memory_space<vmem_shared>>)
    %dma_wait3A_817 = arith.constant 39 : i32
    %dma_wait3A_818 = arith.constant 2432 : i32
    %dma_wait3A_819 = arith.constant 0 : i32
    %dma_wait3A_820 = tpu.memref_slice %arg7[%dma_wait3A_818, %dma_wait3A_819] : memref<2560x32xf32, #tpu.memory_space<vmem>> -> memref<128x32xf32, #tpu.memory_space<vmem>>
    %dma_wait3A_821 = arith.constant 0 : i32
    %dma_wait3A_822 = tpu.memref_slice %arg6[%dma_wait3A_817, %dma_wait3A_821] : memref<40x128xi32, #tpu.memory_space<vmem>> -> memref<1x128xi32, #tpu.memory_space<vmem>>
    %dma_wait3A_823 = tpu.memref_squeeze %dma_wait3A_822 : memref<1x128xi32, #tpu.memory_space<vmem>> -> memref<128xi32, #tpu.memory_space<vmem>>
    %dma_wait3A_824 = arith.constant 0 : i32
    %dma_wait3A_825 = arith.constant 0 : i32
    %dma_wait3A_826 = tpu.memref_slice %arg8[%dma_wait3A_824, %dma_wait3A_825] : memref<10016x32xf32, #tpu.memory_space<vmem_shared>> -> memref<10016x32xf32, #tpu.memory_space<vmem_shared>>
    tpu.wait_indirect_dma semaphore(%arg9 : memref<!tpu.dma_semaphore, #tpu.memory_space<semaphore_mem>>) src(%dma_wait3A_820 : memref<128x32xf32, #tpu.memory_space<vmem>>) dst(%dma_wait3A_826 : memref<10016x32xf32, #tpu.memory_space<vmem_shared>>)
    %barrier3A_827 = arith.constant 0 : index
    tpu.barrier barrier_id(%barrier3A_827)
    %mul3A_828 = arith.constant 626 : i32
    %mul3A_829 = arith.muli %arg1, %mul3A_828 : i32
    %mul3A_830 = arith.constant 626 : i32
    %mul3A_831 = arith.muli %arg1, %mul3A_830 : i32
    "tpu.region"() ({
      %run_scoped3A = tpu.sem_alloc : memref<!tpu.dma_semaphore, #tpu.memory_space<semaphore_mem>>
      %dma_start3A_832 = arith.constant 0 : i32
      %dma_start3A_833 = tpu.memref_slice %arg5[%arg0, %mul3A_831, %dma_start3A_832] : memref<2x10016x32xf32, #tpu.memory_space<hbm>> -> memref<1x626x32xf32, #tpu.memory_space<hbm>>
      %dma_start3A_834 = tpu.memref_squeeze %dma_start3A_833 : memref<1x626x32xf32, #tpu.memory_space<hbm>> -> memref<626x32xf32, #tpu.memory_space<hbm>>
      %dma_start3A_835 = arith.constant 0 : i32
      %dma_start3A_836 = tpu.memref_slice %arg8[%mul3A_829, %dma_start3A_835] : memref<10016x32xf32, #tpu.memory_space<vmem_shared>> -> memref<626x32xf32, #tpu.memory_space<vmem_shared>>
      tpu.enqueue_dma source(%dma_start3A_836 : memref<626x32xf32, #tpu.memory_space<vmem_shared>>) target(%dma_start3A_834 : memref<626x32xf32, #tpu.memory_space<hbm>>) target_semaphore(%run_scoped3A : memref<!tpu.dma_semaphore, #tpu.memory_space<semaphore_mem>>)
      %dma_wait3A_837 = arith.constant 0 : i32
      %dma_wait3A_838 = tpu.memref_slice %arg5[%arg0, %mul3A_831, %dma_wait3A_837] : memref<2x10016x32xf32, #tpu.memory_space<hbm>> -> memref<1x626x32xf32, #tpu.memory_space<hbm>>
      %dma_wait3A_839 = tpu.memref_squeeze %dma_wait3A_838 : memref<1x626x32xf32, #tpu.memory_space<hbm>> -> memref<626x32xf32, #tpu.memory_space<hbm>>
      %dma_wait3A_840 = arith.constant 0 : i32
      %dma_wait3A_841 = tpu.memref_slice %arg8[%mul3A_829, %dma_wait3A_840] : memref<10016x32xf32, #tpu.memory_space<vmem_shared>> -> memref<626x32xf32, #tpu.memory_space<vmem_shared>>
      tpu.wait_dma2 semaphore(%run_scoped3A : memref<!tpu.dma_semaphore, #tpu.memory_space<semaphore_mem>>) src(%dma_wait3A_841 : memref<626x32xf32, #tpu.memory_space<vmem_shared>>) dst(%dma_wait3A_839 : memref<626x32xf32, #tpu.memory_space<hbm>>)
      tpu.yield
    }) : () -> ()
    return
  }
}

module attributes {stable_mosaic.version = 14 : i64} {
  func.func @_init_body(%arg0: memref<10000x128xf32, #tpu.memory_space<vmem>>, %arg1: memref<128x32xf32, #tpu.memory_space<vmem>>, %arg2: memref<1x32xf32, #tpu.memory_space<vmem>>, %arg3: memref<10000x32xf32, #tpu.memory_space<vmem>>) attributes {dimension_semantics = [], scalar_prefetch = 0 : i64, scratch_operands = 0 : i64, tpu.core_type = #tpu.core_type<tc>} {
    %get3A = arith.constant 0 : index
    %get3A_0 = arith.constant 0 : index
    %get3A_1 = vector.load %arg0[%get3A, %get3A_0] : memref<10000x128xf32, #tpu.memory_space<vmem>>, vector<10000x128xf32>
    %get3A_2 = arith.constant 0 : index
    %get3A_3 = arith.constant 0 : index
    %get3A_4 = vector.load %arg1[%get3A_2, %get3A_3] : memref<128x32xf32, #tpu.memory_space<vmem>>, vector<128x32xf32>
    %dot_general3A = arith.constant dense<0.000000e+00> : vector<10000x32xf32>
    %dot_general3A_5 = tpu.matmul %get3A_1, %get3A_4, %dot_general3A {dimension_numbers = #tpu.dot_dimension_numbers<[1], [0], [0], [1], [0, 0, 1, 1], [], []>, transpose_lhs_hint = false} : vector<10000x128xf32>, vector<128x32xf32>, vector<10000x32xf32> -> vector<10000x32xf32>
    %get3A_6 = arith.constant 0 : index
    %get3A_7 = arith.constant 0 : index
    %get3A_8 = vector.load %arg2[%get3A_6, %get3A_7] : memref<1x32xf32, #tpu.memory_space<vmem>>, vector<1x32xf32>
    %add3A = vector.broadcast %get3A_8 : vector<1x32xf32> to vector<10000x32xf32>
    %add3A_9 = arith.addf %dot_general3A_5, %add3A : vector<10000x32xf32>
    %max3A = arith.constant 0.000000e+00 : f32
    %max3A_10 = vector.broadcast %max3A : f32 to vector<10000x32xf32>
    %max3A_11 = arith.maximumf %add3A_9, %max3A_10 : vector<10000x32xf32>
    %swap3A = arith.constant 0 : index
    %swap3A_12 = arith.constant 0 : index
    %swap3A_13 = vector.load %arg3[%swap3A, %swap3A_12] : memref<10000x32xf32, #tpu.memory_space<vmem>>, vector<10000x32xf32>
    tpu.vector_store %arg3[%swap3A, %swap3A_12], %max3A_11 {strides = array<i32>} : memref<10000x32xf32, #tpu.memory_space<vmem>>, vector<10000x32xf32>,
    return
  }
}

module attributes {stable_mosaic.version = 14 : i64} {
  func.func @_msg_body(%arg0: i32, %arg1: memref<1024x64xbf16, #tpu.memory_space<vmem>>, %arg2: memref<1024x128xf32, #tpu.memory_space<vmem>>, %arg3: memref<16x64xbf16, #tpu.memory_space<vmem>>, %arg4: memref<1x64xf32, #tpu.memory_space<vmem>>, %arg5: memref<64x1024xbf16, #tpu.memory_space<vmem>>, %arg6: memref<32x1024xbf16, #tpu.memory_space<vmem>>, %arg7: memref<32x32xf32, #tpu.memory_space<vmem>>, %arg8: memref<1024x128xf32, #tpu.memory_space<vmem>>) attributes {dimension_semantics = [#tpu.dimension_semantics<arbitrary>], iteration_bounds = array<i64: 40>, scalar_prefetch = 0 : i64, scratch_operands = 0 : i64, tpu.core_type = #tpu.core_type<tc>, window_params = [{transform_indices = @transform_0, window_bounds = array<i64: 1024, 64>}, {transform_indices = @transform_1, window_bounds = array<i64: 1024, 128>}, {pipeline_mode = #tpu.pipeline_mode<synchronous>, transform_indices = @transform_2, window_bounds = array<i64: 16, 64>}, {pipeline_mode = #tpu.pipeline_mode<synchronous>, transform_indices = @transform_3, window_bounds = array<i64: 1, 64>}, {pipeline_mode = #tpu.pipeline_mode<synchronous>, transform_indices = @transform_4, window_bounds = array<i64: 64, 1024>}, {pipeline_mode = #tpu.pipeline_mode<synchronous>, transform_indices = @transform_5, window_bounds = array<i64: 32, 1024>}, {pipeline_mode = #tpu.pipeline_mode<synchronous>, transform_indices = @transform_6, window_bounds = array<i64: 32, 32>}, {transform_indices = @transform_7, window_bounds = array<i64: 1024, 128>}]} {
    %get3A = arith.constant 0 : index
    %get3A_0 = arith.constant 0 : index
    %get3A_1 = vector.load %arg1[%get3A, %get3A_0] : memref<1024x64xbf16, #tpu.memory_space<vmem>>, vector<1024x64xbf16>
    %get3A_2 = arith.constant 0 : index
    %get3A_3 = arith.constant 0 : index
    %get3A_4 = vector.load %arg2[%get3A_2, %get3A_3] : memref<1024x128xf32, #tpu.memory_space<vmem>>, vector<1024x128xf32>
    %slice3A = vector.extract_strided_slice %get3A_1 {offsets = [0, 0], sizes = [1024, 16], strides = [1, 1]} : vector<1024x64xbf16> to vector<1024x16xbf16>
    %get3A_5 = arith.constant 0 : index
    %get3A_6 = arith.constant 0 : index
    %get3A_7 = vector.load %arg3[%get3A_5, %get3A_6] : memref<16x64xbf16, #tpu.memory_space<vmem>>, vector<16x64xbf16>
    %dot_general3A = arith.constant dense<0.000000e+00> : vector<1024x64xf32>
    %dot_general3A_8 = tpu.matmul %slice3A, %get3A_7, %dot_general3A {dimension_numbers = #tpu.dot_dimension_numbers<[1], [0], [0], [1], [0, 0, 1, 1], [], []>, transpose_lhs_hint = false} : vector<1024x16xbf16>, vector<16x64xbf16>, vector<1024x64xf32> -> vector<1024x64xf32>
    %get3A_9 = arith.constant 0 : index
    %get3A_10 = arith.constant 0 : index
    %get3A_11 = vector.load %arg4[%get3A_9, %get3A_10] : memref<1x64xf32, #tpu.memory_space<vmem>>, vector<1x64xf32>
    %add3A = vector.broadcast %get3A_11 : vector<1x64xf32> to vector<1024x64xf32>
    %add3A_12 = arith.addf %dot_general3A_8, %add3A : vector<1024x64xf32>
    %max3A = arith.constant 0.000000e+00 : f32
    %max3A_13 = vector.broadcast %max3A : f32 to vector<1024x64xf32>
    %max3A_14 = arith.maximumf %add3A_12, %max3A_13 : vector<1024x64xf32>
    %convert_element_type3A = arith.truncf %max3A_14 : vector<1024x64xf32> to vector<1024x64xbf16>
    %get3A_15 = arith.constant 0 : index
    %get3A_16 = arith.constant 0 : index
    %get3A_17 = vector.load %arg5[%get3A_15, %get3A_16] : memref<64x1024xbf16, #tpu.memory_space<vmem>>, vector<64x1024xbf16>
    %dot_general3A_18 = arith.constant dense<0.000000e+00> : vector<1024x1024xf32>
    %dot_general3A_19 = tpu.matmul %convert_element_type3A, %get3A_17, %dot_general3A_18 {dimension_numbers = #tpu.dot_dimension_numbers<[1], [0], [0], [1], [0, 0, 1, 1], [], []>, transpose_lhs_hint = false} : vector<1024x64xbf16>, vector<64x1024xbf16>, vector<1024x1024xf32> -> vector<1024x1024xf32>
    %slice3A_20 = vector.extract_strided_slice %get3A_4 {offsets = [0, 0], sizes = [1024, 32], strides = [1, 1]} : vector<1024x128xf32> to vector<1024x32xf32>
    %convert_element_type3A_21 = arith.truncf %slice3A_20 : vector<1024x32xf32> to vector<1024x32xbf16>
    %get3A_22 = arith.constant 0 : index
    %get3A_23 = arith.constant 0 : index
    %get3A_24 = vector.load %arg6[%get3A_22, %get3A_23] : memref<32x1024xbf16, #tpu.memory_space<vmem>>, vector<32x1024xbf16>
    %dot_general3A_25 = arith.constant dense<0.000000e+00> : vector<1024x1024xf32>
    %dot_general3A_26 = tpu.matmul %convert_element_type3A_21, %get3A_24, %dot_general3A_25 {dimension_numbers = #tpu.dot_dimension_numbers<[1], [0], [0], [1], [0, 0, 1, 1], [], []>, transpose_lhs_hint = false} : vector<1024x32xbf16>, vector<32x1024xbf16>, vector<1024x1024xf32> -> vector<1024x1024xf32>
    %mul3A = arith.mulf %dot_general3A_26, %dot_general3A_19 : vector<1024x1024xf32>
    %slice3A_27 = vector.extract_strided_slice %mul3A {offsets = [0, 0], sizes = [1024, 512], strides = [1, 1]} : vector<1024x1024xf32> to vector<1024x512xf32>
    %slice3A_28 = vector.extract_strided_slice %mul3A {offsets = [0, 512], sizes = [1024, 512], strides = [1, 1]} : vector<1024x1024xf32> to vector<1024x512xf32>
    %add3A_29 = arith.addf %slice3A_27, %slice3A_28 : vector<1024x512xf32>
    %slice3A_30 = vector.extract_strided_slice %add3A_29 {offsets = [0, 0], sizes = [1024, 256], strides = [1, 1]} : vector<1024x512xf32> to vector<1024x256xf32>
    %slice3A_31 = vector.extract_strided_slice %add3A_29 {offsets = [0, 256], sizes = [1024, 256], strides = [1, 1]} : vector<1024x512xf32> to vector<1024x256xf32>
    %add3A_32 = arith.addf %slice3A_30, %slice3A_31 : vector<1024x256xf32>
    %slice3A_33 = vector.extract_strided_slice %add3A_32 {offsets = [0, 0], sizes = [1024, 128], strides = [1, 1]} : vector<1024x256xf32> to vector<1024x128xf32>
    %slice3A_34 = vector.extract_strided_slice %add3A_32 {offsets = [0, 128], sizes = [1024, 128], strides = [1, 1]} : vector<1024x256xf32> to vector<1024x128xf32>
    %add3A_35 = arith.addf %slice3A_33, %slice3A_34 : vector<1024x128xf32>
    %slice3A_36 = vector.extract_strided_slice %add3A_35 {offsets = [0, 0], sizes = [1024, 64], strides = [1, 1]} : vector<1024x128xf32> to vector<1024x64xf32>
    %slice3A_37 = vector.extract_strided_slice %add3A_35 {offsets = [0, 64], sizes = [1024, 64], strides = [1, 1]} : vector<1024x128xf32> to vector<1024x64xf32>
    %add3A_38 = arith.addf %slice3A_36, %slice3A_37 : vector<1024x64xf32>
    %slice3A_39 = vector.extract_strided_slice %add3A_38 {offsets = [0, 0], sizes = [1024, 32], strides = [1, 1]} : vector<1024x64xf32> to vector<1024x32xf32>
    %slice3A_40 = vector.extract_strided_slice %add3A_38 {offsets = [0, 32], sizes = [1024, 32], strides = [1, 1]} : vector<1024x64xf32> to vector<1024x32xf32>
    %add3A_41 = arith.addf %slice3A_39, %slice3A_40 : vector<1024x32xf32>
    %get3A_42 = arith.constant 0 : index
    %get3A_43 = arith.constant 0 : index
    %get3A_44 = vector.load %arg7[%get3A_42, %get3A_43] : memref<32x32xf32, #tpu.memory_space<vmem>>, vector<32x32xf32>
    %dot_general3A_45 = arith.constant dense<0.000000e+00> : vector<1024x32xf32>
    %dot_general3A_46 = tpu.matmul %slice3A_20, %get3A_44, %dot_general3A_45 {dimension_numbers = #tpu.dot_dimension_numbers<[1], [0], [0], [1], [0, 0, 1, 1], [], []>, transpose_lhs_hint = false} : vector<1024x32xf32>, vector<32x32xf32>, vector<1024x32xf32> -> vector<1024x32xf32>
    %add3A_47 = arith.addf %add3A_41, %dot_general3A_46 : vector<1024x32xf32>
    %slice3A_48 = vector.extract_strided_slice %get3A_1 {offsets = [0, 16], sizes = [1024, 16], strides = [1, 1]} : vector<1024x64xbf16> to vector<1024x16xbf16>
    %get3A_49 = arith.constant 0 : index
    %get3A_50 = arith.constant 0 : index
    %get3A_51 = vector.load %arg3[%get3A_49, %get3A_50] : memref<16x64xbf16, #tpu.memory_space<vmem>>, vector<16x64xbf16>
    %dot_general3A_52 = arith.constant dense<0.000000e+00> : vector<1024x64xf32>
    %dot_general3A_53 = tpu.matmul %slice3A_48, %get3A_51, %dot_general3A_52 {dimension_numbers = #tpu.dot_dimension_numbers<[1], [0], [0], [1], [0, 0, 1, 1], [], []>, transpose_lhs_hint = false} : vector<1024x16xbf16>, vector<16x64xbf16>, vector<1024x64xf32> -> vector<1024x64xf32>
    %get3A_54 = arith.constant 0 : index
    %get3A_55 = arith.constant 0 : index
    %get3A_56 = vector.load %arg4[%get3A_54, %get3A_55] : memref<1x64xf32, #tpu.memory_space<vmem>>, vector<1x64xf32>
    %add3A_57 = vector.broadcast %get3A_56 : vector<1x64xf32> to vector<1024x64xf32>
    %add3A_58 = arith.addf %dot_general3A_53, %add3A_57 : vector<1024x64xf32>
    %max3A_59 = arith.constant 0.000000e+00 : f32
    %max3A_60 = vector.broadcast %max3A_59 : f32 to vector<1024x64xf32>
    %max3A_61 = arith.maximumf %add3A_58, %max3A_60 : vector<1024x64xf32>
    %convert_element_type3A_62 = arith.truncf %max3A_61 : vector<1024x64xf32> to vector<1024x64xbf16>
    %get3A_63 = arith.constant 0 : index
    %get3A_64 = arith.constant 0 : index
    %get3A_65 = vector.load %arg5[%get3A_63, %get3A_64] : memref<64x1024xbf16, #tpu.memory_space<vmem>>, vector<64x1024xbf16>
    %dot_general3A_66 = arith.constant dense<0.000000e+00> : vector<1024x1024xf32>
    %dot_general3A_67 = tpu.matmul %convert_element_type3A_62, %get3A_65, %dot_general3A_66 {dimension_numbers = #tpu.dot_dimension_numbers<[1], [0], [0], [1], [0, 0, 1, 1], [], []>, transpose_lhs_hint = false} : vector<1024x64xbf16>, vector<64x1024xbf16>, vector<1024x1024xf32> -> vector<1024x1024xf32>
    %slice3A_68 = vector.extract_strided_slice %get3A_4 {offsets = [0, 32], sizes = [1024, 32], strides = [1, 1]} : vector<1024x128xf32> to vector<1024x32xf32>
    %convert_element_type3A_69 = arith.truncf %slice3A_68 : vector<1024x32xf32> to vector<1024x32xbf16>
    %get3A_70 = arith.constant 0 : index
    %get3A_71 = arith.constant 0 : index
    %get3A_72 = vector.load %arg6[%get3A_70, %get3A_71] : memref<32x1024xbf16, #tpu.memory_space<vmem>>, vector<32x1024xbf16>
    %dot_general3A_73 = arith.constant dense<0.000000e+00> : vector<1024x1024xf32>
    %dot_general3A_74 = tpu.matmul %convert_element_type3A_69, %get3A_72, %dot_general3A_73 {dimension_numbers = #tpu.dot_dimension_numbers<[1], [0], [0], [1], [0, 0, 1, 1], [], []>, transpose_lhs_hint = false} : vector<1024x32xbf16>, vector<32x1024xbf16>, vector<1024x1024xf32> -> vector<1024x1024xf32>
    %mul3A_75 = arith.mulf %dot_general3A_74, %dot_general3A_67 : vector<1024x1024xf32>
    %slice3A_76 = vector.extract_strided_slice %mul3A_75 {offsets = [0, 0], sizes = [1024, 512], strides = [1, 1]} : vector<1024x1024xf32> to vector<1024x512xf32>
    %slice3A_77 = vector.extract_strided_slice %mul3A_75 {offsets = [0, 512], sizes = [1024, 512], strides = [1, 1]} : vector<1024x1024xf32> to vector<1024x512xf32>
    %add3A_78 = arith.addf %slice3A_76, %slice3A_77 : vector<1024x512xf32>
    %slice3A_79 = vector.extract_strided_slice %add3A_78 {offsets = [0, 0], sizes = [1024, 256], strides = [1, 1]} : vector<1024x512xf32> to vector<1024x256xf32>
    %slice3A_80 = vector.extract_strided_slice %add3A_78 {offsets = [0, 256], sizes = [1024, 256], strides = [1, 1]} : vector<1024x512xf32> to vector<1024x256xf32>
    %add3A_81 = arith.addf %slice3A_79, %slice3A_80 : vector<1024x256xf32>
    %slice3A_82 = vector.extract_strided_slice %add3A_81 {offsets = [0, 0], sizes = [1024, 128], strides = [1, 1]} : vector<1024x256xf32> to vector<1024x128xf32>
    %slice3A_83 = vector.extract_strided_slice %add3A_81 {offsets = [0, 128], sizes = [1024, 128], strides = [1, 1]} : vector<1024x256xf32> to vector<1024x128xf32>
    %add3A_84 = arith.addf %slice3A_82, %slice3A_83 : vector<1024x128xf32>
    %slice3A_85 = vector.extract_strided_slice %add3A_84 {offsets = [0, 0], sizes = [1024, 64], strides = [1, 1]} : vector<1024x128xf32> to vector<1024x64xf32>
    %slice3A_86 = vector.extract_strided_slice %add3A_84 {offsets = [0, 64], sizes = [1024, 64], strides = [1, 1]} : vector<1024x128xf32> to vector<1024x64xf32>
    %add3A_87 = arith.addf %slice3A_85, %slice3A_86 : vector<1024x64xf32>
    %slice3A_88 = vector.extract_strided_slice %add3A_87 {offsets = [0, 0], sizes = [1024, 32], strides = [1, 1]} : vector<1024x64xf32> to vector<1024x32xf32>
    %slice3A_89 = vector.extract_strided_slice %add3A_87 {offsets = [0, 32], sizes = [1024, 32], strides = [1, 1]} : vector<1024x64xf32> to vector<1024x32xf32>
    %add3A_90 = arith.addf %slice3A_88, %slice3A_89 : vector<1024x32xf32>
    %get3A_91 = arith.constant 0 : index
    %get3A_92 = arith.constant 0 : index
    %get3A_93 = vector.load %arg7[%get3A_91, %get3A_92] : memref<32x32xf32, #tpu.memory_space<vmem>>, vector<32x32xf32>
    %dot_general3A_94 = arith.constant dense<0.000000e+00> : vector<1024x32xf32>
    %dot_general3A_95 = tpu.matmul %slice3A_68, %get3A_93, %dot_general3A_94 {dimension_numbers = #tpu.dot_dimension_numbers<[1], [0], [0], [1], [0, 0, 1, 1], [], []>, transpose_lhs_hint = false} : vector<1024x32xf32>, vector<32x32xf32>, vector<1024x32xf32> -> vector<1024x32xf32>
    %add3A_96 = arith.addf %add3A_90, %dot_general3A_95 : vector<1024x32xf32>
    %slice3A_97 = vector.extract_strided_slice %get3A_1 {offsets = [0, 32], sizes = [1024, 16], strides = [1, 1]} : vector<1024x64xbf16> to vector<1024x16xbf16>
    %get3A_98 = arith.constant 0 : index
    %get3A_99 = arith.constant 0 : index
    %get3A_100 = vector.load %arg3[%get3A_98, %get3A_99] : memref<16x64xbf16, #tpu.memory_space<vmem>>, vector<16x64xbf16>
    %dot_general3A_101 = arith.constant dense<0.000000e+00> : vector<1024x64xf32>
    %dot_general3A_102 = tpu.matmul %slice3A_97, %get3A_100, %dot_general3A_101 {dimension_numbers = #tpu.dot_dimension_numbers<[1], [0], [0], [1], [0, 0, 1, 1], [], []>, transpose_lhs_hint = false} : vector<1024x16xbf16>, vector<16x64xbf16>, vector<1024x64xf32> -> vector<1024x64xf32>
    %get3A_103 = arith.constant 0 : index
    %get3A_104 = arith.constant 0 : index
    %get3A_105 = vector.load %arg4[%get3A_103, %get3A_104] : memref<1x64xf32, #tpu.memory_space<vmem>>, vector<1x64xf32>
    %add3A_106 = vector.broadcast %get3A_105 : vector<1x64xf32> to vector<1024x64xf32>
    %add3A_107 = arith.addf %dot_general3A_102, %add3A_106 : vector<1024x64xf32>
    %max3A_108 = arith.constant 0.000000e+00 : f32
    %max3A_109 = vector.broadcast %max3A_108 : f32 to vector<1024x64xf32>
    %max3A_110 = arith.maximumf %add3A_107, %max3A_109 : vector<1024x64xf32>
    %convert_element_type3A_111 = arith.truncf %max3A_110 : vector<1024x64xf32> to vector<1024x64xbf16>
    %get3A_112 = arith.constant 0 : index
    %get3A_113 = arith.constant 0 : index
    %get3A_114 = vector.load %arg5[%get3A_112, %get3A_113] : memref<64x1024xbf16, #tpu.memory_space<vmem>>, vector<64x1024xbf16>
    %dot_general3A_115 = arith.constant dense<0.000000e+00> : vector<1024x1024xf32>
    %dot_general3A_116 = tpu.matmul %convert_element_type3A_111, %get3A_114, %dot_general3A_115 {dimension_numbers = #tpu.dot_dimension_numbers<[1], [0], [0], [1], [0, 0, 1, 1], [], []>, transpose_lhs_hint = false} : vector<1024x64xbf16>, vector<64x1024xbf16>, vector<1024x1024xf32> -> vector<1024x1024xf32>
    %slice3A_117 = vector.extract_strided_slice %get3A_4 {offsets = [0, 64], sizes = [1024, 32], strides = [1, 1]} : vector<1024x128xf32> to vector<1024x32xf32>
    %convert_element_type3A_118 = arith.truncf %slice3A_117 : vector<1024x32xf32> to vector<1024x32xbf16>
    %get3A_119 = arith.constant 0 : index
    %get3A_120 = arith.constant 0 : index
    %get3A_121 = vector.load %arg6[%get3A_119, %get3A_120] : memref<32x1024xbf16, #tpu.memory_space<vmem>>, vector<32x1024xbf16>
    %dot_general3A_122 = arith.constant dense<0.000000e+00> : vector<1024x1024xf32>
    %dot_general3A_123 = tpu.matmul %convert_element_type3A_118, %get3A_121, %dot_general3A_122 {dimension_numbers = #tpu.dot_dimension_numbers<[1], [0], [0], [1], [0, 0, 1, 1], [], []>, transpose_lhs_hint = false} : vector<1024x32xbf16>, vector<32x1024xbf16>, vector<1024x1024xf32> -> vector<1024x1024xf32>
    %mul3A_124 = arith.mulf %dot_general3A_123, %dot_general3A_116 : vector<1024x1024xf32>
    %slice3A_125 = vector.extract_strided_slice %mul3A_124 {offsets = [0, 0], sizes = [1024, 512], strides = [1, 1]} : vector<1024x1024xf32> to vector<1024x512xf32>
    %slice3A_126 = vector.extract_strided_slice %mul3A_124 {offsets = [0, 512], sizes = [1024, 512], strides = [1, 1]} : vector<1024x1024xf32> to vector<1024x512xf32>
    %add3A_127 = arith.addf %slice3A_125, %slice3A_126 : vector<1024x512xf32>
    %slice3A_128 = vector.extract_strided_slice %add3A_127 {offsets = [0, 0], sizes = [1024, 256], strides = [1, 1]} : vector<1024x512xf32> to vector<1024x256xf32>
    %slice3A_129 = vector.extract_strided_slice %add3A_127 {offsets = [0, 256], sizes = [1024, 256], strides = [1, 1]} : vector<1024x512xf32> to vector<1024x256xf32>
    %add3A_130 = arith.addf %slice3A_128, %slice3A_129 : vector<1024x256xf32>
    %slice3A_131 = vector.extract_strided_slice %add3A_130 {offsets = [0, 0], sizes = [1024, 128], strides = [1, 1]} : vector<1024x256xf32> to vector<1024x128xf32>
    %slice3A_132 = vector.extract_strided_slice %add3A_130 {offsets = [0, 128], sizes = [1024, 128], strides = [1, 1]} : vector<1024x256xf32> to vector<1024x128xf32>
    %add3A_133 = arith.addf %slice3A_131, %slice3A_132 : vector<1024x128xf32>
    %slice3A_134 = vector.extract_strided_slice %add3A_133 {offsets = [0, 0], sizes = [1024, 64], strides = [1, 1]} : vector<1024x128xf32> to vector<1024x64xf32>
    %slice3A_135 = vector.extract_strided_slice %add3A_133 {offsets = [0, 64], sizes = [1024, 64], strides = [1, 1]} : vector<1024x128xf32> to vector<1024x64xf32>
    %add3A_136 = arith.addf %slice3A_134, %slice3A_135 : vector<1024x64xf32>
    %slice3A_137 = vector.extract_strided_slice %add3A_136 {offsets = [0, 0], sizes = [1024, 32], strides = [1, 1]} : vector<1024x64xf32> to vector<1024x32xf32>
    %slice3A_138 = vector.extract_strided_slice %add3A_136 {offsets = [0, 32], sizes = [1024, 32], strides = [1, 1]} : vector<1024x64xf32> to vector<1024x32xf32>
    %add3A_139 = arith.addf %slice3A_137, %slice3A_138 : vector<1024x32xf32>
    %get3A_140 = arith.constant 0 : index
    %get3A_141 = arith.constant 0 : index
    %get3A_142 = vector.load %arg7[%get3A_140, %get3A_141] : memref<32x32xf32, #tpu.memory_space<vmem>>, vector<32x32xf32>
    %dot_general3A_143 = arith.constant dense<0.000000e+00> : vector<1024x32xf32>
    %dot_general3A_144 = tpu.matmul %slice3A_117, %get3A_142, %dot_general3A_143 {dimension_numbers = #tpu.dot_dimension_numbers<[1], [0], [0], [1], [0, 0, 1, 1], [], []>, transpose_lhs_hint = false} : vector<1024x32xf32>, vector<32x32xf32>, vector<1024x32xf32> -> vector<1024x32xf32>
    %add3A_145 = arith.addf %add3A_139, %dot_general3A_144 : vector<1024x32xf32>
    %slice3A_146 = vector.extract_strided_slice %get3A_1 {offsets = [0, 48], sizes = [1024, 16], strides = [1, 1]} : vector<1024x64xbf16> to vector<1024x16xbf16>
    %get3A_147 = arith.constant 0 : index
    %get3A_148 = arith.constant 0 : index
    %get3A_149 = vector.load %arg3[%get3A_147, %get3A_148] : memref<16x64xbf16, #tpu.memory_space<vmem>>, vector<16x64xbf16>
    %dot_general3A_150 = arith.constant dense<0.000000e+00> : vector<1024x64xf32>
    %dot_general3A_151 = tpu.matmul %slice3A_146, %get3A_149, %dot_general3A_150 {dimension_numbers = #tpu.dot_dimension_numbers<[1], [0], [0], [1], [0, 0, 1, 1], [], []>, transpose_lhs_hint = false} : vector<1024x16xbf16>, vector<16x64xbf16>, vector<1024x64xf32> -> vector<1024x64xf32>
    %get3A_152 = arith.constant 0 : index
    %get3A_153 = arith.constant 0 : index
    %get3A_154 = vector.load %arg4[%get3A_152, %get3A_153] : memref<1x64xf32, #tpu.memory_space<vmem>>, vector<1x64xf32>
    %add3A_155 = vector.broadcast %get3A_154 : vector<1x64xf32> to vector<1024x64xf32>
    %add3A_156 = arith.addf %dot_general3A_151, %add3A_155 : vector<1024x64xf32>
    %max3A_157 = arith.constant 0.000000e+00 : f32
    %max3A_158 = vector.broadcast %max3A_157 : f32 to vector<1024x64xf32>
    %max3A_159 = arith.maximumf %add3A_156, %max3A_158 : vector<1024x64xf32>
    %convert_element_type3A_160 = arith.truncf %max3A_159 : vector<1024x64xf32> to vector<1024x64xbf16>
    %get3A_161 = arith.constant 0 : index
    %get3A_162 = arith.constant 0 : index
    %get3A_163 = vector.load %arg5[%get3A_161, %get3A_162] : memref<64x1024xbf16, #tpu.memory_space<vmem>>, vector<64x1024xbf16>
    %dot_general3A_164 = arith.constant dense<0.000000e+00> : vector<1024x1024xf32>
    %dot_general3A_165 = tpu.matmul %convert_element_type3A_160, %get3A_163, %dot_general3A_164 {dimension_numbers = #tpu.dot_dimension_numbers<[1], [0], [0], [1], [0, 0, 1, 1], [], []>, transpose_lhs_hint = false} : vector<1024x64xbf16>, vector<64x1024xbf16>, vector<1024x1024xf32> -> vector<1024x1024xf32>
    %slice3A_166 = vector.extract_strided_slice %get3A_4 {offsets = [0, 96], sizes = [1024, 32], strides = [1, 1]} : vector<1024x128xf32> to vector<1024x32xf32>
    %convert_element_type3A_167 = arith.truncf %slice3A_166 : vector<1024x32xf32> to vector<1024x32xbf16>
    %get3A_168 = arith.constant 0 : index
    %get3A_169 = arith.constant 0 : index
    %get3A_170 = vector.load %arg6[%get3A_168, %get3A_169] : memref<32x1024xbf16, #tpu.memory_space<vmem>>, vector<32x1024xbf16>
    %dot_general3A_171 = arith.constant dense<0.000000e+00> : vector<1024x1024xf32>
    %dot_general3A_172 = tpu.matmul %convert_element_type3A_167, %get3A_170, %dot_general3A_171 {dimension_numbers = #tpu.dot_dimension_numbers<[1], [0], [0], [1], [0, 0, 1, 1], [], []>, transpose_lhs_hint = false} : vector<1024x32xbf16>, vector<32x1024xbf16>, vector<1024x1024xf32> -> vector<1024x1024xf32>
    %mul3A_173 = arith.mulf %dot_general3A_172, %dot_general3A_165 : vector<1024x1024xf32>
    %slice3A_174 = vector.extract_strided_slice %mul3A_173 {offsets = [0, 0], sizes = [1024, 512], strides = [1, 1]} : vector<1024x1024xf32> to vector<1024x512xf32>
    %slice3A_175 = vector.extract_strided_slice %mul3A_173 {offsets = [0, 512], sizes = [1024, 512], strides = [1, 1]} : vector<1024x1024xf32> to vector<1024x512xf32>
    %add3A_176 = arith.addf %slice3A_174, %slice3A_175 : vector<1024x512xf32>
    %slice3A_177 = vector.extract_strided_slice %add3A_176 {offsets = [0, 0], sizes = [1024, 256], strides = [1, 1]} : vector<1024x512xf32> to vector<1024x256xf32>
    %slice3A_178 = vector.extract_strided_slice %add3A_176 {offsets = [0, 256], sizes = [1024, 256], strides = [1, 1]} : vector<1024x512xf32> to vector<1024x256xf32>
    %add3A_179 = arith.addf %slice3A_177, %slice3A_178 : vector<1024x256xf32>
    %slice3A_180 = vector.extract_strided_slice %add3A_179 {offsets = [0, 0], sizes = [1024, 128], strides = [1, 1]} : vector<1024x256xf32> to vector<1024x128xf32>
    %slice3A_181 = vector.extract_strided_slice %add3A_179 {offsets = [0, 128], sizes = [1024, 128], strides = [1, 1]} : vector<1024x256xf32> to vector<1024x128xf32>
    %add3A_182 = arith.addf %slice3A_180, %slice3A_181 : vector<1024x128xf32>
    %slice3A_183 = vector.extract_strided_slice %add3A_182 {offsets = [0, 0], sizes = [1024, 64], strides = [1, 1]} : vector<1024x128xf32> to vector<1024x64xf32>
    %slice3A_184 = vector.extract_strided_slice %add3A_182 {offsets = [0, 64], sizes = [1024, 64], strides = [1, 1]} : vector<1024x128xf32> to vector<1024x64xf32>
    %add3A_185 = arith.addf %slice3A_183, %slice3A_184 : vector<1024x64xf32>
    %slice3A_186 = vector.extract_strided_slice %add3A_185 {offsets = [0, 0], sizes = [1024, 32], strides = [1, 1]} : vector<1024x64xf32> to vector<1024x32xf32>
    %slice3A_187 = vector.extract_strided_slice %add3A_185 {offsets = [0, 32], sizes = [1024, 32], strides = [1, 1]} : vector<1024x64xf32> to vector<1024x32xf32>
    %add3A_188 = arith.addf %slice3A_186, %slice3A_187 : vector<1024x32xf32>
    %get3A_189 = arith.constant 0 : index
    %get3A_190 = arith.constant 0 : index
    %get3A_191 = vector.load %arg7[%get3A_189, %get3A_190] : memref<32x32xf32, #tpu.memory_space<vmem>>, vector<32x32xf32>
    %dot_general3A_192 = arith.constant dense<0.000000e+00> : vector<1024x32xf32>
    %dot_general3A_193 = tpu.matmul %slice3A_166, %get3A_191, %dot_general3A_192 {dimension_numbers = #tpu.dot_dimension_numbers<[1], [0], [0], [1], [0, 0, 1, 1], [], []>, transpose_lhs_hint = false} : vector<1024x32xf32>, vector<32x32xf32>, vector<1024x32xf32> -> vector<1024x32xf32>
    %add3A_194 = arith.addf %add3A_188, %dot_general3A_193 : vector<1024x32xf32>
    %concatenate3A = tpu.concatenate %add3A_47, %add3A_96, %add3A_145, %add3A_194 in 1 : vector<1024x32xf32>, vector<1024x32xf32>, vector<1024x32xf32>, vector<1024x32xf32> -> vector<1024x128xf32>
    %swap3A = arith.constant 0 : index
    %swap3A_195 = arith.constant 0 : index
    %swap3A_196 = vector.load %arg8[%swap3A, %swap3A_195] : memref<1024x128xf32, #tpu.memory_space<vmem>>, vector<1024x128xf32>
    tpu.vector_store %arg8[%swap3A, %swap3A_195], %concatenate3A {strides = array<i32>} : memref<1024x128xf32, #tpu.memory_space<vmem>>, vector<1024x128xf32>,
    return
  }
  func.func @transform_0(%arg0: i32) -> (i32, i32) {
    %c0_i32 = arith.constant 0 : i32
    %c0_i32_0 = arith.constant 0 : i32
    return %arg0, %c0_i32 : i32, i32
  }
  func.func @transform_1(%arg0: i32) -> (i32, i32) {
    %c0_i32 = arith.constant 0 : i32
    %c0_i32_0 = arith.constant 0 : i32
    return %arg0, %c0_i32 : i32, i32
  }
  func.func @transform_2(%arg0: i32) -> (i32, i32) {
    %c0_i32 = arith.constant 0 : i32
    %c0_i32_0 = arith.constant 0 : i32
    %c0_i32_1 = arith.constant 0 : i32
    return %c0_i32, %c0_i32_0 : i32, i32
  }
  func.func @transform_3(%arg0: i32) -> (i32, i32) {
    %c0_i32 = arith.constant 0 : i32
    %c0_i32_0 = arith.constant 0 : i32
    %c0_i32_1 = arith.constant 0 : i32
    return %c0_i32, %c0_i32_0 : i32, i32
  }
  func.func @transform_4(%arg0: i32) -> (i32, i32) {
    %c0_i32 = arith.constant 0 : i32
    %c0_i32_0 = arith.constant 0 : i32
    %c0_i32_1 = arith.constant 0 : i32
    return %c0_i32, %c0_i32_0 : i32, i32
  }
  func.func @transform_5(%arg0: i32) -> (i32, i32) {
    %c0_i32 = arith.constant 0 : i32
    %c0_i32_0 = arith.constant 0 : i32
    %c0_i32_1 = arith.constant 0 : i32
    return %c0_i32, %c0_i32_0 : i32, i32
  }
  func.func @transform_6(%arg0: i32) -> (i32, i32) {
    %c0_i32 = arith.constant 0 : i32
    %c0_i32_0 = arith.constant 0 : i32
    %c0_i32_1 = arith.constant 0 : i32
    return %c0_i32, %c0_i32_0 : i32, i32
  }
  func.func @transform_7(%arg0: i32) -> (i32, i32) {
    %c0_i32 = arith.constant 0 : i32
    %c0_i32_0 = arith.constant 0 : i32
    return %arg0, %c0_i32 : i32, i32
  }
}

module attributes {stable_mosaic.version = 14 : i64} {
  func.func @_gru_body(%arg0: memref<2x10016x32xf32, #tpu.memory_space<vmem>>, %arg1: memref<10000x32xf32, #tpu.memory_space<vmem>>, %arg2: memref<1x32xf32, #tpu.memory_space<vmem>>, %arg3: memref<32x96xf32, #tpu.memory_space<vmem>>, %arg4: memref<32x96xf32, #tpu.memory_space<vmem>>, %arg5: memref<1x96xf32, #tpu.memory_space<vmem>>, %arg6: memref<1x96xf32, #tpu.memory_space<vmem>>, %arg7: memref<10000x32xf32, #tpu.memory_space<vmem>>) attributes {dimension_semantics = [], scalar_prefetch = 0 : i64, scratch_operands = 0 : i64, tpu.core_type = #tpu.core_type<tc>} {
    %get3A = arith.constant 0 : index
    %get3A_0 = arith.constant 0 : index
    %get3A_1 = arith.constant 0 : index
    %get3A_2 = vector.load %arg0[%get3A, %get3A_0, %get3A_1] : memref<2x10016x32xf32, #tpu.memory_space<vmem>>, vector<1x10000x32xf32>
    %get3A_3 = vector.shape_cast %get3A_2 : vector<1x10000x32xf32> to vector<10000x32xf32>
    %get3A_4 = arith.constant 1 : index
    %get3A_5 = arith.constant 0 : index
    %get3A_6 = arith.constant 0 : index
    %get3A_7 = vector.load %arg0[%get3A_4, %get3A_5, %get3A_6] : memref<2x10016x32xf32, #tpu.memory_space<vmem>>, vector<1x10000x32xf32>
    %get3A_8 = vector.shape_cast %get3A_7 : vector<1x10000x32xf32> to vector<10000x32xf32>
    %add3A = arith.addf %get3A_3, %get3A_8 : vector<10000x32xf32>
    %get3A_9 = arith.constant 0 : index
    %get3A_10 = arith.constant 0 : index
    %get3A_11 = vector.load %arg2[%get3A_9, %get3A_10] : memref<1x32xf32, #tpu.memory_space<vmem>>, vector<1x32xf32>
    %add3A_12 = vector.broadcast %get3A_11 : vector<1x32xf32> to vector<10000x32xf32>
    %add3A_13 = arith.addf %add3A, %add3A_12 : vector<10000x32xf32>
    %max3A = arith.constant 0.000000e+00 : f32
    %max3A_14 = vector.broadcast %max3A : f32 to vector<10000x32xf32>
    %max3A_15 = arith.maximumf %add3A_13, %max3A_14 : vector<10000x32xf32>
    %get3A_16 = arith.constant 0 : index
    %get3A_17 = arith.constant 0 : index
    %get3A_18 = vector.load %arg3[%get3A_16, %get3A_17] : memref<32x96xf32, #tpu.memory_space<vmem>>, vector<32x96xf32>
    %dot_general3A = arith.constant dense<0.000000e+00> : vector<10000x96xf32>
    %dot_general3A_19 = tpu.matmul %max3A_15, %get3A_18, %dot_general3A {dimension_numbers = #tpu.dot_dimension_numbers<[1], [0], [0], [1], [0, 0, 1, 1], [], []>, transpose_lhs_hint = false} : vector<10000x32xf32>, vector<32x96xf32>, vector<10000x96xf32> -> vector<10000x96xf32>
    %get3A_20 = arith.constant 0 : index
    %get3A_21 = arith.constant 0 : index
    %get3A_22 = vector.load %arg5[%get3A_20, %get3A_21] : memref<1x96xf32, #tpu.memory_space<vmem>>, vector<1x96xf32>
    %add3A_23 = vector.broadcast %get3A_22 : vector<1x96xf32> to vector<10000x96xf32>
    %add3A_24 = arith.addf %dot_general3A_19, %add3A_23 : vector<10000x96xf32>
    %get3A_25 = arith.constant 0 : index
    %get3A_26 = arith.constant 0 : index
    %get3A_27 = vector.load %arg1[%get3A_25, %get3A_26] : memref<10000x32xf32, #tpu.memory_space<vmem>>, vector<10000x32xf32>
    %get3A_28 = arith.constant 0 : index
    %get3A_29 = arith.constant 0 : index
    %get3A_30 = vector.load %arg4[%get3A_28, %get3A_29] : memref<32x96xf32, #tpu.memory_space<vmem>>, vector<32x96xf32>
    %dot_general3A_31 = arith.constant dense<0.000000e+00> : vector<10000x96xf32>
    %dot_general3A_32 = tpu.matmul %get3A_27, %get3A_30, %dot_general3A_31 {dimension_numbers = #tpu.dot_dimension_numbers<[1], [0], [0], [1], [0, 0, 1, 1], [], []>, transpose_lhs_hint = false} : vector<10000x32xf32>, vector<32x96xf32>, vector<10000x96xf32> -> vector<10000x96xf32>
    %get3A_33 = arith.constant 0 : index
    %get3A_34 = arith.constant 0 : index
    %get3A_35 = vector.load %arg6[%get3A_33, %get3A_34] : memref<1x96xf32, #tpu.memory_space<vmem>>, vector<1x96xf32>
    %add3A_36 = vector.broadcast %get3A_35 : vector<1x96xf32> to vector<10000x96xf32>
    %add3A_37 = arith.addf %dot_general3A_32, %add3A_36 : vector<10000x96xf32>
    %slice3A = vector.extract_strided_slice %add3A_24 {offsets = [0, 0], sizes = [10000, 32], strides = [1, 1]} : vector<10000x96xf32> to vector<10000x32xf32>
    %slice3A_38 = vector.extract_strided_slice %add3A_37 {offsets = [0, 0], sizes = [10000, 32], strides = [1, 1]} : vector<10000x96xf32> to vector<10000x32xf32>
    %add3A_39 = arith.addf %slice3A, %slice3A_38 : vector<10000x32xf32>
    %logistic3A = arith.negf %add3A_39 : vector<10000x32xf32>
    %logistic3A_40 = math.exp %logistic3A : vector<10000x32xf32>
    %logistic3A_41 = arith.constant 1.000000e+00 : f32
    %logistic3A_42 = vector.broadcast %logistic3A_41 : f32 to vector<10000x32xf32>
    %logistic3A_43 = arith.addf %logistic3A_42, %logistic3A_40 : vector<10000x32xf32>
    %logistic3A_44 = arith.divf %logistic3A_42, %logistic3A_43 : vector<10000x32xf32>
    %slice3A_45 = vector.extract_strided_slice %add3A_24 {offsets = [0, 32], sizes = [10000, 32], strides = [1, 1]} : vector<10000x96xf32> to vector<10000x32xf32>
    %slice3A_46 = vector.extract_strided_slice %add3A_37 {offsets = [0, 32], sizes = [10000, 32], strides = [1, 1]} : vector<10000x96xf32> to vector<10000x32xf32>
    %add3A_47 = arith.addf %slice3A_45, %slice3A_46 : vector<10000x32xf32>
    %logistic3A_48 = arith.negf %add3A_47 : vector<10000x32xf32>
    %logistic3A_49 = math.exp %logistic3A_48 : vector<10000x32xf32>
    %logistic3A_50 = arith.constant 1.000000e+00 : f32
    %logistic3A_51 = vector.broadcast %logistic3A_50 : f32 to vector<10000x32xf32>
    %logistic3A_52 = arith.addf %logistic3A_51, %logistic3A_49 : vector<10000x32xf32>
    %logistic3A_53 = arith.divf %logistic3A_51, %logistic3A_52 : vector<10000x32xf32>
    %slice3A_54 = vector.extract_strided_slice %add3A_24 {offsets = [0, 64], sizes = [10000, 32], strides = [1, 1]} : vector<10000x96xf32> to vector<10000x32xf32>
    %slice3A_55 = vector.extract_strided_slice %add3A_37 {offsets = [0, 64], sizes = [10000, 32], strides = [1, 1]} : vector<10000x96xf32> to vector<10000x32xf32>
    %mul3A = arith.mulf %logistic3A_44, %slice3A_55 : vector<10000x32xf32>
    %add3A_56 = arith.addf %slice3A_54, %mul3A : vector<10000x32xf32>
    %tanh3A = math.tanh %add3A_56 : vector<10000x32xf32>
    %sub3A = arith.constant 1.000000e+00 : f32
    %sub3A_57 = vector.broadcast %sub3A : f32 to vector<10000x32xf32>
    %sub3A_58 = arith.subf %sub3A_57, %logistic3A_53 : vector<10000x32xf32>
    %mul3A_59 = arith.mulf %sub3A_58, %tanh3A : vector<10000x32xf32>
    %mul3A_60 = arith.mulf %logistic3A_53, %get3A_27 : vector<10000x32xf32>
    %add3A_61 = arith.addf %mul3A_59, %mul3A_60 : vector<10000x32xf32>
    %swap3A = arith.constant 0 : index
    %swap3A_62 = arith.constant 0 : index
    %swap3A_63 = vector.load %arg7[%swap3A, %swap3A_62] : memref<10000x32xf32, #tpu.memory_space<vmem>>, vector<10000x32xf32>
    tpu.vector_store %arg7[%swap3A, %swap3A_62], %add3A_61 {strides = array<i32>} : memref<10000x32xf32, #tpu.memory_space<vmem>>, vector<10000x32xf32>,
    return
  }
}

module attributes {stable_mosaic.version = 14 : i64} {
  func.func @_s2s_body(%arg0: memref<2x10016x32xf32, #tpu.memory_space<vmem>>, %arg1: memref<10000x32xf32, #tpu.memory_space<vmem>>, %arg2: memref<1x32xf32, #tpu.memory_space<vmem>>, %arg3: memref<32x96xf32, #tpu.memory_space<vmem>>, %arg4: memref<32x96xf32, #tpu.memory_space<vmem>>, %arg5: memref<1x96xf32, #tpu.memory_space<vmem>>, %arg6: memref<1x96xf32, #tpu.memory_space<vmem>>, %arg7: memref<64x128xf32, #tpu.memory_space<vmem>>, %arg8: memref<32x128xf32, #tpu.memory_space<vmem>>, %arg9: memref<1x128xf32, #tpu.memory_space<vmem>>, %arg10: memref<32x128xf32, #tpu.memory_space<vmem>>, %arg11: memref<32x128xf32, #tpu.memory_space<vmem>>, %arg12: memref<1x128xf32, #tpu.memory_space<vmem>>, %arg13: memref<32x128xf32, #tpu.memory_space<vmem>>, %arg14: memref<32x128xf32, #tpu.memory_space<vmem>>, %arg15: memref<1x128xf32, #tpu.memory_space<vmem>>, %arg16: memref<64x32xf32, #tpu.memory_space<vmem>>, %arg17: memref<1x32xf32, #tpu.memory_space<vmem>>, %arg18: memref<32x12xf32, #tpu.memory_space<vmem>>, %arg19: memref<1x12xf32, #tpu.memory_space<vmem>>, %arg20: memref<1x12xf32, #tpu.memory_space<vmem>>, %arg21: memref<1x64xf32, #tpu.memory_space<vmem>>) attributes {dimension_semantics = [], scalar_prefetch = 0 : i64, scratch_operands = 0 : i64, tpu.core_type = #tpu.core_type<tc>} {
    %get3A = arith.constant 0 : index
    %get3A_0 = arith.constant 0 : index
    %get3A_1 = arith.constant 0 : index
    %get3A_2 = vector.load %arg0[%get3A, %get3A_0, %get3A_1] : memref<2x10016x32xf32, #tpu.memory_space<vmem>>, vector<1x10000x32xf32>
    %get3A_3 = vector.shape_cast %get3A_2 : vector<1x10000x32xf32> to vector<10000x32xf32>
    %get3A_4 = arith.constant 1 : index
    %get3A_5 = arith.constant 0 : index
    %get3A_6 = arith.constant 0 : index
    %get3A_7 = vector.load %arg0[%get3A_4, %get3A_5, %get3A_6] : memref<2x10016x32xf32, #tpu.memory_space<vmem>>, vector<1x10000x32xf32>
    %get3A_8 = vector.shape_cast %get3A_7 : vector<1x10000x32xf32> to vector<10000x32xf32>
    %add3A = arith.addf %get3A_3, %get3A_8 : vector<10000x32xf32>
    %get3A_9 = arith.constant 0 : index
    %get3A_10 = arith.constant 0 : index
    %get3A_11 = vector.load %arg2[%get3A_9, %get3A_10] : memref<1x32xf32, #tpu.memory_space<vmem>>, vector<1x32xf32>
    %add3A_12 = vector.broadcast %get3A_11 : vector<1x32xf32> to vector<10000x32xf32>
    %add3A_13 = arith.addf %add3A, %add3A_12 : vector<10000x32xf32>
    %max3A = arith.constant 0.000000e+00 : f32
    %max3A_14 = vector.broadcast %max3A : f32 to vector<10000x32xf32>
    %max3A_15 = arith.maximumf %add3A_13, %max3A_14 : vector<10000x32xf32>
    %get3A_16 = arith.constant 0 : index
    %get3A_17 = arith.constant 0 : index
    %get3A_18 = vector.load %arg3[%get3A_16, %get3A_17] : memref<32x96xf32, #tpu.memory_space<vmem>>, vector<32x96xf32>
    %dot_general3A = arith.constant dense<0.000000e+00> : vector<10000x96xf32>
    %dot_general3A_19 = tpu.matmul %max3A_15, %get3A_18, %dot_general3A {dimension_numbers = #tpu.dot_dimension_numbers<[1], [0], [0], [1], [0, 0, 1, 1], [], []>, transpose_lhs_hint = false} : vector<10000x32xf32>, vector<32x96xf32>, vector<10000x96xf32> -> vector<10000x96xf32>
    %get3A_20 = arith.constant 0 : index
    %get3A_21 = arith.constant 0 : index
    %get3A_22 = vector.load %arg5[%get3A_20, %get3A_21] : memref<1x96xf32, #tpu.memory_space<vmem>>, vector<1x96xf32>
    %add3A_23 = vector.broadcast %get3A_22 : vector<1x96xf32> to vector<10000x96xf32>
    %add3A_24 = arith.addf %dot_general3A_19, %add3A_23 : vector<10000x96xf32>
    %get3A_25 = arith.constant 0 : index
    %get3A_26 = arith.constant 0 : index
    %get3A_27 = vector.load %arg1[%get3A_25, %get3A_26] : memref<10000x32xf32, #tpu.memory_space<vmem>>, vector<10000x32xf32>
    %get3A_28 = arith.constant 0 : index
    %get3A_29 = arith.constant 0 : index
    %get3A_30 = vector.load %arg4[%get3A_28, %get3A_29] : memref<32x96xf32, #tpu.memory_space<vmem>>, vector<32x96xf32>
    %dot_general3A_31 = arith.constant dense<0.000000e+00> : vector<10000x96xf32>
    %dot_general3A_32 = tpu.matmul %get3A_27, %get3A_30, %dot_general3A_31 {dimension_numbers = #tpu.dot_dimension_numbers<[1], [0], [0], [1], [0, 0, 1, 1], [], []>, transpose_lhs_hint = false} : vector<10000x32xf32>, vector<32x96xf32>, vector<10000x96xf32> -> vector<10000x96xf32>
    %get3A_33 = arith.constant 0 : index
    %get3A_34 = arith.constant 0 : index
    %get3A_35 = vector.load %arg6[%get3A_33, %get3A_34] : memref<1x96xf32, #tpu.memory_space<vmem>>, vector<1x96xf32>
    %add3A_36 = vector.broadcast %get3A_35 : vector<1x96xf32> to vector<10000x96xf32>
    %add3A_37 = arith.addf %dot_general3A_32, %add3A_36 : vector<10000x96xf32>
    %slice3A = vector.extract_strided_slice %add3A_24 {offsets = [0, 0], sizes = [10000, 32], strides = [1, 1]} : vector<10000x96xf32> to vector<10000x32xf32>
    %slice3A_38 = vector.extract_strided_slice %add3A_37 {offsets = [0, 0], sizes = [10000, 32], strides = [1, 1]} : vector<10000x96xf32> to vector<10000x32xf32>
    %add3A_39 = arith.addf %slice3A, %slice3A_38 : vector<10000x32xf32>
    %logistic3A = arith.negf %add3A_39 : vector<10000x32xf32>
    %logistic3A_40 = math.exp %logistic3A : vector<10000x32xf32>
    %logistic3A_41 = arith.constant 1.000000e+00 : f32
    %logistic3A_42 = vector.broadcast %logistic3A_41 : f32 to vector<10000x32xf32>
    %logistic3A_43 = arith.addf %logistic3A_42, %logistic3A_40 : vector<10000x32xf32>
    %logistic3A_44 = arith.divf %logistic3A_42, %logistic3A_43 : vector<10000x32xf32>
    %slice3A_45 = vector.extract_strided_slice %add3A_24 {offsets = [0, 32], sizes = [10000, 32], strides = [1, 1]} : vector<10000x96xf32> to vector<10000x32xf32>
    %slice3A_46 = vector.extract_strided_slice %add3A_37 {offsets = [0, 32], sizes = [10000, 32], strides = [1, 1]} : vector<10000x96xf32> to vector<10000x32xf32>
    %add3A_47 = arith.addf %slice3A_45, %slice3A_46 : vector<10000x32xf32>
    %logistic3A_48 = arith.negf %add3A_47 : vector<10000x32xf32>
    %logistic3A_49 = math.exp %logistic3A_48 : vector<10000x32xf32>
    %logistic3A_50 = arith.constant 1.000000e+00 : f32
    %logistic3A_51 = vector.broadcast %logistic3A_50 : f32 to vector<10000x32xf32>
    %logistic3A_52 = arith.addf %logistic3A_51, %logistic3A_49 : vector<10000x32xf32>
    %logistic3A_53 = arith.divf %logistic3A_51, %logistic3A_52 : vector<10000x32xf32>
    %slice3A_54 = vector.extract_strided_slice %add3A_24 {offsets = [0, 64], sizes = [10000, 32], strides = [1, 1]} : vector<10000x96xf32> to vector<10000x32xf32>
    %slice3A_55 = vector.extract_strided_slice %add3A_37 {offsets = [0, 64], sizes = [10000, 32], strides = [1, 1]} : vector<10000x96xf32> to vector<10000x32xf32>
    %mul3A = arith.mulf %logistic3A_44, %slice3A_55 : vector<10000x32xf32>
    %add3A_56 = arith.addf %slice3A_54, %mul3A : vector<10000x32xf32>
    %tanh3A = math.tanh %add3A_56 : vector<10000x32xf32>
    %sub3A = arith.constant 1.000000e+00 : f32
    %sub3A_57 = vector.broadcast %sub3A : f32 to vector<10000x32xf32>
    %sub3A_58 = arith.subf %sub3A_57, %logistic3A_53 : vector<10000x32xf32>
    %mul3A_59 = arith.mulf %sub3A_58, %tanh3A : vector<10000x32xf32>
    %mul3A_60 = arith.mulf %logistic3A_53, %get3A_27 : vector<10000x32xf32>
    %add3A_61 = arith.addf %mul3A_59, %mul3A_60 : vector<10000x32xf32>
    %transpose3A = tpu.transpose %add3A_61, [1, 0] : vector<10000x32xf32> -> vector<32x10000xf32>
    %get3A_62 = arith.constant 0 : index
    %get3A_63 = arith.constant 0 : index
    %get3A_64 = vector.load %arg7[%get3A_62, %get3A_63] : memref<64x128xf32, #tpu.memory_space<vmem>>, vector<64x128xf32>
    %get3A_65 = arith.constant 0 : index
    %get3A_66 = arith.constant 0 : index
    %get3A_67 = vector.load %arg10[%get3A_65, %get3A_66] : memref<32x128xf32, #tpu.memory_space<vmem>>, vector<32x128xf32>
    %get3A_68 = arith.constant 0 : index
    %get3A_69 = arith.constant 0 : index
    %get3A_70 = vector.load %arg13[%get3A_68, %get3A_69] : memref<32x128xf32, #tpu.memory_space<vmem>>, vector<32x128xf32>
    %get3A_71 = arith.constant 0 : index
    %get3A_72 = arith.constant 0 : index
    %get3A_73 = vector.load %arg8[%get3A_71, %get3A_72] : memref<32x128xf32, #tpu.memory_space<vmem>>, vector<32x128xf32>
    %get3A_74 = arith.constant 0 : index
    %get3A_75 = arith.constant 0 : index
    %get3A_76 = vector.load %arg11[%get3A_74, %get3A_75] : memref<32x128xf32, #tpu.memory_space<vmem>>, vector<32x128xf32>
    %get3A_77 = arith.constant 0 : index
    %get3A_78 = arith.constant 0 : index
    %get3A_79 = vector.load %arg14[%get3A_77, %get3A_78] : memref<32x128xf32, #tpu.memory_space<vmem>>, vector<32x128xf32>
    %get3A_80 = arith.constant 0 : index
    %get3A_81 = arith.constant 0 : index
    %get3A_82 = vector.load %arg9[%get3A_80, %get3A_81] : memref<1x128xf32, #tpu.memory_space<vmem>>, vector<1x128xf32>
    %get3A_83 = arith.constant 0 : index
    %get3A_84 = arith.constant 0 : index
    %get3A_85 = vector.load %arg12[%get3A_83, %get3A_84] : memref<1x128xf32, #tpu.memory_space<vmem>>, vector<1x128xf32>
    %get3A_86 = arith.constant 0 : index
    %get3A_87 = arith.constant 0 : index
    %get3A_88 = vector.load %arg15[%get3A_86, %get3A_87] : memref<1x128xf32, #tpu.memory_space<vmem>>, vector<1x128xf32>
    %broadcast_in_dim3A = arith.constant 0.000000e+00 : f32
    %broadcast_in_dim3A_89 = vector.broadcast %broadcast_in_dim3A : f32 to vector<1x64xf32>
    %broadcast_in_dim3A_90 = arith.constant 0.000000e+00 : f32
    %broadcast_in_dim3A_91 = vector.broadcast %broadcast_in_dim3A_90 : f32 to vector<1x32xf32>
    %broadcast_in_dim3A_92 = arith.constant 0.000000e+00 : f32
    %broadcast_in_dim3A_93 = vector.broadcast %broadcast_in_dim3A_92 : f32 to vector<1x32xf32>
    %broadcast_in_dim3A_94 = arith.constant 0.000000e+00 : f32
    %broadcast_in_dim3A_95 = vector.broadcast %broadcast_in_dim3A_94 : f32 to vector<1x32xf32>
    %broadcast_in_dim3A_96 = arith.constant 0.000000e+00 : f32
    %broadcast_in_dim3A_97 = vector.broadcast %broadcast_in_dim3A_96 : f32 to vector<1x32xf32>
    %broadcast_in_dim3A_98 = arith.constant 0.000000e+00 : f32
    %broadcast_in_dim3A_99 = vector.broadcast %broadcast_in_dim3A_98 : f32 to vector<1x32xf32>
    %broadcast_in_dim3A_100 = arith.constant 0.000000e+00 : f32
    %broadcast_in_dim3A_101 = vector.broadcast %broadcast_in_dim3A_100 : f32 to vector<1x32xf32>
    %dot_general3A_102 = arith.constant dense<0.000000e+00> : vector<1x128xf32>
    %dot_general3A_103 = tpu.matmul %broadcast_in_dim3A_89, %get3A_64, %dot_general3A_102 {dimension_numbers = #tpu.dot_dimension_numbers<[1], [0], [0], [1], [0, 0, 1, 1], [], []>, transpose_lhs_hint = false} : vector<1x64xf32>, vector<64x128xf32>, vector<1x128xf32> -> vector<1x128xf32>
    %dot_general3A_104 = arith.constant dense<0.000000e+00> : vector<1x128xf32>
    %dot_general3A_105 = tpu.matmul %broadcast_in_dim3A_91, %get3A_73, %dot_general3A_104 {dimension_numbers = #tpu.dot_dimension_numbers<[1], [0], [0], [1], [0, 0, 1, 1], [], []>, transpose_lhs_hint = false} : vector<1x32xf32>, vector<32x128xf32>, vector<1x128xf32> -> vector<1x128xf32>
    %add3A_106 = arith.addf %dot_general3A_103, %dot_general3A_105 : vector<1x128xf32>
    %add3A_107 = arith.addf %add3A_106, %get3A_82 : vector<1x128xf32>
    %slice3A_108 = vector.extract_strided_slice %add3A_107 {offsets = [0, 0], sizes = [1, 32], strides = [1, 1]} : vector<1x128xf32> to vector<1x32xf32>
    %logistic3A_109 = arith.negf %slice3A_108 : vector<1x32xf32>
    %logistic3A_110 = math.exp %logistic3A_109 : vector<1x32xf32>
    %logistic3A_111 = arith.constant 1.000000e+00 : f32
    %logistic3A_112 = vector.broadcast %logistic3A_111 : f32 to vector<1x32xf32>
    %logistic3A_113 = arith.addf %logistic3A_112, %logistic3A_110 : vector<1x32xf32>
    %logistic3A_114 = arith.divf %logistic3A_112, %logistic3A_113 : vector<1x32xf32>
    %slice3A_115 = vector.extract_strided_slice %add3A_107 {offsets = [0, 32], sizes = [1, 32], strides = [1, 1]} : vector<1x128xf32> to vector<1x32xf32>
    %logistic3A_116 = arith.negf %slice3A_115 : vector<1x32xf32>
    %logistic3A_117 = math.exp %logistic3A_116 : vector<1x32xf32>
    %logistic3A_118 = arith.constant 1.000000e+00 : f32
    %logistic3A_119 = vector.broadcast %logistic3A_118 : f32 to vector<1x32xf32>
    %logistic3A_120 = arith.addf %logistic3A_119, %logistic3A_117 : vector<1x32xf32>
    %logistic3A_121 = arith.divf %logistic3A_119, %logistic3A_120 : vector<1x32xf32>
    %slice3A_122 = vector.extract_strided_slice %add3A_107 {offsets = [0, 64], sizes = [1, 32], strides = [1, 1]} : vector<1x128xf32> to vector<1x32xf32>
    %tanh3A_123 = math.tanh %slice3A_122 : vector<1x32xf32>
    %slice3A_124 = vector.extract_strided_slice %add3A_107 {offsets = [0, 96], sizes = [1, 32], strides = [1, 1]} : vector<1x128xf32> to vector<1x32xf32>
    %logistic3A_125 = arith.negf %slice3A_124 : vector<1x32xf32>
    %logistic3A_126 = math.exp %logistic3A_125 : vector<1x32xf32>
    %logistic3A_127 = arith.constant 1.000000e+00 : f32
    %logistic3A_128 = vector.broadcast %logistic3A_127 : f32 to vector<1x32xf32>
    %logistic3A_129 = arith.addf %logistic3A_128, %logistic3A_126 : vector<1x32xf32>
    %logistic3A_130 = arith.divf %logistic3A_128, %logistic3A_129 : vector<1x32xf32>
    %mul3A_131 = arith.mulf %logistic3A_121, %broadcast_in_dim3A_97 : vector<1x32xf32>
    %mul3A_132 = arith.mulf %logistic3A_114, %tanh3A_123 : vector<1x32xf32>
    %add3A_133 = arith.addf %mul3A_131, %mul3A_132 : vector<1x32xf32>
    %tanh3A_134 = math.tanh %add3A_133 : vector<1x32xf32>
    %mul3A_135 = arith.mulf %logistic3A_130, %tanh3A_134 : vector<1x32xf32>
    %dot_general3A_136 = arith.constant dense<0.000000e+00> : vector<1x128xf32>
    %dot_general3A_137 = tpu.matmul %mul3A_135, %get3A_67, %dot_general3A_136 {dimension_numbers = #tpu.dot_dimension_numbers<[1], [0], [0], [1], [0, 0, 1, 1], [], []>, transpose_lhs_hint = false} : vector<1x32xf32>, vector<32x128xf32>, vector<1x128xf32> -> vector<1x128xf32>
    %dot_general3A_138 = arith.constant dense<0.000000e+00> : vector<1x128xf32>
    %dot_general3A_139 = tpu.matmul %broadcast_in_dim3A_93, %get3A_76, %dot_general3A_138 {dimension_numbers = #tpu.dot_dimension_numbers<[1], [0], [0], [1], [0, 0, 1, 1], [], []>, transpose_lhs_hint = false} : vector<1x32xf32>, vector<32x128xf32>, vector<1x128xf32> -> vector<1x128xf32>
    %add3A_140 = arith.addf %dot_general3A_137, %dot_general3A_139 : vector<1x128xf32>
    %add3A_141 = arith.addf %add3A_140, %get3A_85 : vector<1x128xf32>
    %slice3A_142 = vector.extract_strided_slice %add3A_141 {offsets = [0, 0], sizes = [1, 32], strides = [1, 1]} : vector<1x128xf32> to vector<1x32xf32>
    %logistic3A_143 = arith.negf %slice3A_142 : vector<1x32xf32>
    %logistic3A_144 = math.exp %logistic3A_143 : vector<1x32xf32>
    %logistic3A_145 = arith.constant 1.000000e+00 : f32
    %logistic3A_146 = vector.broadcast %logistic3A_145 : f32 to vector<1x32xf32>
    %logistic3A_147 = arith.addf %logistic3A_146, %logistic3A_144 : vector<1x32xf32>
    %logistic3A_148 = arith.divf %logistic3A_146, %logistic3A_147 : vector<1x32xf32>
    %slice3A_149 = vector.extract_strided_slice %add3A_141 {offsets = [0, 32], sizes = [1, 32], strides = [1, 1]} : vector<1x128xf32> to vector<1x32xf32>
    %logistic3A_150 = arith.negf %slice3A_149 : vector<1x32xf32>
    %logistic3A_151 = math.exp %logistic3A_150 : vector<1x32xf32>
    %logistic3A_152 = arith.constant 1.000000e+00 : f32
    %logistic3A_153 = vector.broadcast %logistic3A_152 : f32 to vector<1x32xf32>
    %logistic3A_154 = arith.addf %logistic3A_153, %logistic3A_151 : vector<1x32xf32>
    %logistic3A_155 = arith.divf %logistic3A_153, %logistic3A_154 : vector<1x32xf32>
    %slice3A_156 = vector.extract_strided_slice %add3A_141 {offsets = [0, 64], sizes = [1, 32], strides = [1, 1]} : vector<1x128xf32> to vector<1x32xf32>
    %tanh3A_157 = math.tanh %slice3A_156 : vector<1x32xf32>
    %slice3A_158 = vector.extract_strided_slice %add3A_141 {offsets = [0, 96], sizes = [1, 32], strides = [1, 1]} : vector<1x128xf32> to vector<1x32xf32>
    %logistic3A_159 = arith.negf %slice3A_158 : vector<1x32xf32>
    %logistic3A_160 = math.exp %logistic3A_159 : vector<1x32xf32>
    %logistic3A_161 = arith.constant 1.000000e+00 : f32
    %logistic3A_162 = vector.broadcast %logistic3A_161 : f32 to vector<1x32xf32>
    %logistic3A_163 = arith.addf %logistic3A_162, %logistic3A_160 : vector<1x32xf32>
    %logistic3A_164 = arith.divf %logistic3A_162, %logistic3A_163 : vector<1x32xf32>
    %mul3A_165 = arith.mulf %logistic3A_155, %broadcast_in_dim3A_99 : vector<1x32xf32>
    %mul3A_166 = arith.mulf %logistic3A_148, %tanh3A_157 : vector<1x32xf32>
    %add3A_167 = arith.addf %mul3A_165, %mul3A_166 : vector<1x32xf32>
    %tanh3A_168 = math.tanh %add3A_167 : vector<1x32xf32>
    %mul3A_169 = arith.mulf %logistic3A_164, %tanh3A_168 : vector<1x32xf32>
    %dot_general3A_170 = arith.constant dense<0.000000e+00> : vector<1x128xf32>
    %dot_general3A_171 = tpu.matmul %mul3A_169, %get3A_70, %dot_general3A_170 {dimension_numbers = #tpu.dot_dimension_numbers<[1], [0], [0], [1], [0, 0, 1, 1], [], []>, transpose_lhs_hint = false} : vector<1x32xf32>, vector<32x128xf32>, vector<1x128xf32> -> vector<1x128xf32>
    %dot_general3A_172 = arith.constant dense<0.000000e+00> : vector<1x128xf32>
    %dot_general3A_173 = tpu.matmul %broadcast_in_dim3A_95, %get3A_79, %dot_general3A_172 {dimension_numbers = #tpu.dot_dimension_numbers<[1], [0], [0], [1], [0, 0, 1, 1], [], []>, transpose_lhs_hint = false} : vector<1x32xf32>, vector<32x128xf32>, vector<1x128xf32> -> vector<1x128xf32>
    %add3A_174 = arith.addf %dot_general3A_171, %dot_general3A_173 : vector<1x128xf32>
    %add3A_175 = arith.addf %add3A_174, %get3A_88 : vector<1x128xf32>
    %slice3A_176 = vector.extract_strided_slice %add3A_175 {offsets = [0, 0], sizes = [1, 32], strides = [1, 1]} : vector<1x128xf32> to vector<1x32xf32>
    %logistic3A_177 = arith.negf %slice3A_176 : vector<1x32xf32>
    %logistic3A_178 = math.exp %logistic3A_177 : vector<1x32xf32>
    %logistic3A_179 = arith.constant 1.000000e+00 : f32
    %logistic3A_180 = vector.broadcast %logistic3A_179 : f32 to vector<1x32xf32>
    %logistic3A_181 = arith.addf %logistic3A_180, %logistic3A_178 : vector<1x32xf32>
    %logistic3A_182 = arith.divf %logistic3A_180, %logistic3A_181 : vector<1x32xf32>
    %slice3A_183 = vector.extract_strided_slice %add3A_175 {offsets = [0, 32], sizes = [1, 32], strides = [1, 1]} : vector<1x128xf32> to vector<1x32xf32>
    %logistic3A_184 = arith.negf %slice3A_183 : vector<1x32xf32>
    %logistic3A_185 = math.exp %logistic3A_184 : vector<1x32xf32>
    %logistic3A_186 = arith.constant 1.000000e+00 : f32
    %logistic3A_187 = vector.broadcast %logistic3A_186 : f32 to vector<1x32xf32>
    %logistic3A_188 = arith.addf %logistic3A_187, %logistic3A_185 : vector<1x32xf32>
    %logistic3A_189 = arith.divf %logistic3A_187, %logistic3A_188 : vector<1x32xf32>
    %slice3A_190 = vector.extract_strided_slice %add3A_175 {offsets = [0, 64], sizes = [1, 32], strides = [1, 1]} : vector<1x128xf32> to vector<1x32xf32>
    %tanh3A_191 = math.tanh %slice3A_190 : vector<1x32xf32>
    %slice3A_192 = vector.extract_strided_slice %add3A_175 {offsets = [0, 96], sizes = [1, 32], strides = [1, 1]} : vector<1x128xf32> to vector<1x32xf32>
    %logistic3A_193 = arith.negf %slice3A_192 : vector<1x32xf32>
    %logistic3A_194 = math.exp %logistic3A_193 : vector<1x32xf32>
    %logistic3A_195 = arith.constant 1.000000e+00 : f32
    %logistic3A_196 = vector.broadcast %logistic3A_195 : f32 to vector<1x32xf32>
    %logistic3A_197 = arith.addf %logistic3A_196, %logistic3A_194 : vector<1x32xf32>
    %logistic3A_198 = arith.divf %logistic3A_196, %logistic3A_197 : vector<1x32xf32>
    %mul3A_199 = arith.mulf %logistic3A_189, %broadcast_in_dim3A_101 : vector<1x32xf32>
    %mul3A_200 = arith.mulf %logistic3A_182, %tanh3A_191 : vector<1x32xf32>
    %add3A_201 = arith.addf %mul3A_199, %mul3A_200 : vector<1x32xf32>
    %tanh3A_202 = math.tanh %add3A_201 : vector<1x32xf32>
    %mul3A_203 = arith.mulf %logistic3A_198, %tanh3A_202 : vector<1x32xf32>
    %dot_general3A_204 = arith.constant dense<0.000000e+00> : vector<1x10000xf32>
    %dot_general3A_205 = tpu.matmul %mul3A_203, %transpose3A, %dot_general3A_204 {dimension_numbers = #tpu.dot_dimension_numbers<[1], [0], [0], [1], [0, 0, 1, 1], [], []>, transpose_lhs_hint = false} : vector<1x32xf32>, vector<32x10000xf32>, vector<1x10000xf32> -> vector<1x10000xf32>
    %reduce_max3A = arith.constant dense<0xFF800000> : vector<1xf32>
    %reduce_max3A_206 = vector.multi_reduction <maximumf>, %dot_general3A_205, %reduce_max3A [1] : vector<1x10000xf32> to vector<1xf32>
    %broadcast_in_dim3A_207 = vector.shape_cast %reduce_max3A_206 : vector<1xf32> to vector<1x1xf32>
    %sub3A_208 = vector.broadcast %broadcast_in_dim3A_207 : vector<1x1xf32> to vector<1x10000xf32>
    %sub3A_209 = arith.subf %dot_general3A_205, %sub3A_208 : vector<1x10000xf32>
    %exp3A = math.exp %sub3A_209 : vector<1x10000xf32>
    %reduce_sum3A = arith.constant dense<0.000000e+00> : vector<1xf32>
    %reduce_sum3A_210 = vector.multi_reduction <add>, %exp3A, %reduce_sum3A [1] : vector<1x10000xf32> to vector<1xf32>
    %broadcast_in_dim3A_211 = vector.shape_cast %reduce_sum3A_210 : vector<1xf32> to vector<1x1xf32>
    %div3A = vector.broadcast %broadcast_in_dim3A_211 : vector<1x1xf32> to vector<1x10000xf32>
    %div3A_212 = arith.divf %exp3A, %div3A : vector<1x10000xf32>
    %dot_general3A_213 = arith.constant dense<0.000000e+00> : vector<1x32xf32>
    %dot_general3A_214 = tpu.matmul %div3A_212, %add3A_61, %dot_general3A_213 {dimension_numbers = #tpu.dot_dimension_numbers<[1], [0], [0], [1], [0, 0, 1, 1], [], []>, transpose_lhs_hint = false} : vector<1x10000xf32>, vector<10000x32xf32>, vector<1x32xf32> -> vector<1x32xf32>
    %concatenate3A = tpu.concatenate %mul3A_203, %dot_general3A_214 in 1 : vector<1x32xf32>, vector<1x32xf32> -> vector<1x64xf32>
    %dot_general3A_215 = arith.constant dense<0.000000e+00> : vector<1x128xf32>
    %dot_general3A_216 = tpu.matmul %concatenate3A, %get3A_64, %dot_general3A_215 {dimension_numbers = #tpu.dot_dimension_numbers<[1], [0], [0], [1], [0, 0, 1, 1], [], []>, transpose_lhs_hint = false} : vector<1x64xf32>, vector<64x128xf32>, vector<1x128xf32> -> vector<1x128xf32>
    %dot_general3A_217 = arith.constant dense<0.000000e+00> : vector<1x128xf32>
    %dot_general3A_218 = tpu.matmul %mul3A_135, %get3A_73, %dot_general3A_217 {dimension_numbers = #tpu.dot_dimension_numbers<[1], [0], [0], [1], [0, 0, 1, 1], [], []>, transpose_lhs_hint = false} : vector<1x32xf32>, vector<32x128xf32>, vector<1x128xf32> -> vector<1x128xf32>
    %add3A_219 = arith.addf %dot_general3A_216, %dot_general3A_218 : vector<1x128xf32>
    %add3A_220 = arith.addf %add3A_219, %get3A_82 : vector<1x128xf32>
    %slice3A_221 = vector.extract_strided_slice %add3A_220 {offsets = [0, 0], sizes = [1, 32], strides = [1, 1]} : vector<1x128xf32> to vector<1x32xf32>
    %logistic3A_222 = arith.negf %slice3A_221 : vector<1x32xf32>
    %logistic3A_223 = math.exp %logistic3A_222 : vector<1x32xf32>
    %logistic3A_224 = arith.constant 1.000000e+00 : f32
    %logistic3A_225 = vector.broadcast %logistic3A_224 : f32 to vector<1x32xf32>
    %logistic3A_226 = arith.addf %logistic3A_225, %logistic3A_223 : vector<1x32xf32>
    %logistic3A_227 = arith.divf %logistic3A_225, %logistic3A_226 : vector<1x32xf32>
    %slice3A_228 = vector.extract_strided_slice %add3A_220 {offsets = [0, 32], sizes = [1, 32], strides = [1, 1]} : vector<1x128xf32> to vector<1x32xf32>
    %logistic3A_229 = arith.negf %slice3A_228 : vector<1x32xf32>
    %logistic3A_230 = math.exp %logistic3A_229 : vector<1x32xf32>
    %logistic3A_231 = arith.constant 1.000000e+00 : f32
    %logistic3A_232 = vector.broadcast %logistic3A_231 : f32 to vector<1x32xf32>
    %logistic3A_233 = arith.addf %logistic3A_232, %logistic3A_230 : vector<1x32xf32>
    %logistic3A_234 = arith.divf %logistic3A_232, %logistic3A_233 : vector<1x32xf32>
    %slice3A_235 = vector.extract_strided_slice %add3A_220 {offsets = [0, 64], sizes = [1, 32], strides = [1, 1]} : vector<1x128xf32> to vector<1x32xf32>
    %tanh3A_236 = math.tanh %slice3A_235 : vector<1x32xf32>
    %slice3A_237 = vector.extract_strided_slice %add3A_220 {offsets = [0, 96], sizes = [1, 32], strides = [1, 1]} : vector<1x128xf32> to vector<1x32xf32>
    %logistic3A_238 = arith.negf %slice3A_237 : vector<1x32xf32>
    %logistic3A_239 = math.exp %logistic3A_238 : vector<1x32xf32>
    %logistic3A_240 = arith.constant 1.000000e+00 : f32
    %logistic3A_241 = vector.broadcast %logistic3A_240 : f32 to vector<1x32xf32>
    %logistic3A_242 = arith.addf %logistic3A_241, %logistic3A_239 : vector<1x32xf32>
    %logistic3A_243 = arith.divf %logistic3A_241, %logistic3A_242 : vector<1x32xf32>
    %mul3A_244 = arith.mulf %logistic3A_234, %add3A_133 : vector<1x32xf32>
    %mul3A_245 = arith.mulf %logistic3A_227, %tanh3A_236 : vector<1x32xf32>
    %add3A_246 = arith.addf %mul3A_244, %mul3A_245 : vector<1x32xf32>
    %tanh3A_247 = math.tanh %add3A_246 : vector<1x32xf32>
    %mul3A_248 = arith.mulf %logistic3A_243, %tanh3A_247 : vector<1x32xf32>
    %dot_general3A_249 = arith.constant dense<0.000000e+00> : vector<1x128xf32>
    %dot_general3A_250 = tpu.matmul %mul3A_248, %get3A_67, %dot_general3A_249 {dimension_numbers = #tpu.dot_dimension_numbers<[1], [0], [0], [1], [0, 0, 1, 1], [], []>, transpose_lhs_hint = false} : vector<1x32xf32>, vector<32x128xf32>, vector<1x128xf32> -> vector<1x128xf32>
    %dot_general3A_251 = arith.constant dense<0.000000e+00> : vector<1x128xf32>
    %dot_general3A_252 = tpu.matmul %mul3A_169, %get3A_76, %dot_general3A_251 {dimension_numbers = #tpu.dot_dimension_numbers<[1], [0], [0], [1], [0, 0, 1, 1], [], []>, transpose_lhs_hint = false} : vector<1x32xf32>, vector<32x128xf32>, vector<1x128xf32> -> vector<1x128xf32>
    %add3A_253 = arith.addf %dot_general3A_250, %dot_general3A_252 : vector<1x128xf32>
    %add3A_254 = arith.addf %add3A_253, %get3A_85 : vector<1x128xf32>
    %slice3A_255 = vector.extract_strided_slice %add3A_254 {offsets = [0, 0], sizes = [1, 32], strides = [1, 1]} : vector<1x128xf32> to vector<1x32xf32>
    %logistic3A_256 = arith.negf %slice3A_255 : vector<1x32xf32>
    %logistic3A_257 = math.exp %logistic3A_256 : vector<1x32xf32>
    %logistic3A_258 = arith.constant 1.000000e+00 : f32
    %logistic3A_259 = vector.broadcast %logistic3A_258 : f32 to vector<1x32xf32>
    %logistic3A_260 = arith.addf %logistic3A_259, %logistic3A_257 : vector<1x32xf32>
    %logistic3A_261 = arith.divf %logistic3A_259, %logistic3A_260 : vector<1x32xf32>
    %slice3A_262 = vector.extract_strided_slice %add3A_254 {offsets = [0, 32], sizes = [1, 32], strides = [1, 1]} : vector<1x128xf32> to vector<1x32xf32>
    %logistic3A_263 = arith.negf %slice3A_262 : vector<1x32xf32>
    %logistic3A_264 = math.exp %logistic3A_263 : vector<1x32xf32>
    %logistic3A_265 = arith.constant 1.000000e+00 : f32
    %logistic3A_266 = vector.broadcast %logistic3A_265 : f32 to vector<1x32xf32>
    %logistic3A_267 = arith.addf %logistic3A_266, %logistic3A_264 : vector<1x32xf32>
    %logistic3A_268 = arith.divf %logistic3A_266, %logistic3A_267 : vector<1x32xf32>
    %slice3A_269 = vector.extract_strided_slice %add3A_254 {offsets = [0, 64], sizes = [1, 32], strides = [1, 1]} : vector<1x128xf32> to vector<1x32xf32>
    %tanh3A_270 = math.tanh %slice3A_269 : vector<1x32xf32>
    %slice3A_271 = vector.extract_strided_slice %add3A_254 {offsets = [0, 96], sizes = [1, 32], strides = [1, 1]} : vector<1x128xf32> to vector<1x32xf32>
    %logistic3A_272 = arith.negf %slice3A_271 : vector<1x32xf32>
    %logistic3A_273 = math.exp %logistic3A_272 : vector<1x32xf32>
    %logistic3A_274 = arith.constant 1.000000e+00 : f32
    %logistic3A_275 = vector.broadcast %logistic3A_274 : f32 to vector<1x32xf32>
    %logistic3A_276 = arith.addf %logistic3A_275, %logistic3A_273 : vector<1x32xf32>
    %logistic3A_277 = arith.divf %logistic3A_275, %logistic3A_276 : vector<1x32xf32>
    %mul3A_278 = arith.mulf %logistic3A_268, %add3A_167 : vector<1x32xf32>
    %mul3A_279 = arith.mulf %logistic3A_261, %tanh3A_270 : vector<1x32xf32>
    %add3A_280 = arith.addf %mul3A_278, %mul3A_279 : vector<1x32xf32>
    %tanh3A_281 = math.tanh %add3A_280 : vector<1x32xf32>
    %mul3A_282 = arith.mulf %logistic3A_277, %tanh3A_281 : vector<1x32xf32>
    %dot_general3A_283 = arith.constant dense<0.000000e+00> : vector<1x128xf32>
    %dot_general3A_284 = tpu.matmul %mul3A_282, %get3A_70, %dot_general3A_283 {dimension_numbers = #tpu.dot_dimension_numbers<[1], [0], [0], [1], [0, 0, 1, 1], [], []>, transpose_lhs_hint = false} : vector<1x32xf32>, vector<32x128xf32>, vector<1x128xf32> -> vector<1x128xf32>
    %dot_general3A_285 = arith.constant dense<0.000000e+00> : vector<1x128xf32>
    %dot_general3A_286 = tpu.matmul %mul3A_203, %get3A_79, %dot_general3A_285 {dimension_numbers = #tpu.dot_dimension_numbers<[1], [0], [0], [1], [0, 0, 1, 1], [], []>, transpose_lhs_hint = false} : vector<1x32xf32>, vector<32x128xf32>, vector<1x128xf32> -> vector<1x128xf32>
    %add3A_287 = arith.addf %dot_general3A_284, %dot_general3A_286 : vector<1x128xf32>
    %add3A_288 = arith.addf %add3A_287, %get3A_88 : vector<1x128xf32>
    %slice3A_289 = vector.extract_strided_slice %add3A_288 {offsets = [0, 0], sizes = [1, 32], strides = [1, 1]} : vector<1x128xf32> to vector<1x32xf32>
    %logistic3A_290 = arith.negf %slice3A_289 : vector<1x32xf32>
    %logistic3A_291 = math.exp %logistic3A_290 : vector<1x32xf32>
    %logistic3A_292 = arith.constant 1.000000e+00 : f32
    %logistic3A_293 = vector.broadcast %logistic3A_292 : f32 to vector<1x32xf32>
    %logistic3A_294 = arith.addf %logistic3A_293, %logistic3A_291 : vector<1x32xf32>
    %logistic3A_295 = arith.divf %logistic3A_293, %logistic3A_294 : vector<1x32xf32>
    %slice3A_296 = vector.extract_strided_slice %add3A_288 {offsets = [0, 32], sizes = [1, 32], strides = [1, 1]} : vector<1x128xf32> to vector<1x32xf32>
    %logistic3A_297 = arith.negf %slice3A_296 : vector<1x32xf32>
    %logistic3A_298 = math.exp %logistic3A_297 : vector<1x32xf32>
    %logistic3A_299 = arith.constant 1.000000e+00 : f32
    %logistic3A_300 = vector.broadcast %logistic3A_299 : f32 to vector<1x32xf32>
    %logistic3A_301 = arith.addf %logistic3A_300, %logistic3A_298 : vector<1x32xf32>
    %logistic3A_302 = arith.divf %logistic3A_300, %logistic3A_301 : vector<1x32xf32>
    %slice3A_303 = vector.extract_strided_slice %add3A_288 {offsets = [0, 64], sizes = [1, 32], strides = [1, 1]} : vector<1x128xf32> to vector<1x32xf32>
    %tanh3A_304 = math.tanh %slice3A_303 : vector<1x32xf32>
    %slice3A_305 = vector.extract_strided_slice %add3A_288 {offsets = [0, 96], sizes = [1, 32], strides = [1, 1]} : vector<1x128xf32> to vector<1x32xf32>
    %logistic3A_306 = arith.negf %slice3A_305 : vector<1x32xf32>
    %logistic3A_307 = math.exp %logistic3A_306 : vector<1x32xf32>
    %logistic3A_308 = arith.constant 1.000000e+00 : f32
    %logistic3A_309 = vector.broadcast %logistic3A_308 : f32 to vector<1x32xf32>
    %logistic3A_310 = arith.addf %logistic3A_309, %logistic3A_307 : vector<1x32xf32>
    %logistic3A_311 = arith.divf %logistic3A_309, %logistic3A_310 : vector<1x32xf32>
    %mul3A_312 = arith.mulf %logistic3A_302, %add3A_201 : vector<1x32xf32>
    %mul3A_313 = arith.mulf %logistic3A_295, %tanh3A_304 : vector<1x32xf32>
    %add3A_314 = arith.addf %mul3A_312, %mul3A_313 : vector<1x32xf32>
    %tanh3A_315 = math.tanh %add3A_314 : vector<1x32xf32>
    %mul3A_316 = arith.mulf %logistic3A_311, %tanh3A_315 : vector<1x32xf32>
    %dot_general3A_317 = arith.constant dense<0.000000e+00> : vector<1x10000xf32>
    %dot_general3A_318 = tpu.matmul %mul3A_316, %transpose3A, %dot_general3A_317 {dimension_numbers = #tpu.dot_dimension_numbers<[1], [0], [0], [1], [0, 0, 1, 1], [], []>, transpose_lhs_hint = false} : vector<1x32xf32>, vector<32x10000xf32>, vector<1x10000xf32> -> vector<1x10000xf32>
    %reduce_max3A_319 = arith.constant dense<0xFF800000> : vector<1xf32>
    %reduce_max3A_320 = vector.multi_reduction <maximumf>, %dot_general3A_318, %reduce_max3A_319 [1] : vector<1x10000xf32> to vector<1xf32>
    %broadcast_in_dim3A_321 = vector.shape_cast %reduce_max3A_320 : vector<1xf32> to vector<1x1xf32>
    %sub3A_322 = vector.broadcast %broadcast_in_dim3A_321 : vector<1x1xf32> to vector<1x10000xf32>
    %sub3A_323 = arith.subf %dot_general3A_318, %sub3A_322 : vector<1x10000xf32>
    %exp3A_324 = math.exp %sub3A_323 : vector<1x10000xf32>
    %reduce_sum3A_325 = arith.constant dense<0.000000e+00> : vector<1xf32>
    %reduce_sum3A_326 = vector.multi_reduction <add>, %exp3A_324, %reduce_sum3A_325 [1] : vector<1x10000xf32> to vector<1xf32>
    %broadcast_in_dim3A_327 = vector.shape_cast %reduce_sum3A_326 : vector<1xf32> to vector<1x1xf32>
    %div3A_328 = vector.broadcast %broadcast_in_dim3A_327 : vector<1x1xf32> to vector<1x10000xf32>
    %div3A_329 = arith.divf %exp3A_324, %div3A_328 : vector<1x10000xf32>
    %dot_general3A_330 = arith.constant dense<0.000000e+00> : vector<1x32xf32>
    %dot_general3A_331 = tpu.matmul %div3A_329, %add3A_61, %dot_general3A_330 {dimension_numbers = #tpu.dot_dimension_numbers<[1], [0], [0], [1], [0, 0, 1, 1], [], []>, transpose_lhs_hint = false} : vector<1x10000xf32>, vector<10000x32xf32>, vector<1x32xf32> -> vector<1x32xf32>
    %concatenate3A_332 = tpu.concatenate %mul3A_316, %dot_general3A_331 in 1 : vector<1x32xf32>, vector<1x32xf32> -> vector<1x64xf32>
    %dot_general3A_333 = arith.constant dense<0.000000e+00> : vector<1x128xf32>
    %dot_general3A_334 = tpu.matmul %concatenate3A_332, %get3A_64, %dot_general3A_333 {dimension_numbers = #tpu.dot_dimension_numbers<[1], [0], [0], [1], [0, 0, 1, 1], [], []>, transpose_lhs_hint = false} : vector<1x64xf32>, vector<64x128xf32>, vector<1x128xf32> -> vector<1x128xf32>
    %dot_general3A_335 = arith.constant dense<0.000000e+00> : vector<1x128xf32>
    %dot_general3A_336 = tpu.matmul %mul3A_248, %get3A_73, %dot_general3A_335 {dimension_numbers = #tpu.dot_dimension_numbers<[1], [0], [0], [1], [0, 0, 1, 1], [], []>, transpose_lhs_hint = false} : vector<1x32xf32>, vector<32x128xf32>, vector<1x128xf32> -> vector<1x128xf32>
    %add3A_337 = arith.addf %dot_general3A_334, %dot_general3A_336 : vector<1x128xf32>
    %add3A_338 = arith.addf %add3A_337, %get3A_82 : vector<1x128xf32>
    %slice3A_339 = vector.extract_strided_slice %add3A_338 {offsets = [0, 0], sizes = [1, 32], strides = [1, 1]} : vector<1x128xf32> to vector<1x32xf32>
    %logistic3A_340 = arith.negf %slice3A_339 : vector<1x32xf32>
    %logistic3A_341 = math.exp %logistic3A_340 : vector<1x32xf32>
    %logistic3A_342 = arith.constant 1.000000e+00 : f32
    %logistic3A_343 = vector.broadcast %logistic3A_342 : f32 to vector<1x32xf32>
    %logistic3A_344 = arith.addf %logistic3A_343, %logistic3A_341 : vector<1x32xf32>
    %logistic3A_345 = arith.divf %logistic3A_343, %logistic3A_344 : vector<1x32xf32>
    %slice3A_346 = vector.extract_strided_slice %add3A_338 {offsets = [0, 32], sizes = [1, 32], strides = [1, 1]} : vector<1x128xf32> to vector<1x32xf32>
    %logistic3A_347 = arith.negf %slice3A_346 : vector<1x32xf32>
    %logistic3A_348 = math.exp %logistic3A_347 : vector<1x32xf32>
    %logistic3A_349 = arith.constant 1.000000e+00 : f32
    %logistic3A_350 = vector.broadcast %logistic3A_349 : f32 to vector<1x32xf32>
    %logistic3A_351 = arith.addf %logistic3A_350, %logistic3A_348 : vector<1x32xf32>
    %logistic3A_352 = arith.divf %logistic3A_350, %logistic3A_351 : vector<1x32xf32>
    %slice3A_353 = vector.extract_strided_slice %add3A_338 {offsets = [0, 64], sizes = [1, 32], strides = [1, 1]} : vector<1x128xf32> to vector<1x32xf32>
    %tanh3A_354 = math.tanh %slice3A_353 : vector<1x32xf32>
    %slice3A_355 = vector.extract_strided_slice %add3A_338 {offsets = [0, 96], sizes = [1, 32], strides = [1, 1]} : vector<1x128xf32> to vector<1x32xf32>
    %logistic3A_356 = arith.negf %slice3A_355 : vector<1x32xf32>
    %logistic3A_357 = math.exp %logistic3A_356 : vector<1x32xf32>
    %logistic3A_358 = arith.constant 1.000000e+00 : f32
    %logistic3A_359 = vector.broadcast %logistic3A_358 : f32 to vector<1x32xf32>
    %logistic3A_360 = arith.addf %logistic3A_359, %logistic3A_357 : vector<1x32xf32>
    %logistic3A_361 = arith.divf %logistic3A_359, %logistic3A_360 : vector<1x32xf32>
    %mul3A_362 = arith.mulf %logistic3A_352, %add3A_246 : vector<1x32xf32>
    %mul3A_363 = arith.mulf %logistic3A_345, %tanh3A_354 : vector<1x32xf32>
    %add3A_364 = arith.addf %mul3A_362, %mul3A_363 : vector<1x32xf32>
    %tanh3A_365 = math.tanh %add3A_364 : vector<1x32xf32>
    %mul3A_366 = arith.mulf %logistic3A_361, %tanh3A_365 : vector<1x32xf32>
    %dot_general3A_367 = arith.constant dense<0.000000e+00> : vector<1x128xf32>
    %dot_general3A_368 = tpu.matmul %mul3A_366, %get3A_67, %dot_general3A_367 {dimension_numbers = #tpu.dot_dimension_numbers<[1], [0], [0], [1], [0, 0, 1, 1], [], []>, transpose_lhs_hint = false} : vector<1x32xf32>, vector<32x128xf32>, vector<1x128xf32> -> vector<1x128xf32>
    %dot_general3A_369 = arith.constant dense<0.000000e+00> : vector<1x128xf32>
    %dot_general3A_370 = tpu.matmul %mul3A_282, %get3A_76, %dot_general3A_369 {dimension_numbers = #tpu.dot_dimension_numbers<[1], [0], [0], [1], [0, 0, 1, 1], [], []>, transpose_lhs_hint = false} : vector<1x32xf32>, vector<32x128xf32>, vector<1x128xf32> -> vector<1x128xf32>
    %add3A_371 = arith.addf %dot_general3A_368, %dot_general3A_370 : vector<1x128xf32>
    %add3A_372 = arith.addf %add3A_371, %get3A_85 : vector<1x128xf32>
    %slice3A_373 = vector.extract_strided_slice %add3A_372 {offsets = [0, 0], sizes = [1, 32], strides = [1, 1]} : vector<1x128xf32> to vector<1x32xf32>
    %logistic3A_374 = arith.negf %slice3A_373 : vector<1x32xf32>
    %logistic3A_375 = math.exp %logistic3A_374 : vector<1x32xf32>
    %logistic3A_376 = arith.constant 1.000000e+00 : f32
    %logistic3A_377 = vector.broadcast %logistic3A_376 : f32 to vector<1x32xf32>
    %logistic3A_378 = arith.addf %logistic3A_377, %logistic3A_375 : vector<1x32xf32>
    %logistic3A_379 = arith.divf %logistic3A_377, %logistic3A_378 : vector<1x32xf32>
    %slice3A_380 = vector.extract_strided_slice %add3A_372 {offsets = [0, 32], sizes = [1, 32], strides = [1, 1]} : vector<1x128xf32> to vector<1x32xf32>
    %logistic3A_381 = arith.negf %slice3A_380 : vector<1x32xf32>
    %logistic3A_382 = math.exp %logistic3A_381 : vector<1x32xf32>
    %logistic3A_383 = arith.constant 1.000000e+00 : f32
    %logistic3A_384 = vector.broadcast %logistic3A_383 : f32 to vector<1x32xf32>
    %logistic3A_385 = arith.addf %logistic3A_384, %logistic3A_382 : vector<1x32xf32>
    %logistic3A_386 = arith.divf %logistic3A_384, %logistic3A_385 : vector<1x32xf32>
    %slice3A_387 = vector.extract_strided_slice %add3A_372 {offsets = [0, 64], sizes = [1, 32], strides = [1, 1]} : vector<1x128xf32> to vector<1x32xf32>
    %tanh3A_388 = math.tanh %slice3A_387 : vector<1x32xf32>
    %slice3A_389 = vector.extract_strided_slice %add3A_372 {offsets = [0, 96], sizes = [1, 32], strides = [1, 1]} : vector<1x128xf32> to vector<1x32xf32>
    %logistic3A_390 = arith.negf %slice3A_389 : vector<1x32xf32>
    %logistic3A_391 = math.exp %logistic3A_390 : vector<1x32xf32>
    %logistic3A_392 = arith.constant 1.000000e+00 : f32
    %logistic3A_393 = vector.broadcast %logistic3A_392 : f32 to vector<1x32xf32>
    %logistic3A_394 = arith.addf %logistic3A_393, %logistic3A_391 : vector<1x32xf32>
    %logistic3A_395 = arith.divf %logistic3A_393, %logistic3A_394 : vector<1x32xf32>
    %mul3A_396 = arith.mulf %logistic3A_386, %add3A_280 : vector<1x32xf32>
    %mul3A_397 = arith.mulf %logistic3A_379, %tanh3A_388 : vector<1x32xf32>
    %add3A_398 = arith.addf %mul3A_396, %mul3A_397 : vector<1x32xf32>
    %tanh3A_399 = math.tanh %add3A_398 : vector<1x32xf32>
    %mul3A_400 = arith.mulf %logistic3A_395, %tanh3A_399 : vector<1x32xf32>
    %dot_general3A_401 = arith.constant dense<0.000000e+00> : vector<1x128xf32>
    %dot_general3A_402 = tpu.matmul %mul3A_400, %get3A_70, %dot_general3A_401 {dimension_numbers = #tpu.dot_dimension_numbers<[1], [0], [0], [1], [0, 0, 1, 1], [], []>, transpose_lhs_hint = false} : vector<1x32xf32>, vector<32x128xf32>, vector<1x128xf32> -> vector<1x128xf32>
    %dot_general3A_403 = arith.constant dense<0.000000e+00> : vector<1x128xf32>
    %dot_general3A_404 = tpu.matmul %mul3A_316, %get3A_79, %dot_general3A_403 {dimension_numbers = #tpu.dot_dimension_numbers<[1], [0], [0], [1], [0, 0, 1, 1], [], []>, transpose_lhs_hint = false} : vector<1x32xf32>, vector<32x128xf32>, vector<1x128xf32> -> vector<1x128xf32>
    %add3A_405 = arith.addf %dot_general3A_402, %dot_general3A_404 : vector<1x128xf32>
    %add3A_406 = arith.addf %add3A_405, %get3A_88 : vector<1x128xf32>
    %slice3A_407 = vector.extract_strided_slice %add3A_406 {offsets = [0, 0], sizes = [1, 32], strides = [1, 1]} : vector<1x128xf32> to vector<1x32xf32>
    %logistic3A_408 = arith.negf %slice3A_407 : vector<1x32xf32>
    %logistic3A_409 = math.exp %logistic3A_408 : vector<1x32xf32>
    %logistic3A_410 = arith.constant 1.000000e+00 : f32
    %logistic3A_411 = vector.broadcast %logistic3A_410 : f32 to vector<1x32xf32>
    %logistic3A_412 = arith.addf %logistic3A_411, %logistic3A_409 : vector<1x32xf32>
    %logistic3A_413 = arith.divf %logistic3A_411, %logistic3A_412 : vector<1x32xf32>
    %slice3A_414 = vector.extract_strided_slice %add3A_406 {offsets = [0, 32], sizes = [1, 32], strides = [1, 1]} : vector<1x128xf32> to vector<1x32xf32>
    %logistic3A_415 = arith.negf %slice3A_414 : vector<1x32xf32>
    %logistic3A_416 = math.exp %logistic3A_415 : vector<1x32xf32>
    %logistic3A_417 = arith.constant 1.000000e+00 : f32
    %logistic3A_418 = vector.broadcast %logistic3A_417 : f32 to vector<1x32xf32>
    %logistic3A_419 = arith.addf %logistic3A_418, %logistic3A_416 : vector<1x32xf32>
    %logistic3A_420 = arith.divf %logistic3A_418, %logistic3A_419 : vector<1x32xf32>
    %slice3A_421 = vector.extract_strided_slice %add3A_406 {offsets = [0, 64], sizes = [1, 32], strides = [1, 1]} : vector<1x128xf32> to vector<1x32xf32>
    %tanh3A_422 = math.tanh %slice3A_421 : vector<1x32xf32>
    %slice3A_423 = vector.extract_strided_slice %add3A_406 {offsets = [0, 96], sizes = [1, 32], strides = [1, 1]} : vector<1x128xf32> to vector<1x32xf32>
    %logistic3A_424 = arith.negf %slice3A_423 : vector<1x32xf32>
    %logistic3A_425 = math.exp %logistic3A_424 : vector<1x32xf32>
    %logistic3A_426 = arith.constant 1.000000e+00 : f32
    %logistic3A_427 = vector.broadcast %logistic3A_426 : f32 to vector<1x32xf32>
    %logistic3A_428 = arith.addf %logistic3A_427, %logistic3A_425 : vector<1x32xf32>
    %logistic3A_429 = arith.divf %logistic3A_427, %logistic3A_428 : vector<1x32xf32>
    %mul3A_430 = arith.mulf %logistic3A_420, %add3A_314 : vector<1x32xf32>
    %mul3A_431 = arith.mulf %logistic3A_413, %tanh3A_422 : vector<1x32xf32>
    %add3A_432 = arith.addf %mul3A_430, %mul3A_431 : vector<1x32xf32>
    %tanh3A_433 = math.tanh %add3A_432 : vector<1x32xf32>
    %mul3A_434 = arith.mulf %logistic3A_429, %tanh3A_433 : vector<1x32xf32>
    %dot_general3A_435 = arith.constant dense<0.000000e+00> : vector<1x10000xf32>
    %dot_general3A_436 = tpu.matmul %mul3A_434, %transpose3A, %dot_general3A_435 {dimension_numbers = #tpu.dot_dimension_numbers<[1], [0], [0], [1], [0, 0, 1, 1], [], []>, transpose_lhs_hint = false} : vector<1x32xf32>, vector<32x10000xf32>, vector<1x10000xf32> -> vector<1x10000xf32>
    %reduce_max3A_437 = arith.constant dense<0xFF800000> : vector<1xf32>
    %reduce_max3A_438 = vector.multi_reduction <maximumf>, %dot_general3A_436, %reduce_max3A_437 [1] : vector<1x10000xf32> to vector<1xf32>
    %broadcast_in_dim3A_439 = vector.shape_cast %reduce_max3A_438 : vector<1xf32> to vector<1x1xf32>
    %sub3A_440 = vector.broadcast %broadcast_in_dim3A_439 : vector<1x1xf32> to vector<1x10000xf32>
    %sub3A_441 = arith.subf %dot_general3A_436, %sub3A_440 : vector<1x10000xf32>
    %exp3A_442 = math.exp %sub3A_441 : vector<1x10000xf32>
    %reduce_sum3A_443 = arith.constant dense<0.000000e+00> : vector<1xf32>
    %reduce_sum3A_444 = vector.multi_reduction <add>, %exp3A_442, %reduce_sum3A_443 [1] : vector<1x10000xf32> to vector<1xf32>
    %broadcast_in_dim3A_445 = vector.shape_cast %reduce_sum3A_444 : vector<1xf32> to vector<1x1xf32>
    %div3A_446 = vector.broadcast %broadcast_in_dim3A_445 : vector<1x1xf32> to vector<1x10000xf32>
    %div3A_447 = arith.divf %exp3A_442, %div3A_446 : vector<1x10000xf32>
    %dot_general3A_448 = arith.constant dense<0.000000e+00> : vector<1x32xf32>
    %dot_general3A_449 = tpu.matmul %div3A_447, %add3A_61, %dot_general3A_448 {dimension_numbers = #tpu.dot_dimension_numbers<[1], [0], [0], [1], [0, 0, 1, 1], [], []>, transpose_lhs_hint = false} : vector<1x10000xf32>, vector<10000x32xf32>, vector<1x32xf32> -> vector<1x32xf32>
    %concatenate3A_450 = tpu.concatenate %mul3A_434, %dot_general3A_449 in 1 : vector<1x32xf32>, vector<1x32xf32> -> vector<1x64xf32>
    %dot_general3A_451 = arith.constant dense<0.000000e+00> : vector<1x128xf32>
    %dot_general3A_452 = tpu.matmul %concatenate3A_450, %get3A_64, %dot_general3A_451 {dimension_numbers = #tpu.dot_dimension_numbers<[1], [0], [0], [1], [0, 0, 1, 1], [], []>, transpose_lhs_hint = false} : vector<1x64xf32>, vector<64x128xf32>, vector<1x128xf32> -> vector<1x128xf32>
    %dot_general3A_453 = arith.constant dense<0.000000e+00> : vector<1x128xf32>
    %dot_general3A_454 = tpu.matmul %mul3A_366, %get3A_73, %dot_general3A_453 {dimension_numbers = #tpu.dot_dimension_numbers<[1], [0], [0], [1], [0, 0, 1, 1], [], []>, transpose_lhs_hint = false} : vector<1x32xf32>, vector<32x128xf32>, vector<1x128xf32> -> vector<1x128xf32>
    %add3A_455 = arith.addf %dot_general3A_452, %dot_general3A_454 : vector<1x128xf32>
    %add3A_456 = arith.addf %add3A_455, %get3A_82 : vector<1x128xf32>
    %slice3A_457 = vector.extract_strided_slice %add3A_456 {offsets = [0, 0], sizes = [1, 32], strides = [1, 1]} : vector<1x128xf32> to vector<1x32xf32>
    %logistic3A_458 = arith.negf %slice3A_457 : vector<1x32xf32>
    %logistic3A_459 = math.exp %logistic3A_458 : vector<1x32xf32>
    %logistic3A_460 = arith.constant 1.000000e+00 : f32
    %logistic3A_461 = vector.broadcast %logistic3A_460 : f32 to vector<1x32xf32>
    %logistic3A_462 = arith.addf %logistic3A_461, %logistic3A_459 : vector<1x32xf32>
    %logistic3A_463 = arith.divf %logistic3A_461, %logistic3A_462 : vector<1x32xf32>
    %slice3A_464 = vector.extract_strided_slice %add3A_456 {offsets = [0, 32], sizes = [1, 32], strides = [1, 1]} : vector<1x128xf32> to vector<1x32xf32>
    %logistic3A_465 = arith.negf %slice3A_464 : vector<1x32xf32>
    %logistic3A_466 = math.exp %logistic3A_465 : vector<1x32xf32>
    %logistic3A_467 = arith.constant 1.000000e+00 : f32
    %logistic3A_468 = vector.broadcast %logistic3A_467 : f32 to vector<1x32xf32>
    %logistic3A_469 = arith.addf %logistic3A_468, %logistic3A_466 : vector<1x32xf32>
    %logistic3A_470 = arith.divf %logistic3A_468, %logistic3A_469 : vector<1x32xf32>
    %slice3A_471 = vector.extract_strided_slice %add3A_456 {offsets = [0, 64], sizes = [1, 32], strides = [1, 1]} : vector<1x128xf32> to vector<1x32xf32>
    %tanh3A_472 = math.tanh %slice3A_471 : vector<1x32xf32>
    %slice3A_473 = vector.extract_strided_slice %add3A_456 {offsets = [0, 96], sizes = [1, 32], strides = [1, 1]} : vector<1x128xf32> to vector<1x32xf32>
    %logistic3A_474 = arith.negf %slice3A_473 : vector<1x32xf32>
    %logistic3A_475 = math.exp %logistic3A_474 : vector<1x32xf32>
    %logistic3A_476 = arith.constant 1.000000e+00 : f32
    %logistic3A_477 = vector.broadcast %logistic3A_476 : f32 to vector<1x32xf32>
    %logistic3A_478 = arith.addf %logistic3A_477, %logistic3A_475 : vector<1x32xf32>
    %logistic3A_479 = arith.divf %logistic3A_477, %logistic3A_478 : vector<1x32xf32>
    %mul3A_480 = arith.mulf %logistic3A_470, %add3A_364 : vector<1x32xf32>
    %mul3A_481 = arith.mulf %logistic3A_463, %tanh3A_472 : vector<1x32xf32>
    %add3A_482 = arith.addf %mul3A_480, %mul3A_481 : vector<1x32xf32>
    %tanh3A_483 = math.tanh %add3A_482 : vector<1x32xf32>
    %mul3A_484 = arith.mulf %logistic3A_479, %tanh3A_483 : vector<1x32xf32>
    %dot_general3A_485 = arith.constant dense<0.000000e+00> : vector<1x128xf32>
    %dot_general3A_486 = tpu.matmul %mul3A_484, %get3A_67, %dot_general3A_485 {dimension_numbers = #tpu.dot_dimension_numbers<[1], [0], [0], [1], [0, 0, 1, 1], [], []>, transpose_lhs_hint = false} : vector<1x32xf32>, vector<32x128xf32>, vector<1x128xf32> -> vector<1x128xf32>
    %dot_general3A_487 = arith.constant dense<0.000000e+00> : vector<1x128xf32>
    %dot_general3A_488 = tpu.matmul %mul3A_400, %get3A_76, %dot_general3A_487 {dimension_numbers = #tpu.dot_dimension_numbers<[1], [0], [0], [1], [0, 0, 1, 1], [], []>, transpose_lhs_hint = false} : vector<1x32xf32>, vector<32x128xf32>, vector<1x128xf32> -> vector<1x128xf32>
    %add3A_489 = arith.addf %dot_general3A_486, %dot_general3A_488 : vector<1x128xf32>
    %add3A_490 = arith.addf %add3A_489, %get3A_85 : vector<1x128xf32>
    %slice3A_491 = vector.extract_strided_slice %add3A_490 {offsets = [0, 0], sizes = [1, 32], strides = [1, 1]} : vector<1x128xf32> to vector<1x32xf32>
    %logistic3A_492 = arith.negf %slice3A_491 : vector<1x32xf32>
    %logistic3A_493 = math.exp %logistic3A_492 : vector<1x32xf32>
    %logistic3A_494 = arith.constant 1.000000e+00 : f32
    %logistic3A_495 = vector.broadcast %logistic3A_494 : f32 to vector<1x32xf32>
    %logistic3A_496 = arith.addf %logistic3A_495, %logistic3A_493 : vector<1x32xf32>
    %logistic3A_497 = arith.divf %logistic3A_495, %logistic3A_496 : vector<1x32xf32>
    %slice3A_498 = vector.extract_strided_slice %add3A_490 {offsets = [0, 32], sizes = [1, 32], strides = [1, 1]} : vector<1x128xf32> to vector<1x32xf32>
    %logistic3A_499 = arith.negf %slice3A_498 : vector<1x32xf32>
    %logistic3A_500 = math.exp %logistic3A_499 : vector<1x32xf32>
    %logistic3A_501 = arith.constant 1.000000e+00 : f32
    %logistic3A_502 = vector.broadcast %logistic3A_501 : f32 to vector<1x32xf32>
    %logistic3A_503 = arith.addf %logistic3A_502, %logistic3A_500 : vector<1x32xf32>
    %logistic3A_504 = arith.divf %logistic3A_502, %logistic3A_503 : vector<1x32xf32>
    %slice3A_505 = vector.extract_strided_slice %add3A_490 {offsets = [0, 64], sizes = [1, 32], strides = [1, 1]} : vector<1x128xf32> to vector<1x32xf32>
    %tanh3A_506 = math.tanh %slice3A_505 : vector<1x32xf32>
    %slice3A_507 = vector.extract_strided_slice %add3A_490 {offsets = [0, 96], sizes = [1, 32], strides = [1, 1]} : vector<1x128xf32> to vector<1x32xf32>
    %logistic3A_508 = arith.negf %slice3A_507 : vector<1x32xf32>
    %logistic3A_509 = math.exp %logistic3A_508 : vector<1x32xf32>
    %logistic3A_510 = arith.constant 1.000000e+00 : f32
    %logistic3A_511 = vector.broadcast %logistic3A_510 : f32 to vector<1x32xf32>
    %logistic3A_512 = arith.addf %logistic3A_511, %logistic3A_509 : vector<1x32xf32>
    %logistic3A_513 = arith.divf %logistic3A_511, %logistic3A_512 : vector<1x32xf32>
    %mul3A_514 = arith.mulf %logistic3A_504, %add3A_398 : vector<1x32xf32>
    %mul3A_515 = arith.mulf %logistic3A_497, %tanh3A_506 : vector<1x32xf32>
    %add3A_516 = arith.addf %mul3A_514, %mul3A_515 : vector<1x32xf32>
    %tanh3A_517 = math.tanh %add3A_516 : vector<1x32xf32>
    %mul3A_518 = arith.mulf %logistic3A_513, %tanh3A_517 : vector<1x32xf32>
    %dot_general3A_519 = arith.constant dense<0.000000e+00> : vector<1x128xf32>
    %dot_general3A_520 = tpu.matmul %mul3A_518, %get3A_70, %dot_general3A_519 {dimension_numbers = #tpu.dot_dimension_numbers<[1], [0], [0], [1], [0, 0, 1, 1], [], []>, transpose_lhs_hint = false} : vector<1x32xf32>, vector<32x128xf32>, vector<1x128xf32> -> vector<1x128xf32>
    %dot_general3A_521 = arith.constant dense<0.000000e+00> : vector<1x128xf32>
    %dot_general3A_522 = tpu.matmul %mul3A_434, %get3A_79, %dot_general3A_521 {dimension_numbers = #tpu.dot_dimension_numbers<[1], [0], [0], [1], [0, 0, 1, 1], [], []>, transpose_lhs_hint = false} : vector<1x32xf32>, vector<32x128xf32>, vector<1x128xf32> -> vector<1x128xf32>
    %add3A_523 = arith.addf %dot_general3A_520, %dot_general3A_522 : vector<1x128xf32>
    %add3A_524 = arith.addf %add3A_523, %get3A_88 : vector<1x128xf32>
    %slice3A_525 = vector.extract_strided_slice %add3A_524 {offsets = [0, 0], sizes = [1, 32], strides = [1, 1]} : vector<1x128xf32> to vector<1x32xf32>
    %logistic3A_526 = arith.negf %slice3A_525 : vector<1x32xf32>
    %logistic3A_527 = math.exp %logistic3A_526 : vector<1x32xf32>
    %logistic3A_528 = arith.constant 1.000000e+00 : f32
    %logistic3A_529 = vector.broadcast %logistic3A_528 : f32 to vector<1x32xf32>
    %logistic3A_530 = arith.addf %logistic3A_529, %logistic3A_527 : vector<1x32xf32>
    %logistic3A_531 = arith.divf %logistic3A_529, %logistic3A_530 : vector<1x32xf32>
    %slice3A_532 = vector.extract_strided_slice %add3A_524 {offsets = [0, 32], sizes = [1, 32], strides = [1, 1]} : vector<1x128xf32> to vector<1x32xf32>
    %logistic3A_533 = arith.negf %slice3A_532 : vector<1x32xf32>
    %logistic3A_534 = math.exp %logistic3A_533 : vector<1x32xf32>
    %logistic3A_535 = arith.constant 1.000000e+00 : f32
    %logistic3A_536 = vector.broadcast %logistic3A_535 : f32 to vector<1x32xf32>
    %logistic3A_537 = arith.addf %logistic3A_536, %logistic3A_534 : vector<1x32xf32>
    %logistic3A_538 = arith.divf %logistic3A_536, %logistic3A_537 : vector<1x32xf32>
    %slice3A_539 = vector.extract_strided_slice %add3A_524 {offsets = [0, 64], sizes = [1, 32], strides = [1, 1]} : vector<1x128xf32> to vector<1x32xf32>
    %tanh3A_540 = math.tanh %slice3A_539 : vector<1x32xf32>
    %slice3A_541 = vector.extract_strided_slice %add3A_524 {offsets = [0, 96], sizes = [1, 32], strides = [1, 1]} : vector<1x128xf32> to vector<1x32xf32>
    %logistic3A_542 = arith.negf %slice3A_541 : vector<1x32xf32>
    %logistic3A_543 = math.exp %logistic3A_542 : vector<1x32xf32>
    %logistic3A_544 = arith.constant 1.000000e+00 : f32
    %logistic3A_545 = vector.broadcast %logistic3A_544 : f32 to vector<1x32xf32>
    %logistic3A_546 = arith.addf %logistic3A_545, %logistic3A_543 : vector<1x32xf32>
    %logistic3A_547 = arith.divf %logistic3A_545, %logistic3A_546 : vector<1x32xf32>
    %mul3A_548 = arith.mulf %logistic3A_538, %add3A_432 : vector<1x32xf32>
    %mul3A_549 = arith.mulf %logistic3A_531, %tanh3A_540 : vector<1x32xf32>
    %add3A_550 = arith.addf %mul3A_548, %mul3A_549 : vector<1x32xf32>
    %tanh3A_551 = math.tanh %add3A_550 : vector<1x32xf32>
    %mul3A_552 = arith.mulf %logistic3A_547, %tanh3A_551 : vector<1x32xf32>
    %dot_general3A_553 = arith.constant dense<0.000000e+00> : vector<1x10000xf32>
    %dot_general3A_554 = tpu.matmul %mul3A_552, %transpose3A, %dot_general3A_553 {dimension_numbers = #tpu.dot_dimension_numbers<[1], [0], [0], [1], [0, 0, 1, 1], [], []>, transpose_lhs_hint = false} : vector<1x32xf32>, vector<32x10000xf32>, vector<1x10000xf32> -> vector<1x10000xf32>
    %reduce_max3A_555 = arith.constant dense<0xFF800000> : vector<1xf32>
    %reduce_max3A_556 = vector.multi_reduction <maximumf>, %dot_general3A_554, %reduce_max3A_555 [1] : vector<1x10000xf32> to vector<1xf32>
    %broadcast_in_dim3A_557 = vector.shape_cast %reduce_max3A_556 : vector<1xf32> to vector<1x1xf32>
    %sub3A_558 = vector.broadcast %broadcast_in_dim3A_557 : vector<1x1xf32> to vector<1x10000xf32>
    %sub3A_559 = arith.subf %dot_general3A_554, %sub3A_558 : vector<1x10000xf32>
    %exp3A_560 = math.exp %sub3A_559 : vector<1x10000xf32>
    %reduce_sum3A_561 = arith.constant dense<0.000000e+00> : vector<1xf32>
    %reduce_sum3A_562 = vector.multi_reduction <add>, %exp3A_560, %reduce_sum3A_561 [1] : vector<1x10000xf32> to vector<1xf32>
    %broadcast_in_dim3A_563 = vector.shape_cast %reduce_sum3A_562 : vector<1xf32> to vector<1x1xf32>
    %div3A_564 = vector.broadcast %broadcast_in_dim3A_563 : vector<1x1xf32> to vector<1x10000xf32>
    %div3A_565 = arith.divf %exp3A_560, %div3A_564 : vector<1x10000xf32>
    %dot_general3A_566 = arith.constant dense<0.000000e+00> : vector<1x32xf32>
    %dot_general3A_567 = tpu.matmul %div3A_565, %add3A_61, %dot_general3A_566 {dimension_numbers = #tpu.dot_dimension_numbers<[1], [0], [0], [1], [0, 0, 1, 1], [], []>, transpose_lhs_hint = false} : vector<1x10000xf32>, vector<10000x32xf32>, vector<1x32xf32> -> vector<1x32xf32>
    %concatenate3A_568 = tpu.concatenate %mul3A_552, %dot_general3A_567 in 1 : vector<1x32xf32>, vector<1x32xf32> -> vector<1x64xf32>
    %dot_general3A_569 = arith.constant dense<0.000000e+00> : vector<1x128xf32>
    %dot_general3A_570 = tpu.matmul %concatenate3A_568, %get3A_64, %dot_general3A_569 {dimension_numbers = #tpu.dot_dimension_numbers<[1], [0], [0], [1], [0, 0, 1, 1], [], []>, transpose_lhs_hint = false} : vector<1x64xf32>, vector<64x128xf32>, vector<1x128xf32> -> vector<1x128xf32>
    %dot_general3A_571 = arith.constant dense<0.000000e+00> : vector<1x128xf32>
    %dot_general3A_572 = tpu.matmul %mul3A_484, %get3A_73, %dot_general3A_571 {dimension_numbers = #tpu.dot_dimension_numbers<[1], [0], [0], [1], [0, 0, 1, 1], [], []>, transpose_lhs_hint = false} : vector<1x32xf32>, vector<32x128xf32>, vector<1x128xf32> -> vector<1x128xf32>
    %add3A_573 = arith.addf %dot_general3A_570, %dot_general3A_572 : vector<1x128xf32>
    %add3A_574 = arith.addf %add3A_573, %get3A_82 : vector<1x128xf32>
    %slice3A_575 = vector.extract_strided_slice %add3A_574 {offsets = [0, 0], sizes = [1, 32], strides = [1, 1]} : vector<1x128xf32> to vector<1x32xf32>
    %logistic3A_576 = arith.negf %slice3A_575 : vector<1x32xf32>
    %logistic3A_577 = math.exp %logistic3A_576 : vector<1x32xf32>
    %logistic3A_578 = arith.constant 1.000000e+00 : f32
    %logistic3A_579 = vector.broadcast %logistic3A_578 : f32 to vector<1x32xf32>
    %logistic3A_580 = arith.addf %logistic3A_579, %logistic3A_577 : vector<1x32xf32>
    %logistic3A_581 = arith.divf %logistic3A_579, %logistic3A_580 : vector<1x32xf32>
    %slice3A_582 = vector.extract_strided_slice %add3A_574 {offsets = [0, 32], sizes = [1, 32], strides = [1, 1]} : vector<1x128xf32> to vector<1x32xf32>
    %logistic3A_583 = arith.negf %slice3A_582 : vector<1x32xf32>
    %logistic3A_584 = math.exp %logistic3A_583 : vector<1x32xf32>
    %logistic3A_585 = arith.constant 1.000000e+00 : f32
    %logistic3A_586 = vector.broadcast %logistic3A_585 : f32 to vector<1x32xf32>
    %logistic3A_587 = arith.addf %logistic3A_586, %logistic3A_584 : vector<1x32xf32>
    %logistic3A_588 = arith.divf %logistic3A_586, %logistic3A_587 : vector<1x32xf32>
    %slice3A_589 = vector.extract_strided_slice %add3A_574 {offsets = [0, 64], sizes = [1, 32], strides = [1, 1]} : vector<1x128xf32> to vector<1x32xf32>
    %tanh3A_590 = math.tanh %slice3A_589 : vector<1x32xf32>
    %slice3A_591 = vector.extract_strided_slice %add3A_574 {offsets = [0, 96], sizes = [1, 32], strides = [1, 1]} : vector<1x128xf32> to vector<1x32xf32>
    %logistic3A_592 = arith.negf %slice3A_591 : vector<1x32xf32>
    %logistic3A_593 = math.exp %logistic3A_592 : vector<1x32xf32>
    %logistic3A_594 = arith.constant 1.000000e+00 : f32
    %logistic3A_595 = vector.broadcast %logistic3A_594 : f32 to vector<1x32xf32>
    %logistic3A_596 = arith.addf %logistic3A_595, %logistic3A_593 : vector<1x32xf32>
    %logistic3A_597 = arith.divf %logistic3A_595, %logistic3A_596 : vector<1x32xf32>
    %mul3A_598 = arith.mulf %logistic3A_588, %add3A_482 : vector<1x32xf32>
    %mul3A_599 = arith.mulf %logistic3A_581, %tanh3A_590 : vector<1x32xf32>
    %add3A_600 = arith.addf %mul3A_598, %mul3A_599 : vector<1x32xf32>
    %tanh3A_601 = math.tanh %add3A_600 : vector<1x32xf32>
    %mul3A_602 = arith.mulf %logistic3A_597, %tanh3A_601 : vector<1x32xf32>
    %dot_general3A_603 = arith.constant dense<0.000000e+00> : vector<1x128xf32>
    %dot_general3A_604 = tpu.matmul %mul3A_602, %get3A_67, %dot_general3A_603 {dimension_numbers = #tpu.dot_dimension_numbers<[1], [0], [0], [1], [0, 0, 1, 1], [], []>, transpose_lhs_hint = false} : vector<1x32xf32>, vector<32x128xf32>, vector<1x128xf32> -> vector<1x128xf32>
    %dot_general3A_605 = arith.constant dense<0.000000e+00> : vector<1x128xf32>
    %dot_general3A_606 = tpu.matmul %mul3A_518, %get3A_76, %dot_general3A_605 {dimension_numbers = #tpu.dot_dimension_numbers<[1], [0], [0], [1], [0, 0, 1, 1], [], []>, transpose_lhs_hint = false} : vector<1x32xf32>, vector<32x128xf32>, vector<1x128xf32> -> vector<1x128xf32>
    %add3A_607 = arith.addf %dot_general3A_604, %dot_general3A_606 : vector<1x128xf32>
    %add3A_608 = arith.addf %add3A_607, %get3A_85 : vector<1x128xf32>
    %slice3A_609 = vector.extract_strided_slice %add3A_608 {offsets = [0, 0], sizes = [1, 32], strides = [1, 1]} : vector<1x128xf32> to vector<1x32xf32>
    %logistic3A_610 = arith.negf %slice3A_609 : vector<1x32xf32>
    %logistic3A_611 = math.exp %logistic3A_610 : vector<1x32xf32>
    %logistic3A_612 = arith.constant 1.000000e+00 : f32
    %logistic3A_613 = vector.broadcast %logistic3A_612 : f32 to vector<1x32xf32>
    %logistic3A_614 = arith.addf %logistic3A_613, %logistic3A_611 : vector<1x32xf32>
    %logistic3A_615 = arith.divf %logistic3A_613, %logistic3A_614 : vector<1x32xf32>
    %slice3A_616 = vector.extract_strided_slice %add3A_608 {offsets = [0, 32], sizes = [1, 32], strides = [1, 1]} : vector<1x128xf32> to vector<1x32xf32>
    %logistic3A_617 = arith.negf %slice3A_616 : vector<1x32xf32>
    %logistic3A_618 = math.exp %logistic3A_617 : vector<1x32xf32>
    %logistic3A_619 = arith.constant 1.000000e+00 : f32
    %logistic3A_620 = vector.broadcast %logistic3A_619 : f32 to vector<1x32xf32>
    %logistic3A_621 = arith.addf %logistic3A_620, %logistic3A_618 : vector<1x32xf32>
    %logistic3A_622 = arith.divf %logistic3A_620, %logistic3A_621 : vector<1x32xf32>
    %slice3A_623 = vector.extract_strided_slice %add3A_608 {offsets = [0, 64], sizes = [1, 32], strides = [1, 1]} : vector<1x128xf32> to vector<1x32xf32>
    %tanh3A_624 = math.tanh %slice3A_623 : vector<1x32xf32>
    %slice3A_625 = vector.extract_strided_slice %add3A_608 {offsets = [0, 96], sizes = [1, 32], strides = [1, 1]} : vector<1x128xf32> to vector<1x32xf32>
    %logistic3A_626 = arith.negf %slice3A_625 : vector<1x32xf32>
    %logistic3A_627 = math.exp %logistic3A_626 : vector<1x32xf32>
    %logistic3A_628 = arith.constant 1.000000e+00 : f32
    %logistic3A_629 = vector.broadcast %logistic3A_628 : f32 to vector<1x32xf32>
    %logistic3A_630 = arith.addf %logistic3A_629, %logistic3A_627 : vector<1x32xf32>
    %logistic3A_631 = arith.divf %logistic3A_629, %logistic3A_630 : vector<1x32xf32>
    %mul3A_632 = arith.mulf %logistic3A_622, %add3A_516 : vector<1x32xf32>
    %mul3A_633 = arith.mulf %logistic3A_615, %tanh3A_624 : vector<1x32xf32>
    %add3A_634 = arith.addf %mul3A_632, %mul3A_633 : vector<1x32xf32>
    %tanh3A_635 = math.tanh %add3A_634 : vector<1x32xf32>
    %mul3A_636 = arith.mulf %logistic3A_631, %tanh3A_635 : vector<1x32xf32>
    %dot_general3A_637 = arith.constant dense<0.000000e+00> : vector<1x128xf32>
    %dot_general3A_638 = tpu.matmul %mul3A_636, %get3A_70, %dot_general3A_637 {dimension_numbers = #tpu.dot_dimension_numbers<[1], [0], [0], [1], [0, 0, 1, 1], [], []>, transpose_lhs_hint = false} : vector<1x32xf32>, vector<32x128xf32>, vector<1x128xf32> -> vector<1x128xf32>
    %dot_general3A_639 = arith.constant dense<0.000000e+00> : vector<1x128xf32>
    %dot_general3A_640 = tpu.matmul %mul3A_552, %get3A_79, %dot_general3A_639 {dimension_numbers = #tpu.dot_dimension_numbers<[1], [0], [0], [1], [0, 0, 1, 1], [], []>, transpose_lhs_hint = false} : vector<1x32xf32>, vector<32x128xf32>, vector<1x128xf32> -> vector<1x128xf32>
    %add3A_641 = arith.addf %dot_general3A_638, %dot_general3A_640 : vector<1x128xf32>
    %add3A_642 = arith.addf %add3A_641, %get3A_88 : vector<1x128xf32>
    %slice3A_643 = vector.extract_strided_slice %add3A_642 {offsets = [0, 0], sizes = [1, 32], strides = [1, 1]} : vector<1x128xf32> to vector<1x32xf32>
    %logistic3A_644 = arith.negf %slice3A_643 : vector<1x32xf32>
    %logistic3A_645 = math.exp %logistic3A_644 : vector<1x32xf32>
    %logistic3A_646 = arith.constant 1.000000e+00 : f32
    %logistic3A_647 = vector.broadcast %logistic3A_646 : f32 to vector<1x32xf32>
    %logistic3A_648 = arith.addf %logistic3A_647, %logistic3A_645 : vector<1x32xf32>
    %logistic3A_649 = arith.divf %logistic3A_647, %logistic3A_648 : vector<1x32xf32>
    %slice3A_650 = vector.extract_strided_slice %add3A_642 {offsets = [0, 32], sizes = [1, 32], strides = [1, 1]} : vector<1x128xf32> to vector<1x32xf32>
    %logistic3A_651 = arith.negf %slice3A_650 : vector<1x32xf32>
    %logistic3A_652 = math.exp %logistic3A_651 : vector<1x32xf32>
    %logistic3A_653 = arith.constant 1.000000e+00 : f32
    %logistic3A_654 = vector.broadcast %logistic3A_653 : f32 to vector<1x32xf32>
    %logistic3A_655 = arith.addf %logistic3A_654, %logistic3A_652 : vector<1x32xf32>
    %logistic3A_656 = arith.divf %logistic3A_654, %logistic3A_655 : vector<1x32xf32>
    %slice3A_657 = vector.extract_strided_slice %add3A_642 {offsets = [0, 64], sizes = [1, 32], strides = [1, 1]} : vector<1x128xf32> to vector<1x32xf32>
    %tanh3A_658 = math.tanh %slice3A_657 : vector<1x32xf32>
    %slice3A_659 = vector.extract_strided_slice %add3A_642 {offsets = [0, 96], sizes = [1, 32], strides = [1, 1]} : vector<1x128xf32> to vector<1x32xf32>
    %logistic3A_660 = arith.negf %slice3A_659 : vector<1x32xf32>
    %logistic3A_661 = math.exp %logistic3A_660 : vector<1x32xf32>
    %logistic3A_662 = arith.constant 1.000000e+00 : f32
    %logistic3A_663 = vector.broadcast %logistic3A_662 : f32 to vector<1x32xf32>
    %logistic3A_664 = arith.addf %logistic3A_663, %logistic3A_661 : vector<1x32xf32>
    %logistic3A_665 = arith.divf %logistic3A_663, %logistic3A_664 : vector<1x32xf32>
    %mul3A_666 = arith.mulf %logistic3A_656, %add3A_550 : vector<1x32xf32>
    %mul3A_667 = arith.mulf %logistic3A_649, %tanh3A_658 : vector<1x32xf32>
    %add3A_668 = arith.addf %mul3A_666, %mul3A_667 : vector<1x32xf32>
    %tanh3A_669 = math.tanh %add3A_668 : vector<1x32xf32>
    %mul3A_670 = arith.mulf %logistic3A_665, %tanh3A_669 : vector<1x32xf32>
    %dot_general3A_671 = arith.constant dense<0.000000e+00> : vector<1x10000xf32>
    %dot_general3A_672 = tpu.matmul %mul3A_670, %transpose3A, %dot_general3A_671 {dimension_numbers = #tpu.dot_dimension_numbers<[1], [0], [0], [1], [0, 0, 1, 1], [], []>, transpose_lhs_hint = false} : vector<1x32xf32>, vector<32x10000xf32>, vector<1x10000xf32> -> vector<1x10000xf32>
    %reduce_max3A_673 = arith.constant dense<0xFF800000> : vector<1xf32>
    %reduce_max3A_674 = vector.multi_reduction <maximumf>, %dot_general3A_672, %reduce_max3A_673 [1] : vector<1x10000xf32> to vector<1xf32>
    %broadcast_in_dim3A_675 = vector.shape_cast %reduce_max3A_674 : vector<1xf32> to vector<1x1xf32>
    %sub3A_676 = vector.broadcast %broadcast_in_dim3A_675 : vector<1x1xf32> to vector<1x10000xf32>
    %sub3A_677 = arith.subf %dot_general3A_672, %sub3A_676 : vector<1x10000xf32>
    %exp3A_678 = math.exp %sub3A_677 : vector<1x10000xf32>
    %reduce_sum3A_679 = arith.constant dense<0.000000e+00> : vector<1xf32>
    %reduce_sum3A_680 = vector.multi_reduction <add>, %exp3A_678, %reduce_sum3A_679 [1] : vector<1x10000xf32> to vector<1xf32>
    %broadcast_in_dim3A_681 = vector.shape_cast %reduce_sum3A_680 : vector<1xf32> to vector<1x1xf32>
    %div3A_682 = vector.broadcast %broadcast_in_dim3A_681 : vector<1x1xf32> to vector<1x10000xf32>
    %div3A_683 = arith.divf %exp3A_678, %div3A_682 : vector<1x10000xf32>
    %dot_general3A_684 = arith.constant dense<0.000000e+00> : vector<1x32xf32>
    %dot_general3A_685 = tpu.matmul %div3A_683, %add3A_61, %dot_general3A_684 {dimension_numbers = #tpu.dot_dimension_numbers<[1], [0], [0], [1], [0, 0, 1, 1], [], []>, transpose_lhs_hint = false} : vector<1x10000xf32>, vector<10000x32xf32>, vector<1x32xf32> -> vector<1x32xf32>
    %concatenate3A_686 = tpu.concatenate %mul3A_670, %dot_general3A_685 in 1 : vector<1x32xf32>, vector<1x32xf32> -> vector<1x64xf32>
    %dot_general3A_687 = arith.constant dense<0.000000e+00> : vector<1x128xf32>
    %dot_general3A_688 = tpu.matmul %concatenate3A_686, %get3A_64, %dot_general3A_687 {dimension_numbers = #tpu.dot_dimension_numbers<[1], [0], [0], [1], [0, 0, 1, 1], [], []>, transpose_lhs_hint = false} : vector<1x64xf32>, vector<64x128xf32>, vector<1x128xf32> -> vector<1x128xf32>
    %dot_general3A_689 = arith.constant dense<0.000000e+00> : vector<1x128xf32>
    %dot_general3A_690 = tpu.matmul %mul3A_602, %get3A_73, %dot_general3A_689 {dimension_numbers = #tpu.dot_dimension_numbers<[1], [0], [0], [1], [0, 0, 1, 1], [], []>, transpose_lhs_hint = false} : vector<1x32xf32>, vector<32x128xf32>, vector<1x128xf32> -> vector<1x128xf32>
    %add3A_691 = arith.addf %dot_general3A_688, %dot_general3A_690 : vector<1x128xf32>
    %add3A_692 = arith.addf %add3A_691, %get3A_82 : vector<1x128xf32>
    %slice3A_693 = vector.extract_strided_slice %add3A_692 {offsets = [0, 0], sizes = [1, 32], strides = [1, 1]} : vector<1x128xf32> to vector<1x32xf32>
    %logistic3A_694 = arith.negf %slice3A_693 : vector<1x32xf32>
    %logistic3A_695 = math.exp %logistic3A_694 : vector<1x32xf32>
    %logistic3A_696 = arith.constant 1.000000e+00 : f32
    %logistic3A_697 = vector.broadcast %logistic3A_696 : f32 to vector<1x32xf32>
    %logistic3A_698 = arith.addf %logistic3A_697, %logistic3A_695 : vector<1x32xf32>
    %logistic3A_699 = arith.divf %logistic3A_697, %logistic3A_698 : vector<1x32xf32>
    %slice3A_700 = vector.extract_strided_slice %add3A_692 {offsets = [0, 32], sizes = [1, 32], strides = [1, 1]} : vector<1x128xf32> to vector<1x32xf32>
    %logistic3A_701 = arith.negf %slice3A_700 : vector<1x32xf32>
    %logistic3A_702 = math.exp %logistic3A_701 : vector<1x32xf32>
    %logistic3A_703 = arith.constant 1.000000e+00 : f32
    %logistic3A_704 = vector.broadcast %logistic3A_703 : f32 to vector<1x32xf32>
    %logistic3A_705 = arith.addf %logistic3A_704, %logistic3A_702 : vector<1x32xf32>
    %logistic3A_706 = arith.divf %logistic3A_704, %logistic3A_705 : vector<1x32xf32>
    %slice3A_707 = vector.extract_strided_slice %add3A_692 {offsets = [0, 64], sizes = [1, 32], strides = [1, 1]} : vector<1x128xf32> to vector<1x32xf32>
    %tanh3A_708 = math.tanh %slice3A_707 : vector<1x32xf32>
    %slice3A_709 = vector.extract_strided_slice %add3A_692 {offsets = [0, 96], sizes = [1, 32], strides = [1, 1]} : vector<1x128xf32> to vector<1x32xf32>
    %logistic3A_710 = arith.negf %slice3A_709 : vector<1x32xf32>
    %logistic3A_711 = math.exp %logistic3A_710 : vector<1x32xf32>
    %logistic3A_712 = arith.constant 1.000000e+00 : f32
    %logistic3A_713 = vector.broadcast %logistic3A_712 : f32 to vector<1x32xf32>
    %logistic3A_714 = arith.addf %logistic3A_713, %logistic3A_711 : vector<1x32xf32>
    %logistic3A_715 = arith.divf %logistic3A_713, %logistic3A_714 : vector<1x32xf32>
    %mul3A_716 = arith.mulf %logistic3A_706, %add3A_600 : vector<1x32xf32>
    %mul3A_717 = arith.mulf %logistic3A_699, %tanh3A_708 : vector<1x32xf32>
    %add3A_718 = arith.addf %mul3A_716, %mul3A_717 : vector<1x32xf32>
    %tanh3A_719 = math.tanh %add3A_718 : vector<1x32xf32>
    %mul3A_720 = arith.mulf %logistic3A_715, %tanh3A_719 : vector<1x32xf32>
    %dot_general3A_721 = arith.constant dense<0.000000e+00> : vector<1x128xf32>
    %dot_general3A_722 = tpu.matmul %mul3A_720, %get3A_67, %dot_general3A_721 {dimension_numbers = #tpu.dot_dimension_numbers<[1], [0], [0], [1], [0, 0, 1, 1], [], []>, transpose_lhs_hint = false} : vector<1x32xf32>, vector<32x128xf32>, vector<1x128xf32> -> vector<1x128xf32>
    %dot_general3A_723 = arith.constant dense<0.000000e+00> : vector<1x128xf32>
    %dot_general3A_724 = tpu.matmul %mul3A_636, %get3A_76, %dot_general3A_723 {dimension_numbers = #tpu.dot_dimension_numbers<[1], [0], [0], [1], [0, 0, 1, 1], [], []>, transpose_lhs_hint = false} : vector<1x32xf32>, vector<32x128xf32>, vector<1x128xf32> -> vector<1x128xf32>
    %add3A_725 = arith.addf %dot_general3A_722, %dot_general3A_724 : vector<1x128xf32>
    %add3A_726 = arith.addf %add3A_725, %get3A_85 : vector<1x128xf32>
    %slice3A_727 = vector.extract_strided_slice %add3A_726 {offsets = [0, 0], sizes = [1, 32], strides = [1, 1]} : vector<1x128xf32> to vector<1x32xf32>
    %logistic3A_728 = arith.negf %slice3A_727 : vector<1x32xf32>
    %logistic3A_729 = math.exp %logistic3A_728 : vector<1x32xf32>
    %logistic3A_730 = arith.constant 1.000000e+00 : f32
    %logistic3A_731 = vector.broadcast %logistic3A_730 : f32 to vector<1x32xf32>
    %logistic3A_732 = arith.addf %logistic3A_731, %logistic3A_729 : vector<1x32xf32>
    %logistic3A_733 = arith.divf %logistic3A_731, %logistic3A_732 : vector<1x32xf32>
    %slice3A_734 = vector.extract_strided_slice %add3A_726 {offsets = [0, 32], sizes = [1, 32], strides = [1, 1]} : vector<1x128xf32> to vector<1x32xf32>
    %logistic3A_735 = arith.negf %slice3A_734 : vector<1x32xf32>
    %logistic3A_736 = math.exp %logistic3A_735 : vector<1x32xf32>
    %logistic3A_737 = arith.constant 1.000000e+00 : f32
    %logistic3A_738 = vector.broadcast %logistic3A_737 : f32 to vector<1x32xf32>
    %logistic3A_739 = arith.addf %logistic3A_738, %logistic3A_736 : vector<1x32xf32>
    %logistic3A_740 = arith.divf %logistic3A_738, %logistic3A_739 : vector<1x32xf32>
    %slice3A_741 = vector.extract_strided_slice %add3A_726 {offsets = [0, 64], sizes = [1, 32], strides = [1, 1]} : vector<1x128xf32> to vector<1x32xf32>
    %tanh3A_742 = math.tanh %slice3A_741 : vector<1x32xf32>
    %slice3A_743 = vector.extract_strided_slice %add3A_726 {offsets = [0, 96], sizes = [1, 32], strides = [1, 1]} : vector<1x128xf32> to vector<1x32xf32>
    %logistic3A_744 = arith.negf %slice3A_743 : vector<1x32xf32>
    %logistic3A_745 = math.exp %logistic3A_744 : vector<1x32xf32>
    %logistic3A_746 = arith.constant 1.000000e+00 : f32
    %logistic3A_747 = vector.broadcast %logistic3A_746 : f32 to vector<1x32xf32>
    %logistic3A_748 = arith.addf %logistic3A_747, %logistic3A_745 : vector<1x32xf32>
    %logistic3A_749 = arith.divf %logistic3A_747, %logistic3A_748 : vector<1x32xf32>
    %mul3A_750 = arith.mulf %logistic3A_740, %add3A_634 : vector<1x32xf32>
    %mul3A_751 = arith.mulf %logistic3A_733, %tanh3A_742 : vector<1x32xf32>
    %add3A_752 = arith.addf %mul3A_750, %mul3A_751 : vector<1x32xf32>
    %tanh3A_753 = math.tanh %add3A_752 : vector<1x32xf32>
    %mul3A_754 = arith.mulf %logistic3A_749, %tanh3A_753 : vector<1x32xf32>
    %dot_general3A_755 = arith.constant dense<0.000000e+00> : vector<1x128xf32>
    %dot_general3A_756 = tpu.matmul %mul3A_754, %get3A_70, %dot_general3A_755 {dimension_numbers = #tpu.dot_dimension_numbers<[1], [0], [0], [1], [0, 0, 1, 1], [], []>, transpose_lhs_hint = false} : vector<1x32xf32>, vector<32x128xf32>, vector<1x128xf32> -> vector<1x128xf32>
    %dot_general3A_757 = arith.constant dense<0.000000e+00> : vector<1x128xf32>
    %dot_general3A_758 = tpu.matmul %mul3A_670, %get3A_79, %dot_general3A_757 {dimension_numbers = #tpu.dot_dimension_numbers<[1], [0], [0], [1], [0, 0, 1, 1], [], []>, transpose_lhs_hint = false} : vector<1x32xf32>, vector<32x128xf32>, vector<1x128xf32> -> vector<1x128xf32>
    %add3A_759 = arith.addf %dot_general3A_756, %dot_general3A_758 : vector<1x128xf32>
    %add3A_760 = arith.addf %add3A_759, %get3A_88 : vector<1x128xf32>
    %slice3A_761 = vector.extract_strided_slice %add3A_760 {offsets = [0, 0], sizes = [1, 32], strides = [1, 1]} : vector<1x128xf32> to vector<1x32xf32>
    %logistic3A_762 = arith.negf %slice3A_761 : vector<1x32xf32>
    %logistic3A_763 = math.exp %logistic3A_762 : vector<1x32xf32>
    %logistic3A_764 = arith.constant 1.000000e+00 : f32
    %logistic3A_765 = vector.broadcast %logistic3A_764 : f32 to vector<1x32xf32>
    %logistic3A_766 = arith.addf %logistic3A_765, %logistic3A_763 : vector<1x32xf32>
    %logistic3A_767 = arith.divf %logistic3A_765, %logistic3A_766 : vector<1x32xf32>
    %slice3A_768 = vector.extract_strided_slice %add3A_760 {offsets = [0, 32], sizes = [1, 32], strides = [1, 1]} : vector<1x128xf32> to vector<1x32xf32>
    %logistic3A_769 = arith.negf %slice3A_768 : vector<1x32xf32>
    %logistic3A_770 = math.exp %logistic3A_769 : vector<1x32xf32>
    %logistic3A_771 = arith.constant 1.000000e+00 : f32
    %logistic3A_772 = vector.broadcast %logistic3A_771 : f32 to vector<1x32xf32>
    %logistic3A_773 = arith.addf %logistic3A_772, %logistic3A_770 : vector<1x32xf32>
    %logistic3A_774 = arith.divf %logistic3A_772, %logistic3A_773 : vector<1x32xf32>
    %slice3A_775 = vector.extract_strided_slice %add3A_760 {offsets = [0, 64], sizes = [1, 32], strides = [1, 1]} : vector<1x128xf32> to vector<1x32xf32>
    %tanh3A_776 = math.tanh %slice3A_775 : vector<1x32xf32>
    %slice3A_777 = vector.extract_strided_slice %add3A_760 {offsets = [0, 96], sizes = [1, 32], strides = [1, 1]} : vector<1x128xf32> to vector<1x32xf32>
    %logistic3A_778 = arith.negf %slice3A_777 : vector<1x32xf32>
    %logistic3A_779 = math.exp %logistic3A_778 : vector<1x32xf32>
    %logistic3A_780 = arith.constant 1.000000e+00 : f32
    %logistic3A_781 = vector.broadcast %logistic3A_780 : f32 to vector<1x32xf32>
    %logistic3A_782 = arith.addf %logistic3A_781, %logistic3A_779 : vector<1x32xf32>
    %logistic3A_783 = arith.divf %logistic3A_781, %logistic3A_782 : vector<1x32xf32>
    %mul3A_784 = arith.mulf %logistic3A_774, %add3A_668 : vector<1x32xf32>
    %mul3A_785 = arith.mulf %logistic3A_767, %tanh3A_776 : vector<1x32xf32>
    %add3A_786 = arith.addf %mul3A_784, %mul3A_785 : vector<1x32xf32>
    %tanh3A_787 = math.tanh %add3A_786 : vector<1x32xf32>
    %mul3A_788 = arith.mulf %logistic3A_783, %tanh3A_787 : vector<1x32xf32>
    %dot_general3A_789 = arith.constant dense<0.000000e+00> : vector<1x10000xf32>
    %dot_general3A_790 = tpu.matmul %mul3A_788, %transpose3A, %dot_general3A_789 {dimension_numbers = #tpu.dot_dimension_numbers<[1], [0], [0], [1], [0, 0, 1, 1], [], []>, transpose_lhs_hint = false} : vector<1x32xf32>, vector<32x10000xf32>, vector<1x10000xf32> -> vector<1x10000xf32>
    %reduce_max3A_791 = arith.constant dense<0xFF800000> : vector<1xf32>
    %reduce_max3A_792 = vector.multi_reduction <maximumf>, %dot_general3A_790, %reduce_max3A_791 [1] : vector<1x10000xf32> to vector<1xf32>
    %broadcast_in_dim3A_793 = vector.shape_cast %reduce_max3A_792 : vector<1xf32> to vector<1x1xf32>
    %sub3A_794 = vector.broadcast %broadcast_in_dim3A_793 : vector<1x1xf32> to vector<1x10000xf32>
    %sub3A_795 = arith.subf %dot_general3A_790, %sub3A_794 : vector<1x10000xf32>
    %exp3A_796 = math.exp %sub3A_795 : vector<1x10000xf32>
    %reduce_sum3A_797 = arith.constant dense<0.000000e+00> : vector<1xf32>
    %reduce_sum3A_798 = vector.multi_reduction <add>, %exp3A_796, %reduce_sum3A_797 [1] : vector<1x10000xf32> to vector<1xf32>
    %broadcast_in_dim3A_799 = vector.shape_cast %reduce_sum3A_798 : vector<1xf32> to vector<1x1xf32>
    %div3A_800 = vector.broadcast %broadcast_in_dim3A_799 : vector<1x1xf32> to vector<1x10000xf32>
    %div3A_801 = arith.divf %exp3A_796, %div3A_800 : vector<1x10000xf32>
    %dot_general3A_802 = arith.constant dense<0.000000e+00> : vector<1x32xf32>
    %dot_general3A_803 = tpu.matmul %div3A_801, %add3A_61, %dot_general3A_802 {dimension_numbers = #tpu.dot_dimension_numbers<[1], [0], [0], [1], [0, 0, 1, 1], [], []>, transpose_lhs_hint = false} : vector<1x10000xf32>, vector<10000x32xf32>, vector<1x32xf32> -> vector<1x32xf32>
    %concatenate3A_804 = tpu.concatenate %mul3A_788, %dot_general3A_803 in 1 : vector<1x32xf32>, vector<1x32xf32> -> vector<1x64xf32>
    %swap3A = arith.constant 0 : index
    %swap3A_805 = arith.constant 0 : index
    %swap3A_806 = vector.load %arg21[%swap3A, %swap3A_805] : memref<1x64xf32, #tpu.memory_space<vmem>>, vector<1x64xf32>
    tpu.vector_store %arg21[%swap3A, %swap3A_805], %concatenate3A_804 {strides = array<i32>} : memref<1x64xf32, #tpu.memory_space<vmem>>, vector<1x64xf32>,
    %get3A_807 = arith.constant 0 : index
    %get3A_808 = arith.constant 0 : index
    %get3A_809 = vector.load %arg16[%get3A_807, %get3A_808] : memref<64x32xf32, #tpu.memory_space<vmem>>, vector<64x32xf32>
    %dot_general3A_810 = arith.constant dense<0.000000e+00> : vector<1x32xf32>
    %dot_general3A_811 = tpu.matmul %concatenate3A_804, %get3A_809, %dot_general3A_810 {dimension_numbers = #tpu.dot_dimension_numbers<[1], [0], [0], [1], [0, 0, 1, 1], [], []>, transpose_lhs_hint = false} : vector<1x64xf32>, vector<64x32xf32>, vector<1x32xf32> -> vector<1x32xf32>
    %get3A_812 = arith.constant 0 : index
    %get3A_813 = arith.constant 0 : index
    %get3A_814 = vector.load %arg17[%get3A_812, %get3A_813] : memref<1x32xf32, #tpu.memory_space<vmem>>, vector<1x32xf32>
    %add3A_815 = arith.addf %dot_general3A_811, %get3A_814 : vector<1x32xf32>
    %max3A_816 = arith.constant 0.000000e+00 : f32
    %max3A_817 = vector.broadcast %max3A_816 : f32 to vector<1x32xf32>
    %max3A_818 = arith.maximumf %add3A_815, %max3A_817 : vector<1x32xf32>
    %get3A_819 = arith.constant 0 : index
    %get3A_820 = arith.constant 0 : index
    %get3A_821 = vector.load %arg18[%get3A_819, %get3A_820] : memref<32x12xf32, #tpu.memory_space<vmem>>, vector<32x12xf32>
    %dot_general3A_822 = arith.constant dense<0.000000e+00> : vector<1x12xf32>
    %dot_general3A_823 = tpu.matmul %max3A_818, %get3A_821, %dot_general3A_822 {dimension_numbers = #tpu.dot_dimension_numbers<[1], [0], [0], [1], [0, 0, 1, 1], [], []>, transpose_lhs_hint = false} : vector<1x32xf32>, vector<32x12xf32>, vector<1x12xf32> -> vector<1x12xf32>
    %get3A_824 = arith.constant 0 : index
    %get3A_825 = arith.constant 0 : index
    %get3A_826 = vector.load %arg19[%get3A_824, %get3A_825] : memref<1x12xf32, #tpu.memory_space<vmem>>, vector<1x12xf32>
    %add3A_827 = arith.addf %dot_general3A_823, %get3A_826 : vector<1x12xf32>
    %swap3A_828 = arith.constant 0 : index
    %swap3A_829 = arith.constant 0 : index
    %swap3A_830 = vector.load %arg20[%swap3A_828, %swap3A_829] : memref<1x12xf32, #tpu.memory_space<vmem>>, vector<1x12xf32>
    tpu.vector_store %arg20[%swap3A_828, %swap3A_829], %add3A_827 {strides = array<i32>} : memref<1x12xf32, #tpu.memory_space<vmem>>, vector<1x12xf32>,
    return
  }
}

</mosaic_0001>

<sc_bundles>
// kernel: kernel.11.cloned.1.call-start
scs
__scs_entry_jumppad:
0x0: {  	(pc) =	sbr.rel $0x88, $3  }
0x1: {  	(tag) =	ssettag $0x0;
	lr =	simm.s32 $0x1  }
0x2: {  	[smem:$0x3F83] =	sst lr;
	_ =	strace $0xD0000000  }
0x3: {  	_ = 	snop  }
0x4: {  	_ = 	snop  }
0x5: {  	_ = 	snop  }
0x6: {  	_ = 	snop  }
0x7: {  	_ = 	snop  }
__scs_overlays_trampoline_lowered:
0x8: {  	[smem:$0x3F92] =	sst s0  }
0x9: {  	[smem:$0x3F93] =	sst s1  }
0xa: {  	[smem:$0x3F94] =	sst s2  }
0xb: {  	[smem:$0x3F95] =	sst s3  }
0xc: {  	[smem:$0x3F96] =	sst s4  }
0xd: {  	[smem:$0x3F97] =	sst s5  }
0xe: {  	[smem:$0x3F98] =	sst s6  }
0xf: {  	[smem:$0x3F99] =	sst s7  }
0x10: {  	[smem:$0x3F9A] =	sst s8  }
0x11: {  	[smem:$0x3F9B] =	sst s9;
	s0 =	simm.s32 @!p0 $0x0  }
0x12: {  	s1 =	sld [smem:$0x3F81];
	s0 =	simm.s32 @p0 $0x1  }
0x13: {  	[smem:$0x3F9C] =	sst s0;
	s0 =	simm.s32 @!p1 $0x0  }
0x14: {  	s2 =	sld [smem:$0x3F80];
	s0 =	simm.s32 @p1 $0x1  }
0x15: {  	[smem:$0x3F9D] =	sst s0;
	s0 =	simm.s32 @!p2 $0x0  }
0x16: {  	s3 =	sld [smem:$0x3FDB];
	s0 =	simm.s32 @p2 $0x1  }
0x17: {  	s4 =	simm.s32 $0x1BF5;
	[smem:$0x3F9F] =	sst s0  }
0x18: {  	s0 =	sld [smem:$0x3F82];
	_ =	swait.ge [sflag:s4], $0x0  }
0x19: {  	s7 =	sld [smem:$0x3F83]  }
0x1a: {  	s8 =	sadd.s32 $0xFFFFE003, lr  }
0x1b: {  	s9 =	sadd.s32 $0xFFFFFEF7, lr;
	s5 =	simm.s32 $0xFFFFFFFF;
	p2 =	slt.u32 s8, $0xFFFFF086  }
0x1c: {  	p1 =	slt.u32 s9, $0xF7A;
	s5 =	simm.s32 @!p2 $0x0  }
0x1d: {  	s5 =	simm.s32 @p1 $0x1;
	p0 =	seq.s32 s7, s2  }
0x1e: {  	s7 =	smul.u32 @!p0 $0xF7A, s2;
	p2 =	seq.s32 @!p0 s5, $0x0  }
0x1f: {  	s9 =	smul.u32 $0xF7A, s1;
	s8 =	simm.s32 @!p0 $0x1BF5;
	p2 =	por !p2, p0  }
0x20: {  	[sflag:s8] =	ssyncset.s32 @!p0 $0xFFFFF086;
	s6 =	sadd.s32 @!p0 s3, s7;
	s7 =	simm.s32 @!p0 $0x108  }
0x21: {  	s3 =	sadd.s32 s3, s9;
	s6 =	sadd.s32 @!p0 $0x88, s6;
	s7 =	simm.s32 @p2 $0x1082  }
0x22: {  	[simem:s7], [sflag:s8] =	dma.local @!p0 [hbm:s6], $0xF7A  }
0x23: {  	s9 =	sor.u32 $0xD0000000, s2;
	s6 =	simm.s32 $0x108;
	_ =	swait.ge @!p0 [sflag:s8], $0x0  }
0x24: {  	s3 =	sadd.s32 $0x88, s3;
	s6 =	simm.s32 @!p1 $0x1082;
	[sflag:s4] =	ssyncset.s32 $0xFFFFF086  }
0x25: {  	[simem:s6], [sflag:s4] =	dma.local [hbm:s3], $0xF7A  }
0x26: {  	[smem:$0x3F83] =	sst s1;
	(tag) =	ssettag s2;
	_ =	strace s9  }
0x27: {  	s1 =	sld [smem:$0x3F93]  }
0x28: {  	s2 =	sld [smem:$0x3F94]  }
0x29: {  	s4 =	sld [smem:$0x3F96]  }
0x2a: {  	p0 =	seq.s32 s5, $0x0;
	s5 =	sld [smem:$0x3F97]  }
0x2b: {  	s6 =	sld [smem:$0x3F98]  }
0x2c: {  	s7 =	sld [smem:$0x3F99]  }
0x2d: {  	s3 =	simm.s32 $0x108;
	s8 =	sld [smem:$0x3F9A]  }
0x2e: {  	s3 =	simm.s32 @!p0 $0x1082;
	s9 =	sld [smem:$0x3F9B]  }
0x2f: {  	lr =	sadd.s32 s0, s3;
	s0 =	sld [smem:$0x3F92]  }
0x30: {  	s3 =	sld [smem:$0x3F95]  }
0x31: {  	[smem:$0x3F9E] =	sst s10  }
0x32: {  	s10 =	sld [smem:$0x3F9C];
	_ =	sdelay $0x3  }
0x33: {  	p0 =	seq.s32 s10, $0x1;
	s10 =	sld [smem:$0x3F9E];
	_ =	sdelay $0x3  }
0x34: {  	[smem:$0x3F9E] =	sst s10  }
0x35: {  	s10 =	sld [smem:$0x3F9D];
	_ =	sdelay $0x3  }
0x36: {  	p1 =	seq.s32 s10, $0x1;
	s10 =	sld [smem:$0x3F9E];
	_ =	sdelay $0x3  }
0x37: {  	[smem:$0x3F9E] =	sst s10  }
0x38: {  	s10 =	sld [smem:$0x3F9F]  }
0x39: {  	_ = 	snop;
	(pc) =	sbr.ind lr, $3  }
0x3a: {  	_ = 	snop  }
0x3b: {  	_ = 	snop  }
0x3c: {  	p2 =	seq.s32 s10, $0x1;
	s10 =	sld [smem:$0x3F9E]  }
0x3d: {  	_ =	shalt  }
0x3e: {  	_ =	shalt  }
0x3f: {  	_ =	shalt  }
0x40: {  	_ =	shalt  }
0x41: {  	_ =	shalt  }
0x42: {  	_ =	shalt  }
0x43: {  	_ =	shalt  }
0x44: {  	_ =	shalt  }
0x45: {  	_ =	shalt  }
0x46: {  	_ =	shalt  }
0x47: {  	_ =	shalt  }
0x48: {  	_ =	shalt  }
0x49: {  	_ =	shalt  }
0x4a: {  	_ =	shalt  }
0x4b: {  	_ =	shalt  }
0x4c: {  	_ =	shalt  }
0x4d: {  	_ =	shalt  }
0x4e: {  	_ =	shalt  }
0x4f: {  	_ =	shalt  }
0x50: {  	_ =	shalt  }
0x51: {  	_ =	shalt  }
0x52: {  	_ =	shalt  }
0x53: {  	_ =	shalt  }
0x54: {  	_ =	shalt  }
0x55: {  	_ =	shalt  }
0x56: {  	_ =	shalt  }
0x57: {  	_ =	shalt  }
0x58: {  	_ =	shalt  }
0x59: {  	_ =	shalt  }
0x5a: {  	_ =	shalt  }
0x5b: {  	_ =	shalt  }
0x5c: {  	_ =	shalt  }
0x5d: {  	_ =	shalt  }
0x5e: {  	_ =	shalt  }
0x5f: {  	_ =	shalt  }
0x60: {  	_ =	shalt  }
0x61: {  	_ =	shalt  }
0x62: {  	_ =	shalt  }
0x63: {  	_ =	shalt  }
0x64: {  	_ =	shalt  }
0x65: {  	_ =	shalt  }
0x66: {  	_ =	shalt  }
0x67: {  	_ =	shalt  }
0x68: {  	_ =	shalt  }
0x69: {  	_ =	shalt  }
0x6a: {  	_ =	shalt  }
0x6b: {  	_ =	shalt  }
0x6c: {  	_ =	shalt  }
0x6d: {  	_ =	shalt  }
0x6e: {  	_ =	shalt  }
0x6f: {  	_ =	shalt  }
0x70: {  	_ =	shalt  }
0x71: {  	_ =	shalt  }
0x72: {  	_ =	shalt  }
0x73: {  	_ =	shalt  }
0x74: {  	_ =	shalt  }
0x75: {  	_ =	shalt  }
0x76: {  	_ =	shalt  }
0x77: {  	_ =	shalt  }
0x78: {  	_ =	shalt  }
0x79: {  	_ =	shalt  }
0x7a: {  	_ =	shalt  }
0x7b: {  	_ =	shalt  }
0x7c: {  	_ =	shalt  }
0x7d: {  	_ =	shalt  }
0x7e: {  	_ =	shalt  }
0x7f: {  	_ =	shalt  }
0x80: {  	_ =	shalt  }
0x81: {  	_ =	shalt  }
0x82: {  	_ =	shalt  }
0x83: {  	_ =	shalt  }
0x84: {  	_ =	shalt  }
0x85: {  	_ =	shalt  }
0x86: {  	_ =	shalt  }
0x87: {  	_ =	shalt  }
.Lfunc_end0:
.L_simem_size_0:
called_computation_lowered:
.L_overlay_start_0:
0x88: {  	s2 =	sld [smem:$0x3FD9]  }
0x89: {  	s3 =	sld [smem:$0x3FFE];
	_ =	sdelay $0x1  }
0x8a: {  	s1 =	srdreg.scid  }
0x8b: {  	s0 =	sand.u32 $0x1, s1  }
0x8c: {  	s16 =	sshll.u32 s0, $0xA;
	s2 =	sadd.s32 s3, s2  }
0x8d: {  	s2 =	sadd.s32 s2, s16  }
0x8e: {  	[smem:$0x3FAA] =	sst s2  }
0x8f: {  	_ = 	snop  }
0x90: {  	(tm) =	ssettm $0x1  }
0x91: {  	s17 =	sld [smem:$0x3FFB];
	_ =	sdelay $0x3  }
0x92: {  	_ =	strace s17  }
0x93: {  	s2 =	sld [smem:$0x3FFC];
	_ =	sdelay $0x3  }
0x94: {  	_ =	strace s2  }
0x95: {  	s2 =	sld [smem:$0x3FFD];
	_ =	sdelay $0x3  }
0x96: {  	_ =	strace s2  }
0x97: {  	_ =	strace $0x8FFFFFFF  }
0x98: {  	s18 =	sld [smem:$0x3FDB];
	_ =	sdelay $0x1  }
0x99: {  	s19 =	simm.s32 $_scs_section_size  }
0x9a: {  	s4 =	simm.s32 $_size__tile_overlayer_lowered;
	s5 =	simm.s32 $_tile_overlayer_lowered  }
0x9b: {  	s22 =	simm.s32 $0x1BFF;
	s21 =	sshll.u32 s5, $0x1;
	s2 =	sadd.s32 s19, s18  }
0x9c: {  	s6 =	simm.s32 $0x0;
	s20 =	sshll.u32 s4, $0x1;
	s4 =	sadd.s32 s21, s2  }
0x9d: {  	[timem:s6], [sflag:s22] =	dma.local [hbm:s4], s20  }
0x9e: {  	_ =	swait.ge [sflag:s22], s20  }
0x9f: {  	s3 =	ssub.s32 $0x0, s20;
	[sflag:s22] =	ssyncset.done $0x0  }
0xa0: {  	[sflag:s22] =	ssyncadd.s32 s3;
	_ =	sdelay $0x1  }
0xa1: {  	s23 =	simm.s32 $0x1B8B  }
0xa2: {  	_ =	swait.ge [sflag:s23], $0x1  }
0xa3: {  	[sflag:s23] =	ssyncset.done $0x0  }
0xa4: {  	s25 =	simm.s32 $0x1B8E;
	s24 =	sld [smem:$0x3FFE];
	[sflag:s23] =	ssyncadd.s32 $0xFFFFFFFF  }
0xa5: {  	s26 =	simm.s32 $execute0_lowered;
	[smem:$0x3FD2] =	sst s25  }
0xa6: {  	s4 =	sshll.u32 s26, $0x1;
	_ =	strace $0x80000046;
	[dreg:$0x1] =	wrdreg $0xFFFFFFFF  }
0xa7: {  	s28 =	simm.s32 $_size_execute0_lowered;
	s2 =	sadd.s32 s2, s4;
	[dreg:$0x0] =	wrdreg $0x0  }
0xa8: {  	s4 =	sshll.u32 s28, $0x1;
	[dreg:$0x2] =	wrdreg s2  }
0xa9: {  	[dreg:$0x3] =	wrdreg s4  }
0xaa: {  	[dreg:$0x4] =	wrdreg $0xC0  }
0xab: {  	_ =	task [dreg:s6], $0x5FFFF  }
0xac: {  	[dreg:$0x1] =	wrdreg $0xFFFFFFFF  }
0xad: {  	[dreg:$0x0] =	wrdreg $0x60  }
0xae: {  	[dreg:$0x2] =	wrdreg s24  }
0xaf: {  	[dreg:$0x3] =	wrdreg $0x9  }
0xb0: {  	_ =	task.clear_ibuf [dreg:s6], $0x4FFFF;
	_ =	strace $0x90000046  }
0xb1: {  	s29 =	simm.s32 $0x9;
	_ =	strace $0x80000048  }
0xb2: {  	_ =	swait.ge [sflag:s29], $0x1  }
0xb3: {  	[sflag:s29] =	ssyncadd.s32 $0xFFFFFFFF  }
0xb4: {  	_ =	strace $0x90000048  }
0xb5: {  	_ =	sfence  }
0xb6: {  	s30 =	sld [smem:$0x0];
	_ =	sdelay $0x2  }
0xb7: {  	s31 =	sshll.u32 s1, $0xD;
	s1 =	sshrl.u32 s1, $0x2  }
0xb8: {  	s3 =	sand.u32 $0x4000, s31;
	s1 =	sadd.s32 s1, s30  }
0xb9: {  	s0 =	sor.u32 s3, s0;
	s1 =	sshll.u32 s1, $0x11  }
0xba: {  	s0 =	sor.u32 s1, s0  }
0xbb: {  	s0 =	sadd.s32 $0x8F2B, s0  }
0xbc: {  	[sflag:s0] =	ssyncadd.remote.s32 $0x1  }
0xbd: {  	_ =	sfence.sel $0xFFFF  }
0xbe: {  	[dreg:$0x0] =	wrdreg $0xFFFFFFFF;
	(pc) =	sbr.abs _section_cstart, $3  }
0xbf: {  	[dreg:$0x1] =	wrdreg $0xFFFFFFFF  }
0xc0: {  	_ =	task.clear_ibuf [dreg:s6], $0x2FFFF;
	_ =	strace $0x9FFFFFFF  }
0xc1: {  	(tm) =	ssettm $0x7FFFFFFF  }
tec
execute0_lowered:
.L_overlay_start_1:
0x0: {  	(tag) =	ssettag $0x1  }
0x1: {  	s1 =	srdreg.scid;
	s0 =	stileid.u32  }
0x2: {  	s10 =	sand.u32 $0x1, s1;
	s28 =	sshll.u32 s0, $0x1  }
0x3: {  	s11 =	sor.u32 s10, s28  }
0x4: {  	s9 =	rddreg [dreg:$0x0];
	s3 =	smul.u32 $0x280, s11  }
0x5: {  	s2 =	simm.s32 $0x0;
	s1 =	rddreg [dreg:$0x1]  }
0x6: {  	[smem:$0x7FF] =	sst s2;
	s3 =	sadd.s32 s3, s9  }
0x7: {  	_ =	strace $0x80000047;
	s4 =	sadd.s32 $0x37200, s3;
	s3 =	simm.s32 $0x2  }
0x8: {  	[tilespmem:s2], [sflag:$0x2] =	stream.linear.gather [hbm4b:s4+s2], $0x1400, $0x38;
	[tilespmem:$0x15400] =	vst v63  }
0x9: {  	_ =	swait.ge [sflag:s3], $0x1400  }
0xa: {  	s6 =	simm.s32 $0xA00;
	s7 =	simm.s32 $0x1400;
	[sflag:s3] =	ssyncset.done $0x0  }
0xb: {  	s8 =	simm.s32 $0x1;
	s5 =	sadd.s32 $0x2D400, s9;
	[sflag:s3] =	ssyncadd.s32 $0xFFFFEC00  }
0xc: {  	[tilespmem:s7], [sflag:$0x1] =	stream.indirect.gather [hbm4b:s5+s6], $0x20, s2, s6, $0xb8;
	[tilespmem:$0x15400] =	vst v63  }
0xd: {  	s12 =	smul.u32 $0x5000, s11;
	_ =	swait.ge [sflag:s8], $0x14000  }
0xe: {  	s13 =	sadd.s32 $0x3C200, s9;
	[sflag:s8] =	ssyncset.done $0x0  }
0xf: {  	s10 =	ssub.s32 $0x2, s10;
	s9 =	sadd.s32 s13, s12;
	[sflag:s8] =	ssyncadd.s32 $0xFFFEC000  }
0x10: {  	[hbm4b:s9+s2] =	stream.linear.scatter [tilespmem:s7], [sflag:$0x2], $0x14000, $0x38;
	[tilespmem:$0x15400] =	vst v63  }
0x11: {  	s29 =	sshrl.u32 s10, $0x1;
	_ =	swait.ge [sflag:s3], $0x14000  }
0x12: {  	s12 =	ssub.s32 s10, s29;
	[sflag:s3] =	ssyncset.done $0x0  }
0x13: {  	s11 =	smul.u32 $0x28000, s11;
	s31 =	smax.u32 s12, $0x1;
	[sflag:s3] =	ssyncadd.s32 $0xFFFEC000  }
0x14: {  	[tilespmem:s7], [sflag:$0x1] =	stream.indirect.gather [hbm4b:s5+s6], $0x20, s6, s6, $0xb8;
	[tilespmem:$0x15400] =	vst v63  }
0x15: {  	s11 =	sshrl.u32 s11, $0x3;
	p0 =	sne.s32 s31, $0x1;
	_ =	swait.ge [sflag:s8], $0x14000  }
.Ltmp0:
0x16: {  	s30 =	sadd.s32 s13, s11;
	[sflag:s8] =	ssyncset.done $0x0;
	(pc) =	sbr.rel @!p0 .LBB2_2-.Ltmp0, $4  }
0x17: {  	s10 =	sadd.s32 $0x2800, s30;
	[sflag:s8] =	ssyncadd.s32 $0xFFFEC000  }
0x18: {  	[hbm4b:s10+s2] =	stream.linear.scatter [tilespmem:s7], [sflag:$0x2], $0x14000, $0x38;
	[tilespmem:$0x15400] =	vst v63  }
0x19: {  	_ =	swait.ge [sflag:s3], $0x14000  }
0x1a: {  	s11 =	sadd.s32 $0xFFFFFFFF, s31;
	[sflag:s3] =	ssyncset.done $0x0  }
.LBB2_1:
0x1b: {  	p0 =	sne.s32 s11, $0x1;
	s11 =	sadd.s32 $0xFFFFFFFF, s11;
	[sflag:s3] =	ssyncadd.s32 $0xFFFEC000  }
0x1c: {  	[tilespmem:s2], [sflag:$0x2] =	stream.linear.gather [hbm4b:s4+s2], $0x1400, $0x38;
	[tilespmem:$0x15400] =	vst v63  }
0x1d: {  	_ =	swait.ge [sflag:s3], $0x1400  }
0x1e: {  	[sflag:s3] =	ssyncset.done $0x0  }
0x1f: {  	[sflag:s3] =	ssyncadd.s32 $0xFFFFEC00  }
0x20: {  	[tilespmem:s7], [sflag:$0x1] =	stream.indirect.gather [hbm4b:s5+s6], $0x20, s2, s6, $0xb8;
	[tilespmem:$0x15400] =	vst v63  }
0x21: {  	_ =	swait.ge [sflag:s8], $0x14000  }
0x22: {  	[sflag:s8] =	ssyncset.done $0x0  }
0x23: {  	[sflag:s8] =	ssyncadd.s32 $0xFFFEC000  }
0x24: {  	[hbm4b:s9+s2] =	stream.linear.scatter [tilespmem:s7], [sflag:$0x2], $0x14000, $0x38;
	[tilespmem:$0x15400] =	vst v63  }
0x25: {  	_ =	swait.ge [sflag:s3], $0x14000  }
0x26: {  	[sflag:s3] =	ssyncset.done $0x0  }
0x27: {  	[sflag:s3] =	ssyncadd.s32 $0xFFFEC000  }
0x28: {  	[tilespmem:s7], [sflag:$0x1] =	stream.indirect.gather [hbm4b:s5+s6], $0x20, s6, s6, $0xb8;
	[tilespmem:$0x15400] =	vst v63  }
0x29: {  	_ =	swait.ge [sflag:s8], $0x14000  }
.Ltmp1:
0x2a: {  	[sflag:s8] =	ssyncset.done $0x0;
	(pc) =	sbr.rel @p0 .LBB2_1-.Ltmp1, $4  }
0x2b: {  	[sflag:s8] =	ssyncadd.s32 $0xFFFEC000  }
0x2c: {  	[hbm4b:s10+s2] =	stream.linear.scatter [tilespmem:s7], [sflag:$0x2], $0x14000, $0x38;
	[tilespmem:$0x15400] =	vst v63  }
0x2d: {  	_ =	swait.ge [sflag:s3], $0x14000  }
0x2e: {  	[sflag:s3] =	ssyncset.done $0x0  }
.LBB2_2:
0x2f: {  	[sflag:s3] =	ssyncadd.s32 $0xFFFEC000  }
0x30: {  	_ =	sfence.sel $0x180000  }
0x31: {  	[bflag:$0x0] =	sbarrier.arrive $0xFFFF  }
0x32: {  	p0 =	sne.s32 s0, $0x0;
	_ =	strace $0x90000047  }
0x33: {  	s0 =	sadd.s32 @!p0 $0x100000, s1;
	[bflag:$0x2] =	sbarrier.arrive $0xFFFF  }
0x34: {  	[sflag:s0] =	ssyncadd.tile.s32 @!p0 $0x1;
	_ =	shalt  }
.Lfunc_end2:
_tile_overlayer_lowered:
.L_overlay_start_2:
0x35: {  	(tag) =	ssettag $0x2  }
0x36: {  	s0 =	rddreg [dreg:$0x0];
	s2 =	stileid.u32  }
0x37: {  	s1 =	rddreg [dreg:$0x1];
	p0 =	sne.s32 s2, $0x0  }
0x38: {  	s3 =	rddreg [dreg:$0x2];
	[bflag:$0x3] =	sbarrier.arrive $0xFFFF;
	s2 =	simm.s32 @!p0 $0x1C02  }
0x39: {  	[timem:s3], [sflag:s2] =	dma.local @!p0 [hbm:s0], s1  }
0x3a: {  	s0 =	simm.s32 @!p0 $0x2  }
0x3b: {  	_ =	swait.ge @!p0 [sflag:s0], s1  }
0x3c: {  	s1 =	ssub.s32 @!p0 $0x0, s1;
	[sflag:s0] =	ssyncset.done @!p0 $0x0  }
0x3d: {  	[sflag:s0] =	ssyncadd.s32 @!p0 s1  }
0x3e: {  	[bflag:$0x3] =	sbarrier.arrive $0xFFFF  }
0x3f: {  	_ =	shalt  }

// kernel: kernel.14.cloned.1.call-start
scs
__scs_entry_jumppad:
0x0: {  	(pc) =	sbr.rel $0x88, $3  }
0x1: {  	(tag) =	ssettag $0x0;
	lr =	simm.s32 $0x1  }
0x2: {  	[smem:$0x3F83] =	sst lr;
	_ =	strace $0xD0000000  }
0x3: {  	_ = 	snop  }
0x4: {  	_ = 	snop  }
0x5: {  	_ = 	snop  }
0x6: {  	_ = 	snop  }
0x7: {  	_ = 	snop  }
__scs_overlays_trampoline_lowered:
0x8: {  	[smem:$0x3F92] =	sst s0  }
0x9: {  	[smem:$0x3F93] =	sst s1  }
0xa: {  	[smem:$0x3F94] =	sst s2  }
0xb: {  	[smem:$0x3F95] =	sst s3  }
0xc: {  	[smem:$0x3F96] =	sst s4  }
0xd: {  	[smem:$0x3F97] =	sst s5  }
0xe: {  	[smem:$0x3F98] =	sst s6  }
0xf: {  	[smem:$0x3F99] =	sst s7  }
0x10: {  	[smem:$0x3F9A] =	sst s8  }
0x11: {  	[smem:$0x3F9B] =	sst s9;
	s0 =	simm.s32 @!p0 $0x0  }
0x12: {  	s1 =	sld [smem:$0x3F81];
	s0 =	simm.s32 @p0 $0x1  }
0x13: {  	[smem:$0x3F9C] =	sst s0;
	s0 =	simm.s32 @!p1 $0x0  }
0x14: {  	s2 =	sld [smem:$0x3F80];
	s0 =	simm.s32 @p1 $0x1  }
0x15: {  	[smem:$0x3F9D] =	sst s0;
	s0 =	simm.s32 @!p2 $0x0  }
0x16: {  	s3 =	sld [smem:$0x3FDB];
	s0 =	simm.s32 @p2 $0x1  }
0x17: {  	s4 =	simm.s32 $0x1BF5;
	[smem:$0x3F9F] =	sst s0  }
0x18: {  	s0 =	sld [smem:$0x3F82];
	_ =	swait.ge [sflag:s4], $0x0  }
0x19: {  	s7 =	sld [smem:$0x3F83]  }
0x1a: {  	s8 =	sadd.s32 $0xFFFFE003, lr  }
0x1b: {  	s9 =	sadd.s32 $0xFFFFFEF7, lr;
	s5 =	simm.s32 $0xFFFFFFFF;
	p2 =	slt.u32 s8, $0xFFFFF086  }
0x1c: {  	p1 =	slt.u32 s9, $0xF7A;
	s5 =	simm.s32 @!p2 $0x0  }
0x1d: {  	s5 =	simm.s32 @p1 $0x1;
	p0 =	seq.s32 s7, s2  }
0x1e: {  	s7 =	smul.u32 @!p0 $0xF7A, s2;
	p2 =	seq.s32 @!p0 s5, $0x0  }
0x1f: {  	s9 =	smul.u32 $0xF7A, s1;
	s8 =	simm.s32 @!p0 $0x1BF5;
	p2 =	por !p2, p0  }
0x20: {  	[sflag:s8] =	ssyncset.s32 @!p0 $0xFFFFF086;
	s6 =	sadd.s32 @!p0 s3, s7;
	s7 =	simm.s32 @!p0 $0x108  }
0x21: {  	s3 =	sadd.s32 s3, s9;
	s6 =	sadd.s32 @!p0 $0x88, s6;
	s7 =	simm.s32 @p2 $0x1082  }
0x22: {  	[simem:s7], [sflag:s8] =	dma.local @!p0 [hbm:s6], $0xF7A  }
0x23: {  	s9 =	sor.u32 $0xD0000000, s2;
	s6 =	simm.s32 $0x108;
	_ =	swait.ge @!p0 [sflag:s8], $0x0  }
0x24: {  	s3 =	sadd.s32 $0x88, s3;
	s6 =	simm.s32 @!p1 $0x1082;
	[sflag:s4] =	ssyncset.s32 $0xFFFFF086  }
0x25: {  	[simem:s6], [sflag:s4] =	dma.local [hbm:s3], $0xF7A  }
0x26: {  	[smem:$0x3F83] =	sst s1;
	(tag) =	ssettag s2;
	_ =	strace s9  }
0x27: {  	s1 =	sld [smem:$0x3F93]  }
0x28: {  	s2 =	sld [smem:$0x3F94]  }
0x29: {  	s4 =	sld [smem:$0x3F96]  }
0x2a: {  	p0 =	seq.s32 s5, $0x0;
	s5 =	sld [smem:$0x3F97]  }
0x2b: {  	s6 =	sld [smem:$0x3F98]  }
0x2c: {  	s7 =	sld [smem:$0x3F99]  }
0x2d: {  	s3 =	simm.s32 $0x108;
	s8 =	sld [smem:$0x3F9A]  }
0x2e: {  	s3 =	simm.s32 @!p0 $0x1082;
	s9 =	sld [smem:$0x3F9B]  }
0x2f: {  	lr =	sadd.s32 s0, s3;
	s0 =	sld [smem:$0x3F92]  }
0x30: {  	s3 =	sld [smem:$0x3F95]  }
0x31: {  	[smem:$0x3F9E] =	sst s10  }
0x32: {  	s10 =	sld [smem:$0x3F9C];
	_ =	sdelay $0x3  }
0x33: {  	p0 =	seq.s32 s10, $0x1;
	s10 =	sld [smem:$0x3F9E];
	_ =	sdelay $0x3  }
0x34: {  	[smem:$0x3F9E] =	sst s10  }
0x35: {  	s10 =	sld [smem:$0x3F9D];
	_ =	sdelay $0x3  }
0x36: {  	p1 =	seq.s32 s10, $0x1;
	s10 =	sld [smem:$0x3F9E];
	_ =	sdelay $0x3  }
0x37: {  	[smem:$0x3F9E] =	sst s10  }
0x38: {  	s10 =	sld [smem:$0x3F9F]  }
0x39: {  	_ = 	snop;
	(pc) =	sbr.ind lr, $3  }
0x3a: {  	_ = 	snop  }
0x3b: {  	_ = 	snop  }
0x3c: {  	p2 =	seq.s32 s10, $0x1;
	s10 =	sld [smem:$0x3F9E]  }
0x3d: {  	_ =	shalt  }
0x3e: {  	_ =	shalt  }
0x3f: {  	_ =	shalt  }
0x40: {  	_ =	shalt  }
0x41: {  	_ =	shalt  }
0x42: {  	_ =	shalt  }
0x43: {  	_ =	shalt  }
0x44: {  	_ =	shalt  }
0x45: {  	_ =	shalt  }
0x46: {  	_ =	shalt  }
0x47: {  	_ =	shalt  }
0x48: {  	_ =	shalt  }
0x49: {  	_ =	shalt  }
0x4a: {  	_ =	shalt  }
0x4b: {  	_ =	shalt  }
0x4c: {  	_ =	shalt  }
0x4d: {  	_ =	shalt  }
0x4e: {  	_ =	shalt  }
0x4f: {  	_ =	shalt  }
0x50: {  	_ =	shalt  }
0x51: {  	_ =	shalt  }
0x52: {  	_ =	shalt  }
0x53: {  	_ =	shalt  }
0x54: {  	_ =	shalt  }
0x55: {  	_ =	shalt  }
0x56: {  	_ =	shalt  }
0x57: {  	_ =	shalt  }
0x58: {  	_ =	shalt  }
0x59: {  	_ =	shalt  }
0x5a: {  	_ =	shalt  }
0x5b: {  	_ =	shalt  }
0x5c: {  	_ =	shalt  }
0x5d: {  	_ =	shalt  }
0x5e: {  	_ =	shalt  }
0x5f: {  	_ =	shalt  }
0x60: {  	_ =	shalt  }
0x61: {  	_ =	shalt  }
0x62: {  	_ =	shalt  }
0x63: {  	_ =	shalt  }
0x64: {  	_ =	shalt  }
0x65: {  	_ =	shalt  }
0x66: {  	_ =	shalt  }
0x67: {  	_ =	shalt  }
0x68: {  	_ =	shalt  }
0x69: {  	_ =	shalt  }
0x6a: {  	_ =	shalt  }
0x6b: {  	_ =	shalt  }
0x6c: {  	_ =	shalt  }
0x6d: {  	_ =	shalt  }
0x6e: {  	_ =	shalt  }
0x6f: {  	_ =	shalt  }
0x70: {  	_ =	shalt  }
0x71: {  	_ =	shalt  }
0x72: {  	_ =	shalt  }
0x73: {  	_ =	shalt  }
0x74: {  	_ =	shalt  }
0x75: {  	_ =	shalt  }
0x76: {  	_ =	shalt  }
0x77: {  	_ =	shalt  }
0x78: {  	_ =	shalt  }
0x79: {  	_ =	shalt  }
0x7a: {  	_ =	shalt  }
0x7b: {  	_ =	shalt  }
0x7c: {  	_ =	shalt  }
0x7d: {  	_ =	shalt  }
0x7e: {  	_ =	shalt  }
0x7f: {  	_ =	shalt  }
0x80: {  	_ =	shalt  }
0x81: {  	_ =	shalt  }
0x82: {  	_ =	shalt  }
0x83: {  	_ =	shalt  }
0x84: {  	_ =	shalt  }
0x85: {  	_ =	shalt  }
0x86: {  	_ =	shalt  }
0x87: {  	_ =	shalt  }
.Lfunc_end0:
.L_simem_size_0:
called_computation.1_lowered:
.L_overlay_start_0:
0x88: {  	s2 =	sld [smem:$0x3FD9]  }
0x89: {  	s3 =	sld [smem:$0x3FFE];
	_ =	sdelay $0x1  }
0x8a: {  	s1 =	srdreg.scid  }
0x8b: {  	s0 =	sand.u32 $0x1, s1  }
0x8c: {  	s16 =	sshll.u32 s0, $0xA;
	s2 =	sadd.s32 s3, s2  }
0x8d: {  	s2 =	sadd.s32 s2, s16  }
0x8e: {  	[smem:$0x3FAA] =	sst s2  }
0x8f: {  	_ = 	snop  }
0x90: {  	(tm) =	ssettm $0x1  }
0x91: {  	s17 =	sld [smem:$0x3FFB];
	_ =	sdelay $0x3  }
0x92: {  	_ =	strace s17  }
0x93: {  	s2 =	sld [smem:$0x3FFC];
	_ =	sdelay $0x3  }
0x94: {  	_ =	strace s2  }
0x95: {  	s2 =	sld [smem:$0x3FFD];
	_ =	sdelay $0x3  }
0x96: {  	_ =	strace s2  }
0x97: {  	_ =	strace $0x8FFFFFFF  }
0x98: {  	s18 =	sld [smem:$0x3FDB];
	_ =	sdelay $0x1  }
0x99: {  	s19 =	simm.s32 $_scs_section_size  }
0x9a: {  	s4 =	simm.s32 $_size__tile_overlayer_lowered;
	s5 =	simm.s32 $_tile_overlayer_lowered  }
0x9b: {  	s22 =	simm.s32 $0x1BFF;
	s21 =	sshll.u32 s5, $0x1;
	s2 =	sadd.s32 s19, s18  }
0x9c: {  	s6 =	simm.s32 $0x0;
	s20 =	sshll.u32 s4, $0x1;
	s4 =	sadd.s32 s21, s2  }
0x9d: {  	[timem:s6], [sflag:s22] =	dma.local [hbm:s4], s20  }
0x9e: {  	_ =	swait.ge [sflag:s22], s20  }
0x9f: {  	s3 =	ssub.s32 $0x0, s20;
	[sflag:s22] =	ssyncset.done $0x0  }
0xa0: {  	[sflag:s22] =	ssyncadd.s32 s3;
	_ =	sdelay $0x1  }
0xa1: {  	s23 =	simm.s32 $0x1B8B  }
0xa2: {  	_ =	swait.ge [sflag:s23], $0x1  }
0xa3: {  	[sflag:s23] =	ssyncset.done $0x0  }
0xa4: {  	s25 =	simm.s32 $0x1B8E;
	s24 =	sld [smem:$0x3FFE];
	[sflag:s23] =	ssyncadd.s32 $0xFFFFFFFF  }
0xa5: {  	s26 =	simm.s32 $execute0_lowered;
	[smem:$0x3FD2] =	sst s25  }
0xa6: {  	s4 =	sshll.u32 s26, $0x1;
	_ =	strace $0x80000049;
	[dreg:$0x1] =	wrdreg $0xFFFFFFFF  }
0xa7: {  	s28 =	simm.s32 $_size_execute0_lowered;
	s2 =	sadd.s32 s2, s4;
	[dreg:$0x0] =	wrdreg $0x0  }
0xa8: {  	s4 =	sshll.u32 s28, $0x1;
	[dreg:$0x2] =	wrdreg s2  }
0xa9: {  	[dreg:$0x3] =	wrdreg s4  }
0xaa: {  	[dreg:$0x4] =	wrdreg $0xC0  }
0xab: {  	_ =	task [dreg:s6], $0x5FFFF  }
0xac: {  	[dreg:$0x1] =	wrdreg $0xFFFFFFFF  }
0xad: {  	[dreg:$0x0] =	wrdreg $0x60  }
0xae: {  	[dreg:$0x2] =	wrdreg s24  }
0xaf: {  	[dreg:$0x3] =	wrdreg $0x154000  }
0xb0: {  	[dreg:$0x4] =	wrdreg $0x9  }
0xb1: {  	_ =	task.clear_ibuf [dreg:s6], $0x5FFFF;
	_ =	strace $0x90000049  }
0xb2: {  	s29 =	simm.s32 $0x9;
	_ =	strace $0x8000004B  }
0xb3: {  	_ =	swait.ge [sflag:s29], $0x1  }
0xb4: {  	[sflag:s29] =	ssyncadd.s32 $0xFFFFFFFF  }
0xb5: {  	_ =	strace $0x9000004B  }
0xb6: {  	_ =	sfence  }
0xb7: {  	s30 =	sld [smem:$0x0];
	_ =	sdelay $0x2  }
0xb8: {  	s31 =	sshll.u32 s1, $0xD;
	s1 =	sshrl.u32 s1, $0x2  }
0xb9: {  	s3 =	sand.u32 $0x4000, s31;
	s1 =	sadd.s32 s1, s30  }
0xba: {  	s0 =	sor.u32 s3, s0;
	s1 =	sshll.u32 s1, $0x11  }
0xbb: {  	s0 =	sor.u32 s1, s0  }
0xbc: {  	s0 =	sadd.s32 $0x8F2B, s0  }
0xbd: {  	[sflag:s0] =	ssyncadd.remote.s32 $0x1  }
0xbe: {  	_ =	sfence.sel $0xFFFF  }
0xbf: {  	[dreg:$0x0] =	wrdreg $0xFFFFFFFF;
	(pc) =	sbr.abs _section_cstart, $3  }
0xc0: {  	[dreg:$0x1] =	wrdreg $0xFFFFFFFF  }
0xc1: {  	_ =	task.clear_ibuf [dreg:s6], $0x2FFFF;
	_ =	strace $0x9FFFFFFF  }
0xc2: {  	(tm) =	ssettm $0x7FFFFFFF  }
0xc3: {  	_ =	shalt  }
tec
execute0_lowered:
.L_overlay_start_1:
0x0: {  	(tag) =	ssettag $0x1  }
0x1: {  	s0 =	srdreg.scid;
	s1 =	rddreg [dreg:$0x0]  }
0x2: {  	s30 =	stileid.u32;
	s2 =	rddreg [dreg:$0x1];
	s7 =	simm.s32 $0x0  }
0x3: {  	s11 =	simm.s32 $0x280;
	s12 =	simm.s32 $0x300;
	[smem:$0x7FF] =	sst s7  }
0x4: {  	s13 =	simm.s32 $0x380;
	_ =	strace $0x8000004A;
	[dreg:$0xb] =	wrdreg s11  }
0x5: {  	s14 =	simm.s32 $0x400;
	s15 =	simm.s32 $0x480;
	[dreg:$0xc] =	wrdreg s12  }
0x6: {  	s16 =	simm.s32 $0x500;
	s17 =	simm.s32 $0x580;
	[dreg:$0xd] =	wrdreg s13  }
0x7: {  	s18 =	simm.s32 $0x600;
	s20 =	simm.s32 $0x680;
	[dreg:$0xe] =	wrdreg s14  }
0x8: {  	s21 =	simm.s32 $0x700;
	s23 =	simm.s32 $0x780;
	[dreg:$0xf] =	wrdreg s15  }
0x9: {  	p0 =	por $0x0, $0x0;
	s28 =	simm.s32 $0x13400;
	[dreg:$0x10] =	wrdreg s16  }
0xa: {  	s29 =	simm.s32 $0x14400;
	s31 =	simm.s32 $0x1380;
	[dreg:$0x11] =	wrdreg s17  }
0xb: {  	s0 =	sand.u32 $0x1, s0;
	s3 =	sshll.u32 s30, $0x1;
	[dreg:$0x12] =	wrdreg s18  }
0xc: {  	s5 =	smul.u32 $0x4E40, s30;
	s8 =	sadd.s32 $0xE1200, s1;
	[dreg:$0x13] =	wrdreg s20  }
0xd: {  	s24 =	sshll.u32 s30, $0x6;
	s3 =	sor.u32 s0, s3;
	[dreg:$0x14] =	wrdreg s21  }
0xe: {  	s6 =	smul.u32 $0x4E400, s0;
	s0 =	ssub.s32 $0x2, s0;
	[dreg:$0x15] =	wrdreg s23  }
0xf: {  	s11 =	simm.s32 $0xB00;
	s12 =	simm.s32 $0xB80;
	s13 =	simm.s32 $0xC00  }
0x10: {  	s14 =	simm.s32 $0xC80;
	s15 =	simm.s32 $0xD00;
	s16 =	simm.s32 $0xD80  }
0x11: {  	s17 =	simm.s32 $0xE00;
	s18 =	simm.s32 $0xE80;
	[dreg:$0x1c] =	wrdreg s11  }
0x12: {  	s20 =	simm.s32 $0xF80;
	s21 =	simm.s32 $0x1000;
	[dreg:$0x1d] =	wrdreg s12  }
0x13: {  	s23 =	simm.s32 $0x1100;
	s4 =	smul.u32 $0x280, s3;
	[dreg:$0x1e] =	wrdreg s13  }
0x14: {  	s9 =	sshrl.u32 s5, $0x3;
	s10 =	smul.u32 $0x28000, s3;
	[dreg:$0x1f] =	wrdreg s14  }
0x15: {  	s3 =	smul.u32 $0x5000, s3;
	s19 =	sshrl.u32 s0, $0x1;
	[smem:$0x7F2] =	sst s15  }
0x16: {  	s22 =	sadd.s32 s5, s2;
	s11 =	simm.s32 $0x3400;
	[smem:$0x7F3] =	sst s16  }
0x17: {  	s12 =	simm.s32 $0x4400;
	s13 =	simm.s32 $0x5400;
	[smem:$0x7F4] =	sst s17  }
0x18: {  	s14 =	simm.s32 $0x6400;
	s15 =	simm.s32 $0x7400;
	[smem:$0x7F5] =	sst s18  }
0x19: {  	s16 =	simm.s32 $0x8400;
	s17 =	simm.s32 $0x9400;
	[smem:$0x7F7] =	sst s20  }
0x1a: {  	s18 =	simm.s32 $0xA400;
	[smem:$0x7F8] =	sst s21;
	s20 =	simm.s32 $0xC400  }
0x1b: {  	s21 =	simm.s32 $0xD400;
	[smem:$0x7FA] =	sst s23;
	s23 =	simm.s32 $0xF400  }
0x1c: {  	s9 =	sadd.s32 s9, s1;
	s6 =	sadd.s32 s5, s6;
	s5 =	simm.s32 $0x900  }
0x1d: {  	s0 =	ssub.s32 s0, s19;
	s19 =	simm.s32 $0xF00;
	[dreg:$0x18] =	wrdreg s5  }
0x1e: {  	s4 =	sadd.s32 s4, s1;
	s9 =	sadd.s32 $0x2D400, s9;
	[smem:$0x7F6] =	sst s19  }
0x1f: {  	s6 =	sshrl.u32 s6, $0x3;
	s3 =	sadd.s32 s8, s3;
	[dreg:$0x3] =	wrdreg s9  }
0x20: {  	s25 =	sshrl.u32 s10, $0x3;
	s10 =	simm.s32 $0x200;
	[dreg:$0x5] =	wrdreg s3  }
0x21: {  	s5 =	simm.s32 $0x2;
	s4 =	sadd.s32 $0xDC200, s4;
	[dreg:$0xa] =	wrdreg s10  }
0x22: {  	s26 =	sadd.s32 s8, s25;
	s8 =	simm.s32 $0x100;
	[dreg:$0x4] =	wrdreg s4  }
0x23: {  	s19 =	simm.s32 $0xB400;
	s9 =	simm.s32 $0x180;
	[dreg:$0x8] =	wrdreg s8  }
0x24: {  	s1 =	sadd.s32 s6, s1;
	s25 =	simm.s32 $0x800;
	[dreg:$0x9] =	wrdreg s9  }
0x25: {  	s3 =	sor.u32 $0x1C02, s24;
	s10 =	simm.s32 $0xA80;
	[dreg:$0x16] =	wrdreg s25  }
0x26: {  	s24 =	simm.s32 $0x1180;
	s6 =	sadd.s32 $0x2800, s26;
	[dreg:$0x1b] =	wrdreg s10  }
0x27: {  	s1 =	sadd.s32 $0x3C200, s1;
	s26 =	simm.s32 $0x880;
	[smem:$0x7FB] =	sst s24  }
0x28: {  	s4 =	sshrl.u32 s22, $0x3;
	s8 =	simm.s32 $0xA00;
	[dreg:$0x6] =	wrdreg s6  }
0x29: {  	s9 =	simm.s32 $0x1400;
	s10 =	simm.s32 $0x2400;
	[dreg:$0x7] =	wrdreg s1  }
0x2a: {  	s22 =	simm.s32 $0x1080;
	s1 =	smax.u32 s0, $0x1;
	[dreg:$0x17] =	wrdreg s26  }
0x2b: {  	s25 =	simm.s32 $0x1200;
	[dreg:$0x1a] =	wrdreg s8;
	p1 =	sne.s32 s1, $0x1  }
.Ltmp0:
0x2c: {  	s24 =	simm.s32 $0x10400;
	[smem:$0x7F9] =	sst s22;
	(pc) =	sbr.rel @!p1 .LBB2_1-.Ltmp0, $4  }
0x2d: {  	s6 =	simm.s32 $0x980;
	s8 =	simm.s32 $0x80;
	[smem:$0x7FC] =	sst s25  }
0x2e: {  	s22 =	simm.s32 $0xE400;
	s26 =	simm.s32 $0x1280;
	s0 =	rddreg [dreg:$0x3]  }
0x2f: {  	s25 =	simm.s32 $0x11400;
	[dreg:$0x19] =	wrdreg s6;
	s6 =	simm.s32 $0x1  }
0x30: {  	[smem:$0x7FD] =	sst s26;
	s1 =	sadd.s32 $0xFFFFFFFF, s1;
	s26 =	simm.s32 $0x12400  }
0x31: {  	[spmem:s4], [sflag:s3] =	dma.local [hbm:s0], $0x9C8  }
0x32: {  	_ =	swait.ge [sflag:s5], $0x9C8  }
0x33: {  	[sflag:s5] =	ssyncset.done $0x0  }
0x34: {  	s30 =	rddreg [dreg:$0x4];
	[sflag:s5] =	ssyncadd.s32 $0xFFFFF638  }
0x35: {  	[tilespmem:s7], [sflag:$0x2] =	stream.linear.gather [hbm4b:s30+s7], $0x1400, $0x38;
	[tilespmem:$0x1A240] =	vst v63  }
0x36: {  	_ =	swait.ge [sflag:s5], $0x1400  }
0x37: {  	[sflag:s5] =	ssyncset.done $0x0  }
0x38: {  	[sflag:s5] =	ssyncadd.s32 $0xFFFFEC00  }
0x39: {  	[bflag:$0x0] =	sbarrier.arrive $0xFFFF  }
0x3a: {  	s30 =	rddreg [dreg:$0x5]  }
0x3b: {  	[tilespmem:s9], [sflag:$0x1] =	stream.linear.gather [hbm4b:s30+s7], $0x14000, $0x38;
	[tilespmem:$0x1A240] =	vst v63  }
0x3c: {  	_ =	swait.ge [sflag:s6], $0x14000  }
0x3d: {  	[sflag:s6] =	ssyncset.done $0x0  }
0x3e: {  	[sflag:s6] =	ssyncadd.s32 $0xFFFEC000  }
0x3f: {  	[spmem:s2] =	stream.indirect.scatter.add.f32 [tilespmem:s9], [sflag:$0x1], $0x20, s7, s8, $0xb8;
	[tilespmem:$0x1A240] =	vst v63  }
0x40: {  	_ = 	snop  }
0x41: {  	[spmem:s2] =	stream.indirect.scatter.add.f32 [tilespmem:s10], [sflag:$0x1], $0x20, s8, s8, $0xb8;
	[tilespmem:$0x1A240] =	vst v63  }
0x42: {  	s0 =	rddreg [dreg:$0x8]  }
0x43: {  	[spmem:s2] =	stream.indirect.scatter.add.f32 [tilespmem:s11], [sflag:$0x1], $0x20, s0, s8, $0xb8;
	[tilespmem:$0x1A240] =	vst v63  }
0x44: {  	s30 =	smov.u32 s1;
	s1 =	rddreg [dreg:$0x9]  }
0x45: {  	[spmem:s2] =	stream.indirect.scatter.add.f32 [tilespmem:s12], [sflag:$0x1], $0x20, s1, s8, $0xb8;
	[tilespmem:$0x1A240] =	vst v63  }
0x46: {  	s0 =	rddreg [dreg:$0xa]  }
0x47: {  	[spmem:s2] =	stream.indirect.scatter.add.f32 [tilespmem:s13], [sflag:$0x1], $0x20, s0, s8, $0xb8;
	[tilespmem:$0x1A240] =	vst v63  }
0x48: {  	s1 =	rddreg [dreg:$0xb]  }
0x49: {  	[spmem:s2] =	stream.indirect.scatter.add.f32 [tilespmem:s14], [sflag:$0x1], $0x20, s1, s8, $0xb8;
	[tilespmem:$0x1A240] =	vst v63  }
0x4a: {  	s0 =	rddreg [dreg:$0xc]  }
0x4b: {  	[spmem:s2] =	stream.indirect.scatter.add.f32 [tilespmem:s15], [sflag:$0x1], $0x20, s0, s8, $0xb8;
	[tilespmem:$0x1A240] =	vst v63  }
0x4c: {  	s1 =	rddreg [dreg:$0xd]  }
0x4d: {  	[spmem:s2] =	stream.indirect.scatter.add.f32 [tilespmem:s16], [sflag:$0x1], $0x20, s1, s8, $0xb8;
	[tilespmem:$0x1A240] =	vst v63  }
0x4e: {  	s0 =	rddreg [dreg:$0xe]  }
0x4f: {  	[spmem:s2] =	stream.indirect.scatter.add.f32 [tilespmem:s17], [sflag:$0x1], $0x20, s0, s8, $0xb8;
	[tilespmem:$0x1A240] =	vst v63  }
0x50: {  	s1 =	rddreg [dreg:$0xf]  }
0x51: {  	[spmem:s2] =	stream.indirect.scatter.add.f32 [tilespmem:s18], [sflag:$0x1], $0x20, s1, s8, $0xb8;
	[tilespmem:$0x1A240] =	vst v63  }
0x52: {  	s0 =	rddreg [dreg:$0x10]  }
0x53: {  	[spmem:s2] =	stream.indirect.scatter.add.f32 [tilespmem:s19], [sflag:$0x1], $0x20, s0, s8, $0xb8;
	[tilespmem:$0x1A240] =	vst v63  }
0x54: {  	s1 =	rddreg [dreg:$0x11]  }
0x55: {  	[spmem:s2] =	stream.indirect.scatter.add.f32 [tilespmem:s20], [sflag:$0x1], $0x20, s1, s8, $0xb8;
	[tilespmem:$0x1A240] =	vst v63  }
0x56: {  	s0 =	rddreg [dreg:$0x12]  }
0x57: {  	[spmem:s2] =	stream.indirect.scatter.add.f32 [tilespmem:s21], [sflag:$0x1], $0x20, s0, s8, $0xb8;
	[tilespmem:$0x1A240] =	vst v63  }
0x58: {  	s1 =	rddreg [dreg:$0x13]  }
0x59: {  	[spmem:s2] =	stream.indirect.scatter.add.f32 [tilespmem:s22], [sflag:$0x1], $0x20, s1, s8, $0xb8;
	[tilespmem:$0x1A240] =	vst v63  }
0x5a: {  	s0 =	rddreg [dreg:$0x14]  }
0x5b: {  	[spmem:s2] =	stream.indirect.scatter.add.f32 [tilespmem:s23], [sflag:$0x1], $0x20, s0, s8, $0xb8;
	[tilespmem:$0x1A240] =	vst v63  }
0x5c: {  	s1 =	rddreg [dreg:$0x15]  }
0x5d: {  	[spmem:s2] =	stream.indirect.scatter.add.f32 [tilespmem:s24], [sflag:$0x1], $0x20, s1, s8, $0xb8;
	[tilespmem:$0x1A240] =	vst v63  }
0x5e: {  	s0 =	rddreg [dreg:$0x16]  }
0x5f: {  	[spmem:s2] =	stream.indirect.scatter.add.f32 [tilespmem:s25], [sflag:$0x1], $0x20, s0, s8, $0xb8;
	[tilespmem:$0x1A240] =	vst v63  }
0x60: {  	s1 =	rddreg [dreg:$0x17]  }
0x61: {  	[spmem:s2] =	stream.indirect.scatter.add.f32 [tilespmem:s26], [sflag:$0x1], $0x20, s1, s8, $0xb8;
	[tilespmem:$0x1A240] =	vst v63  }
0x62: {  	s0 =	rddreg [dreg:$0x18]  }
0x63: {  	[spmem:s2] =	stream.indirect.scatter.add.f32 [tilespmem:s28], [sflag:$0x1], $0x20, s0, s8, $0xb8;
	[tilespmem:$0x1A240] =	vst v63  }
0x64: {  	s1 =	rddreg [dreg:$0x19]  }
0x65: {  	[spmem:s2] =	stream.indirect.scatter.add.f32 [tilespmem:s29], [sflag:$0x1], $0x20, s1, s8, $0xb8;
	[tilespmem:$0x1A240] =	vst v63  }
0x66: {  	_ =	swait.ge [sflag:s6], $0x1000  }
0x67: {  	[sflag:s6] =	ssyncset.done $0x0  }
0x68: {  	[sflag:s6] =	ssyncadd.s32 $0xFFFFF000  }
0x69: {  	_ =	swait.ge [sflag:s6], $0x1000  }
0x6a: {  	[sflag:s6] =	ssyncset.done $0x0  }
0x6b: {  	[sflag:s6] =	ssyncadd.s32 $0xFFFFF000  }
0x6c: {  	_ =	swait.ge [sflag:s6], $0x1000  }
0x6d: {  	[sflag:s6] =	ssyncset.done $0x0  }
0x6e: {  	[sflag:s6] =	ssyncadd.s32 $0xFFFFF000  }
0x6f: {  	_ =	swait.ge [sflag:s6], $0x1000  }
0x70: {  	[sflag:s6] =	ssyncset.done $0x0  }
0x71: {  	[sflag:s6] =	ssyncadd.s32 $0xFFFFF000  }
0x72: {  	_ =	swait.ge [sflag:s6], $0x1000  }
0x73: {  	[sflag:s6] =	ssyncset.done $0x0  }
0x74: {  	[sflag:s6] =	ssyncadd.s32 $0xFFFFF000  }
0x75: {  	_ =	swait.ge [sflag:s6], $0x1000  }
0x76: {  	[sflag:s6] =	ssyncset.done $0x0  }
0x77: {  	[sflag:s6] =	ssyncadd.s32 $0xFFFFF000  }
0x78: {  	_ =	swait.ge [sflag:s6], $0x1000  }
0x79: {  	[sflag:s6] =	ssyncset.done $0x0  }
0x7a: {  	[sflag:s6] =	ssyncadd.s32 $0xFFFFF000  }
0x7b: {  	_ =	swait.ge [sflag:s6], $0x1000  }
0x7c: {  	[sflag:s6] =	ssyncset.done $0x0  }
0x7d: {  	[sflag:s6] =	ssyncadd.s32 $0xFFFFF000  }
0x7e: {  	_ =	swait.ge [sflag:s6], $0x1000  }
0x7f: {  	[sflag:s6] =	ssyncset.done $0x0  }
0x80: {  	[sflag:s6] =	ssyncadd.s32 $0xFFFFF000  }
0x81: {  	_ =	swait.ge [sflag:s6], $0x1000  }
0x82: {  	[sflag:s6] =	ssyncset.done $0x0  }
0x83: {  	[sflag:s6] =	ssyncadd.s32 $0xFFFFF000  }
0x84: {  	_ =	swait.ge [sflag:s6], $0x1000  }
0x85: {  	[sflag:s6] =	ssyncset.done $0x0  }
0x86: {  	[sflag:s6] =	ssyncadd.s32 $0xFFFFF000  }
0x87: {  	_ =	swait.ge [sflag:s6], $0x1000  }
0x88: {  	[sflag:s6] =	ssyncset.done $0x0  }
0x89: {  	[sflag:s6] =	ssyncadd.s32 $0xFFFFF000  }
0x8a: {  	_ =	swait.ge [sflag:s6], $0x1000  }
0x8b: {  	[sflag:s6] =	ssyncset.done $0x0  }
0x8c: {  	[sflag:s6] =	ssyncadd.s32 $0xFFFFF000  }
0x8d: {  	_ =	swait.ge [sflag:s6], $0x1000  }
0x8e: {  	[sflag:s6] =	ssyncset.done $0x0  }
0x8f: {  	[sflag:s6] =	ssyncadd.s32 $0xFFFFF000  }
0x90: {  	_ =	swait.ge [sflag:s6], $0x1000  }
0x91: {  	[sflag:s6] =	ssyncset.done $0x0  }
0x92: {  	[sflag:s6] =	ssyncadd.s32 $0xFFFFF000  }
0x93: {  	_ =	swait.ge [sflag:s6], $0x1000  }
0x94: {  	[sflag:s6] =	ssyncset.done $0x0  }
0x95: {  	[sflag:s6] =	ssyncadd.s32 $0xFFFFF000  }
0x96: {  	_ =	swait.ge [sflag:s6], $0x1000  }
0x97: {  	[sflag:s6] =	ssyncset.done $0x0  }
0x98: {  	[sflag:s6] =	ssyncadd.s32 $0xFFFFF000  }
0x99: {  	_ =	swait.ge [sflag:s6], $0x1000  }
0x9a: {  	[sflag:s6] =	ssyncset.done $0x0  }
0x9b: {  	[sflag:s6] =	ssyncadd.s32 $0xFFFFF000  }
0x9c: {  	_ =	swait.ge [sflag:s6], $0x1000  }
0x9d: {  	[sflag:s6] =	ssyncset.done $0x0  }
0x9e: {  	[sflag:s6] =	ssyncadd.s32 $0xFFFFF000  }
0x9f: {  	_ =	swait.ge [sflag:s6], $0x1000  }
0xa0: {  	[sflag:s6] =	ssyncset.done $0x0  }
0xa1: {  	s1 =	rddreg [dreg:$0x6];
	[sflag:s6] =	ssyncadd.s32 $0xFFFFF000  }
0xa2: {  	[tilespmem:s9], [sflag:$0x1] =	stream.linear.gather [hbm4b:s1+s7], $0x14000, $0x38;
	[tilespmem:$0x1A240] =	vst v63  }
0xa3: {  	_ =	swait.ge [sflag:s6], $0x14000  }
0xa4: {  	s0 =	rddreg [dreg:$0x1a];
	[sflag:s6] =	ssyncset.done $0x0  }
0xa5: {  	s1 =	rddreg [dreg:$0x1b];
	[sflag:s6] =	ssyncadd.s32 $0xFFFEC000  }
0xa6: {  	[spmem:s2] =	stream.indirect.scatter.add.f32 [tilespmem:s9], [sflag:$0x1], $0x20, s0, s8, $0xb8;
	[tilespmem:$0x1A240] =	vst v63  }
0xa7: {  	s0 =	rddreg [dreg:$0x1c]  }
0xa8: {  	[spmem:s2] =	stream.indirect.scatter.add.f32 [tilespmem:s10], [sflag:$0x1], $0x20, s1, s8, $0xb8;
	[tilespmem:$0x1A240] =	vst v63  }
0xa9: {  	s1 =	rddreg [dreg:$0x1d]  }
0xaa: {  	[spmem:s2] =	stream.indirect.scatter.add.f32 [tilespmem:s11], [sflag:$0x1], $0x20, s0, s8, $0xb8;
	[tilespmem:$0x1A240] =	vst v63  }
0xab: {  	s0 =	rddreg [dreg:$0x1e]  }
0xac: {  	[spmem:s2] =	stream.indirect.scatter.add.f32 [tilespmem:s12], [sflag:$0x1], $0x20, s1, s8, $0xb8;
	[tilespmem:$0x1A240] =	vst v63  }
0xad: {  	s1 =	rddreg [dreg:$0x1f]  }
0xae: {  	[spmem:s2] =	stream.indirect.scatter.add.f32 [tilespmem:s13], [sflag:$0x1], $0x20, s0, s8, $0xb8;
	[tilespmem:$0x1A240] =	vst v63  }
0xaf: {  	s0 =	sld [smem:$0x7F2]  }
0xb0: {  	[spmem:s2] =	stream.indirect.scatter.add.f32 [tilespmem:s14], [sflag:$0x1], $0x20, s1, s8, $0xb8;
	[tilespmem:$0x1A240] =	vst v63  }
0xb1: {  	s1 =	sld [smem:$0x7F3]  }
0xb2: {  	[spmem:s2] =	stream.indirect.scatter.add.f32 [tilespmem:s15], [sflag:$0x1], $0x20, s0, s8, $0xb8;
	[tilespmem:$0x1A240] =	vst v63  }
0xb3: {  	s0 =	sld [smem:$0x7F4]  }
0xb4: {  	[spmem:s2] =	stream.indirect.scatter.add.f32 [tilespmem:s16], [sflag:$0x1], $0x20, s1, s8, $0xb8;
	[tilespmem:$0x1A240] =	vst v63  }
0xb5: {  	s1 =	sld [smem:$0x7F5]  }
0xb6: {  	[spmem:s2] =	stream.indirect.scatter.add.f32 [tilespmem:s17], [sflag:$0x1], $0x20, s0, s8, $0xb8;
	[tilespmem:$0x1A240] =	vst v63  }
0xb7: {  	s0 =	sld [smem:$0x7F6]  }
0xb8: {  	[spmem:s2] =	stream.indirect.scatter.add.f32 [tilespmem:s18], [sflag:$0x1], $0x20, s1, s8, $0xb8;
	[tilespmem:$0x1A240] =	vst v63  }
0xb9: {  	s1 =	sld [smem:$0x7F7]  }
0xba: {  	[spmem:s2] =	stream.indirect.scatter.add.f32 [tilespmem:s19], [sflag:$0x1], $0x20, s0, s8, $0xb8;
	[tilespmem:$0x1A240] =	vst v63  }
0xbb: {  	s0 =	sld [smem:$0x7F8]  }
0xbc: {  	[spmem:s2] =	stream.indirect.scatter.add.f32 [tilespmem:s20], [sflag:$0x1], $0x20, s1, s8, $0xb8;
	[tilespmem:$0x1A240] =	vst v63  }
0xbd: {  	s1 =	sld [smem:$0x7F9]  }
0xbe: {  	[spmem:s2] =	stream.indirect.scatter.add.f32 [tilespmem:s21], [sflag:$0x1], $0x20, s0, s8, $0xb8;
	[tilespmem:$0x1A240] =	vst v63  }
0xbf: {  	s0 =	sld [smem:$0x7FA]  }
0xc0: {  	[spmem:s2] =	stream.indirect.scatter.add.f32 [tilespmem:s22], [sflag:$0x1], $0x20, s1, s8, $0xb8;
	[tilespmem:$0x1A240] =	vst v63  }
0xc1: {  	s1 =	sld [smem:$0x7FB]  }
0xc2: {  	[spmem:s2] =	stream.indirect.scatter.add.f32 [tilespmem:s23], [sflag:$0x1], $0x20, s0, s8, $0xb8;
	[tilespmem:$0x1A240] =	vst v63  }
0xc3: {  	s0 =	sld [smem:$0x7FC]  }
0xc4: {  	[spmem:s2] =	stream.indirect.scatter.add.f32 [tilespmem:s24], [sflag:$0x1], $0x20, s1, s8, $0xb8;
	[tilespmem:$0x1A240] =	vst v63  }
0xc5: {  	s1 =	sld [smem:$0x7FD]  }
0xc6: {  	[spmem:s2] =	stream.indirect.scatter.add.f32 [tilespmem:s25], [sflag:$0x1], $0x20, s0, s8, $0xb8;
	[tilespmem:$0x1A240] =	vst v63  }
0xc7: {  	_ = 	snop  }
0xc8: {  	[spmem:s2] =	stream.indirect.scatter.add.f32 [tilespmem:s26], [sflag:$0x1], $0x20, s1, s8, $0xb8;
	[tilespmem:$0x1A240] =	vst v63  }
0xc9: {  	s1 =	simm.s32 $0x1300  }
0xca: {  	[spmem:s2] =	stream.indirect.scatter.add.f32 [tilespmem:s28], [sflag:$0x1], $0x20, s1, s8, $0xb8;
	[tilespmem:$0x1A240] =	vst v63  }
0xcb: {  	_ = 	snop  }
0xcc: {  	[spmem:s2] =	stream.indirect.scatter.add.f32 [tilespmem:s29], [sflag:$0x1], $0x20, s31, s8, $0xb8;
	[tilespmem:$0x1A240] =	vst v63  }
0xcd: {  	_ =	swait.ge [sflag:s6], $0x1000  }
0xce: {  	[sflag:s6] =	ssyncset.done $0x0  }
0xcf: {  	[sflag:s6] =	ssyncadd.s32 $0xFFFFF000  }
0xd0: {  	_ =	swait.ge [sflag:s6], $0x1000  }
0xd1: {  	[sflag:s6] =	ssyncset.done $0x0  }
0xd2: {  	[sflag:s6] =	ssyncadd.s32 $0xFFFFF000  }
0xd3: {  	_ =	swait.ge [sflag:s6], $0x1000  }
0xd4: {  	[sflag:s6] =	ssyncset.done $0x0  }
0xd5: {  	[sflag:s6] =	ssyncadd.s32 $0xFFFFF000  }
0xd6: {  	_ =	swait.ge [sflag:s6], $0x1000  }
0xd7: {  	[sflag:s6] =	ssyncset.done $0x0  }
0xd8: {  	[sflag:s6] =	ssyncadd.s32 $0xFFFFF000  }
0xd9: {  	_ =	swait.ge [sflag:s6], $0x1000  }
0xda: {  	[sflag:s6] =	ssyncset.done $0x0  }
0xdb: {  	[sflag:s6] =	ssyncadd.s32 $0xFFFFF000  }
0xdc: {  	_ =	swait.ge [sflag:s6], $0x1000  }
0xdd: {  	[sflag:s6] =	ssyncset.done $0x0  }
0xde: {  	[sflag:s6] =	ssyncadd.s32 $0xFFFFF000  }
0xdf: {  	_ =	swait.ge [sflag:s6], $0x1000  }
0xe0: {  	[sflag:s6] =	ssyncset.done $0x0  }
0xe1: {  	[sflag:s6] =	ssyncadd.s32 $0xFFFFF000  }
0xe2: {  	_ =	swait.ge [sflag:s6], $0x1000  }
0xe3: {  	[sflag:s6] =	ssyncset.done $0x0  }
0xe4: {  	[sflag:s6] =	ssyncadd.s32 $0xFFFFF000  }
0xe5: {  	_ =	swait.ge [sflag:s6], $0x1000  }
0xe6: {  	[sflag:s6] =	ssyncset.done $0x0  }
0xe7: {  	[sflag:s6] =	ssyncadd.s32 $0xFFFFF000  }
0xe8: {  	_ =	swait.ge [sflag:s6], $0x1000  }
0xe9: {  	[sflag:s6] =	ssyncset.done $0x0  }
0xea: {  	[sflag:s6] =	ssyncadd.s32 $0xFFFFF000  }
0xeb: {  	_ =	swait.ge [sflag:s6], $0x1000  }
0xec: {  	[sflag:s6] =	ssyncset.done $0x0  }
0xed: {  	[sflag:s6] =	ssyncadd.s32 $0xFFFFF000  }
0xee: {  	_ =	swait.ge [sflag:s6], $0x1000  }
0xef: {  	[sflag:s6] =	ssyncset.done $0x0  }
0xf0: {  	[sflag:s6] =	ssyncadd.s32 $0xFFFFF000  }
0xf1: {  	_ =	swait.ge [sflag:s6], $0x1000  }
0xf2: {  	[sflag:s6] =	ssyncset.done $0x0  }
0xf3: {  	[sflag:s6] =	ssyncadd.s32 $0xFFFFF000  }
0xf4: {  	_ =	swait.ge [sflag:s6], $0x1000  }
0xf5: {  	[sflag:s6] =	ssyncset.done $0x0  }
0xf6: {  	[sflag:s6] =	ssyncadd.s32 $0xFFFFF000  }
0xf7: {  	_ =	swait.ge [sflag:s6], $0x1000  }
0xf8: {  	[sflag:s6] =	ssyncset.done $0x0  }
0xf9: {  	[sflag:s6] =	ssyncadd.s32 $0xFFFFF000  }
0xfa: {  	_ =	swait.ge [sflag:s6], $0x1000  }
0xfb: {  	[sflag:s6] =	ssyncset.done $0x0  }
0xfc: {  	[sflag:s6] =	ssyncadd.s32 $0xFFFFF000  }
0xfd: {  	_ =	swait.ge [sflag:s6], $0x1000  }
0xfe: {  	[sflag:s6] =	ssyncset.done $0x0  }
0xff: {  	[sflag:s6] =	ssyncadd.s32 $0xFFFFF000  }
0x100: {  	_ =	swait.ge [sflag:s6], $0x1000  }
0x101: {  	[sflag:s6] =	ssyncset.done $0x0  }
0x102: {  	[sflag:s6] =	ssyncadd.s32 $0xFFFFF000  }
0x103: {  	_ =	swait.ge [sflag:s6], $0x1000  }
0x104: {  	[sflag:s6] =	ssyncset.done $0x0  }
0x105: {  	[sflag:s6] =	ssyncadd.s32 $0xFFFFF000  }
0x106: {  	_ =	swait.ge [sflag:s6], $0x1000  }
0x107: {  	[sflag:s6] =	ssyncset.done $0x0  }
0x108: {  	p1 =	sne.s32 s30, $0x1;
	[sflag:s6] =	ssyncadd.s32 $0xFFFFF000  }
.Ltmp1:
0x109: {  	[bflag:$0x0] =	sbarrier.arrive $0xFFFF;
	(pc) =	sbr.rel @!p1 .LBB2_3-.Ltmp1, $4  }
0x10a: {  	s1 =	rddreg [dreg:$0x7]  }
0x10b: {  	[hbm:s1], [sflag:s3] =	dma.local [spmem:s4], $0x9C8  }
0x10c: {  	p0 =	por $0x1, $0x1;
	_ =	swait.ge [sflag:s5], $0x9C8  }
0x10d: {  	s1 =	sadd.s32 $0xFFFFFFFF, s30;
	s0 =	rddreg [dreg:$0x3];
	[sflag:s5] =	ssyncset.done $0x0  }
.LBB2_4:
0x10e: {  	[sflag:s5] =	ssyncadd.s32 $0xFFFFF638  }
0x10f: {  	[spmem:s4], [sflag:s3] =	dma.local [hbm:s0], $0x9C8  }
0x110: {  	_ =	swait.ge [sflag:s5], $0x9C8  }
0x111: {  	[sflag:s5] =	ssyncset.done $0x0  }
0x112: {  	s30 =	rddreg [dreg:$0x4];
	[sflag:s5] =	ssyncadd.s32 $0xFFFFF638  }
0x113: {  	[tilespmem:s7], [sflag:$0x2] =	stream.linear.gather [hbm4b:s30+s7], $0x1400, $0x38;
	[tilespmem:$0x1A240] =	vst v63  }
0x114: {  	_ =	swait.ge [sflag:s5], $0x1400  }
0x115: {  	[sflag:s5] =	ssyncset.done $0x0  }
0x116: {  	[sflag:s5] =	ssyncadd.s32 $0xFFFFEC00  }
0x117: {  	[bflag:$0x0] =	sbarrier.arrive $0xFFFF  }
0x118: {  	s30 =	rddreg [dreg:$0x5]  }
0x119: {  	[tilespmem:s9], [sflag:$0x1] =	stream.linear.gather [hbm4b:s30+s7], $0x14000, $0x38;
	[tilespmem:$0x1A240] =	vst v63  }
0x11a: {  	_ =	swait.ge [sflag:s6], $0x14000  }
0x11b: {  	[sflag:s6] =	ssyncset.done $0x0  }
0x11c: {  	[sflag:s6] =	ssyncadd.s32 $0xFFFEC000  }
0x11d: {  	[spmem:s2] =	stream.indirect.scatter.add.f32 [tilespmem:s9], [sflag:$0x1], $0x20, s7, s8, $0xb8;
	[tilespmem:$0x1A240] =	vst v63  }
0x11e: {  	_ = 	snop  }
0x11f: {  	[spmem:s2] =	stream.indirect.scatter.add.f32 [tilespmem:s10], [sflag:$0x1], $0x20, s8, s8, $0xb8;
	[tilespmem:$0x1A240] =	vst v63  }
0x120: {  	s0 =	rddreg [dreg:$0x8]  }
0x121: {  	[spmem:s2] =	stream.indirect.scatter.add.f32 [tilespmem:s11], [sflag:$0x1], $0x20, s0, s8, $0xb8;
	[tilespmem:$0x1A240] =	vst v63  }
0x122: {  	s30 =	rddreg [dreg:$0x9]  }
0x123: {  	[spmem:s2] =	stream.indirect.scatter.add.f32 [tilespmem:s12], [sflag:$0x1], $0x20, s30, s8, $0xb8;
	[tilespmem:$0x1A240] =	vst v63  }
0x124: {  	s0 =	rddreg [dreg:$0xa]  }
0x125: {  	[spmem:s2] =	stream.indirect.scatter.add.f32 [tilespmem:s13], [sflag:$0x1], $0x20, s0, s8, $0xb8;
	[tilespmem:$0x1A240] =	vst v63  }
0x126: {  	s30 =	rddreg [dreg:$0xb]  }
0x127: {  	[spmem:s2] =	stream.indirect.scatter.add.f32 [tilespmem:s14], [sflag:$0x1], $0x20, s30, s8, $0xb8;
	[tilespmem:$0x1A240] =	vst v63  }
0x128: {  	s0 =	rddreg [dreg:$0xc]  }
0x129: {  	[spmem:s2] =	stream.indirect.scatter.add.f32 [tilespmem:s15], [sflag:$0x1], $0x20, s0, s8, $0xb8;
	[tilespmem:$0x1A240] =	vst v63  }
0x12a: {  	s30 =	rddreg [dreg:$0xd]  }
0x12b: {  	[spmem:s2] =	stream.indirect.scatter.add.f32 [tilespmem:s16], [sflag:$0x1], $0x20, s30, s8, $0xb8;
	[tilespmem:$0x1A240] =	vst v63  }
0x12c: {  	s0 =	rddreg [dreg:$0xe]  }
0x12d: {  	[spmem:s2] =	stream.indirect.scatter.add.f32 [tilespmem:s17], [sflag:$0x1], $0x20, s0, s8, $0xb8;
	[tilespmem:$0x1A240] =	vst v63  }
0x12e: {  	s30 =	rddreg [dreg:$0xf]  }
0x12f: {  	[spmem:s2] =	stream.indirect.scatter.add.f32 [tilespmem:s18], [sflag:$0x1], $0x20, s30, s8, $0xb8;
	[tilespmem:$0x1A240] =	vst v63  }
0x130: {  	s0 =	rddreg [dreg:$0x10]  }
0x131: {  	[spmem:s2] =	stream.indirect.scatter.add.f32 [tilespmem:s19], [sflag:$0x1], $0x20, s0, s8, $0xb8;
	[tilespmem:$0x1A240] =	vst v63  }
0x132: {  	s30 =	rddreg [dreg:$0x11]  }
0x133: {  	[spmem:s2] =	stream.indirect.scatter.add.f32 [tilespmem:s20], [sflag:$0x1], $0x20, s30, s8, $0xb8;
	[tilespmem:$0x1A240] =	vst v63  }
0x134: {  	s0 =	rddreg [dreg:$0x12]  }
0x135: {  	[spmem:s2] =	stream.indirect.scatter.add.f32 [tilespmem:s21], [sflag:$0x1], $0x20, s0, s8, $0xb8;
	[tilespmem:$0x1A240] =	vst v63  }
0x136: {  	s30 =	rddreg [dreg:$0x13]  }
0x137: {  	[spmem:s2] =	stream.indirect.scatter.add.f32 [tilespmem:s22], [sflag:$0x1], $0x20, s30, s8, $0xb8;
	[tilespmem:$0x1A240] =	vst v63  }
0x138: {  	s0 =	rddreg [dreg:$0x14]  }
0x139: {  	[spmem:s2] =	stream.indirect.scatter.add.f32 [tilespmem:s23], [sflag:$0x1], $0x20, s0, s8, $0xb8;
	[tilespmem:$0x1A240] =	vst v63  }
0x13a: {  	s30 =	rddreg [dreg:$0x15]  }
0x13b: {  	[spmem:s2] =	stream.indirect.scatter.add.f32 [tilespmem:s24], [sflag:$0x1], $0x20, s30, s8, $0xb8;
	[tilespmem:$0x1A240] =	vst v63  }
0x13c: {  	s0 =	rddreg [dreg:$0x16]  }
0x13d: {  	[spmem:s2] =	stream.indirect.scatter.add.f32 [tilespmem:s25], [sflag:$0x1], $0x20, s0, s8, $0xb8;
	[tilespmem:$0x1A240] =	vst v63  }
0x13e: {  	s30 =	rddreg [dreg:$0x17]  }
0x13f: {  	[spmem:s2] =	stream.indirect.scatter.add.f32 [tilespmem:s26], [sflag:$0x1], $0x20, s30, s8, $0xb8;
	[tilespmem:$0x1A240] =	vst v63  }
0x140: {  	s0 =	rddreg [dreg:$0x18]  }
0x141: {  	[spmem:s2] =	stream.indirect.scatter.add.f32 [tilespmem:s28], [sflag:$0x1], $0x20, s0, s8, $0xb8;
	[tilespmem:$0x1A240] =	vst v63  }
0x142: {  	s30 =	rddreg [dreg:$0x19]  }
0x143: {  	[spmem:s2] =	stream.indirect.scatter.add.f32 [tilespmem:s29], [sflag:$0x1], $0x20, s30, s8, $0xb8;
	[tilespmem:$0x1A240] =	vst v63  }
0x144: {  	_ =	swait.ge [sflag:s6], $0x1000  }
0x145: {  	[sflag:s6] =	ssyncset.done $0x0  }
0x146: {  	[sflag:s6] =	ssyncadd.s32 $0xFFFFF000  }
0x147: {  	_ =	swait.ge [sflag:s6], $0x1000  }
0x148: {  	[sflag:s6] =	ssyncset.done $0x0  }
0x149: {  	[sflag:s6] =	ssyncadd.s32 $0xFFFFF000  }
0x14a: {  	_ =	swait.ge [sflag:s6], $0x1000  }
0x14b: {  	[sflag:s6] =	ssyncset.done $0x0  }
0x14c: {  	[sflag:s6] =	ssyncadd.s32 $0xFFFFF000  }
0x14d: {  	_ =	swait.ge [sflag:s6], $0x1000  }
0x14e: {  	[sflag:s6] =	ssyncset.done $0x0  }
0x14f: {  	[sflag:s6] =	ssyncadd.s32 $0xFFFFF000  }
0x150: {  	_ =	swait.ge [sflag:s6], $0x1000  }
0x151: {  	[sflag:s6] =	ssyncset.done $0x0  }
0x152: {  	[sflag:s6] =	ssyncadd.s32 $0xFFFFF000  }
0x153: {  	_ =	swait.ge [sflag:s6], $0x1000  }
0x154: {  	[sflag:s6] =	ssyncset.done $0x0  }
0x155: {  	[sflag:s6] =	ssyncadd.s32 $0xFFFFF000  }
0x156: {  	_ =	swait.ge [sflag:s6], $0x1000  }
0x157: {  	[sflag:s6] =	ssyncset.done $0x0  }
0x158: {  	[sflag:s6] =	ssyncadd.s32 $0xFFFFF000  }
0x159: {  	_ =	swait.ge [sflag:s6], $0x1000  }
0x15a: {  	[sflag:s6] =	ssyncset.done $0x0  }
0x15b: {  	[sflag:s6] =	ssyncadd.s32 $0xFFFFF000  }
0x15c: {  	_ =	swait.ge [sflag:s6], $0x1000  }
0x15d: {  	[sflag:s6] =	ssyncset.done $0x0  }
0x15e: {  	[sflag:s6] =	ssyncadd.s32 $0xFFFFF000  }
0x15f: {  	_ =	swait.ge [sflag:s6], $0x1000  }
0x160: {  	[sflag:s6] =	ssyncset.done $0x0  }
0x161: {  	[sflag:s6] =	ssyncadd.s32 $0xFFFFF000  }
0x162: {  	_ =	swait.ge [sflag:s6], $0x1000  }
0x163: {  	[sflag:s6] =	ssyncset.done $0x0  }
0x164: {  	[sflag:s6] =	ssyncadd.s32 $0xFFFFF000  }
0x165: {  	_ =	swait.ge [sflag:s6], $0x1000  }
0x166: {  	[sflag:s6] =	ssyncset.done $0x0  }
0x167: {  	[sflag:s6] =	ssyncadd.s32 $0xFFFFF000  }
0x168: {  	_ =	swait.ge [sflag:s6], $0x1000  }
0x169: {  	[sflag:s6] =	ssyncset.done $0x0  }
0x16a: {  	[sflag:s6] =	ssyncadd.s32 $0xFFFFF000  }
0x16b: {  	_ =	swait.ge [sflag:s6], $0x1000  }
0x16c: {  	[sflag:s6] =	ssyncset.done $0x0  }
0x16d: {  	[sflag:s6] =	ssyncadd.s32 $0xFFFFF000  }
0x16e: {  	_ =	swait.ge [sflag:s6], $0x1000  }
0x16f: {  	[sflag:s6] =	ssyncset.done $0x0  }
0x170: {  	[sflag:s6] =	ssyncadd.s32 $0xFFFFF000  }
0x171: {  	_ =	swait.ge [sflag:s6], $0x1000  }
0x172: {  	[sflag:s6] =	ssyncset.done $0x0  }
0x173: {  	[sflag:s6] =	ssyncadd.s32 $0xFFFFF000  }
0x174: {  	_ =	swait.ge [sflag:s6], $0x1000  }
0x175: {  	[sflag:s6] =	ssyncset.done $0x0  }
0x176: {  	[sflag:s6] =	ssyncadd.s32 $0xFFFFF000  }
0x177: {  	_ =	swait.ge [sflag:s6], $0x1000  }
0x178: {  	[sflag:s6] =	ssyncset.done $0x0  }
0x179: {  	[sflag:s6] =	ssyncadd.s32 $0xFFFFF000  }
0x17a: {  	_ =	swait.ge [sflag:s6], $0x1000  }
0x17b: {  	[sflag:s6] =	ssyncset.done $0x0  }
0x17c: {  	[sflag:s6] =	ssyncadd.s32 $0xFFFFF000  }
0x17d: {  	_ =	swait.ge [sflag:s6], $0x1000  }
0x17e: {  	[sflag:s6] =	ssyncset.done $0x0  }
0x17f: {  	s30 =	rddreg [dreg:$0x6];
	[sflag:s6] =	ssyncadd.s32 $0xFFFFF000  }
0x180: {  	[tilespmem:s9], [sflag:$0x1] =	stream.linear.gather [hbm4b:s30+s7], $0x14000, $0x38;
	[tilespmem:$0x1A240] =	vst v63  }
0x181: {  	_ =	swait.ge [sflag:s6], $0x14000  }
0x182: {  	s0 =	rddreg [dreg:$0x1a];
	[sflag:s6] =	ssyncset.done $0x0  }
0x183: {  	s30 =	rddreg [dreg:$0x1b];
	[sflag:s6] =	ssyncadd.s32 $0xFFFEC000  }
0x184: {  	[spmem:s2] =	stream.indirect.scatter.add.f32 [tilespmem:s9], [sflag:$0x1], $0x20, s0, s8, $0xb8;
	[tilespmem:$0x1A240] =	vst v63  }
0x185: {  	s0 =	rddreg [dreg:$0x1c]  }
0x186: {  	[spmem:s2] =	stream.indirect.scatter.add.f32 [tilespmem:s10], [sflag:$0x1], $0x20, s30, s8, $0xb8;
	[tilespmem:$0x1A240] =	vst v63  }
0x187: {  	s30 =	rddreg [dreg:$0x1d]  }
0x188: {  	[spmem:s2] =	stream.indirect.scatter.add.f32 [tilespmem:s11], [sflag:$0x1], $0x20, s0, s8, $0xb8;
	[tilespmem:$0x1A240] =	vst v63  }
0x189: {  	s0 =	rddreg [dreg:$0x1e]  }
0x18a: {  	[spmem:s2] =	stream.indirect.scatter.add.f32 [tilespmem:s12], [sflag:$0x1], $0x20, s30, s8, $0xb8;
	[tilespmem:$0x1A240] =	vst v63  }
0x18b: {  	s30 =	rddreg [dreg:$0x1f]  }
0x18c: {  	[spmem:s2] =	stream.indirect.scatter.add.f32 [tilespmem:s13], [sflag:$0x1], $0x20, s0, s8, $0xb8;
	[tilespmem:$0x1A240] =	vst v63  }
0x18d: {  	s0 =	sld [smem:$0x7F2]  }
0x18e: {  	[spmem:s2] =	stream.indirect.scatter.add.f32 [tilespmem:s14], [sflag:$0x1], $0x20, s30, s8, $0xb8;
	[tilespmem:$0x1A240] =	vst v63  }
0x18f: {  	s30 =	sld [smem:$0x7F3]  }
0x190: {  	[spmem:s2] =	stream.indirect.scatter.add.f32 [tilespmem:s15], [sflag:$0x1], $0x20, s0, s8, $0xb8;
	[tilespmem:$0x1A240] =	vst v63  }
0x191: {  	s0 =	sld [smem:$0x7F4]  }
0x192: {  	[spmem:s2] =	stream.indirect.scatter.add.f32 [tilespmem:s16], [sflag:$0x1], $0x20, s30, s8, $0xb8;
	[tilespmem:$0x1A240] =	vst v63  }
0x193: {  	s30 =	sld [smem:$0x7F5]  }
0x194: {  	[spmem:s2] =	stream.indirect.scatter.add.f32 [tilespmem:s17], [sflag:$0x1], $0x20, s0, s8, $0xb8;
	[tilespmem:$0x1A240] =	vst v63  }
0x195: {  	s0 =	sld [smem:$0x7F6]  }
0x196: {  	[spmem:s2] =	stream.indirect.scatter.add.f32 [tilespmem:s18], [sflag:$0x1], $0x20, s30, s8, $0xb8;
	[tilespmem:$0x1A240] =	vst v63  }
0x197: {  	s30 =	sld [smem:$0x7F7]  }
0x198: {  	[spmem:s2] =	stream.indirect.scatter.add.f32 [tilespmem:s19], [sflag:$0x1], $0x20, s0, s8, $0xb8;
	[tilespmem:$0x1A240] =	vst v63  }
0x199: {  	s0 =	sld [smem:$0x7F8]  }
0x19a: {  	[spmem:s2] =	stream.indirect.scatter.add.f32 [tilespmem:s20], [sflag:$0x1], $0x20, s30, s8, $0xb8;
	[tilespmem:$0x1A240] =	vst v63  }
0x19b: {  	s30 =	sld [smem:$0x7F9]  }
0x19c: {  	[spmem:s2] =	stream.indirect.scatter.add.f32 [tilespmem:s21], [sflag:$0x1], $0x20, s0, s8, $0xb8;
	[tilespmem:$0x1A240] =	vst v63  }
0x19d: {  	s0 =	sld [smem:$0x7FA]  }
0x19e: {  	[spmem:s2] =	stream.indirect.scatter.add.f32 [tilespmem:s22], [sflag:$0x1], $0x20, s30, s8, $0xb8;
	[tilespmem:$0x1A240] =	vst v63  }
0x19f: {  	s30 =	sld [smem:$0x7FB]  }
0x1a0: {  	[spmem:s2] =	stream.indirect.scatter.add.f32 [tilespmem:s23], [sflag:$0x1], $0x20, s0, s8, $0xb8;
	[tilespmem:$0x1A240] =	vst v63  }
0x1a1: {  	s0 =	sld [smem:$0x7FC]  }
0x1a2: {  	[spmem:s2] =	stream.indirect.scatter.add.f32 [tilespmem:s24], [sflag:$0x1], $0x20, s30, s8, $0xb8;
	[tilespmem:$0x1A240] =	vst v63  }
0x1a3: {  	s30 =	sld [smem:$0x7FD]  }
0x1a4: {  	[spmem:s2] =	stream.indirect.scatter.add.f32 [tilespmem:s25], [sflag:$0x1], $0x20, s0, s8, $0xb8;
	[tilespmem:$0x1A240] =	vst v63  }
0x1a5: {  	_ = 	snop  }
0x1a6: {  	[spmem:s2] =	stream.indirect.scatter.add.f32 [tilespmem:s26], [sflag:$0x1], $0x20, s30, s8, $0xb8;
	[tilespmem:$0x1A240] =	vst v63  }
0x1a7: {  	s30 =	simm.s32 $0x1300  }
0x1a8: {  	[spmem:s2] =	stream.indirect.scatter.add.f32 [tilespmem:s28], [sflag:$0x1], $0x20, s30, s8, $0xb8;
	[tilespmem:$0x1A240] =	vst v63  }
0x1a9: {  	_ = 	snop  }
0x1aa: {  	[spmem:s2] =	stream.indirect.scatter.add.f32 [tilespmem:s29], [sflag:$0x1], $0x20, s31, s8, $0xb8;
	[tilespmem:$0x1A240] =	vst v63  }
0x1ab: {  	_ =	swait.ge [sflag:s6], $0x1000  }
0x1ac: {  	[sflag:s6] =	ssyncset.done $0x0  }
0x1ad: {  	[sflag:s6] =	ssyncadd.s32 $0xFFFFF000  }
0x1ae: {  	_ =	swait.ge [sflag:s6], $0x1000  }
0x1af: {  	[sflag:s6] =	ssyncset.done $0x0  }
0x1b0: {  	[sflag:s6] =	ssyncadd.s32 $0xFFFFF000  }
0x1b1: {  	_ =	swait.ge [sflag:s6], $0x1000  }
0x1b2: {  	[sflag:s6] =	ssyncset.done $0x0  }
0x1b3: {  	[sflag:s6] =	ssyncadd.s32 $0xFFFFF000  }
0x1b4: {  	_ =	swait.ge [sflag:s6], $0x1000  }
0x1b5: {  	[sflag:s6] =	ssyncset.done $0x0  }
0x1b6: {  	[sflag:s6] =	ssyncadd.s32 $0xFFFFF000  }
0x1b7: {  	_ =	swait.ge [sflag:s6], $0x1000  }
0x1b8: {  	[sflag:s6] =	ssyncset.done $0x0  }
0x1b9: {  	[sflag:s6] =	ssyncadd.s32 $0xFFFFF000  }
0x1ba: {  	_ =	swait.ge [sflag:s6], $0x1000  }
0x1bb: {  	[sflag:s6] =	ssyncset.done $0x0  }
0x1bc: {  	[sflag:s6] =	ssyncadd.s32 $0xFFFFF000  }
0x1bd: {  	_ =	swait.ge [sflag:s6], $0x1000  }
0x1be: {  	[sflag:s6] =	ssyncset.done $0x0  }
0x1bf: {  	[sflag:s6] =	ssyncadd.s32 $0xFFFFF000  }
0x1c0: {  	_ =	swait.ge [sflag:s6], $0x1000  }
0x1c1: {  	[sflag:s6] =	ssyncset.done $0x0  }
0x1c2: {  	[sflag:s6] =	ssyncadd.s32 $0xFFFFF000  }
0x1c3: {  	_ =	swait.ge [sflag:s6], $0x1000  }
0x1c4: {  	[sflag:s6] =	ssyncset.done $0x0  }
0x1c5: {  	[sflag:s6] =	ssyncadd.s32 $0xFFFFF000  }
0x1c6: {  	_ =	swait.ge [sflag:s6], $0x1000  }
0x1c7: {  	[sflag:s6] =	ssyncset.done $0x0  }
0x1c8: {  	[sflag:s6] =	ssyncadd.s32 $0xFFFFF000  }
0x1c9: {  	_ =	swait.ge [sflag:s6], $0x1000  }
0x1ca: {  	[sflag:s6] =	ssyncset.done $0x0  }
0x1cb: {  	[sflag:s6] =	ssyncadd.s32 $0xFFFFF000  }
0x1cc: {  	_ =	swait.ge [sflag:s6], $0x1000  }
0x1cd: {  	[sflag:s6] =	ssyncset.done $0x0  }
0x1ce: {  	[sflag:s6] =	ssyncadd.s32 $0xFFFFF000  }
0x1cf: {  	_ =	swait.ge [sflag:s6], $0x1000  }
0x1d0: {  	[sflag:s6] =	ssyncset.done $0x0  }
0x1d1: {  	[sflag:s6] =	ssyncadd.s32 $0xFFFFF000  }
0x1d2: {  	_ =	swait.ge [sflag:s6], $0x1000  }
0x1d3: {  	[sflag:s6] =	ssyncset.done $0x0  }
0x1d4: {  	[sflag:s6] =	ssyncadd.s32 $0xFFFFF000  }
0x1d5: {  	_ =	swait.ge [sflag:s6], $0x1000  }
0x1d6: {  	[sflag:s6] =	ssyncset.done $0x0  }
0x1d7: {  	[sflag:s6] =	ssyncadd.s32 $0xFFFFF000  }
0x1d8: {  	_ =	swait.ge [sflag:s6], $0x1000  }
0x1d9: {  	[sflag:s6] =	ssyncset.done $0x0  }
0x1da: {  	[sflag:s6] =	ssyncadd.s32 $0xFFFFF000  }
0x1db: {  	_ =	swait.ge [sflag:s6], $0x1000  }
0x1dc: {  	[sflag:s6] =	ssyncset.done $0x0  }
0x1dd: {  	[sflag:s6] =	ssyncadd.s32 $0xFFFFF000  }
0x1de: {  	_ =	swait.ge [sflag:s6], $0x1000  }
0x1df: {  	[sflag:s6] =	ssyncset.done $0x0  }
0x1e0: {  	[sflag:s6] =	ssyncadd.s32 $0xFFFFF000  }
0x1e1: {  	_ =	swait.ge [sflag:s6], $0x1000  }
0x1e2: {  	[sflag:s6] =	ssyncset.done $0x0  }
0x1e3: {  	[sflag:s6] =	ssyncadd.s32 $0xFFFFF000  }
0x1e4: {  	_ =	swait.ge [sflag:s6], $0x1000  }
0x1e5: {  	[sflag:s6] =	ssyncset.done $0x0  }
0x1e6: {  	p1 =	sne.s32 s1, $0x1;
	[sflag:s6] =	ssyncadd.s32 $0xFFFFF000  }
.Ltmp2:
0x1e7: {  	[bflag:$0x0] =	sbarrier.arrive $0xFFFF;
	(pc) =	sbr.rel @p1 .LBB2_4-.Ltmp2, $4  }
0x1e8: {  	s30 =	rddreg [dreg:$0x7]  }
0x1e9: {  	[hbm:s30], [sflag:s3] =	dma.local [spmem:s4], $0x9C8  }
0x1ea: {  	_ =	swait.ge [sflag:s5], $0x9C8  }
0x1eb: {  	s1 =	sadd.s32 $0xFFFFFFFF, s1;
	s0 =	rddreg [dreg:$0x3];
	[sflag:s5] =	ssyncset.done $0x0  }
0x1ec: {  	s31 =	simm.s32 $0x1300;
	s30 =	stileid.u32  }
.LBB2_6:
0x1ed: {  	[sflag:s5] =	ssyncadd.s32 @p0 $0xFFFFF638  }
0x1ee: {  	[spmem:s4], [sflag:s3] =	dma.local [hbm:s0], $0x9C8  }
0x1ef: {  	_ =	swait.ge [sflag:s5], $0x9C8  }
0x1f0: {  	[sflag:s5] =	ssyncset.done $0x0  }
0x1f1: {  	s1 =	rddreg [dreg:$0x4];
	[sflag:s5] =	ssyncadd.s32 $0xFFFFF638  }
0x1f2: {  	[tilespmem:s7], [sflag:$0x2] =	stream.linear.gather [hbm4b:s1+s7], $0x1400, $0x38;
	[tilespmem:$0x1A240] =	vst v63  }
0x1f3: {  	_ =	swait.ge [sflag:s5], $0x1400  }
0x1f4: {  	[sflag:s5] =	ssyncset.done $0x0  }
0x1f5: {  	[sflag:s5] =	ssyncadd.s32 $0xFFFFEC00  }
0x1f6: {  	[bflag:$0x0] =	sbarrier.arrive $0xFFFF  }
0x1f7: {  	s1 =	rddreg [dreg:$0x5]  }
0x1f8: {  	[tilespmem:s9], [sflag:$0x1] =	stream.linear.gather [hbm4b:s1+s7], $0x14000, $0x38;
	[tilespmem:$0x1A240] =	vst v63  }
0x1f9: {  	_ =	swait.ge [sflag:s6], $0x14000  }
0x1fa: {  	[sflag:s6] =	ssyncset.done $0x0  }
0x1fb: {  	[sflag:s6] =	ssyncadd.s32 $0xFFFEC000  }
0x1fc: {  	[spmem:s2] =	stream.indirect.scatter.add.f32 [tilespmem:s9], [sflag:$0x1], $0x20, s7, s8, $0xb8;
	[tilespmem:$0x1A240] =	vst v63  }
0x1fd: {  	_ = 	snop  }
0x1fe: {  	[spmem:s2] =	stream.indirect.scatter.add.f32 [tilespmem:s10], [sflag:$0x1], $0x20, s8, s8, $0xb8;
	[tilespmem:$0x1A240] =	vst v63  }
0x1ff: {  	s0 =	rddreg [dreg:$0x8]  }
0x200: {  	[spmem:s2] =	stream.indirect.scatter.add.f32 [tilespmem:s11], [sflag:$0x1], $0x20, s0, s8, $0xb8;
	[tilespmem:$0x1A240] =	vst v63  }
0x201: {  	s1 =	rddreg [dreg:$0x9]  }
0x202: {  	[spmem:s2] =	stream.indirect.scatter.add.f32 [tilespmem:s12], [sflag:$0x1], $0x20, s1, s8, $0xb8;
	[tilespmem:$0x1A240] =	vst v63  }
0x203: {  	s0 =	rddreg [dreg:$0xa]  }
0x204: {  	[spmem:s2] =	stream.indirect.scatter.add.f32 [tilespmem:s13], [sflag:$0x1], $0x20, s0, s8, $0xb8;
	[tilespmem:$0x1A240] =	vst v63  }
0x205: {  	s1 =	rddreg [dreg:$0xb]  }
0x206: {  	[spmem:s2] =	stream.indirect.scatter.add.f32 [tilespmem:s14], [sflag:$0x1], $0x20, s1, s8, $0xb8;
	[tilespmem:$0x1A240] =	vst v63  }
0x207: {  	s0 =	rddreg [dreg:$0xc]  }
0x208: {  	[spmem:s2] =	stream.indirect.scatter.add.f32 [tilespmem:s15], [sflag:$0x1], $0x20, s0, s8, $0xb8;
	[tilespmem:$0x1A240] =	vst v63  }
0x209: {  	s1 =	rddreg [dreg:$0xd]  }
0x20a: {  	[spmem:s2] =	stream.indirect.scatter.add.f32 [tilespmem:s16], [sflag:$0x1], $0x20, s1, s8, $0xb8;
	[tilespmem:$0x1A240] =	vst v63  }
0x20b: {  	s0 =	rddreg [dreg:$0xe]  }
0x20c: {  	[spmem:s2] =	stream.indirect.scatter.add.f32 [tilespmem:s17], [sflag:$0x1], $0x20, s0, s8, $0xb8;
	[tilespmem:$0x1A240] =	vst v63  }
0x20d: {  	s1 =	rddreg [dreg:$0xf]  }
0x20e: {  	[spmem:s2] =	stream.indirect.scatter.add.f32 [tilespmem:s18], [sflag:$0x1], $0x20, s1, s8, $0xb8;
	[tilespmem:$0x1A240] =	vst v63  }
0x20f: {  	s0 =	rddreg [dreg:$0x10]  }
0x210: {  	[spmem:s2] =	stream.indirect.scatter.add.f32 [tilespmem:s19], [sflag:$0x1], $0x20, s0, s8, $0xb8;
	[tilespmem:$0x1A240] =	vst v63  }
0x211: {  	s1 =	rddreg [dreg:$0x11]  }
0x212: {  	[spmem:s2] =	stream.indirect.scatter.add.f32 [tilespmem:s20], [sflag:$0x1], $0x20, s1, s8, $0xb8;
	[tilespmem:$0x1A240] =	vst v63  }
0x213: {  	s0 =	rddreg [dreg:$0x12]  }
0x214: {  	[spmem:s2] =	stream.indirect.scatter.add.f32 [tilespmem:s21], [sflag:$0x1], $0x20, s0, s8, $0xb8;
	[tilespmem:$0x1A240] =	vst v63  }
0x215: {  	s1 =	rddreg [dreg:$0x13]  }
0x216: {  	[spmem:s2] =	stream.indirect.scatter.add.f32 [tilespmem:s22], [sflag:$0x1], $0x20, s1, s8, $0xb8;
	[tilespmem:$0x1A240] =	vst v63  }
0x217: {  	s0 =	rddreg [dreg:$0x14]  }
0x218: {  	[spmem:s2] =	stream.indirect.scatter.add.f32 [tilespmem:s23], [sflag:$0x1], $0x20, s0, s8, $0xb8;
	[tilespmem:$0x1A240] =	vst v63  }
0x219: {  	s1 =	rddreg [dreg:$0x15]  }
0x21a: {  	[spmem:s2] =	stream.indirect.scatter.add.f32 [tilespmem:s24], [sflag:$0x1], $0x20, s1, s8, $0xb8;
	[tilespmem:$0x1A240] =	vst v63  }
0x21b: {  	s0 =	rddreg [dreg:$0x16]  }
0x21c: {  	[spmem:s2] =	stream.indirect.scatter.add.f32 [tilespmem:s25], [sflag:$0x1], $0x20, s0, s8, $0xb8;
	[tilespmem:$0x1A240] =	vst v63  }
0x21d: {  	s1 =	rddreg [dreg:$0x17]  }
0x21e: {  	[spmem:s2] =	stream.indirect.scatter.add.f32 [tilespmem:s26], [sflag:$0x1], $0x20, s1, s8, $0xb8;
	[tilespmem:$0x1A240] =	vst v63  }
0x21f: {  	s0 =	rddreg [dreg:$0x18]  }
0x220: {  	[spmem:s2] =	stream.indirect.scatter.add.f32 [tilespmem:s28], [sflag:$0x1], $0x20, s0, s8, $0xb8;
	[tilespmem:$0x1A240] =	vst v63  }
0x221: {  	s1 =	rddreg [dreg:$0x19]  }
0x222: {  	[spmem:s2] =	stream.indirect.scatter.add.f32 [tilespmem:s29], [sflag:$0x1], $0x20, s1, s8, $0xb8;
	[tilespmem:$0x1A240] =	vst v63  }
0x223: {  	_ =	swait.ge [sflag:s6], $0x1000  }
0x224: {  	[sflag:s6] =	ssyncset.done $0x0  }
0x225: {  	[sflag:s6] =	ssyncadd.s32 $0xFFFFF000  }
0x226: {  	_ =	swait.ge [sflag:s6], $0x1000  }
0x227: {  	[sflag:s6] =	ssyncset.done $0x0  }
0x228: {  	[sflag:s6] =	ssyncadd.s32 $0xFFFFF000  }
0x229: {  	_ =	swait.ge [sflag:s6], $0x1000  }
0x22a: {  	[sflag:s6] =	ssyncset.done $0x0  }
0x22b: {  	[sflag:s6] =	ssyncadd.s32 $0xFFFFF000  }
0x22c: {  	_ =	swait.ge [sflag:s6], $0x1000  }
0x22d: {  	[sflag:s6] =	ssyncset.done $0x0  }
0x22e: {  	[sflag:s6] =	ssyncadd.s32 $0xFFFFF000  }
0x22f: {  	_ =	swait.ge [sflag:s6], $0x1000  }
0x230: {  	[sflag:s6] =	ssyncset.done $0x0  }
0x231: {  	[sflag:s6] =	ssyncadd.s32 $0xFFFFF000  }
0x232: {  	_ =	swait.ge [sflag:s6], $0x1000  }
0x233: {  	[sflag:s6] =	ssyncset.done $0x0  }
0x234: {  	[sflag:s6] =	ssyncadd.s32 $0xFFFFF000  }
0x235: {  	_ =	swait.ge [sflag:s6], $0x1000  }
0x236: {  	[sflag:s6] =	ssyncset.done $0x0  }
0x237: {  	[sflag:s6] =	ssyncadd.s32 $0xFFFFF000  }
0x238: {  	_ =	swait.ge [sflag:s6], $0x1000  }
0x239: {  	[sflag:s6] =	ssyncset.done $0x0  }
0x23a: {  	[sflag:s6] =	ssyncadd.s32 $0xFFFFF000  }
0x23b: {  	_ =	swait.ge [sflag:s6], $0x1000  }
0x23c: {  	[sflag:s6] =	ssyncset.done $0x0  }
0x23d: {  	[sflag:s6] =	ssyncadd.s32 $0xFFFFF000  }
0x23e: {  	_ =	swait.ge [sflag:s6], $0x1000  }
0x23f: {  	[sflag:s6] =	ssyncset.done $0x0  }
0x240: {  	[sflag:s6] =	ssyncadd.s32 $0xFFFFF000  }
0x241: {  	_ =	swait.ge [sflag:s6], $0x1000  }
0x242: {  	[sflag:s6] =	ssyncset.done $0x0  }
0x243: {  	[sflag:s6] =	ssyncadd.s32 $0xFFFFF000  }
0x244: {  	_ =	swait.ge [sflag:s6], $0x1000  }
0x245: {  	[sflag:s6] =	ssyncset.done $0x0  }
0x246: {  	[sflag:s6] =	ssyncadd.s32 $0xFFFFF000  }
0x247: {  	_ =	swait.ge [sflag:s6], $0x1000  }
0x248: {  	[sflag:s6] =	ssyncset.done $0x0  }
0x249: {  	[sflag:s6] =	ssyncadd.s32 $0xFFFFF000  }
0x24a: {  	_ =	swait.ge [sflag:s6], $0x1000  }
0x24b: {  	[sflag:s6] =	ssyncset.done $0x0  }
0x24c: {  	[sflag:s6] =	ssyncadd.s32 $0xFFFFF000  }
0x24d: {  	_ =	swait.ge [sflag:s6], $0x1000  }
0x24e: {  	[sflag:s6] =	ssyncset.done $0x0  }
0x24f: {  	[sflag:s6] =	ssyncadd.s32 $0xFFFFF000  }
0x250: {  	_ =	swait.ge [sflag:s6], $0x1000  }
0x251: {  	[sflag:s6] =	ssyncset.done $0x0  }
0x252: {  	[sflag:s6] =	ssyncadd.s32 $0xFFFFF000  }
0x253: {  	_ =	swait.ge [sflag:s6], $0x1000  }
0x254: {  	[sflag:s6] =	ssyncset.done $0x0  }
0x255: {  	[sflag:s6] =	ssyncadd.s32 $0xFFFFF000  }
0x256: {  	_ =	swait.ge [sflag:s6], $0x1000  }
0x257: {  	[sflag:s6] =	ssyncset.done $0x0  }
0x258: {  	[sflag:s6] =	ssyncadd.s32 $0xFFFFF000  }
0x259: {  	_ =	swait.ge [sflag:s6], $0x1000  }
0x25a: {  	[sflag:s6] =	ssyncset.done $0x0  }
0x25b: {  	[sflag:s6] =	ssyncadd.s32 $0xFFFFF000  }
0x25c: {  	_ =	swait.ge [sflag:s6], $0x1000  }
0x25d: {  	[sflag:s6] =	ssyncset.done $0x0  }
0x25e: {  	s1 =	rddreg [dreg:$0x6];
	[sflag:s6] =	ssyncadd.s32 $0xFFFFF000  }
0x25f: {  	[tilespmem:s9], [sflag:$0x1] =	stream.linear.gather [hbm4b:s1+s7], $0x14000, $0x38;
	[tilespmem:$0x1A240] =	vst v63  }
0x260: {  	_ =	swait.ge [sflag:s6], $0x14000  }
0x261: {  	s1 =	rddreg [dreg:$0x1a];
	[sflag:s6] =	ssyncset.done $0x0  }
0x262: {  	s7 =	rddreg [dreg:$0x1b];
	[sflag:s6] =	ssyncadd.s32 $0xFFFEC000  }
0x263: {  	[spmem:s2] =	stream.indirect.scatter.add.f32 [tilespmem:s9], [sflag:$0x1], $0x20, s1, s8, $0xb8;
	[tilespmem:$0x1A240] =	vst v63  }
0x264: {  	s9 =	rddreg [dreg:$0x1c]  }
0x265: {  	[spmem:s2] =	stream.indirect.scatter.add.f32 [tilespmem:s10], [sflag:$0x1], $0x20, s7, s8, $0xb8;
	[tilespmem:$0x1A240] =	vst v63  }
0x266: {  	s10 =	rddreg [dreg:$0x1d]  }
0x267: {  	[spmem:s2] =	stream.indirect.scatter.add.f32 [tilespmem:s11], [sflag:$0x1], $0x20, s9, s8, $0xb8;
	[tilespmem:$0x1A240] =	vst v63  }
0x268: {  	s11 =	rddreg [dreg:$0x1e]  }
0x269: {  	[spmem:s2] =	stream.indirect.scatter.add.f32 [tilespmem:s12], [sflag:$0x1], $0x20, s10, s8, $0xb8;
	[tilespmem:$0x1A240] =	vst v63  }
0x26a: {  	s12 =	rddreg [dreg:$0x1f]  }
0x26b: {  	[spmem:s2] =	stream.indirect.scatter.add.f32 [tilespmem:s13], [sflag:$0x1], $0x20, s11, s8, $0xb8;
	[tilespmem:$0x1A240] =	vst v63  }
0x26c: {  	s13 =	sld [smem:$0x7F2]  }
0x26d: {  	[spmem:s2] =	stream.indirect.scatter.add.f32 [tilespmem:s14], [sflag:$0x1], $0x20, s12, s8, $0xb8;
	[tilespmem:$0x1A240] =	vst v63  }
0x26e: {  	s14 =	sld [smem:$0x7F3]  }
0x26f: {  	[spmem:s2] =	stream.indirect.scatter.add.f32 [tilespmem:s15], [sflag:$0x1], $0x20, s13, s8, $0xb8;
	[tilespmem:$0x1A240] =	vst v63  }
0x270: {  	s15 =	sld [smem:$0x7F4]  }
0x271: {  	[spmem:s2] =	stream.indirect.scatter.add.f32 [tilespmem:s16], [sflag:$0x1], $0x20, s14, s8, $0xb8;
	[tilespmem:$0x1A240] =	vst v63  }
0x272: {  	s16 =	sld [smem:$0x7F5]  }
0x273: {  	[spmem:s2] =	stream.indirect.scatter.add.f32 [tilespmem:s17], [sflag:$0x1], $0x20, s15, s8, $0xb8;
	[tilespmem:$0x1A240] =	vst v63  }
0x274: {  	s17 =	sld [smem:$0x7F6]  }
0x275: {  	[spmem:s2] =	stream.indirect.scatter.add.f32 [tilespmem:s18], [sflag:$0x1], $0x20, s16, s8, $0xb8;
	[tilespmem:$0x1A240] =	vst v63  }
0x276: {  	s18 =	sld [smem:$0x7F7]  }
0x277: {  	[spmem:s2] =	stream.indirect.scatter.add.f32 [tilespmem:s19], [sflag:$0x1], $0x20, s17, s8, $0xb8;
	[tilespmem:$0x1A240] =	vst v63  }
0x278: {  	s19 =	sld [smem:$0x7F8]  }
0x279: {  	[spmem:s2] =	stream.indirect.scatter.add.f32 [tilespmem:s20], [sflag:$0x1], $0x20, s18, s8, $0xb8;
	[tilespmem:$0x1A240] =	vst v63  }
0x27a: {  	s20 =	sld [smem:$0x7F9]  }
0x27b: {  	[spmem:s2] =	stream.indirect.scatter.add.f32 [tilespmem:s21], [sflag:$0x1], $0x20, s19, s8, $0xb8;
	[tilespmem:$0x1A240] =	vst v63  }
0x27c: {  	s21 =	sld [smem:$0x7FA]  }
0x27d: {  	[spmem:s2] =	stream.indirect.scatter.add.f32 [tilespmem:s22], [sflag:$0x1], $0x20, s20, s8, $0xb8;
	[tilespmem:$0x1A240] =	vst v63  }
0x27e: {  	s22 =	sld [smem:$0x7FB]  }
0x27f: {  	[spmem:s2] =	stream.indirect.scatter.add.f32 [tilespmem:s23], [sflag:$0x1], $0x20, s21, s8, $0xb8;
	[tilespmem:$0x1A240] =	vst v63  }
0x280: {  	s23 =	sld [smem:$0x7FC]  }
0x281: {  	[spmem:s2] =	stream.indirect.scatter.add.f32 [tilespmem:s24], [sflag:$0x1], $0x20, s22, s8, $0xb8;
	[tilespmem:$0x1A240] =	vst v63  }
0x282: {  	s24 =	sld [smem:$0x7FD]  }
0x283: {  	[spmem:s2] =	stream.indirect.scatter.add.f32 [tilespmem:s25], [sflag:$0x1], $0x20, s23, s8, $0xb8;
	[tilespmem:$0x1A240] =	vst v63  }
0x284: {  	_ = 	snop  }
0x285: {  	[spmem:s2] =	stream.indirect.scatter.add.f32 [tilespmem:s26], [sflag:$0x1], $0x20, s24, s8, $0xb8;
	[tilespmem:$0x1A240] =	vst v63  }
0x286: {  	_ = 	snop  }
0x287: {  	[spmem:s2] =	stream.indirect.scatter.add.f32 [tilespmem:s28], [sflag:$0x1], $0x20, s31, s8, $0xb8;
	[tilespmem:$0x1A240] =	vst v63  }
0x288: {  	s28 =	simm.s32 $0x1380  }
0x289: {  	[spmem:s2] =	stream.indirect.scatter.add.f32 [tilespmem:s29], [sflag:$0x1], $0x20, s28, s8, $0xb8;
	[tilespmem:$0x1A240] =	vst v63  }
0x28a: {  	_ =	swait.ge [sflag:s6], $0x1000  }
0x28b: {  	[sflag:s6] =	ssyncset.done $0x0  }
0x28c: {  	[sflag:s6] =	ssyncadd.s32 $0xFFFFF000  }
0x28d: {  	_ =	swait.ge [sflag:s6], $0x1000  }
0x28e: {  	[sflag:s6] =	ssyncset.done $0x0  }
0x28f: {  	[sflag:s6] =	ssyncadd.s32 $0xFFFFF000  }
0x290: {  	_ =	swait.ge [sflag:s6], $0x1000  }
0x291: {  	[sflag:s6] =	ssyncset.done $0x0  }
0x292: {  	[sflag:s6] =	ssyncadd.s32 $0xFFFFF000  }
0x293: {  	_ =	swait.ge [sflag:s6], $0x1000  }
0x294: {  	[sflag:s6] =	ssyncset.done $0x0  }
0x295: {  	[sflag:s6] =	ssyncadd.s32 $0xFFFFF000  }
0x296: {  	_ =	swait.ge [sflag:s6], $0x1000  }
0x297: {  	[sflag:s6] =	ssyncset.done $0x0  }
0x298: {  	[sflag:s6] =	ssyncadd.s32 $0xFFFFF000  }
0x299: {  	_ =	swait.ge [sflag:s6], $0x1000  }
0x29a: {  	[sflag:s6] =	ssyncset.done $0x0  }
0x29b: {  	[sflag:s6] =	ssyncadd.s32 $0xFFFFF000  }
0x29c: {  	_ =	swait.ge [sflag:s6], $0x1000  }
0x29d: {  	[sflag:s6] =	ssyncset.done $0x0  }
0x29e: {  	[sflag:s6] =	ssyncadd.s32 $0xFFFFF000  }
0x29f: {  	_ =	swait.ge [sflag:s6], $0x1000  }
0x2a0: {  	[sflag:s6] =	ssyncset.done $0x0  }
0x2a1: {  	[sflag:s6] =	ssyncadd.s32 $0xFFFFF000  }
0x2a2: {  	_ =	swait.ge [sflag:s6], $0x1000  }
0x2a3: {  	[sflag:s6] =	ssyncset.done $0x0  }
0x2a4: {  	[sflag:s6] =	ssyncadd.s32 $0xFFFFF000  }
0x2a5: {  	_ =	swait.ge [sflag:s6], $0x1000  }
0x2a6: {  	[sflag:s6] =	ssyncset.done $0x0  }
0x2a7: {  	[sflag:s6] =	ssyncadd.s32 $0xFFFFF000  }
0x2a8: {  	_ =	swait.ge [sflag:s6], $0x1000  }
0x2a9: {  	[sflag:s6] =	ssyncset.done $0x0  }
0x2aa: {  	[sflag:s6] =	ssyncadd.s32 $0xFFFFF000  }
0x2ab: {  	_ =	swait.ge [sflag:s6], $0x1000  }
0x2ac: {  	[sflag:s6] =	ssyncset.done $0x0  }
0x2ad: {  	[sflag:s6] =	ssyncadd.s32 $0xFFFFF000  }
0x2ae: {  	_ =	swait.ge [sflag:s6], $0x1000  }
0x2af: {  	[sflag:s6] =	ssyncset.done $0x0  }
0x2b0: {  	[sflag:s6] =	ssyncadd.s32 $0xFFFFF000  }
0x2b1: {  	_ =	swait.ge [sflag:s6], $0x1000  }
0x2b2: {  	[sflag:s6] =	ssyncset.done $0x0  }
0x2b3: {  	[sflag:s6] =	ssyncadd.s32 $0xFFFFF000  }
0x2b4: {  	_ =	swait.ge [sflag:s6], $0x1000  }
0x2b5: {  	[sflag:s6] =	ssyncset.done $0x0  }
0x2b6: {  	[sflag:s6] =	ssyncadd.s32 $0xFFFFF000  }
0x2b7: {  	_ =	swait.ge [sflag:s6], $0x1000  }
0x2b8: {  	[sflag:s6] =	ssyncset.done $0x0  }
0x2b9: {  	[sflag:s6] =	ssyncadd.s32 $0xFFFFF000  }
0x2ba: {  	_ =	swait.ge [sflag:s6], $0x1000  }
0x2bb: {  	[sflag:s6] =	ssyncset.done $0x0  }
0x2bc: {  	[sflag:s6] =	ssyncadd.s32 $0xFFFFF000  }
0x2bd: {  	_ =	swait.ge [sflag:s6], $0x1000  }
0x2be: {  	[sflag:s6] =	ssyncset.done $0x0  }
0x2bf: {  	[sflag:s6] =	ssyncadd.s32 $0xFFFFF000  }
0x2c0: {  	_ =	swait.ge [sflag:s6], $0x1000  }
0x2c1: {  	[sflag:s6] =	ssyncset.done $0x0  }
0x2c2: {  	[sflag:s6] =	ssyncadd.s32 $0xFFFFF000  }
0x2c3: {  	_ =	swait.ge [sflag:s6], $0x1000  }
0x2c4: {  	[sflag:s6] =	ssyncset.done $0x0  }
0x2c5: {  	[sflag:s6] =	ssyncadd.s32 $0xFFFFF000  }
0x2c6: {  	[bflag:$0x0] =	sbarrier.arrive $0xFFFF  }
0x2c7: {  	s31 =	rddreg [dreg:$0x7]  }
0x2c8: {  	[hbm:s31], [sflag:s3] =	dma.local [spmem:s4], $0x9C8  }
0x2c9: {  	_ =	swait.ge [sflag:s5], $0x9C8  }
0x2ca: {  	[sflag:s5] =	ssyncset.done $0x0  }
0x2cb: {  	[sflag:s5] =	ssyncadd.s32 $0xFFFFF638  }
0x2cc: {  	_ =	sfence.sel $0x180000  }
0x2cd: {  	[bflag:$0x0] =	sbarrier.arrive $0xFFFF  }
0x2ce: {  	_ =	strace $0x9000004A  }
0x2cf: {  	[bflag:$0x2] =	sbarrier.arrive $0xFFFF  }
0x2d0: {  	p0 =	sne.s32 s30, $0x0;
	s0 =	rddreg [dreg:$0x2]  }
0x2d1: {  	s0 =	sadd.s32 @!p0 $0x100000, s0  }
0x2d2: {  	[sflag:s0] =	ssyncadd.tile.s32 @!p0 $0x1;
	_ =	shalt  }
.LBB2_1:
.Ltmp3:
0x2d3: {  	(pc) =	sbr.rel .LBB2_6-.Ltmp3, $2  }
0x2d4: {  	_ =	sdelay $0x2  }
0x2d5: {  	s31 =	simm.s32 $0x1300  }
.LBB2_3:
.Ltmp4:
0x2d6: {  	(pc) =	sbr.rel .LBB2_6-.Ltmp4, $2  }
0x2d7: {  	_ =	sdelay $0x2  }
0x2d8: {  	s31 =	simm.s32 $0x1300;
	s30 =	stileid.u32  }
.Lfunc_end2:
_tile_overlayer_lowered:
.L_overlay_start_2:
0x2d9: {  	(tag) =	ssettag $0x2  }
0x2da: {  	s0 =	rddreg [dreg:$0x0];
	s2 =	stileid.u32  }
0x2db: {  	s1 =	rddreg [dreg:$0x1];
	p0 =	sne.s32 s2, $0x0  }
0x2dc: {  	s3 =	rddreg [dreg:$0x2];
	[bflag:$0x3] =	sbarrier.arrive $0xFFFF;
	s2 =	simm.s32 @!p0 $0x1C02  }
0x2dd: {  	[timem:s3], [sflag:s2] =	dma.local @!p0 [hbm:s0], s1  }
0x2de: {  	s0 =	simm.s32 @!p0 $0x2  }
0x2df: {  	_ =	swait.ge @!p0 [sflag:s0], s1  }
0x2e0: {  	s1 =	ssub.s32 @!p0 $0x0, s1;
	[sflag:s0] =	ssyncset.done @!p0 $0x0  }
0x2e1: {  	[sflag:s0] =	ssyncadd.s32 @!p0 s1  }
0x2e2: {  	[bflag:$0x3] =	sbarrier.arrive $0xFFFF  }
0x2e3: {  	_ =	shalt  }

// kernel: kernel.17.cloned.1.call-start
scs
__scs_entry_jumppad:
0x0: {  	(pc) =	sbr.rel $0x88, $3  }
0x1: {  	(tag) =	ssettag $0x0;
	lr =	simm.s32 $0x1  }
0x2: {  	[smem:$0x3F83] =	sst lr;
	_ =	strace $0xD0000000  }
0x3: {  	_ = 	snop  }
0x4: {  	_ = 	snop  }
0x5: {  	_ = 	snop  }
0x6: {  	_ = 	snop  }
0x7: {  	_ = 	snop  }
__scs_overlays_trampoline_lowered:
0x8: {  	[smem:$0x3F92] =	sst s0  }
0x9: {  	[smem:$0x3F93] =	sst s1  }
0xa: {  	[smem:$0x3F94] =	sst s2  }
0xb: {  	[smem:$0x3F95] =	sst s3  }
0xc: {  	[smem:$0x3F96] =	sst s4  }
0xd: {  	[smem:$0x3F97] =	sst s5  }
0xe: {  	[smem:$0x3F98] =	sst s6  }
0xf: {  	[smem:$0x3F99] =	sst s7  }
0x10: {  	[smem:$0x3F9A] =	sst s8  }
0x11: {  	[smem:$0x3F9B] =	sst s9;
	s0 =	simm.s32 @!p0 $0x0  }
0x12: {  	s1 =	sld [smem:$0x3F81];
	s0 =	simm.s32 @p0 $0x1  }
0x13: {  	[smem:$0x3F9C] =	sst s0;
	s0 =	simm.s32 @!p1 $0x0  }
0x14: {  	s2 =	sld [smem:$0x3F80];
	s0 =	simm.s32 @p1 $0x1  }
0x15: {  	[smem:$0x3F9D] =	sst s0;
	s0 =	simm.s32 @!p2 $0x0  }
0x16: {  	s3 =	sld [smem:$0x3FDB];
	s0 =	simm.s32 @p2 $0x1  }
0x17: {  	s4 =	simm.s32 $0x1BF5;
	[smem:$0x3F9F] =	sst s0  }
0x18: {  	s0 =	sld [smem:$0x3F82];
	_ =	swait.ge [sflag:s4], $0x0  }
0x19: {  	s7 =	sld [smem:$0x3F83]  }
0x1a: {  	s8 =	sadd.s32 $0xFFFFE003, lr  }
0x1b: {  	s9 =	sadd.s32 $0xFFFFFEF7, lr;
	s5 =	simm.s32 $0xFFFFFFFF;
	p2 =	slt.u32 s8, $0xFFFFF086  }
0x1c: {  	p1 =	slt.u32 s9, $0xF7A;
	s5 =	simm.s32 @!p2 $0x0  }
0x1d: {  	s5 =	simm.s32 @p1 $0x1;
	p0 =	seq.s32 s7, s2  }
0x1e: {  	s7 =	smul.u32 @!p0 $0xF7A, s2;
	p2 =	seq.s32 @!p0 s5, $0x0  }
0x1f: {  	s9 =	smul.u32 $0xF7A, s1;
	s8 =	simm.s32 @!p0 $0x1BF5;
	p2 =	por !p2, p0  }
0x20: {  	[sflag:s8] =	ssyncset.s32 @!p0 $0xFFFFF086;
	s6 =	sadd.s32 @!p0 s3, s7;
	s7 =	simm.s32 @!p0 $0x108  }
0x21: {  	s3 =	sadd.s32 s3, s9;
	s6 =	sadd.s32 @!p0 $0x88, s6;
	s7 =	simm.s32 @p2 $0x1082  }
0x22: {  	[simem:s7], [sflag:s8] =	dma.local @!p0 [hbm:s6], $0xF7A  }
0x23: {  	s9 =	sor.u32 $0xD0000000, s2;
	s6 =	simm.s32 $0x108;
	_ =	swait.ge @!p0 [sflag:s8], $0x0  }
0x24: {  	s3 =	sadd.s32 $0x88, s3;
	s6 =	simm.s32 @!p1 $0x1082;
	[sflag:s4] =	ssyncset.s32 $0xFFFFF086  }
0x25: {  	[simem:s6], [sflag:s4] =	dma.local [hbm:s3], $0xF7A  }
0x26: {  	[smem:$0x3F83] =	sst s1;
	(tag) =	ssettag s2;
	_ =	strace s9  }
0x27: {  	s1 =	sld [smem:$0x3F93]  }
0x28: {  	s2 =	sld [smem:$0x3F94]  }
0x29: {  	s4 =	sld [smem:$0x3F96]  }
0x2a: {  	p0 =	seq.s32 s5, $0x0;
	s5 =	sld [smem:$0x3F97]  }
0x2b: {  	s6 =	sld [smem:$0x3F98]  }
0x2c: {  	s7 =	sld [smem:$0x3F99]  }
0x2d: {  	s3 =	simm.s32 $0x108;
	s8 =	sld [smem:$0x3F9A]  }
0x2e: {  	s3 =	simm.s32 @!p0 $0x1082;
	s9 =	sld [smem:$0x3F9B]  }
0x2f: {  	lr =	sadd.s32 s0, s3;
	s0 =	sld [smem:$0x3F92]  }
0x30: {  	s3 =	sld [smem:$0x3F95]  }
0x31: {  	[smem:$0x3F9E] =	sst s10  }
0x32: {  	s10 =	sld [smem:$0x3F9C];
	_ =	sdelay $0x3  }
0x33: {  	p0 =	seq.s32 s10, $0x1;
	s10 =	sld [smem:$0x3F9E];
	_ =	sdelay $0x3  }
0x34: {  	[smem:$0x3F9E] =	sst s10  }
0x35: {  	s10 =	sld [smem:$0x3F9D];
	_ =	sdelay $0x3  }
0x36: {  	p1 =	seq.s32 s10, $0x1;
	s10 =	sld [smem:$0x3F9E];
	_ =	sdelay $0x3  }
0x37: {  	[smem:$0x3F9E] =	sst s10  }
0x38: {  	s10 =	sld [smem:$0x3F9F]  }
0x39: {  	_ = 	snop;
	(pc) =	sbr.ind lr, $3  }
0x3a: {  	_ = 	snop  }
0x3b: {  	_ = 	snop  }
0x3c: {  	p2 =	seq.s32 s10, $0x1;
	s10 =	sld [smem:$0x3F9E]  }
0x3d: {  	_ =	shalt  }
0x3e: {  	_ =	shalt  }
0x3f: {  	_ =	shalt  }
0x40: {  	_ =	shalt  }
0x41: {  	_ =	shalt  }
0x42: {  	_ =	shalt  }
0x43: {  	_ =	shalt  }
0x44: {  	_ =	shalt  }
0x45: {  	_ =	shalt  }
0x46: {  	_ =	shalt  }
0x47: {  	_ =	shalt  }
0x48: {  	_ =	shalt  }
0x49: {  	_ =	shalt  }
0x4a: {  	_ =	shalt  }
0x4b: {  	_ =	shalt  }
0x4c: {  	_ =	shalt  }
0x4d: {  	_ =	shalt  }
0x4e: {  	_ =	shalt  }
0x4f: {  	_ =	shalt  }
0x50: {  	_ =	shalt  }
0x51: {  	_ =	shalt  }
0x52: {  	_ =	shalt  }
0x53: {  	_ =	shalt  }
0x54: {  	_ =	shalt  }
0x55: {  	_ =	shalt  }
0x56: {  	_ =	shalt  }
0x57: {  	_ =	shalt  }
0x58: {  	_ =	shalt  }
0x59: {  	_ =	shalt  }
0x5a: {  	_ =	shalt  }
0x5b: {  	_ =	shalt  }
0x5c: {  	_ =	shalt  }
0x5d: {  	_ =	shalt  }
0x5e: {  	_ =	shalt  }
0x5f: {  	_ =	shalt  }
0x60: {  	_ =	shalt  }
0x61: {  	_ =	shalt  }
0x62: {  	_ =	shalt  }
0x63: {  	_ =	shalt  }
0x64: {  	_ =	shalt  }
0x65: {  	_ =	shalt  }
0x66: {  	_ =	shalt  }
0x67: {  	_ =	shalt  }
0x68: {  	_ =	shalt  }
0x69: {  	_ =	shalt  }
0x6a: {  	_ =	shalt  }
0x6b: {  	_ =	shalt  }
0x6c: {  	_ =	shalt  }
0x6d: {  	_ =	shalt  }
0x6e: {  	_ =	shalt  }
0x6f: {  	_ =	shalt  }
0x70: {  	_ =	shalt  }
0x71: {  	_ =	shalt  }
0x72: {  	_ =	shalt  }
0x73: {  	_ =	shalt  }
0x74: {  	_ =	shalt  }
0x75: {  	_ =	shalt  }
0x76: {  	_ =	shalt  }
0x77: {  	_ =	shalt  }
0x78: {  	_ =	shalt  }
0x79: {  	_ =	shalt  }
0x7a: {  	_ =	shalt  }
0x7b: {  	_ =	shalt  }
0x7c: {  	_ =	shalt  }
0x7d: {  	_ =	shalt  }
0x7e: {  	_ =	shalt  }
0x7f: {  	_ =	shalt  }
0x80: {  	_ =	shalt  }
0x81: {  	_ =	shalt  }
0x82: {  	_ =	shalt  }
0x83: {  	_ =	shalt  }
0x84: {  	_ =	shalt  }
0x85: {  	_ =	shalt  }
0x86: {  	_ =	shalt  }
0x87: {  	_ =	shalt  }
.Lfunc_end0:
.L_simem_size_0:
called_computation.2_lowered:
.L_overlay_start_0:
0x88: {  	s2 =	sld [smem:$0x3FD9]  }
0x89: {  	s3 =	sld [smem:$0x3FFE];
	_ =	sdelay $0x1  }
0x8a: {  	s1 =	srdreg.scid  }
0x8b: {  	s0 =	sand.u32 $0x1, s1  }
0x8c: {  	s16 =	sshll.u32 s0, $0xA;
	s2 =	sadd.s32 s3, s2  }
0x8d: {  	s2 =	sadd.s32 s2, s16  }
0x8e: {  	[smem:$0x3FAA] =	sst s2  }
0x8f: {  	_ = 	snop  }
0x90: {  	(tm) =	ssettm $0x1  }
0x91: {  	s17 =	sld [smem:$0x3FFB];
	_ =	sdelay $0x3  }
0x92: {  	_ =	strace s17  }
0x93: {  	s2 =	sld [smem:$0x3FFC];
	_ =	sdelay $0x3  }
0x94: {  	_ =	strace s2  }
0x95: {  	s2 =	sld [smem:$0x3FFD];
	_ =	sdelay $0x3  }
0x96: {  	_ =	strace s2  }
0x97: {  	_ =	strace $0x8FFFFFFF  }
0x98: {  	s18 =	sld [smem:$0x3FDB];
	_ =	sdelay $0x1  }
0x99: {  	s19 =	simm.s32 $_scs_section_size  }
0x9a: {  	s4 =	simm.s32 $_size__tile_overlayer_lowered;
	s5 =	simm.s32 $_tile_overlayer_lowered  }
0x9b: {  	s22 =	simm.s32 $0x1BFF;
	s21 =	sshll.u32 s5, $0x1;
	s2 =	sadd.s32 s19, s18  }
0x9c: {  	s6 =	simm.s32 $0x0;
	s20 =	sshll.u32 s4, $0x1;
	s4 =	sadd.s32 s21, s2  }
0x9d: {  	[timem:s6], [sflag:s22] =	dma.local [hbm:s4], s20  }
0x9e: {  	_ =	swait.ge [sflag:s22], s20  }
0x9f: {  	s3 =	ssub.s32 $0x0, s20;
	[sflag:s22] =	ssyncset.done $0x0  }
0xa0: {  	[sflag:s22] =	ssyncadd.s32 s3;
	_ =	sdelay $0x1  }
0xa1: {  	s23 =	simm.s32 $0x1B8B  }
0xa2: {  	_ =	swait.ge [sflag:s23], $0x1  }
0xa3: {  	[sflag:s23] =	ssyncset.done $0x0  }
0xa4: {  	s25 =	simm.s32 $0x1B8E;
	s24 =	sld [smem:$0x3FFE];
	[sflag:s23] =	ssyncadd.s32 $0xFFFFFFFF  }
0xa5: {  	s26 =	simm.s32 $execute0_lowered;
	[smem:$0x3FD2] =	sst s25  }
0xa6: {  	s4 =	sshll.u32 s26, $0x1;
	_ =	strace $0x8000004C;
	[dreg:$0x1] =	wrdreg $0xFFFFFFFF  }
0xa7: {  	s28 =	simm.s32 $_size_execute0_lowered;
	s2 =	sadd.s32 s2, s4;
	[dreg:$0x0] =	wrdreg $0x0  }
0xa8: {  	s4 =	sshll.u32 s28, $0x1;
	[dreg:$0x2] =	wrdreg s2  }
0xa9: {  	[dreg:$0x3] =	wrdreg s4  }
0xaa: {  	[dreg:$0x4] =	wrdreg $0xC0  }
0xab: {  	_ =	task [dreg:s6], $0x5FFFF  }
0xac: {  	[dreg:$0x1] =	wrdreg $0xFFFFFFFF  }
0xad: {  	[dreg:$0x0] =	wrdreg $0x60  }
0xae: {  	[dreg:$0x2] =	wrdreg s24  }
0xaf: {  	[dreg:$0x3] =	wrdreg $0x9  }
0xb0: {  	_ =	task.clear_ibuf [dreg:s6], $0x4FFFF;
	_ =	strace $0x9000004C  }
0xb1: {  	s29 =	simm.s32 $0x9;
	_ =	strace $0x8000004E  }
0xb2: {  	_ =	swait.ge [sflag:s29], $0x1  }
0xb3: {  	[sflag:s29] =	ssyncadd.s32 $0xFFFFFFFF  }
0xb4: {  	_ =	strace $0x9000004E  }
0xb5: {  	_ =	sfence  }
0xb6: {  	s30 =	sld [smem:$0x0];
	_ =	sdelay $0x2  }
0xb7: {  	s31 =	sshll.u32 s1, $0xD;
	s1 =	sshrl.u32 s1, $0x2  }
0xb8: {  	s3 =	sand.u32 $0x4000, s31;
	s1 =	sadd.s32 s1, s30  }
0xb9: {  	s0 =	sor.u32 s3, s0;
	s1 =	sshll.u32 s1, $0x11  }
0xba: {  	s0 =	sor.u32 s1, s0  }
0xbb: {  	s0 =	sadd.s32 $0x8F2B, s0  }
0xbc: {  	[sflag:s0] =	ssyncadd.remote.s32 $0x1  }
0xbd: {  	_ =	sfence.sel $0xFFFF  }
0xbe: {  	[dreg:$0x0] =	wrdreg $0xFFFFFFFF;
	(pc) =	sbr.abs _section_cstart, $3  }
0xbf: {  	[dreg:$0x1] =	wrdreg $0xFFFFFFFF  }
0xc0: {  	_ =	task.clear_ibuf [dreg:s6], $0x2FFFF;
	_ =	strace $0x9FFFFFFF  }
0xc1: {  	(tm) =	ssettm $0x7FFFFFFF  }
tec
execute0_lowered:
.L_overlay_start_1:
0x0: {  	(tag) =	ssettag $0x1  }
0x1: {  	s1 =	srdreg.scid;
	s0 =	stileid.u32  }
0x2: {  	s10 =	sand.u32 $0x1, s1;
	s28 =	sshll.u32 s0, $0x1  }
0x3: {  	s11 =	sor.u32 s10, s28  }
0x4: {  	s9 =	rddreg [dreg:$0x0];
	s3 =	smul.u32 $0x280, s11  }
0x5: {  	s2 =	simm.s32 $0x0;
	s1 =	rddreg [dreg:$0x1]  }
0x6: {  	[smem:$0x7FF] =	sst s2;
	s3 =	sadd.s32 s3, s9  }
0x7: {  	_ =	strace $0x8000004D;
	s4 =	sadd.s32 $0x37200, s3;
	s3 =	simm.s32 $0x2  }
0x8: {  	[tilespmem:s2], [sflag:$0x2] =	stream.linear.gather [hbm4b:s4+s2], $0x1400, $0x38;
	[tilespmem:$0x15400] =	vst v63  }
0x9: {  	_ =	swait.ge [sflag:s3], $0x1400  }
0xa: {  	s6 =	simm.s32 $0xA00;
	s7 =	simm.s32 $0x1400;
	[sflag:s3] =	ssyncset.done $0x0  }
0xb: {  	s8 =	simm.s32 $0x1;
	s5 =	sadd.s32 $0x3C200, s9;
	[sflag:s3] =	ssyncadd.s32 $0xFFFFEC00  }
0xc: {  	[tilespmem:s7], [sflag:$0x1] =	stream.indirect.gather [hbm4b:s5+s6], $0x20, s2, s6, $0xb8;
	[tilespmem:$0x15400] =	vst v63  }
0xd: {  	s12 =	smul.u32 $0x5000, s11;
	_ =	swait.ge [sflag:s8], $0x14000  }
0xe: {  	s13 =	sadd.s32 $0xE1200, s9;
	[sflag:s8] =	ssyncset.done $0x0  }
0xf: {  	s10 =	ssub.s32 $0x2, s10;
	s9 =	sadd.s32 s13, s12;
	[sflag:s8] =	ssyncadd.s32 $0xFFFEC000  }
0x10: {  	[hbm4b:s9+s2] =	stream.linear.scatter [tilespmem:s7], [sflag:$0x2], $0x14000, $0x38;
	[tilespmem:$0x15400] =	vst v63  }
0x11: {  	s29 =	sshrl.u32 s10, $0x1;
	_ =	swait.ge [sflag:s3], $0x14000  }
0x12: {  	s12 =	ssub.s32 s10, s29;
	[sflag:s3] =	ssyncset.done $0x0  }
0x13: {  	s11 =	smul.u32 $0x28000, s11;
	s31 =	smax.u32 s12, $0x1;
	[sflag:s3] =	ssyncadd.s32 $0xFFFEC000  }
0x14: {  	[tilespmem:s7], [sflag:$0x1] =	stream.indirect.gather [hbm4b:s5+s6], $0x20, s6, s6, $0xb8;
	[tilespmem:$0x15400] =	vst v63  }
0x15: {  	s11 =	sshrl.u32 s11, $0x3;
	p0 =	sne.s32 s31, $0x1;
	_ =	swait.ge [sflag:s8], $0x14000  }
.Ltmp0:
0x16: {  	s30 =	sadd.s32 s13, s11;
	[sflag:s8] =	ssyncset.done $0x0;
	(pc) =	sbr.rel @!p0 .LBB2_2-.Ltmp0, $4  }
0x17: {  	s10 =	sadd.s32 $0x2800, s30;
	[sflag:s8] =	ssyncadd.s32 $0xFFFEC000  }
0x18: {  	[hbm4b:s10+s2] =	stream.linear.scatter [tilespmem:s7], [sflag:$0x2], $0x14000, $0x38;
	[tilespmem:$0x15400] =	vst v63  }
0x19: {  	_ =	swait.ge [sflag:s3], $0x14000  }
0x1a: {  	s11 =	sadd.s32 $0xFFFFFFFF, s31;
	[sflag:s3] =	ssyncset.done $0x0  }
.LBB2_1:
0x1b: {  	p0 =	sne.s32 s11, $0x1;
	s11 =	sadd.s32 $0xFFFFFFFF, s11;
	[sflag:s3] =	ssyncadd.s32 $0xFFFEC000  }
0x1c: {  	[tilespmem:s2], [sflag:$0x2] =	stream.linear.gather [hbm4b:s4+s2], $0x1400, $0x38;
	[tilespmem:$0x15400] =	vst v63  }
0x1d: {  	_ =	swait.ge [sflag:s3], $0x1400  }
0x1e: {  	[sflag:s3] =	ssyncset.done $0x0  }
0x1f: {  	[sflag:s3] =	ssyncadd.s32 $0xFFFFEC00  }
0x20: {  	[tilespmem:s7], [sflag:$0x1] =	stream.indirect.gather [hbm4b:s5+s6], $0x20, s2, s6, $0xb8;
	[tilespmem:$0x15400] =	vst v63  }
0x21: {  	_ =	swait.ge [sflag:s8], $0x14000  }
0x22: {  	[sflag:s8] =	ssyncset.done $0x0  }
0x23: {  	[sflag:s8] =	ssyncadd.s32 $0xFFFEC000  }
0x24: {  	[hbm4b:s9+s2] =	stream.linear.scatter [tilespmem:s7], [sflag:$0x2], $0x14000, $0x38;
	[tilespmem:$0x15400] =	vst v63  }
0x25: {  	_ =	swait.ge [sflag:s3], $0x14000  }
0x26: {  	[sflag:s3] =	ssyncset.done $0x0  }
0x27: {  	[sflag:s3] =	ssyncadd.s32 $0xFFFEC000  }
0x28: {  	[tilespmem:s7], [sflag:$0x1] =	stream.indirect.gather [hbm4b:s5+s6], $0x20, s6, s6, $0xb8;
	[tilespmem:$0x15400] =	vst v63  }
0x29: {  	_ =	swait.ge [sflag:s8], $0x14000  }
.Ltmp1:
0x2a: {  	[sflag:s8] =	ssyncset.done $0x0;
	(pc) =	sbr.rel @p0 .LBB2_1-.Ltmp1, $4  }
0x2b: {  	[sflag:s8] =	ssyncadd.s32 $0xFFFEC000  }
0x2c: {  	[hbm4b:s10+s2] =	stream.linear.scatter [tilespmem:s7], [sflag:$0x2], $0x14000, $0x38;
	[tilespmem:$0x15400] =	vst v63  }
0x2d: {  	_ =	swait.ge [sflag:s3], $0x14000  }
0x2e: {  	[sflag:s3] =	ssyncset.done $0x0  }
.LBB2_2:
0x2f: {  	[sflag:s3] =	ssyncadd.s32 $0xFFFEC000  }
0x30: {  	_ =	sfence.sel $0x180000  }
0x31: {  	[bflag:$0x0] =	sbarrier.arrive $0xFFFF  }
0x32: {  	p0 =	sne.s32 s0, $0x0;
	_ =	strace $0x9000004D  }
0x33: {  	s0 =	sadd.s32 @!p0 $0x100000, s1;
	[bflag:$0x2] =	sbarrier.arrive $0xFFFF  }
0x34: {  	[sflag:s0] =	ssyncadd.tile.s32 @!p0 $0x1;
	_ =	shalt  }
.Lfunc_end2:
_tile_overlayer_lowered:
.L_overlay_start_2:
0x35: {  	(tag) =	ssettag $0x2  }
0x36: {  	s0 =	rddreg [dreg:$0x0];
	s2 =	stileid.u32  }
0x37: {  	s1 =	rddreg [dreg:$0x1];
	p0 =	sne.s32 s2, $0x0  }
0x38: {  	s3 =	rddreg [dreg:$0x2];
	[bflag:$0x3] =	sbarrier.arrive $0xFFFF;
	s2 =	simm.s32 @!p0 $0x1C02  }
0x39: {  	[timem:s3], [sflag:s2] =	dma.local @!p0 [hbm:s0], s1  }
0x3a: {  	s0 =	simm.s32 @!p0 $0x2  }
0x3b: {  	_ =	swait.ge @!p0 [sflag:s0], s1  }
0x3c: {  	s1 =	ssub.s32 @!p0 $0x0, s1;
	[sflag:s0] =	ssyncset.done @!p0 $0x0  }
0x3d: {  	[sflag:s0] =	ssyncadd.s32 @!p0 s1  }
0x3e: {  	[bflag:$0x3] =	sbarrier.arrive $0xFFFF  }
0x3f: {  	_ =	shalt  }

// kernel: kernel.20.cloned.1.call-start
scs
__scs_entry_jumppad:
0x0: {  	(pc) =	sbr.rel $0x88, $3  }
0x1: {  	(tag) =	ssettag $0x0;
	lr =	simm.s32 $0x1  }
0x2: {  	[smem:$0x3F83] =	sst lr;
	_ =	strace $0xD0000000  }
0x3: {  	_ = 	snop  }
0x4: {  	_ = 	snop  }
0x5: {  	_ = 	snop  }
0x6: {  	_ = 	snop  }
0x7: {  	_ = 	snop  }
__scs_overlays_trampoline_lowered:
0x8: {  	[smem:$0x3F92] =	sst s0  }
0x9: {  	[smem:$0x3F93] =	sst s1  }
0xa: {  	[smem:$0x3F94] =	sst s2  }
0xb: {  	[smem:$0x3F95] =	sst s3  }
0xc: {  	[smem:$0x3F96] =	sst s4  }
0xd: {  	[smem:$0x3F97] =	sst s5  }
0xe: {  	[smem:$0x3F98] =	sst s6  }
0xf: {  	[smem:$0x3F99] =	sst s7  }
0x10: {  	[smem:$0x3F9A] =	sst s8  }
0x11: {  	[smem:$0x3F9B] =	sst s9;
	s0 =	simm.s32 @!p0 $0x0  }
0x12: {  	s1 =	sld [smem:$0x3F81];
	s0 =	simm.s32 @p0 $0x1  }
0x13: {  	[smem:$0x3F9C] =	sst s0;
	s0 =	simm.s32 @!p1 $0x0  }
0x14: {  	s2 =	sld [smem:$0x3F80];
	s0 =	simm.s32 @p1 $0x1  }
0x15: {  	[smem:$0x3F9D] =	sst s0;
	s0 =	simm.s32 @!p2 $0x0  }
0x16: {  	s3 =	sld [smem:$0x3FDB];
	s0 =	simm.s32 @p2 $0x1  }
0x17: {  	s4 =	simm.s32 $0x1BF5;
	[smem:$0x3F9F] =	sst s0  }
0x18: {  	s0 =	sld [smem:$0x3F82];
	_ =	swait.ge [sflag:s4], $0x0  }
0x19: {  	s7 =	sld [smem:$0x3F83]  }
0x1a: {  	s8 =	sadd.s32 $0xFFFFE003, lr  }
0x1b: {  	s9 =	sadd.s32 $0xFFFFFEF7, lr;
	s5 =	simm.s32 $0xFFFFFFFF;
	p2 =	slt.u32 s8, $0xFFFFF086  }
0x1c: {  	p1 =	slt.u32 s9, $0xF7A;
	s5 =	simm.s32 @!p2 $0x0  }
0x1d: {  	s5 =	simm.s32 @p1 $0x1;
	p0 =	seq.s32 s7, s2  }
0x1e: {  	s7 =	smul.u32 @!p0 $0xF7A, s2;
	p2 =	seq.s32 @!p0 s5, $0x0  }
0x1f: {  	s9 =	smul.u32 $0xF7A, s1;
	s8 =	simm.s32 @!p0 $0x1BF5;
	p2 =	por !p2, p0  }
0x20: {  	[sflag:s8] =	ssyncset.s32 @!p0 $0xFFFFF086;
	s6 =	sadd.s32 @!p0 s3, s7;
	s7 =	simm.s32 @!p0 $0x108  }
0x21: {  	s3 =	sadd.s32 s3, s9;
	s6 =	sadd.s32 @!p0 $0x88, s6;
	s7 =	simm.s32 @p2 $0x1082  }
0x22: {  	[simem:s7], [sflag:s8] =	dma.local @!p0 [hbm:s6], $0xF7A  }
0x23: {  	s9 =	sor.u32 $0xD0000000, s2;
	s6 =	simm.s32 $0x108;
	_ =	swait.ge @!p0 [sflag:s8], $0x0  }
0x24: {  	s3 =	sadd.s32 $0x88, s3;
	s6 =	simm.s32 @!p1 $0x1082;
	[sflag:s4] =	ssyncset.s32 $0xFFFFF086  }
0x25: {  	[simem:s6], [sflag:s4] =	dma.local [hbm:s3], $0xF7A  }
0x26: {  	[smem:$0x3F83] =	sst s1;
	(tag) =	ssettag s2;
	_ =	strace s9  }
0x27: {  	s1 =	sld [smem:$0x3F93]  }
0x28: {  	s2 =	sld [smem:$0x3F94]  }
0x29: {  	s4 =	sld [smem:$0x3F96]  }
0x2a: {  	p0 =	seq.s32 s5, $0x0;
	s5 =	sld [smem:$0x3F97]  }
0x2b: {  	s6 =	sld [smem:$0x3F98]  }
0x2c: {  	s7 =	sld [smem:$0x3F99]  }
0x2d: {  	s3 =	simm.s32 $0x108;
	s8 =	sld [smem:$0x3F9A]  }
0x2e: {  	s3 =	simm.s32 @!p0 $0x1082;
	s9 =	sld [smem:$0x3F9B]  }
0x2f: {  	lr =	sadd.s32 s0, s3;
	s0 =	sld [smem:$0x3F92]  }
0x30: {  	s3 =	sld [smem:$0x3F95]  }
0x31: {  	[smem:$0x3F9E] =	sst s10  }
0x32: {  	s10 =	sld [smem:$0x3F9C];
	_ =	sdelay $0x3  }
0x33: {  	p0 =	seq.s32 s10, $0x1;
	s10 =	sld [smem:$0x3F9E];
	_ =	sdelay $0x3  }
0x34: {  	[smem:$0x3F9E] =	sst s10  }
0x35: {  	s10 =	sld [smem:$0x3F9D];
	_ =	sdelay $0x3  }
0x36: {  	p1 =	seq.s32 s10, $0x1;
	s10 =	sld [smem:$0x3F9E];
	_ =	sdelay $0x3  }
0x37: {  	[smem:$0x3F9E] =	sst s10  }
0x38: {  	s10 =	sld [smem:$0x3F9F]  }
0x39: {  	_ = 	snop;
	(pc) =	sbr.ind lr, $3  }
0x3a: {  	_ = 	snop  }
0x3b: {  	_ = 	snop  }
0x3c: {  	p2 =	seq.s32 s10, $0x1;
	s10 =	sld [smem:$0x3F9E]  }
0x3d: {  	_ =	shalt  }
0x3e: {  	_ =	shalt  }
0x3f: {  	_ =	shalt  }
0x40: {  	_ =	shalt  }
0x41: {  	_ =	shalt  }
0x42: {  	_ =	shalt  }
0x43: {  	_ =	shalt  }
0x44: {  	_ =	shalt  }
0x45: {  	_ =	shalt  }
0x46: {  	_ =	shalt  }
0x47: {  	_ =	shalt  }
0x48: {  	_ =	shalt  }
0x49: {  	_ =	shalt  }
0x4a: {  	_ =	shalt  }
0x4b: {  	_ =	shalt  }
0x4c: {  	_ =	shalt  }
0x4d: {  	_ =	shalt  }
0x4e: {  	_ =	shalt  }
0x4f: {  	_ =	shalt  }
0x50: {  	_ =	shalt  }
0x51: {  	_ =	shalt  }
0x52: {  	_ =	shalt  }
0x53: {  	_ =	shalt  }
0x54: {  	_ =	shalt  }
0x55: {  	_ =	shalt  }
0x56: {  	_ =	shalt  }
0x57: {  	_ =	shalt  }
0x58: {  	_ =	shalt  }
0x59: {  	_ =	shalt  }
0x5a: {  	_ =	shalt  }
0x5b: {  	_ =	shalt  }
0x5c: {  	_ =	shalt  }
0x5d: {  	_ =	shalt  }
0x5e: {  	_ =	shalt  }
0x5f: {  	_ =	shalt  }
0x60: {  	_ =	shalt  }
0x61: {  	_ =	shalt  }
0x62: {  	_ =	shalt  }
0x63: {  	_ =	shalt  }
0x64: {  	_ =	shalt  }
0x65: {  	_ =	shalt  }
0x66: {  	_ =	shalt  }
0x67: {  	_ =	shalt  }
0x68: {  	_ =	shalt  }
0x69: {  	_ =	shalt  }
0x6a: {  	_ =	shalt  }
0x6b: {  	_ =	shalt  }
0x6c: {  	_ =	shalt  }
0x6d: {  	_ =	shalt  }
0x6e: {  	_ =	shalt  }
0x6f: {  	_ =	shalt  }
0x70: {  	_ =	shalt  }
0x71: {  	_ =	shalt  }
0x72: {  	_ =	shalt  }
0x73: {  	_ =	shalt  }
0x74: {  	_ =	shalt  }
0x75: {  	_ =	shalt  }
0x76: {  	_ =	shalt  }
0x77: {  	_ =	shalt  }
0x78: {  	_ =	shalt  }
0x79: {  	_ =	shalt  }
0x7a: {  	_ =	shalt  }
0x7b: {  	_ =	shalt  }
0x7c: {  	_ =	shalt  }
0x7d: {  	_ =	shalt  }
0x7e: {  	_ =	shalt  }
0x7f: {  	_ =	shalt  }
0x80: {  	_ =	shalt  }
0x81: {  	_ =	shalt  }
0x82: {  	_ =	shalt  }
0x83: {  	_ =	shalt  }
0x84: {  	_ =	shalt  }
0x85: {  	_ =	shalt  }
0x86: {  	_ =	shalt  }
0x87: {  	_ =	shalt  }
.Lfunc_end0:
.L_simem_size_0:
called_computation.3_lowered:
.L_overlay_start_0:
0x88: {  	s2 =	sld [smem:$0x3FD9]  }
0x89: {  	s3 =	sld [smem:$0x3FFE];
	_ =	sdelay $0x1  }
0x8a: {  	s1 =	srdreg.scid  }
0x8b: {  	s0 =	sand.u32 $0x1, s1  }
0x8c: {  	s16 =	sshll.u32 s0, $0xA;
	s2 =	sadd.s32 s3, s2  }
0x8d: {  	s2 =	sadd.s32 s2, s16  }
0x8e: {  	[smem:$0x3FAA] =	sst s2  }
0x8f: {  	_ = 	snop  }
0x90: {  	(tm) =	ssettm $0x1  }
0x91: {  	s17 =	sld [smem:$0x3FFB];
	_ =	sdelay $0x3  }
0x92: {  	_ =	strace s17  }
0x93: {  	s2 =	sld [smem:$0x3FFC];
	_ =	sdelay $0x3  }
0x94: {  	_ =	strace s2  }
0x95: {  	s2 =	sld [smem:$0x3FFD];
	_ =	sdelay $0x3  }
0x96: {  	_ =	strace s2  }
0x97: {  	_ =	strace $0x8FFFFFFF  }
0x98: {  	s18 =	sld [smem:$0x3FDB];
	_ =	sdelay $0x1  }
0x99: {  	s19 =	simm.s32 $_scs_section_size  }
0x9a: {  	s4 =	simm.s32 $_size__tile_overlayer_lowered;
	s5 =	simm.s32 $_tile_overlayer_lowered  }
0x9b: {  	s22 =	simm.s32 $0x1BFF;
	s21 =	sshll.u32 s5, $0x1;
	s2 =	sadd.s32 s19, s18  }
0x9c: {  	s6 =	simm.s32 $0x0;
	s20 =	sshll.u32 s4, $0x1;
	s4 =	sadd.s32 s21, s2  }
0x9d: {  	[timem:s6], [sflag:s22] =	dma.local [hbm:s4], s20  }
0x9e: {  	_ =	swait.ge [sflag:s22], s20  }
0x9f: {  	s3 =	ssub.s32 $0x0, s20;
	[sflag:s22] =	ssyncset.done $0x0  }
0xa0: {  	[sflag:s22] =	ssyncadd.s32 s3;
	_ =	sdelay $0x1  }
0xa1: {  	s23 =	simm.s32 $0x1B8B  }
0xa2: {  	_ =	swait.ge [sflag:s23], $0x1  }
0xa3: {  	[sflag:s23] =	ssyncset.done $0x0  }
0xa4: {  	s25 =	simm.s32 $0x1B8E;
	s24 =	sld [smem:$0x3FFE];
	[sflag:s23] =	ssyncadd.s32 $0xFFFFFFFF  }
0xa5: {  	s26 =	simm.s32 $execute0_lowered;
	[smem:$0x3FD2] =	sst s25  }
0xa6: {  	s4 =	sshll.u32 s26, $0x1;
	_ =	strace $0x8000004F;
	[dreg:$0x1] =	wrdreg $0xFFFFFFFF  }
0xa7: {  	s28 =	simm.s32 $_size_execute0_lowered;
	s2 =	sadd.s32 s2, s4;
	[dreg:$0x0] =	wrdreg $0x0  }
0xa8: {  	s4 =	sshll.u32 s28, $0x1;
	[dreg:$0x2] =	wrdreg s2  }
0xa9: {  	[dreg:$0x3] =	wrdreg s4  }
0xaa: {  	[dreg:$0x4] =	wrdreg $0xC0  }
0xab: {  	_ =	task [dreg:s6], $0x5FFFF  }
0xac: {  	[dreg:$0x1] =	wrdreg $0xFFFFFFFF  }
0xad: {  	[dreg:$0x0] =	wrdreg $0x60  }
0xae: {  	[dreg:$0x2] =	wrdreg s24  }
0xaf: {  	[dreg:$0x3] =	wrdreg $0x154000  }
0xb0: {  	[dreg:$0x4] =	wrdreg $0x9  }
0xb1: {  	_ =	task.clear_ibuf [dreg:s6], $0x5FFFF;
	_ =	strace $0x9000004F  }
0xb2: {  	s29 =	simm.s32 $0x9;
	_ =	strace $0x80000051  }
0xb3: {  	_ =	swait.ge [sflag:s29], $0x1  }
0xb4: {  	[sflag:s29] =	ssyncadd.s32 $0xFFFFFFFF  }
0xb5: {  	_ =	strace $0x90000051  }
0xb6: {  	_ =	sfence  }
0xb7: {  	s30 =	sld [smem:$0x0];
	_ =	sdelay $0x2  }
0xb8: {  	s31 =	sshll.u32 s1, $0xD;
	s1 =	sshrl.u32 s1, $0x2  }
0xb9: {  	s3 =	sand.u32 $0x4000, s31;
	s1 =	sadd.s32 s1, s30  }
0xba: {  	s0 =	sor.u32 s3, s0;
	s1 =	sshll.u32 s1, $0x11  }
0xbb: {  	s0 =	sor.u32 s1, s0  }
0xbc: {  	s0 =	sadd.s32 $0x8F2B, s0  }
0xbd: {  	[sflag:s0] =	ssyncadd.remote.s32 $0x1  }
0xbe: {  	_ =	sfence.sel $0xFFFF  }
0xbf: {  	[dreg:$0x0] =	wrdreg $0xFFFFFFFF;
	(pc) =	sbr.abs _section_cstart, $3  }
0xc0: {  	[dreg:$0x1] =	wrdreg $0xFFFFFFFF  }
0xc1: {  	_ =	task.clear_ibuf [dreg:s6], $0x2FFFF;
	_ =	strace $0x9FFFFFFF  }
0xc2: {  	(tm) =	ssettm $0x7FFFFFFF  }
0xc3: {  	_ =	shalt  }
tec
execute0_lowered:
.L_overlay_start_1:
0x0: {  	(tag) =	ssettag $0x1  }
0x1: {  	s0 =	srdreg.scid;
	s1 =	rddreg [dreg:$0x0]  }
0x2: {  	s30 =	stileid.u32;
	s2 =	rddreg [dreg:$0x1];
	s7 =	simm.s32 $0x0  }
0x3: {  	s11 =	simm.s32 $0x280;
	s12 =	simm.s32 $0x300;
	[smem:$0x7FF] =	sst s7  }
0x4: {  	s13 =	simm.s32 $0x380;
	_ =	strace $0x80000050;
	[dreg:$0xb] =	wrdreg s11  }
0x5: {  	s14 =	simm.s32 $0x400;
	s15 =	simm.s32 $0x480;
	[dreg:$0xc] =	wrdreg s12  }
0x6: {  	s16 =	simm.s32 $0x500;
	s17 =	simm.s32 $0x580;
	[dreg:$0xd] =	wrdreg s13  }
0x7: {  	s18 =	simm.s32 $0x600;
	s20 =	simm.s32 $0x680;
	[dreg:$0xe] =	wrdreg s14  }
0x8: {  	s21 =	simm.s32 $0x700;
	s23 =	simm.s32 $0x780;
	[dreg:$0xf] =	wrdreg s15  }
0x9: {  	p0 =	por $0x0, $0x0;
	s28 =	simm.s32 $0x13400;
	[dreg:$0x10] =	wrdreg s16  }
0xa: {  	s29 =	simm.s32 $0x14400;
	s31 =	simm.s32 $0x1380;
	[dreg:$0x11] =	wrdreg s17  }
0xb: {  	s0 =	sand.u32 $0x1, s0;
	s3 =	sshll.u32 s30, $0x1;
	[dreg:$0x12] =	wrdreg s18  }
0xc: {  	s5 =	smul.u32 $0x4E40, s30;
	s8 =	sadd.s32 $0x37200, s1;
	[dreg:$0x13] =	wrdreg s20  }
0xd: {  	s24 =	sshll.u32 s30, $0x6;
	s3 =	sor.u32 s0, s3;
	[dreg:$0x14] =	wrdreg s21  }
0xe: {  	s6 =	smul.u32 $0x4E400, s0;
	s0 =	ssub.s32 $0x2, s0;
	[dreg:$0x15] =	wrdreg s23  }
0xf: {  	s11 =	simm.s32 $0xB00;
	s12 =	simm.s32 $0xB80;
	s13 =	simm.s32 $0xC00  }
0x10: {  	s14 =	simm.s32 $0xC80;
	s15 =	simm.s32 $0xD00;
	s16 =	simm.s32 $0xD80  }
0x11: {  	s17 =	simm.s32 $0xE00;
	s18 =	simm.s32 $0xE80;
	[dreg:$0x1c] =	wrdreg s11  }
0x12: {  	s20 =	simm.s32 $0xF80;
	s21 =	simm.s32 $0x1000;
	[dreg:$0x1d] =	wrdreg s12  }
0x13: {  	s23 =	simm.s32 $0x1100;
	s4 =	smul.u32 $0x280, s3;
	[dreg:$0x1e] =	wrdreg s13  }
0x14: {  	s9 =	sshrl.u32 s5, $0x3;
	s10 =	smul.u32 $0x28000, s3;
	[dreg:$0x1f] =	wrdreg s14  }
0x15: {  	s3 =	smul.u32 $0x5000, s3;
	s19 =	sshrl.u32 s0, $0x1;
	[smem:$0x7F2] =	sst s15  }
0x16: {  	s22 =	sadd.s32 s5, s2;
	s11 =	simm.s32 $0x3400;
	[smem:$0x7F3] =	sst s16  }
0x17: {  	s12 =	simm.s32 $0x4400;
	s13 =	simm.s32 $0x5400;
	[smem:$0x7F4] =	sst s17  }
0x18: {  	s14 =	simm.s32 $0x6400;
	s15 =	simm.s32 $0x7400;
	[smem:$0x7F5] =	sst s18  }
0x19: {  	s16 =	simm.s32 $0x8400;
	s17 =	simm.s32 $0x9400;
	[smem:$0x7F7] =	sst s20  }
0x1a: {  	s18 =	simm.s32 $0xA400;
	[smem:$0x7F8] =	sst s21;
	s20 =	simm.s32 $0xC400  }
0x1b: {  	s21 =	simm.s32 $0xD400;
	[smem:$0x7FA] =	sst s23;
	s23 =	simm.s32 $0xF400  }
0x1c: {  	s9 =	sadd.s32 s9, s1;
	s6 =	sadd.s32 s5, s6;
	s5 =	simm.s32 $0x900  }
0x1d: {  	s0 =	ssub.s32 s0, s19;
	s19 =	simm.s32 $0xF00;
	[dreg:$0x18] =	wrdreg s5  }
0x1e: {  	s4 =	sadd.s32 s4, s1;
	s9 =	sadd.s32 $0x2D400, s9;
	[smem:$0x7F6] =	sst s19  }
0x1f: {  	s6 =	sshrl.u32 s6, $0x3;
	s3 =	sadd.s32 s8, s3;
	[dreg:$0x3] =	wrdreg s9  }
0x20: {  	s25 =	sshrl.u32 s10, $0x3;
	s10 =	simm.s32 $0x200;
	[dreg:$0x5] =	wrdreg s3  }
0x21: {  	s5 =	simm.s32 $0x2;
	s4 =	sadd.s32 $0xDC200, s4;
	[dreg:$0xa] =	wrdreg s10  }
0x22: {  	s26 =	sadd.s32 s8, s25;
	s8 =	simm.s32 $0x100;
	[dreg:$0x4] =	wrdreg s4  }
0x23: {  	s19 =	simm.s32 $0xB400;
	s9 =	simm.s32 $0x180;
	[dreg:$0x8] =	wrdreg s8  }
0x24: {  	s1 =	sadd.s32 s6, s1;
	s25 =	simm.s32 $0x800;
	[dreg:$0x9] =	wrdreg s9  }
0x25: {  	s3 =	sor.u32 $0x1C02, s24;
	s10 =	simm.s32 $0xA80;
	[dreg:$0x16] =	wrdreg s25  }
0x26: {  	s24 =	simm.s32 $0x1180;
	s6 =	sadd.s32 $0x2800, s26;
	[dreg:$0x1b] =	wrdreg s10  }
0x27: {  	s1 =	sadd.s32 $0xE1200, s1;
	s26 =	simm.s32 $0x880;
	[smem:$0x7FB] =	sst s24  }
0x28: {  	s4 =	sshrl.u32 s22, $0x3;
	s8 =	simm.s32 $0xA00;
	[dreg:$0x6] =	wrdreg s6  }
0x29: {  	s9 =	simm.s32 $0x1400;
	s10 =	simm.s32 $0x2400;
	[dreg:$0x7] =	wrdreg s1  }
0x2a: {  	s22 =	simm.s32 $0x1080;
	s1 =	smax.u32 s0, $0x1;
	[dreg:$0x17] =	wrdreg s26  }
0x2b: {  	s25 =	simm.s32 $0x1200;
	[dreg:$0x1a] =	wrdreg s8;
	p1 =	sne.s32 s1, $0x1  }
.Ltmp0:
0x2c: {  	s24 =	simm.s32 $0x10400;
	[smem:$0x7F9] =	sst s22;
	(pc) =	sbr.rel @!p1 .LBB2_1-.Ltmp0, $4  }
0x2d: {  	s6 =	simm.s32 $0x980;
	s8 =	simm.s32 $0x80;
	[smem:$0x7FC] =	sst s25  }
0x2e: {  	s22 =	simm.s32 $0xE400;
	s26 =	simm.s32 $0x1280;
	s0 =	rddreg [dreg:$0x3]  }
0x2f: {  	s25 =	simm.s32 $0x11400;
	[dreg:$0x19] =	wrdreg s6;
	s6 =	simm.s32 $0x1  }
0x30: {  	[smem:$0x7FD] =	sst s26;
	s1 =	sadd.s32 $0xFFFFFFFF, s1;
	s26 =	simm.s32 $0x12400  }
0x31: {  	[spmem:s4], [sflag:s3] =	dma.local [hbm:s0], $0x9C8  }
0x32: {  	_ =	swait.ge [sflag:s5], $0x9C8  }
0x33: {  	[sflag:s5] =	ssyncset.done $0x0  }
0x34: {  	s30 =	rddreg [dreg:$0x4];
	[sflag:s5] =	ssyncadd.s32 $0xFFFFF638  }
0x35: {  	[tilespmem:s7], [sflag:$0x2] =	stream.linear.gather [hbm4b:s30+s7], $0x1400, $0x38;
	[tilespmem:$0x1A240] =	vst v63  }
0x36: {  	_ =	swait.ge [sflag:s5], $0x1400  }
0x37: {  	[sflag:s5] =	ssyncset.done $0x0  }
0x38: {  	[sflag:s5] =	ssyncadd.s32 $0xFFFFEC00  }
0x39: {  	[bflag:$0x0] =	sbarrier.arrive $0xFFFF  }
0x3a: {  	s30 =	rddreg [dreg:$0x5]  }
0x3b: {  	[tilespmem:s9], [sflag:$0x1] =	stream.linear.gather [hbm4b:s30+s7], $0x14000, $0x38;
	[tilespmem:$0x1A240] =	vst v63  }
0x3c: {  	_ =	swait.ge [sflag:s6], $0x14000  }
0x3d: {  	[sflag:s6] =	ssyncset.done $0x0  }
0x3e: {  	[sflag:s6] =	ssyncadd.s32 $0xFFFEC000  }
0x3f: {  	[spmem:s2] =	stream.indirect.scatter.add.f32 [tilespmem:s9], [sflag:$0x1], $0x20, s7, s8, $0xb8;
	[tilespmem:$0x1A240] =	vst v63  }
0x40: {  	_ = 	snop  }
0x41: {  	[spmem:s2] =	stream.indirect.scatter.add.f32 [tilespmem:s10], [sflag:$0x1], $0x20, s8, s8, $0xb8;
	[tilespmem:$0x1A240] =	vst v63  }
0x42: {  	s0 =	rddreg [dreg:$0x8]  }
0x43: {  	[spmem:s2] =	stream.indirect.scatter.add.f32 [tilespmem:s11], [sflag:$0x1], $0x20, s0, s8, $0xb8;
	[tilespmem:$0x1A240] =	vst v63  }
0x44: {  	s30 =	smov.u32 s1;
	s1 =	rddreg [dreg:$0x9]  }
0x45: {  	[spmem:s2] =	stream.indirect.scatter.add.f32 [tilespmem:s12], [sflag:$0x1], $0x20, s1, s8, $0xb8;
	[tilespmem:$0x1A240] =	vst v63  }
0x46: {  	s0 =	rddreg [dreg:$0xa]  }
0x47: {  	[spmem:s2] =	stream.indirect.scatter.add.f32 [tilespmem:s13], [sflag:$0x1], $0x20, s0, s8, $0xb8;
	[tilespmem:$0x1A240] =	vst v63  }
0x48: {  	s1 =	rddreg [dreg:$0xb]  }
0x49: {  	[spmem:s2] =	stream.indirect.scatter.add.f32 [tilespmem:s14], [sflag:$0x1], $0x20, s1, s8, $0xb8;
	[tilespmem:$0x1A240] =	vst v63  }
0x4a: {  	s0 =	rddreg [dreg:$0xc]  }
0x4b: {  	[spmem:s2] =	stream.indirect.scatter.add.f32 [tilespmem:s15], [sflag:$0x1], $0x20, s0, s8, $0xb8;
	[tilespmem:$0x1A240] =	vst v63  }
0x4c: {  	s1 =	rddreg [dreg:$0xd]  }
0x4d: {  	[spmem:s2] =	stream.indirect.scatter.add.f32 [tilespmem:s16], [sflag:$0x1], $0x20, s1, s8, $0xb8;
	[tilespmem:$0x1A240] =	vst v63  }
0x4e: {  	s0 =	rddreg [dreg:$0xe]  }
0x4f: {  	[spmem:s2] =	stream.indirect.scatter.add.f32 [tilespmem:s17], [sflag:$0x1], $0x20, s0, s8, $0xb8;
	[tilespmem:$0x1A240] =	vst v63  }
0x50: {  	s1 =	rddreg [dreg:$0xf]  }
0x51: {  	[spmem:s2] =	stream.indirect.scatter.add.f32 [tilespmem:s18], [sflag:$0x1], $0x20, s1, s8, $0xb8;
	[tilespmem:$0x1A240] =	vst v63  }
0x52: {  	s0 =	rddreg [dreg:$0x10]  }
0x53: {  	[spmem:s2] =	stream.indirect.scatter.add.f32 [tilespmem:s19], [sflag:$0x1], $0x20, s0, s8, $0xb8;
	[tilespmem:$0x1A240] =	vst v63  }
0x54: {  	s1 =	rddreg [dreg:$0x11]  }
0x55: {  	[spmem:s2] =	stream.indirect.scatter.add.f32 [tilespmem:s20], [sflag:$0x1], $0x20, s1, s8, $0xb8;
	[tilespmem:$0x1A240] =	vst v63  }
0x56: {  	s0 =	rddreg [dreg:$0x12]  }
0x57: {  	[spmem:s2] =	stream.indirect.scatter.add.f32 [tilespmem:s21], [sflag:$0x1], $0x20, s0, s8, $0xb8;
	[tilespmem:$0x1A240] =	vst v63  }
0x58: {  	s1 =	rddreg [dreg:$0x13]  }
0x59: {  	[spmem:s2] =	stream.indirect.scatter.add.f32 [tilespmem:s22], [sflag:$0x1], $0x20, s1, s8, $0xb8;
	[tilespmem:$0x1A240] =	vst v63  }
0x5a: {  	s0 =	rddreg [dreg:$0x14]  }
0x5b: {  	[spmem:s2] =	stream.indirect.scatter.add.f32 [tilespmem:s23], [sflag:$0x1], $0x20, s0, s8, $0xb8;
	[tilespmem:$0x1A240] =	vst v63  }
0x5c: {  	s1 =	rddreg [dreg:$0x15]  }
0x5d: {  	[spmem:s2] =	stream.indirect.scatter.add.f32 [tilespmem:s24], [sflag:$0x1], $0x20, s1, s8, $0xb8;
	[tilespmem:$0x1A240] =	vst v63  }
0x5e: {  	s0 =	rddreg [dreg:$0x16]  }
0x5f: {  	[spmem:s2] =	stream.indirect.scatter.add.f32 [tilespmem:s25], [sflag:$0x1], $0x20, s0, s8, $0xb8;
	[tilespmem:$0x1A240] =	vst v63  }
0x60: {  	s1 =	rddreg [dreg:$0x17]  }
0x61: {  	[spmem:s2] =	stream.indirect.scatter.add.f32 [tilespmem:s26], [sflag:$0x1], $0x20, s1, s8, $0xb8;
	[tilespmem:$0x1A240] =	vst v63  }
0x62: {  	s0 =	rddreg [dreg:$0x18]  }
0x63: {  	[spmem:s2] =	stream.indirect.scatter.add.f32 [tilespmem:s28], [sflag:$0x1], $0x20, s0, s8, $0xb8;
	[tilespmem:$0x1A240] =	vst v63  }
0x64: {  	s1 =	rddreg [dreg:$0x19]  }
0x65: {  	[spmem:s2] =	stream.indirect.scatter.add.f32 [tilespmem:s29], [sflag:$0x1], $0x20, s1, s8, $0xb8;
	[tilespmem:$0x1A240] =	vst v63  }
0x66: {  	_ =	swait.ge [sflag:s6], $0x1000  }
0x67: {  	[sflag:s6] =	ssyncset.done $0x0  }
0x68: {  	[sflag:s6] =	ssyncadd.s32 $0xFFFFF000  }
0x69: {  	_ =	swait.ge [sflag:s6], $0x1000  }
0x6a: {  	[sflag:s6] =	ssyncset.done $0x0  }
0x6b: {  	[sflag:s6] =	ssyncadd.s32 $0xFFFFF000  }
0x6c: {  	_ =	swait.ge [sflag:s6], $0x1000  }
0x6d: {  	[sflag:s6] =	ssyncset.done $0x0  }
0x6e: {  	[sflag:s6] =	ssyncadd.s32 $0xFFFFF000  }
0x6f: {  	_ =	swait.ge [sflag:s6], $0x1000  }
0x70: {  	[sflag:s6] =	ssyncset.done $0x0  }
0x71: {  	[sflag:s6] =	ssyncadd.s32 $0xFFFFF000  }
0x72: {  	_ =	swait.ge [sflag:s6], $0x1000  }
0x73: {  	[sflag:s6] =	ssyncset.done $0x0  }
0x74: {  	[sflag:s6] =	ssyncadd.s32 $0xFFFFF000  }
0x75: {  	_ =	swait.ge [sflag:s6], $0x1000  }
0x76: {  	[sflag:s6] =	ssyncset.done $0x0  }
0x77: {  	[sflag:s6] =	ssyncadd.s32 $0xFFFFF000  }
0x78: {  	_ =	swait.ge [sflag:s6], $0x1000  }
0x79: {  	[sflag:s6] =	ssyncset.done $0x0  }
0x7a: {  	[sflag:s6] =	ssyncadd.s32 $0xFFFFF000  }
0x7b: {  	_ =	swait.ge [sflag:s6], $0x1000  }
0x7c: {  	[sflag:s6] =	ssyncset.done $0x0  }
0x7d: {  	[sflag:s6] =	ssyncadd.s32 $0xFFFFF000  }
0x7e: {  	_ =	swait.ge [sflag:s6], $0x1000  }
0x7f: {  	[sflag:s6] =	ssyncset.done $0x0  }
0x80: {  	[sflag:s6] =	ssyncadd.s32 $0xFFFFF000  }
0x81: {  	_ =	swait.ge [sflag:s6], $0x1000  }
0x82: {  	[sflag:s6] =	ssyncset.done $0x0  }
0x83: {  	[sflag:s6] =	ssyncadd.s32 $0xFFFFF000  }
0x84: {  	_ =	swait.ge [sflag:s6], $0x1000  }
0x85: {  	[sflag:s6] =	ssyncset.done $0x0  }
0x86: {  	[sflag:s6] =	ssyncadd.s32 $0xFFFFF000  }
0x87: {  	_ =	swait.ge [sflag:s6], $0x1000  }
0x88: {  	[sflag:s6] =	ssyncset.done $0x0  }
0x89: {  	[sflag:s6] =	ssyncadd.s32 $0xFFFFF000  }
0x8a: {  	_ =	swait.ge [sflag:s6], $0x1000  }
0x8b: {  	[sflag:s6] =	ssyncset.done $0x0  }
0x8c: {  	[sflag:s6] =	ssyncadd.s32 $0xFFFFF000  }
0x8d: {  	_ =	swait.ge [sflag:s6], $0x1000  }
0x8e: {  	[sflag:s6] =	ssyncset.done $0x0  }
0x8f: {  	[sflag:s6] =	ssyncadd.s32 $0xFFFFF000  }
0x90: {  	_ =	swait.ge [sflag:s6], $0x1000  }
0x91: {  	[sflag:s6] =	ssyncset.done $0x0  }
0x92: {  	[sflag:s6] =	ssyncadd.s32 $0xFFFFF000  }
0x93: {  	_ =	swait.ge [sflag:s6], $0x1000  }
0x94: {  	[sflag:s6] =	ssyncset.done $0x0  }
0x95: {  	[sflag:s6] =	ssyncadd.s32 $0xFFFFF000  }
0x96: {  	_ =	swait.ge [sflag:s6], $0x1000  }
0x97: {  	[sflag:s6] =	ssyncset.done $0x0  }
0x98: {  	[sflag:s6] =	ssyncadd.s32 $0xFFFFF000  }
0x99: {  	_ =	swait.ge [sflag:s6], $0x1000  }
0x9a: {  	[sflag:s6] =	ssyncset.done $0x0  }
0x9b: {  	[sflag:s6] =	ssyncadd.s32 $0xFFFFF000  }
0x9c: {  	_ =	swait.ge [sflag:s6], $0x1000  }
0x9d: {  	[sflag:s6] =	ssyncset.done $0x0  }
0x9e: {  	[sflag:s6] =	ssyncadd.s32 $0xFFFFF000  }
0x9f: {  	_ =	swait.ge [sflag:s6], $0x1000  }
0xa0: {  	[sflag:s6] =	ssyncset.done $0x0  }
0xa1: {  	s1 =	rddreg [dreg:$0x6];
	[sflag:s6] =	ssyncadd.s32 $0xFFFFF000  }
0xa2: {  	[tilespmem:s9], [sflag:$0x1] =	stream.linear.gather [hbm4b:s1+s7], $0x14000, $0x38;
	[tilespmem:$0x1A240] =	vst v63  }
0xa3: {  	_ =	swait.ge [sflag:s6], $0x14000  }
0xa4: {  	s0 =	rddreg [dreg:$0x1a];
	[sflag:s6] =	ssyncset.done $0x0  }
0xa5: {  	s1 =	rddreg [dreg:$0x1b];
	[sflag:s6] =	ssyncadd.s32 $0xFFFEC000  }
0xa6: {  	[spmem:s2] =	stream.indirect.scatter.add.f32 [tilespmem:s9], [sflag:$0x1], $0x20, s0, s8, $0xb8;
	[tilespmem:$0x1A240] =	vst v63  }
0xa7: {  	s0 =	rddreg [dreg:$0x1c]  }
0xa8: {  	[spmem:s2] =	stream.indirect.scatter.add.f32 [tilespmem:s10], [sflag:$0x1], $0x20, s1, s8, $0xb8;
	[tilespmem:$0x1A240] =	vst v63  }
0xa9: {  	s1 =	rddreg [dreg:$0x1d]  }
0xaa: {  	[spmem:s2] =	stream.indirect.scatter.add.f32 [tilespmem:s11], [sflag:$0x1], $0x20, s0, s8, $0xb8;
	[tilespmem:$0x1A240] =	vst v63  }
0xab: {  	s0 =	rddreg [dreg:$0x1e]  }
0xac: {  	[spmem:s2] =	stream.indirect.scatter.add.f32 [tilespmem:s12], [sflag:$0x1], $0x20, s1, s8, $0xb8;
	[tilespmem:$0x1A240] =	vst v63  }
0xad: {  	s1 =	rddreg [dreg:$0x1f]  }
0xae: {  	[spmem:s2] =	stream.indirect.scatter.add.f32 [tilespmem:s13], [sflag:$0x1], $0x20, s0, s8, $0xb8;
	[tilespmem:$0x1A240] =	vst v63  }
0xaf: {  	s0 =	sld [smem:$0x7F2]  }
0xb0: {  	[spmem:s2] =	stream.indirect.scatter.add.f32 [tilespmem:s14], [sflag:$0x1], $0x20, s1, s8, $0xb8;
	[tilespmem:$0x1A240] =	vst v63  }
0xb1: {  	s1 =	sld [smem:$0x7F3]  }
0xb2: {  	[spmem:s2] =	stream.indirect.scatter.add.f32 [tilespmem:s15], [sflag:$0x1], $0x20, s0, s8, $0xb8;
	[tilespmem:$0x1A240] =	vst v63  }
0xb3: {  	s0 =	sld [smem:$0x7F4]  }
0xb4: {  	[spmem:s2] =	stream.indirect.scatter.add.f32 [tilespmem:s16], [sflag:$0x1], $0x20, s1, s8, $0xb8;
	[tilespmem:$0x1A240] =	vst v63  }
0xb5: {  	s1 =	sld [smem:$0x7F5]  }
0xb6: {  	[spmem:s2] =	stream.indirect.scatter.add.f32 [tilespmem:s17], [sflag:$0x1], $0x20, s0, s8, $0xb8;
	[tilespmem:$0x1A240] =	vst v63  }
0xb7: {  	s0 =	sld [smem:$0x7F6]  }
0xb8: {  	[spmem:s2] =	stream.indirect.scatter.add.f32 [tilespmem:s18], [sflag:$0x1], $0x20, s1, s8, $0xb8;
	[tilespmem:$0x1A240] =	vst v63  }
0xb9: {  	s1 =	sld [smem:$0x7F7]  }
0xba: {  	[spmem:s2] =	stream.indirect.scatter.add.f32 [tilespmem:s19], [sflag:$0x1], $0x20, s0, s8, $0xb8;
	[tilespmem:$0x1A240] =	vst v63  }
0xbb: {  	s0 =	sld [smem:$0x7F8]  }
0xbc: {  	[spmem:s2] =	stream.indirect.scatter.add.f32 [tilespmem:s20], [sflag:$0x1], $0x20, s1, s8, $0xb8;
	[tilespmem:$0x1A240] =	vst v63  }
0xbd: {  	s1 =	sld [smem:$0x7F9]  }
0xbe: {  	[spmem:s2] =	stream.indirect.scatter.add.f32 [tilespmem:s21], [sflag:$0x1], $0x20, s0, s8, $0xb8;
	[tilespmem:$0x1A240] =	vst v63  }
0xbf: {  	s0 =	sld [smem:$0x7FA]  }
0xc0: {  	[spmem:s2] =	stream.indirect.scatter.add.f32 [tilespmem:s22], [sflag:$0x1], $0x20, s1, s8, $0xb8;
	[tilespmem:$0x1A240] =	vst v63  }
0xc1: {  	s1 =	sld [smem:$0x7FB]  }
0xc2: {  	[spmem:s2] =	stream.indirect.scatter.add.f32 [tilespmem:s23], [sflag:$0x1], $0x20, s0, s8, $0xb8;
	[tilespmem:$0x1A240] =	vst v63  }
0xc3: {  	s0 =	sld [smem:$0x7FC]  }
0xc4: {  	[spmem:s2] =	stream.indirect.scatter.add.f32 [tilespmem:s24], [sflag:$0x1], $0x20, s1, s8, $0xb8;
	[tilespmem:$0x1A240] =	vst v63  }
0xc5: {  	s1 =	sld [smem:$0x7FD]  }
0xc6: {  	[spmem:s2] =	stream.indirect.scatter.add.f32 [tilespmem:s25], [sflag:$0x1], $0x20, s0, s8, $0xb8;
	[tilespmem:$0x1A240] =	vst v63  }
0xc7: {  	_ = 	snop  }
0xc8: {  	[spmem:s2] =	stream.indirect.scatter.add.f32 [tilespmem:s26], [sflag:$0x1], $0x20, s1, s8, $0xb8;
	[tilespmem:$0x1A240] =	vst v63  }
0xc9: {  	s1 =	simm.s32 $0x1300  }
0xca: {  	[spmem:s2] =	stream.indirect.scatter.add.f32 [tilespmem:s28], [sflag:$0x1], $0x20, s1, s8, $0xb8;
	[tilespmem:$0x1A240] =	vst v63  }
0xcb: {  	_ = 	snop  }
0xcc: {  	[spmem:s2] =	stream.indirect.scatter.add.f32 [tilespmem:s29], [sflag:$0x1], $0x20, s31, s8, $0xb8;
	[tilespmem:$0x1A240] =	vst v63  }
0xcd: {  	_ =	swait.ge [sflag:s6], $0x1000  }
0xce: {  	[sflag:s6] =	ssyncset.done $0x0  }
0xcf: {  	[sflag:s6] =	ssyncadd.s32 $0xFFFFF000  }
0xd0: {  	_ =	swait.ge [sflag:s6], $0x1000  }
0xd1: {  	[sflag:s6] =	ssyncset.done $0x0  }
0xd2: {  	[sflag:s6] =	ssyncadd.s32 $0xFFFFF000  }
0xd3: {  	_ =	swait.ge [sflag:s6], $0x1000  }
0xd4: {  	[sflag:s6] =	ssyncset.done $0x0  }
0xd5: {  	[sflag:s6] =	ssyncadd.s32 $0xFFFFF000  }
0xd6: {  	_ =	swait.ge [sflag:s6], $0x1000  }
0xd7: {  	[sflag:s6] =	ssyncset.done $0x0  }
0xd8: {  	[sflag:s6] =	ssyncadd.s32 $0xFFFFF000  }
0xd9: {  	_ =	swait.ge [sflag:s6], $0x1000  }
0xda: {  	[sflag:s6] =	ssyncset.done $0x0  }
0xdb: {  	[sflag:s6] =	ssyncadd.s32 $0xFFFFF000  }
0xdc: {  	_ =	swait.ge [sflag:s6], $0x1000  }
0xdd: {  	[sflag:s6] =	ssyncset.done $0x0  }
0xde: {  	[sflag:s6] =	ssyncadd.s32 $0xFFFFF000  }
0xdf: {  	_ =	swait.ge [sflag:s6], $0x1000  }
0xe0: {  	[sflag:s6] =	ssyncset.done $0x0  }
0xe1: {  	[sflag:s6] =	ssyncadd.s32 $0xFFFFF000  }
0xe2: {  	_ =	swait.ge [sflag:s6], $0x1000  }
0xe3: {  	[sflag:s6] =	ssyncset.done $0x0  }
0xe4: {  	[sflag:s6] =	ssyncadd.s32 $0xFFFFF000  }
0xe5: {  	_ =	swait.ge [sflag:s6], $0x1000  }
0xe6: {  	[sflag:s6] =	ssyncset.done $0x0  }
0xe7: {  	[sflag:s6] =	ssyncadd.s32 $0xFFFFF000  }
0xe8: {  	_ =	swait.ge [sflag:s6], $0x1000  }
0xe9: {  	[sflag:s6] =	ssyncset.done $0x0  }
0xea: {  	[sflag:s6] =	ssyncadd.s32 $0xFFFFF000  }
0xeb: {  	_ =	swait.ge [sflag:s6], $0x1000  }
0xec: {  	[sflag:s6] =	ssyncset.done $0x0  }
0xed: {  	[sflag:s6] =	ssyncadd.s32 $0xFFFFF000  }
0xee: {  	_ =	swait.ge [sflag:s6], $0x1000  }
0xef: {  	[sflag:s6] =	ssyncset.done $0x0  }
0xf0: {  	[sflag:s6] =	ssyncadd.s32 $0xFFFFF000  }
0xf1: {  	_ =	swait.ge [sflag:s6], $0x1000  }
0xf2: {  	[sflag:s6] =	ssyncset.done $0x0  }
0xf3: {  	[sflag:s6] =	ssyncadd.s32 $0xFFFFF000  }
0xf4: {  	_ =	swait.ge [sflag:s6], $0x1000  }
0xf5: {  	[sflag:s6] =	ssyncset.done $0x0  }
0xf6: {  	[sflag:s6] =	ssyncadd.s32 $0xFFFFF000  }
0xf7: {  	_ =	swait.ge [sflag:s6], $0x1000  }
0xf8: {  	[sflag:s6] =	ssyncset.done $0x0  }
0xf9: {  	[sflag:s6] =	ssyncadd.s32 $0xFFFFF000  }
0xfa: {  	_ =	swait.ge [sflag:s6], $0x1000  }
0xfb: {  	[sflag:s6] =	ssyncset.done $0x0  }
0xfc: {  	[sflag:s6] =	ssyncadd.s32 $0xFFFFF000  }
0xfd: {  	_ =	swait.ge [sflag:s6], $0x1000  }
0xfe: {  	[sflag:s6] =	ssyncset.done $0x0  }
0xff: {  	[sflag:s6] =	ssyncadd.s32 $0xFFFFF000  }
0x100: {  	_ =	swait.ge [sflag:s6], $0x1000  }
0x101: {  	[sflag:s6] =	ssyncset.done $0x0  }
0x102: {  	[sflag:s6] =	ssyncadd.s32 $0xFFFFF000  }
0x103: {  	_ =	swait.ge [sflag:s6], $0x1000  }
0x104: {  	[sflag:s6] =	ssyncset.done $0x0  }
0x105: {  	[sflag:s6] =	ssyncadd.s32 $0xFFFFF000  }
0x106: {  	_ =	swait.ge [sflag:s6], $0x1000  }
0x107: {  	[sflag:s6] =	ssyncset.done $0x0  }
0x108: {  	p1 =	sne.s32 s30, $0x1;
	[sflag:s6] =	ssyncadd.s32 $0xFFFFF000  }
.Ltmp1:
0x109: {  	[bflag:$0x0] =	sbarrier.arrive $0xFFFF;
	(pc) =	sbr.rel @!p1 .LBB2_3-.Ltmp1, $4  }
0x10a: {  	s1 =	rddreg [dreg:$0x7]  }
0x10b: {  	[hbm:s1], [sflag:s3] =	dma.local [spmem:s4], $0x9C8  }
0x10c: {  	p0 =	por $0x1, $0x1;
	_ =	swait.ge [sflag:s5], $0x9C8  }
0x10d: {  	s1 =	sadd.s32 $0xFFFFFFFF, s30;
	s0 =	rddreg [dreg:$0x3];
	[sflag:s5] =	ssyncset.done $0x0  }
.LBB2_4:
0x10e: {  	[sflag:s5] =	ssyncadd.s32 $0xFFFFF638  }
0x10f: {  	[spmem:s4], [sflag:s3] =	dma.local [hbm:s0], $0x9C8  }
0x110: {  	_ =	swait.ge [sflag:s5], $0x9C8  }
0x111: {  	[sflag:s5] =	ssyncset.done $0x0  }
0x112: {  	s30 =	rddreg [dreg:$0x4];
	[sflag:s5] =	ssyncadd.s32 $0xFFFFF638  }
0x113: {  	[tilespmem:s7], [sflag:$0x2] =	stream.linear.gather [hbm4b:s30+s7], $0x1400, $0x38;
	[tilespmem:$0x1A240] =	vst v63  }
0x114: {  	_ =	swait.ge [sflag:s5], $0x1400  }
0x115: {  	[sflag:s5] =	ssyncset.done $0x0  }
0x116: {  	[sflag:s5] =	ssyncadd.s32 $0xFFFFEC00  }
0x117: {  	[bflag:$0x0] =	sbarrier.arrive $0xFFFF  }
0x118: {  	s30 =	rddreg [dreg:$0x5]  }
0x119: {  	[tilespmem:s9], [sflag:$0x1] =	stream.linear.gather [hbm4b:s30+s7], $0x14000, $0x38;
	[tilespmem:$0x1A240] =	vst v63  }
0x11a: {  	_ =	swait.ge [sflag:s6], $0x14000  }
0x11b: {  	[sflag:s6] =	ssyncset.done $0x0  }
0x11c: {  	[sflag:s6] =	ssyncadd.s32 $0xFFFEC000  }
0x11d: {  	[spmem:s2] =	stream.indirect.scatter.add.f32 [tilespmem:s9], [sflag:$0x1], $0x20, s7, s8, $0xb8;
	[tilespmem:$0x1A240] =	vst v63  }
0x11e: {  	_ = 	snop  }
0x11f: {  	[spmem:s2] =	stream.indirect.scatter.add.f32 [tilespmem:s10], [sflag:$0x1], $0x20, s8, s8, $0xb8;
	[tilespmem:$0x1A240] =	vst v63  }
0x120: {  	s0 =	rddreg [dreg:$0x8]  }
0x121: {  	[spmem:s2] =	stream.indirect.scatter.add.f32 [tilespmem:s11], [sflag:$0x1], $0x20, s0, s8, $0xb8;
	[tilespmem:$0x1A240] =	vst v63  }
0x122: {  	s30 =	rddreg [dreg:$0x9]  }
0x123: {  	[spmem:s2] =	stream.indirect.scatter.add.f32 [tilespmem:s12], [sflag:$0x1], $0x20, s30, s8, $0xb8;
	[tilespmem:$0x1A240] =	vst v63  }
0x124: {  	s0 =	rddreg [dreg:$0xa]  }
0x125: {  	[spmem:s2] =	stream.indirect.scatter.add.f32 [tilespmem:s13], [sflag:$0x1], $0x20, s0, s8, $0xb8;
	[tilespmem:$0x1A240] =	vst v63  }
0x126: {  	s30 =	rddreg [dreg:$0xb]  }
0x127: {  	[spmem:s2] =	stream.indirect.scatter.add.f32 [tilespmem:s14], [sflag:$0x1], $0x20, s30, s8, $0xb8;
	[tilespmem:$0x1A240] =	vst v63  }
0x128: {  	s0 =	rddreg [dreg:$0xc]  }
0x129: {  	[spmem:s2] =	stream.indirect.scatter.add.f32 [tilespmem:s15], [sflag:$0x1], $0x20, s0, s8, $0xb8;
	[tilespmem:$0x1A240] =	vst v63  }
0x12a: {  	s30 =	rddreg [dreg:$0xd]  }
0x12b: {  	[spmem:s2] =	stream.indirect.scatter.add.f32 [tilespmem:s16], [sflag:$0x1], $0x20, s30, s8, $0xb8;
	[tilespmem:$0x1A240] =	vst v63  }
0x12c: {  	s0 =	rddreg [dreg:$0xe]  }
0x12d: {  	[spmem:s2] =	stream.indirect.scatter.add.f32 [tilespmem:s17], [sflag:$0x1], $0x20, s0, s8, $0xb8;
	[tilespmem:$0x1A240] =	vst v63  }
0x12e: {  	s30 =	rddreg [dreg:$0xf]  }
0x12f: {  	[spmem:s2] =	stream.indirect.scatter.add.f32 [tilespmem:s18], [sflag:$0x1], $0x20, s30, s8, $0xb8;
	[tilespmem:$0x1A240] =	vst v63  }
0x130: {  	s0 =	rddreg [dreg:$0x10]  }
0x131: {  	[spmem:s2] =	stream.indirect.scatter.add.f32 [tilespmem:s19], [sflag:$0x1], $0x20, s0, s8, $0xb8;
	[tilespmem:$0x1A240] =	vst v63  }
0x132: {  	s30 =	rddreg [dreg:$0x11]  }
0x133: {  	[spmem:s2] =	stream.indirect.scatter.add.f32 [tilespmem:s20], [sflag:$0x1], $0x20, s30, s8, $0xb8;
	[tilespmem:$0x1A240] =	vst v63  }
0x134: {  	s0 =	rddreg [dreg:$0x12]  }
0x135: {  	[spmem:s2] =	stream.indirect.scatter.add.f32 [tilespmem:s21], [sflag:$0x1], $0x20, s0, s8, $0xb8;
	[tilespmem:$0x1A240] =	vst v63  }
0x136: {  	s30 =	rddreg [dreg:$0x13]  }
0x137: {  	[spmem:s2] =	stream.indirect.scatter.add.f32 [tilespmem:s22], [sflag:$0x1], $0x20, s30, s8, $0xb8;
	[tilespmem:$0x1A240] =	vst v63  }
0x138: {  	s0 =	rddreg [dreg:$0x14]  }
0x139: {  	[spmem:s2] =	stream.indirect.scatter.add.f32 [tilespmem:s23], [sflag:$0x1], $0x20, s0, s8, $0xb8;
	[tilespmem:$0x1A240] =	vst v63  }
0x13a: {  	s30 =	rddreg [dreg:$0x15]  }
0x13b: {  	[spmem:s2] =	stream.indirect.scatter.add.f32 [tilespmem:s24], [sflag:$0x1], $0x20, s30, s8, $0xb8;
	[tilespmem:$0x1A240] =	vst v63  }
0x13c: {  	s0 =	rddreg [dreg:$0x16]  }
0x13d: {  	[spmem:s2] =	stream.indirect.scatter.add.f32 [tilespmem:s25], [sflag:$0x1], $0x20, s0, s8, $0xb8;
	[tilespmem:$0x1A240] =	vst v63  }
0x13e: {  	s30 =	rddreg [dreg:$0x17]  }
0x13f: {  	[spmem:s2] =	stream.indirect.scatter.add.f32 [tilespmem:s26], [sflag:$0x1], $0x20, s30, s8, $0xb8;
	[tilespmem:$0x1A240] =	vst v63  }
0x140: {  	s0 =	rddreg [dreg:$0x18]  }
0x141: {  	[spmem:s2] =	stream.indirect.scatter.add.f32 [tilespmem:s28], [sflag:$0x1], $0x20, s0, s8, $0xb8;
	[tilespmem:$0x1A240] =	vst v63  }
0x142: {  	s30 =	rddreg [dreg:$0x19]  }
0x143: {  	[spmem:s2] =	stream.indirect.scatter.add.f32 [tilespmem:s29], [sflag:$0x1], $0x20, s30, s8, $0xb8;
	[tilespmem:$0x1A240] =	vst v63  }
0x144: {  	_ =	swait.ge [sflag:s6], $0x1000  }
0x145: {  	[sflag:s6] =	ssyncset.done $0x0  }
0x146: {  	[sflag:s6] =	ssyncadd.s32 $0xFFFFF000  }
0x147: {  	_ =	swait.ge [sflag:s6], $0x1000  }
0x148: {  	[sflag:s6] =	ssyncset.done $0x0  }
0x149: {  	[sflag:s6] =	ssyncadd.s32 $0xFFFFF000  }
0x14a: {  	_ =	swait.ge [sflag:s6], $0x1000  }
0x14b: {  	[sflag:s6] =	ssyncset.done $0x0  }
0x14c: {  	[sflag:s6] =	ssyncadd.s32 $0xFFFFF000  }
0x14d: {  	_ =	swait.ge [sflag:s6], $0x1000  }
0x14e: {  	[sflag:s6] =	ssyncset.done $0x0  }
0x14f: {  	[sflag:s6] =	ssyncadd.s32 $0xFFFFF000  }
0x150: {  	_ =	swait.ge [sflag:s6], $0x1000  }
0x151: {  	[sflag:s6] =	ssyncset.done $0x0  }
0x152: {  	[sflag:s6] =	ssyncadd.s32 $0xFFFFF000  }
0x153: {  	_ =	swait.ge [sflag:s6], $0x1000  }
0x154: {  	[sflag:s6] =	ssyncset.done $0x0  }
0x155: {  	[sflag:s6] =	ssyncadd.s32 $0xFFFFF000  }
0x156: {  	_ =	swait.ge [sflag:s6], $0x1000  }
0x157: {  	[sflag:s6] =	ssyncset.done $0x0  }
0x158: {  	[sflag:s6] =	ssyncadd.s32 $0xFFFFF000  }
0x159: {  	_ =	swait.ge [sflag:s6], $0x1000  }
0x15a: {  	[sflag:s6] =	ssyncset.done $0x0  }
0x15b: {  	[sflag:s6] =	ssyncadd.s32 $0xFFFFF000  }
0x15c: {  	_ =	swait.ge [sflag:s6], $0x1000  }
0x15d: {  	[sflag:s6] =	ssyncset.done $0x0  }
0x15e: {  	[sflag:s6] =	ssyncadd.s32 $0xFFFFF000  }
0x15f: {  	_ =	swait.ge [sflag:s6], $0x1000  }
0x160: {  	[sflag:s6] =	ssyncset.done $0x0  }
0x161: {  	[sflag:s6] =	ssyncadd.s32 $0xFFFFF000  }
0x162: {  	_ =	swait.ge [sflag:s6], $0x1000  }
0x163: {  	[sflag:s6] =	ssyncset.done $0x0  }
0x164: {  	[sflag:s6] =	ssyncadd.s32 $0xFFFFF000  }
0x165: {  	_ =	swait.ge [sflag:s6], $0x1000  }
0x166: {  	[sflag:s6] =	ssyncset.done $0x0  }
0x167: {  	[sflag:s6] =	ssyncadd.s32 $0xFFFFF000  }
0x168: {  	_ =	swait.ge [sflag:s6], $0x1000  }
0x169: {  	[sflag:s6] =	ssyncset.done $0x0  }
0x16a: {  	[sflag:s6] =	ssyncadd.s32 $0xFFFFF000  }
0x16b: {  	_ =	swait.ge [sflag:s6], $0x1000  }
0x16c: {  	[sflag:s6] =	ssyncset.done $0x0  }
0x16d: {  	[sflag:s6] =	ssyncadd.s32 $0xFFFFF000  }
0x16e: {  	_ =	swait.ge [sflag:s6], $0x1000  }
0x16f: {  	[sflag:s6] =	ssyncset.done $0x0  }
0x170: {  	[sflag:s6] =	ssyncadd.s32 $0xFFFFF000  }
0x171: {  	_ =	swait.ge [sflag:s6], $0x1000  }
0x172: {  	[sflag:s6] =	ssyncset.done $0x0  }
0x173: {  	[sflag:s6] =	ssyncadd.s32 $0xFFFFF000  }
0x174: {  	_ =	swait.ge [sflag:s6], $0x1000  }
0x175: {  	[sflag:s6] =	ssyncset.done $0x0  }
0x176: {  	[sflag:s6] =	ssyncadd.s32 $0xFFFFF000  }
0x177: {  	_ =	swait.ge [sflag:s6], $0x1000  }
0x178: {  	[sflag:s6] =	ssyncset.done $0x0  }
0x179: {  	[sflag:s6] =	ssyncadd.s32 $0xFFFFF000  }
0x17a: {  	_ =	swait.ge [sflag:s6], $0x1000  }
0x17b: {  	[sflag:s6] =	ssyncset.done $0x0  }
0x17c: {  	[sflag:s6] =	ssyncadd.s32 $0xFFFFF000  }
0x17d: {  	_ =	swait.ge [sflag:s6], $0x1000  }
0x17e: {  	[sflag:s6] =	ssyncset.done $0x0  }
0x17f: {  	s30 =	rddreg [dreg:$0x6];
	[sflag:s6] =	ssyncadd.s32 $0xFFFFF000  }
0x180: {  	[tilespmem:s9], [sflag:$0x1] =	stream.linear.gather [hbm4b:s30+s7], $0x14000, $0x38;
	[tilespmem:$0x1A240] =	vst v63  }
0x181: {  	_ =	swait.ge [sflag:s6], $0x14000  }
0x182: {  	s0 =	rddreg [dreg:$0x1a];
	[sflag:s6] =	ssyncset.done $0x0  }
0x183: {  	s30 =	rddreg [dreg:$0x1b];
	[sflag:s6] =	ssyncadd.s32 $0xFFFEC000  }
0x184: {  	[spmem:s2] =	stream.indirect.scatter.add.f32 [tilespmem:s9], [sflag:$0x1], $0x20, s0, s8, $0xb8;
	[tilespmem:$0x1A240] =	vst v63  }
0x185: {  	s0 =	rddreg [dreg:$0x1c]  }
0x186: {  	[spmem:s2] =	stream.indirect.scatter.add.f32 [tilespmem:s10], [sflag:$0x1], $0x20, s30, s8, $0xb8;
	[tilespmem:$0x1A240] =	vst v63  }
0x187: {  	s30 =	rddreg [dreg:$0x1d]  }
0x188: {  	[spmem:s2] =	stream.indirect.scatter.add.f32 [tilespmem:s11], [sflag:$0x1], $0x20, s0, s8, $0xb8;
	[tilespmem:$0x1A240] =	vst v63  }
0x189: {  	s0 =	rddreg [dreg:$0x1e]  }
0x18a: {  	[spmem:s2] =	stream.indirect.scatter.add.f32 [tilespmem:s12], [sflag:$0x1], $0x20, s30, s8, $0xb8;
	[tilespmem:$0x1A240] =	vst v63  }
0x18b: {  	s30 =	rddreg [dreg:$0x1f]  }
0x18c: {  	[spmem:s2] =	stream.indirect.scatter.add.f32 [tilespmem:s13], [sflag:$0x1], $0x20, s0, s8, $0xb8;
	[tilespmem:$0x1A240] =	vst v63  }
0x18d: {  	s0 =	sld [smem:$0x7F2]  }
0x18e: {  	[spmem:s2] =	stream.indirect.scatter.add.f32 [tilespmem:s14], [sflag:$0x1], $0x20, s30, s8, $0xb8;
	[tilespmem:$0x1A240] =	vst v63  }
0x18f: {  	s30 =	sld [smem:$0x7F3]  }
0x190: {  	[spmem:s2] =	stream.indirect.scatter.add.f32 [tilespmem:s15], [sflag:$0x1], $0x20, s0, s8, $0xb8;
	[tilespmem:$0x1A240] =	vst v63  }
0x191: {  	s0 =	sld [smem:$0x7F4]  }
0x192: {  	[spmem:s2] =	stream.indirect.scatter.add.f32 [tilespmem:s16], [sflag:$0x1], $0x20, s30, s8, $0xb8;
	[tilespmem:$0x1A240] =	vst v63  }
0x193: {  	s30 =	sld [smem:$0x7F5]  }
0x194: {  	[spmem:s2] =	stream.indirect.scatter.add.f32 [tilespmem:s17], [sflag:$0x1], $0x20, s0, s8, $0xb8;
	[tilespmem:$0x1A240] =	vst v63  }
0x195: {  	s0 =	sld [smem:$0x7F6]  }
0x196: {  	[spmem:s2] =	stream.indirect.scatter.add.f32 [tilespmem:s18], [sflag:$0x1], $0x20, s30, s8, $0xb8;
	[tilespmem:$0x1A240] =	vst v63  }
0x197: {  	s30 =	sld [smem:$0x7F7]  }
0x198: {  	[spmem:s2] =	stream.indirect.scatter.add.f32 [tilespmem:s19], [sflag:$0x1], $0x20, s0, s8, $0xb8;
	[tilespmem:$0x1A240] =	vst v63  }
0x199: {  	s0 =	sld [smem:$0x7F8]  }
0x19a: {  	[spmem:s2] =	stream.indirect.scatter.add.f32 [tilespmem:s20], [sflag:$0x1], $0x20, s30, s8, $0xb8;
	[tilespmem:$0x1A240] =	vst v63  }
0x19b: {  	s30 =	sld [smem:$0x7F9]  }
0x19c: {  	[spmem:s2] =	stream.indirect.scatter.add.f32 [tilespmem:s21], [sflag:$0x1], $0x20, s0, s8, $0xb8;
	[tilespmem:$0x1A240] =	vst v63  }
0x19d: {  	s0 =	sld [smem:$0x7FA]  }
0x19e: {  	[spmem:s2] =	stream.indirect.scatter.add.f32 [tilespmem:s22], [sflag:$0x1], $0x20, s30, s8, $0xb8;
	[tilespmem:$0x1A240] =	vst v63  }
0x19f: {  	s30 =	sld [smem:$0x7FB]  }
0x1a0: {  	[spmem:s2] =	stream.indirect.scatter.add.f32 [tilespmem:s23], [sflag:$0x1], $0x20, s0, s8, $0xb8;
	[tilespmem:$0x1A240] =	vst v63  }
0x1a1: {  	s0 =	sld [smem:$0x7FC]  }
0x1a2: {  	[spmem:s2] =	stream.indirect.scatter.add.f32 [tilespmem:s24], [sflag:$0x1], $0x20, s30, s8, $0xb8;
	[tilespmem:$0x1A240] =	vst v63  }
0x1a3: {  	s30 =	sld [smem:$0x7FD]  }
0x1a4: {  	[spmem:s2] =	stream.indirect.scatter.add.f32 [tilespmem:s25], [sflag:$0x1], $0x20, s0, s8, $0xb8;
	[tilespmem:$0x1A240] =	vst v63  }
0x1a5: {  	_ = 	snop  }
0x1a6: {  	[spmem:s2] =	stream.indirect.scatter.add.f32 [tilespmem:s26], [sflag:$0x1], $0x20, s30, s8, $0xb8;
	[tilespmem:$0x1A240] =	vst v63  }
0x1a7: {  	s30 =	simm.s32 $0x1300  }
0x1a8: {  	[spmem:s2] =	stream.indirect.scatter.add.f32 [tilespmem:s28], [sflag:$0x1], $0x20, s30, s8, $0xb8;
	[tilespmem:$0x1A240] =	vst v63  }
0x1a9: {  	_ = 	snop  }
0x1aa: {  	[spmem:s2] =	stream.indirect.scatter.add.f32 [tilespmem:s29], [sflag:$0x1], $0x20, s31, s8, $0xb8;
	[tilespmem:$0x1A240] =	vst v63  }
0x1ab: {  	_ =	swait.ge [sflag:s6], $0x1000  }
0x1ac: {  	[sflag:s6] =	ssyncset.done $0x0  }
0x1ad: {  	[sflag:s6] =	ssyncadd.s32 $0xFFFFF000  }
0x1ae: {  	_ =	swait.ge [sflag:s6], $0x1000  }
0x1af: {  	[sflag:s6] =	ssyncset.done $0x0  }
0x1b0: {  	[sflag:s6] =	ssyncadd.s32 $0xFFFFF000  }
0x1b1: {  	_ =	swait.ge [sflag:s6], $0x1000  }
0x1b2: {  	[sflag:s6] =	ssyncset.done $0x0  }
0x1b3: {  	[sflag:s6] =	ssyncadd.s32 $0xFFFFF000  }
0x1b4: {  	_ =	swait.ge [sflag:s6], $0x1000  }
0x1b5: {  	[sflag:s6] =	ssyncset.done $0x0  }
0x1b6: {  	[sflag:s6] =	ssyncadd.s32 $0xFFFFF000  }
0x1b7: {  	_ =	swait.ge [sflag:s6], $0x1000  }
0x1b8: {  	[sflag:s6] =	ssyncset.done $0x0  }
0x1b9: {  	[sflag:s6] =	ssyncadd.s32 $0xFFFFF000  }
0x1ba: {  	_ =	swait.ge [sflag:s6], $0x1000  }
0x1bb: {  	[sflag:s6] =	ssyncset.done $0x0  }
0x1bc: {  	[sflag:s6] =	ssyncadd.s32 $0xFFFFF000  }
0x1bd: {  	_ =	swait.ge [sflag:s6], $0x1000  }
0x1be: {  	[sflag:s6] =	ssyncset.done $0x0  }
0x1bf: {  	[sflag:s6] =	ssyncadd.s32 $0xFFFFF000  }
0x1c0: {  	_ =	swait.ge [sflag:s6], $0x1000  }
0x1c1: {  	[sflag:s6] =	ssyncset.done $0x0  }
0x1c2: {  	[sflag:s6] =	ssyncadd.s32 $0xFFFFF000  }
0x1c3: {  	_ =	swait.ge [sflag:s6], $0x1000  }
0x1c4: {  	[sflag:s6] =	ssyncset.done $0x0  }
0x1c5: {  	[sflag:s6] =	ssyncadd.s32 $0xFFFFF000  }
0x1c6: {  	_ =	swait.ge [sflag:s6], $0x1000  }
0x1c7: {  	[sflag:s6] =	ssyncset.done $0x0  }
0x1c8: {  	[sflag:s6] =	ssyncadd.s32 $0xFFFFF000  }
0x1c9: {  	_ =	swait.ge [sflag:s6], $0x1000  }
0x1ca: {  	[sflag:s6] =	ssyncset.done $0x0  }
0x1cb: {  	[sflag:s6] =	ssyncadd.s32 $0xFFFFF000  }
0x1cc: {  	_ =	swait.ge [sflag:s6], $0x1000  }
0x1cd: {  	[sflag:s6] =	ssyncset.done $0x0  }
0x1ce: {  	[sflag:s6] =	ssyncadd.s32 $0xFFFFF000  }
0x1cf: {  	_ =	swait.ge [sflag:s6], $0x1000  }
0x1d0: {  	[sflag:s6] =	ssyncset.done $0x0  }
0x1d1: {  	[sflag:s6] =	ssyncadd.s32 $0xFFFFF000  }
0x1d2: {  	_ =	swait.ge [sflag:s6], $0x1000  }
0x1d3: {  	[sflag:s6] =	ssyncset.done $0x0  }
0x1d4: {  	[sflag:s6] =	ssyncadd.s32 $0xFFFFF000  }
0x1d5: {  	_ =	swait.ge [sflag:s6], $0x1000  }
0x1d6: {  	[sflag:s6] =	ssyncset.done $0x0  }
0x1d7: {  	[sflag:s6] =	ssyncadd.s32 $0xFFFFF000  }
0x1d8: {  	_ =	swait.ge [sflag:s6], $0x1000  }
0x1d9: {  	[sflag:s6] =	ssyncset.done $0x0  }
0x1da: {  	[sflag:s6] =	ssyncadd.s32 $0xFFFFF000  }
0x1db: {  	_ =	swait.ge [sflag:s6], $0x1000  }
0x1dc: {  	[sflag:s6] =	ssyncset.done $0x0  }
0x1dd: {  	[sflag:s6] =	ssyncadd.s32 $0xFFFFF000  }
0x1de: {  	_ =	swait.ge [sflag:s6], $0x1000  }
0x1df: {  	[sflag:s6] =	ssyncset.done $0x0  }
0x1e0: {  	[sflag:s6] =	ssyncadd.s32 $0xFFFFF000  }
0x1e1: {  	_ =	swait.ge [sflag:s6], $0x1000  }
0x1e2: {  	[sflag:s6] =	ssyncset.done $0x0  }
0x1e3: {  	[sflag:s6] =	ssyncadd.s32 $0xFFFFF000  }
0x1e4: {  	_ =	swait.ge [sflag:s6], $0x1000  }
0x1e5: {  	[sflag:s6] =	ssyncset.done $0x0  }
0x1e6: {  	p1 =	sne.s32 s1, $0x1;
	[sflag:s6] =	ssyncadd.s32 $0xFFFFF000  }
.Ltmp2:
0x1e7: {  	[bflag:$0x0] =	sbarrier.arrive $0xFFFF;
	(pc) =	sbr.rel @p1 .LBB2_4-.Ltmp2, $4  }
0x1e8: {  	s30 =	rddreg [dreg:$0x7]  }
0x1e9: {  	[hbm:s30], [sflag:s3] =	dma.local [spmem:s4], $0x9C8  }
0x1ea: {  	_ =	swait.ge [sflag:s5], $0x9C8  }
0x1eb: {  	s1 =	sadd.s32 $0xFFFFFFFF, s1;
	s0 =	rddreg [dreg:$0x3];
	[sflag:s5] =	ssyncset.done $0x0  }
0x1ec: {  	s31 =	simm.s32 $0x1300;
	s30 =	stileid.u32  }
.LBB2_6:
0x1ed: {  	[sflag:s5] =	ssyncadd.s32 @p0 $0xFFFFF638  }
0x1ee: {  	[spmem:s4], [sflag:s3] =	dma.local [hbm:s0], $0x9C8  }
0x1ef: {  	_ =	swait.ge [sflag:s5], $0x9C8  }
0x1f0: {  	[sflag:s5] =	ssyncset.done $0x0  }
0x1f1: {  	s1 =	rddreg [dreg:$0x4];
	[sflag:s5] =	ssyncadd.s32 $0xFFFFF638  }
0x1f2: {  	[tilespmem:s7], [sflag:$0x2] =	stream.linear.gather [hbm4b:s1+s7], $0x1400, $0x38;
	[tilespmem:$0x1A240] =	vst v63  }
0x1f3: {  	_ =	swait.ge [sflag:s5], $0x1400  }
0x1f4: {  	[sflag:s5] =	ssyncset.done $0x0  }
0x1f5: {  	[sflag:s5] =	ssyncadd.s32 $0xFFFFEC00  }
0x1f6: {  	[bflag:$0x0] =	sbarrier.arrive $0xFFFF  }
0x1f7: {  	s1 =	rddreg [dreg:$0x5]  }
0x1f8: {  	[tilespmem:s9], [sflag:$0x1] =	stream.linear.gather [hbm4b:s1+s7], $0x14000, $0x38;
	[tilespmem:$0x1A240] =	vst v63  }
0x1f9: {  	_ =	swait.ge [sflag:s6], $0x14000  }
0x1fa: {  	[sflag:s6] =	ssyncset.done $0x0  }
0x1fb: {  	[sflag:s6] =	ssyncadd.s32 $0xFFFEC000  }
0x1fc: {  	[spmem:s2] =	stream.indirect.scatter.add.f32 [tilespmem:s9], [sflag:$0x1], $0x20, s7, s8, $0xb8;
	[tilespmem:$0x1A240] =	vst v63  }
0x1fd: {  	_ = 	snop  }
0x1fe: {  	[spmem:s2] =	stream.indirect.scatter.add.f32 [tilespmem:s10], [sflag:$0x1], $0x20, s8, s8, $0xb8;
	[tilespmem:$0x1A240] =	vst v63  }
0x1ff: {  	s0 =	rddreg [dreg:$0x8]  }
0x200: {  	[spmem:s2] =	stream.indirect.scatter.add.f32 [tilespmem:s11], [sflag:$0x1], $0x20, s0, s8, $0xb8;
	[tilespmem:$0x1A240] =	vst v63  }
0x201: {  	s1 =	rddreg [dreg:$0x9]  }
0x202: {  	[spmem:s2] =	stream.indirect.scatter.add.f32 [tilespmem:s12], [sflag:$0x1], $0x20, s1, s8, $0xb8;
	[tilespmem:$0x1A240] =	vst v63  }
0x203: {  	s0 =	rddreg [dreg:$0xa]  }
0x204: {  	[spmem:s2] =	stream.indirect.scatter.add.f32 [tilespmem:s13], [sflag:$0x1], $0x20, s0, s8, $0xb8;
	[tilespmem:$0x1A240] =	vst v63  }
0x205: {  	s1 =	rddreg [dreg:$0xb]  }
0x206: {  	[spmem:s2] =	stream.indirect.scatter.add.f32 [tilespmem:s14], [sflag:$0x1], $0x20, s1, s8, $0xb8;
	[tilespmem:$0x1A240] =	vst v63  }
0x207: {  	s0 =	rddreg [dreg:$0xc]  }
0x208: {  	[spmem:s2] =	stream.indirect.scatter.add.f32 [tilespmem:s15], [sflag:$0x1], $0x20, s0, s8, $0xb8;
	[tilespmem:$0x1A240] =	vst v63  }
0x209: {  	s1 =	rddreg [dreg:$0xd]  }
0x20a: {  	[spmem:s2] =	stream.indirect.scatter.add.f32 [tilespmem:s16], [sflag:$0x1], $0x20, s1, s8, $0xb8;
	[tilespmem:$0x1A240] =	vst v63  }
0x20b: {  	s0 =	rddreg [dreg:$0xe]  }
0x20c: {  	[spmem:s2] =	stream.indirect.scatter.add.f32 [tilespmem:s17], [sflag:$0x1], $0x20, s0, s8, $0xb8;
	[tilespmem:$0x1A240] =	vst v63  }
0x20d: {  	s1 =	rddreg [dreg:$0xf]  }
0x20e: {  	[spmem:s2] =	stream.indirect.scatter.add.f32 [tilespmem:s18], [sflag:$0x1], $0x20, s1, s8, $0xb8;
	[tilespmem:$0x1A240] =	vst v63  }
0x20f: {  	s0 =	rddreg [dreg:$0x10]  }
0x210: {  	[spmem:s2] =	stream.indirect.scatter.add.f32 [tilespmem:s19], [sflag:$0x1], $0x20, s0, s8, $0xb8;
	[tilespmem:$0x1A240] =	vst v63  }
0x211: {  	s1 =	rddreg [dreg:$0x11]  }
0x212: {  	[spmem:s2] =	stream.indirect.scatter.add.f32 [tilespmem:s20], [sflag:$0x1], $0x20, s1, s8, $0xb8;
	[tilespmem:$0x1A240] =	vst v63  }
0x213: {  	s0 =	rddreg [dreg:$0x12]  }
0x214: {  	[spmem:s2] =	stream.indirect.scatter.add.f32 [tilespmem:s21], [sflag:$0x1], $0x20, s0, s8, $0xb8;
	[tilespmem:$0x1A240] =	vst v63  }
0x215: {  	s1 =	rddreg [dreg:$0x13]  }
0x216: {  	[spmem:s2] =	stream.indirect.scatter.add.f32 [tilespmem:s22], [sflag:$0x1], $0x20, s1, s8, $0xb8;
	[tilespmem:$0x1A240] =	vst v63  }
0x217: {  	s0 =	rddreg [dreg:$0x14]  }
0x218: {  	[spmem:s2] =	stream.indirect.scatter.add.f32 [tilespmem:s23], [sflag:$0x1], $0x20, s0, s8, $0xb8;
	[tilespmem:$0x1A240] =	vst v63  }
0x219: {  	s1 =	rddreg [dreg:$0x15]  }
0x21a: {  	[spmem:s2] =	stream.indirect.scatter.add.f32 [tilespmem:s24], [sflag:$0x1], $0x20, s1, s8, $0xb8;
	[tilespmem:$0x1A240] =	vst v63  }
0x21b: {  	s0 =	rddreg [dreg:$0x16]  }
0x21c: {  	[spmem:s2] =	stream.indirect.scatter.add.f32 [tilespmem:s25], [sflag:$0x1], $0x20, s0, s8, $0xb8;
	[tilespmem:$0x1A240] =	vst v63  }
0x21d: {  	s1 =	rddreg [dreg:$0x17]  }
0x21e: {  	[spmem:s2] =	stream.indirect.scatter.add.f32 [tilespmem:s26], [sflag:$0x1], $0x20, s1, s8, $0xb8;
	[tilespmem:$0x1A240] =	vst v63  }
0x21f: {  	s0 =	rddreg [dreg:$0x18]  }
0x220: {  	[spmem:s2] =	stream.indirect.scatter.add.f32 [tilespmem:s28], [sflag:$0x1], $0x20, s0, s8, $0xb8;
	[tilespmem:$0x1A240] =	vst v63  }
0x221: {  	s1 =	rddreg [dreg:$0x19]  }
0x222: {  	[spmem:s2] =	stream.indirect.scatter.add.f32 [tilespmem:s29], [sflag:$0x1], $0x20, s1, s8, $0xb8;
	[tilespmem:$0x1A240] =	vst v63  }
0x223: {  	_ =	swait.ge [sflag:s6], $0x1000  }
0x224: {  	[sflag:s6] =	ssyncset.done $0x0  }
0x225: {  	[sflag:s6] =	ssyncadd.s32 $0xFFFFF000  }
0x226: {  	_ =	swait.ge [sflag:s6], $0x1000  }
0x227: {  	[sflag:s6] =	ssyncset.done $0x0  }
0x228: {  	[sflag:s6] =	ssyncadd.s32 $0xFFFFF000  }
0x229: {  	_ =	swait.ge [sflag:s6], $0x1000  }
0x22a: {  	[sflag:s6] =	ssyncset.done $0x0  }
0x22b: {  	[sflag:s6] =	ssyncadd.s32 $0xFFFFF000  }
0x22c: {  	_ =	swait.ge [sflag:s6], $0x1000  }
0x22d: {  	[sflag:s6] =	ssyncset.done $0x0  }
0x22e: {  	[sflag:s6] =	ssyncadd.s32 $0xFFFFF000  }
0x22f: {  	_ =	swait.ge [sflag:s6], $0x1000  }
0x230: {  	[sflag:s6] =	ssyncset.done $0x0  }
0x231: {  	[sflag:s6] =	ssyncadd.s32 $0xFFFFF000  }
0x232: {  	_ =	swait.ge [sflag:s6], $0x1000  }
0x233: {  	[sflag:s6] =	ssyncset.done $0x0  }
0x234: {  	[sflag:s6] =	ssyncadd.s32 $0xFFFFF000  }
0x235: {  	_ =	swait.ge [sflag:s6], $0x1000  }
0x236: {  	[sflag:s6] =	ssyncset.done $0x0  }
0x237: {  	[sflag:s6] =	ssyncadd.s32 $0xFFFFF000  }
0x238: {  	_ =	swait.ge [sflag:s6], $0x1000  }
0x239: {  	[sflag:s6] =	ssyncset.done $0x0  }
0x23a: {  	[sflag:s6] =	ssyncadd.s32 $0xFFFFF000  }
0x23b: {  	_ =	swait.ge [sflag:s6], $0x1000  }
0x23c: {  	[sflag:s6] =	ssyncset.done $0x0  }
0x23d: {  	[sflag:s6] =	ssyncadd.s32 $0xFFFFF000  }
0x23e: {  	_ =	swait.ge [sflag:s6], $0x1000  }
0x23f: {  	[sflag:s6] =	ssyncset.done $0x0  }
0x240: {  	[sflag:s6] =	ssyncadd.s32 $0xFFFFF000  }
0x241: {  	_ =	swait.ge [sflag:s6], $0x1000  }
0x242: {  	[sflag:s6] =	ssyncset.done $0x0  }
0x243: {  	[sflag:s6] =	ssyncadd.s32 $0xFFFFF000  }
0x244: {  	_ =	swait.ge [sflag:s6], $0x1000  }
0x245: {  	[sflag:s6] =	ssyncset.done $0x0  }
0x246: {  	[sflag:s6] =	ssyncadd.s32 $0xFFFFF000  }
0x247: {  	_ =	swait.ge [sflag:s6], $0x1000  }
0x248: {  	[sflag:s6] =	ssyncset.done $0x0  }
0x249: {  	[sflag:s6] =	ssyncadd.s32 $0xFFFFF000  }
0x24a: {  	_ =	swait.ge [sflag:s6], $0x1000  }
0x24b: {  	[sflag:s6] =	ssyncset.done $0x0  }
0x24c: {  	[sflag:s6] =	ssyncadd.s32 $0xFFFFF000  }
0x24d: {  	_ =	swait.ge [sflag:s6], $0x1000  }
0x24e: {  	[sflag:s6] =	ssyncset.done $0x0  }
0x24f: {  	[sflag:s6] =	ssyncadd.s32 $0xFFFFF000  }
0x250: {  	_ =	swait.ge [sflag:s6], $0x1000  }
0x251: {  	[sflag:s6] =	ssyncset.done $0x0  }
0x252: {  	[sflag:s6] =	ssyncadd.s32 $0xFFFFF000  }
0x253: {  	_ =	swait.ge [sflag:s6], $0x1000  }
0x254: {  	[sflag:s6] =	ssyncset.done $0x0  }
0x255: {  	[sflag:s6] =	ssyncadd.s32 $0xFFFFF000  }
0x256: {  	_ =	swait.ge [sflag:s6], $0x1000  }
0x257: {  	[sflag:s6] =	ssyncset.done $0x0  }
0x258: {  	[sflag:s6] =	ssyncadd.s32 $0xFFFFF000  }
0x259: {  	_ =	swait.ge [sflag:s6], $0x1000  }
0x25a: {  	[sflag:s6] =	ssyncset.done $0x0  }
0x25b: {  	[sflag:s6] =	ssyncadd.s32 $0xFFFFF000  }
0x25c: {  	_ =	swait.ge [sflag:s6], $0x1000  }
0x25d: {  	[sflag:s6] =	ssyncset.done $0x0  }
0x25e: {  	s1 =	rddreg [dreg:$0x6];
	[sflag:s6] =	ssyncadd.s32 $0xFFFFF000  }
0x25f: {  	[tilespmem:s9], [sflag:$0x1] =	stream.linear.gather [hbm4b:s1+s7], $0x14000, $0x38;
	[tilespmem:$0x1A240] =	vst v63  }
0x260: {  	_ =	swait.ge [sflag:s6], $0x14000  }
0x261: {  	s1 =	rddreg [dreg:$0x1a];
	[sflag:s6] =	ssyncset.done $0x0  }
0x262: {  	s7 =	rddreg [dreg:$0x1b];
	[sflag:s6] =	ssyncadd.s32 $0xFFFEC000  }
0x263: {  	[spmem:s2] =	stream.indirect.scatter.add.f32 [tilespmem:s9], [sflag:$0x1], $0x20, s1, s8, $0xb8;
	[tilespmem:$0x1A240] =	vst v63  }
0x264: {  	s9 =	rddreg [dreg:$0x1c]  }
0x265: {  	[spmem:s2] =	stream.indirect.scatter.add.f32 [tilespmem:s10], [sflag:$0x1], $0x20, s7, s8, $0xb8;
	[tilespmem:$0x1A240] =	vst v63  }
0x266: {  	s10 =	rddreg [dreg:$0x1d]  }
0x267: {  	[spmem:s2] =	stream.indirect.scatter.add.f32 [tilespmem:s11], [sflag:$0x1], $0x20, s9, s8, $0xb8;
	[tilespmem:$0x1A240] =	vst v63  }
0x268: {  	s11 =	rddreg [dreg:$0x1e]  }
0x269: {  	[spmem:s2] =	stream.indirect.scatter.add.f32 [tilespmem:s12], [sflag:$0x1], $0x20, s10, s8, $0xb8;
	[tilespmem:$0x1A240] =	vst v63  }
0x26a: {  	s12 =	rddreg [dreg:$0x1f]  }
0x26b: {  	[spmem:s2] =	stream.indirect.scatter.add.f32 [tilespmem:s13], [sflag:$0x1], $0x20, s11, s8, $0xb8;
	[tilespmem:$0x1A240] =	vst v63  }
0x26c: {  	s13 =	sld [smem:$0x7F2]  }
0x26d: {  	[spmem:s2] =	stream.indirect.scatter.add.f32 [tilespmem:s14], [sflag:$0x1], $0x20, s12, s8, $0xb8;
	[tilespmem:$0x1A240] =	vst v63  }
0x26e: {  	s14 =	sld [smem:$0x7F3]  }
0x26f: {  	[spmem:s2] =	stream.indirect.scatter.add.f32 [tilespmem:s15], [sflag:$0x1], $0x20, s13, s8, $0xb8;
	[tilespmem:$0x1A240] =	vst v63  }
0x270: {  	s15 =	sld [smem:$0x7F4]  }
0x271: {  	[spmem:s2] =	stream.indirect.scatter.add.f32 [tilespmem:s16], [sflag:$0x1], $0x20, s14, s8, $0xb8;
	[tilespmem:$0x1A240] =	vst v63  }
0x272: {  	s16 =	sld [smem:$0x7F5]  }
0x273: {  	[spmem:s2] =	stream.indirect.scatter.add.f32 [tilespmem:s17], [sflag:$0x1], $0x20, s15, s8, $0xb8;
	[tilespmem:$0x1A240] =	vst v63  }
0x274: {  	s17 =	sld [smem:$0x7F6]  }
0x275: {  	[spmem:s2] =	stream.indirect.scatter.add.f32 [tilespmem:s18], [sflag:$0x1], $0x20, s16, s8, $0xb8;
	[tilespmem:$0x1A240] =	vst v63  }
0x276: {  	s18 =	sld [smem:$0x7F7]  }
0x277: {  	[spmem:s2] =	stream.indirect.scatter.add.f32 [tilespmem:s19], [sflag:$0x1], $0x20, s17, s8, $0xb8;
	[tilespmem:$0x1A240] =	vst v63  }
0x278: {  	s19 =	sld [smem:$0x7F8]  }
0x279: {  	[spmem:s2] =	stream.indirect.scatter.add.f32 [tilespmem:s20], [sflag:$0x1], $0x20, s18, s8, $0xb8;
	[tilespmem:$0x1A240] =	vst v63  }
0x27a: {  	s20 =	sld [smem:$0x7F9]  }
0x27b: {  	[spmem:s2] =	stream.indirect.scatter.add.f32 [tilespmem:s21], [sflag:$0x1], $0x20, s19, s8, $0xb8;
	[tilespmem:$0x1A240] =	vst v63  }
0x27c: {  	s21 =	sld [smem:$0x7FA]  }
0x27d: {  	[spmem:s2] =	stream.indirect.scatter.add.f32 [tilespmem:s22], [sflag:$0x1], $0x20, s20, s8, $0xb8;
	[tilespmem:$0x1A240] =	vst v63  }
0x27e: {  	s22 =	sld [smem:$0x7FB]  }
0x27f: {  	[spmem:s2] =	stream.indirect.scatter.add.f32 [tilespmem:s23], [sflag:$0x1], $0x20, s21, s8, $0xb8;
	[tilespmem:$0x1A240] =	vst v63  }
0x280: {  	s23 =	sld [smem:$0x7FC]  }
0x281: {  	[spmem:s2] =	stream.indirect.scatter.add.f32 [tilespmem:s24], [sflag:$0x1], $0x20, s22, s8, $0xb8;
	[tilespmem:$0x1A240] =	vst v63  }
0x282: {  	s24 =	sld [smem:$0x7FD]  }
0x283: {  	[spmem:s2] =	stream.indirect.scatter.add.f32 [tilespmem:s25], [sflag:$0x1], $0x20, s23, s8, $0xb8;
	[tilespmem:$0x1A240] =	vst v63  }
0x284: {  	_ = 	snop  }
0x285: {  	[spmem:s2] =	stream.indirect.scatter.add.f32 [tilespmem:s26], [sflag:$0x1], $0x20, s24, s8, $0xb8;
	[tilespmem:$0x1A240] =	vst v63  }
0x286: {  	_ = 	snop  }
0x287: {  	[spmem:s2] =	stream.indirect.scatter.add.f32 [tilespmem:s28], [sflag:$0x1], $0x20, s31, s8, $0xb8;
	[tilespmem:$0x1A240] =	vst v63  }
0x288: {  	s28 =	simm.s32 $0x1380  }
0x289: {  	[spmem:s2] =	stream.indirect.scatter.add.f32 [tilespmem:s29], [sflag:$0x1], $0x20, s28, s8, $0xb8;
	[tilespmem:$0x1A240] =	vst v63  }
0x28a: {  	_ =	swait.ge [sflag:s6], $0x1000  }
0x28b: {  	[sflag:s6] =	ssyncset.done $0x0  }
0x28c: {  	[sflag:s6] =	ssyncadd.s32 $0xFFFFF000  }
0x28d: {  	_ =	swait.ge [sflag:s6], $0x1000  }
0x28e: {  	[sflag:s6] =	ssyncset.done $0x0  }
0x28f: {  	[sflag:s6] =	ssyncadd.s32 $0xFFFFF000  }
0x290: {  	_ =	swait.ge [sflag:s6], $0x1000  }
0x291: {  	[sflag:s6] =	ssyncset.done $0x0  }
0x292: {  	[sflag:s6] =	ssyncadd.s32 $0xFFFFF000  }
0x293: {  	_ =	swait.ge [sflag:s6], $0x1000  }
0x294: {  	[sflag:s6] =	ssyncset.done $0x0  }
0x295: {  	[sflag:s6] =	ssyncadd.s32 $0xFFFFF000  }
0x296: {  	_ =	swait.ge [sflag:s6], $0x1000  }
0x297: {  	[sflag:s6] =	ssyncset.done $0x0  }
0x298: {  	[sflag:s6] =	ssyncadd.s32 $0xFFFFF000  }
0x299: {  	_ =	swait.ge [sflag:s6], $0x1000  }
0x29a: {  	[sflag:s6] =	ssyncset.done $0x0  }
0x29b: {  	[sflag:s6] =	ssyncadd.s32 $0xFFFFF000  }
0x29c: {  	_ =	swait.ge [sflag:s6], $0x1000  }
0x29d: {  	[sflag:s6] =	ssyncset.done $0x0  }
0x29e: {  	[sflag:s6] =	ssyncadd.s32 $0xFFFFF000  }
0x29f: {  	_ =	swait.ge [sflag:s6], $0x1000  }
0x2a0: {  	[sflag:s6] =	ssyncset.done $0x0  }
0x2a1: {  	[sflag:s6] =	ssyncadd.s32 $0xFFFFF000  }
0x2a2: {  	_ =	swait.ge [sflag:s6], $0x1000  }
0x2a3: {  	[sflag:s6] =	ssyncset.done $0x0  }
0x2a4: {  	[sflag:s6] =	ssyncadd.s32 $0xFFFFF000  }
0x2a5: {  	_ =	swait.ge [sflag:s6], $0x1000  }
0x2a6: {  	[sflag:s6] =	ssyncset.done $0x0  }
0x2a7: {  	[sflag:s6] =	ssyncadd.s32 $0xFFFFF000  }
0x2a8: {  	_ =	swait.ge [sflag:s6], $0x1000  }
0x2a9: {  	[sflag:s6] =	ssyncset.done $0x0  }
0x2aa: {  	[sflag:s6] =	ssyncadd.s32 $0xFFFFF000  }
0x2ab: {  	_ =	swait.ge [sflag:s6], $0x1000  }
0x2ac: {  	[sflag:s6] =	ssyncset.done $0x0  }
0x2ad: {  	[sflag:s6] =	ssyncadd.s32 $0xFFFFF000  }
0x2ae: {  	_ =	swait.ge [sflag:s6], $0x1000  }
0x2af: {  	[sflag:s6] =	ssyncset.done $0x0  }
0x2b0: {  	[sflag:s6] =	ssyncadd.s32 $0xFFFFF000  }
0x2b1: {  	_ =	swait.ge [sflag:s6], $0x1000  }
0x2b2: {  	[sflag:s6] =	ssyncset.done $0x0  }
0x2b3: {  	[sflag:s6] =	ssyncadd.s32 $0xFFFFF000  }
0x2b4: {  	_ =	swait.ge [sflag:s6], $0x1000  }
0x2b5: {  	[sflag:s6] =	ssyncset.done $0x0  }
0x2b6: {  	[sflag:s6] =	ssyncadd.s32 $0xFFFFF000  }
0x2b7: {  	_ =	swait.ge [sflag:s6], $0x1000  }
0x2b8: {  	[sflag:s6] =	ssyncset.done $0x0  }
0x2b9: {  	[sflag:s6] =	ssyncadd.s32 $0xFFFFF000  }
0x2ba: {  	_ =	swait.ge [sflag:s6], $0x1000  }
0x2bb: {  	[sflag:s6] =	ssyncset.done $0x0  }
0x2bc: {  	[sflag:s6] =	ssyncadd.s32 $0xFFFFF000  }
0x2bd: {  	_ =	swait.ge [sflag:s6], $0x1000  }
0x2be: {  	[sflag:s6] =	ssyncset.done $0x0  }
0x2bf: {  	[sflag:s6] =	ssyncadd.s32 $0xFFFFF000  }
0x2c0: {  	_ =	swait.ge [sflag:s6], $0x1000  }
0x2c1: {  	[sflag:s6] =	ssyncset.done $0x0  }
0x2c2: {  	[sflag:s6] =	ssyncadd.s32 $0xFFFFF000  }
0x2c3: {  	_ =	swait.ge [sflag:s6], $0x1000  }
0x2c4: {  	[sflag:s6] =	ssyncset.done $0x0  }
0x2c5: {  	[sflag:s6] =	ssyncadd.s32 $0xFFFFF000  }
0x2c6: {  	[bflag:$0x0] =	sbarrier.arrive $0xFFFF  }
0x2c7: {  	s31 =	rddreg [dreg:$0x7]  }
0x2c8: {  	[hbm:s31], [sflag:s3] =	dma.local [spmem:s4], $0x9C8  }
0x2c9: {  	_ =	swait.ge [sflag:s5], $0x9C8  }
0x2ca: {  	[sflag:s5] =	ssyncset.done $0x0  }
0x2cb: {  	[sflag:s5] =	ssyncadd.s32 $0xFFFFF638  }
0x2cc: {  	_ =	sfence.sel $0x180000  }
0x2cd: {  	[bflag:$0x0] =	sbarrier.arrive $0xFFFF  }
0x2ce: {  	_ =	strace $0x90000050  }
0x2cf: {  	[bflag:$0x2] =	sbarrier.arrive $0xFFFF  }
0x2d0: {  	p0 =	sne.s32 s30, $0x0;
	s0 =	rddreg [dreg:$0x2]  }
0x2d1: {  	s0 =	sadd.s32 @!p0 $0x100000, s0  }
0x2d2: {  	[sflag:s0] =	ssyncadd.tile.s32 @!p0 $0x1;
	_ =	shalt  }
.LBB2_1:
.Ltmp3:
0x2d3: {  	(pc) =	sbr.rel .LBB2_6-.Ltmp3, $2  }
0x2d4: {  	_ =	sdelay $0x2  }
0x2d5: {  	s31 =	simm.s32 $0x1300  }
.LBB2_3:
.Ltmp4:
0x2d6: {  	(pc) =	sbr.rel .LBB2_6-.Ltmp4, $2  }
0x2d7: {  	_ =	sdelay $0x2  }
0x2d8: {  	s31 =	simm.s32 $0x1300;
	s30 =	stileid.u32  }
.Lfunc_end2:
_tile_overlayer_lowered:
.L_overlay_start_2:
0x2d9: {  	(tag) =	ssettag $0x2  }
0x2da: {  	s0 =	rddreg [dreg:$0x0];
	s2 =	stileid.u32  }
0x2db: {  	s1 =	rddreg [dreg:$0x1];
	p0 =	sne.s32 s2, $0x0  }
0x2dc: {  	s3 =	rddreg [dreg:$0x2];
	[bflag:$0x3] =	sbarrier.arrive $0xFFFF;
	s2 =	simm.s32 @!p0 $0x1C02  }
0x2dd: {  	[timem:s3], [sflag:s2] =	dma.local @!p0 [hbm:s0], s1  }
0x2de: {  	s0 =	simm.s32 @!p0 $0x2  }
0x2df: {  	_ =	swait.ge @!p0 [sflag:s0], s1  }
0x2e0: {  	s1 =	ssub.s32 @!p0 $0x0, s1;
	[sflag:s0] =	ssyncset.done @!p0 $0x0  }
0x2e1: {  	[sflag:s0] =	ssyncadd.s32 @!p0 s1  }
0x2e2: {  	[bflag:$0x3] =	sbarrier.arrive $0xFFFF  }
0x2e3: {  	_ =	shalt  }

</sc_bundles>
